<compile_context>
chip_gen: v7x
topology: tpu7x:2x2x1
jax: 0.10.2.dev20260603
libtpu: 0.0.44.dev20260713+nightly
codegen_flags: <defaults>
</compile_context>

<pallas_src>
import dataclasses
import functools

import jax
import jax.numpy as jnp
import numpy as np
from jax import lax
from jax.experimental import pallas as pl
from jax.experimental.pallas import tpu as pltpu
from jax.experimental.pallas import tpu_sc as plsc

N = 10000
NP = 10240
E = 320000
D = 128
DH = 64
NC = 2
NS = 16
NW = NC * NS
EP = 330240
EPW = EP // NW
EPS = EP // NS
K = 80
NCHUNK = EPS // K
NB = 3
ZR = 80
RPT = NP // NS

_mesh = plsc.VectorSubcoreMesh(core_axis_name="c", subcore_axis_name="s")

_GDN = lax.GatherDimensionNumbers(
    offset_dims=(), collapsed_slice_dims=(0,), start_index_map=(0,))


def _bcast_lane(v16, lane):
    idx = jnp.full((16, 1), lane, dtype=jnp.int32)
    return lax.gather(v16, idx, _GDN, (1,),
                      mode=lax.GatherScatterMode.PROMISE_IN_BOUNDS)

_sc_params = pltpu.CompilerParams(needs_layout_passes=False,
                                  use_tc_tiling_on_sc=False)


@functools.partial(
    pl.kernel,
    out_type=jax.ShapeDtypeStruct((NW, NP), jnp.float32),
    mesh=_mesh,
    scratch_types=[
        pltpu.VMEM((EPW,), jnp.int32),
        pltpu.VMEM((EPW,), jnp.float32),
        pltpu.VMEM((NP,), jnp.float32),
    ],
    compiler_params=_sc_params,
)
def _deg(col_hbm, ew_hbm, degp_hbm, colv, ewv, degv):
    cid = lax.axis_index("c")
    sid = lax.axis_index("s")
    wid = sid * NC + cid
    zeros16 = jnp.zeros((16,), jnp.float32)

    @pl.loop(0, NP, step=16)
    def _(i):
        degv[pl.ds(i, 16)] = zeros16

    pltpu.sync_copy(col_hbm.at[wid], colv)
    pltpu.sync_copy(ew_hbm.at[wid], ewv)

    @pl.loop(0, EPW, step=16)
    def _(e):
        sl = pl.ds(e, 16)
        plsc.addupdate_scatter(degv, [colv[sl]], ewv[sl])

    pltpu.sync_copy(degv, degp_hbm.at[wid])


def _dis_body(p_ref, o_ref):
    s = jnp.sum(p_ref[...], axis=0, keepdims=True)
    o_ref[...] = jnp.where(s > 0, lax.rsqrt(jnp.maximum(s, 1e-30)), 0.0)


_dis = pl.pallas_call(
    _dis_body, out_shape=jax.ShapeDtypeStruct((1, NP), jnp.float32))


@functools.partial(
    pl.kernel,
    out_type=jax.ShapeDtypeStruct((NC, NP, DH), jnp.float32),
    mesh=_mesh,
    scratch_types=[
        pltpu.VMEM((EPS,), jnp.int32),
        pltpu.VMEM((EPS,), jnp.int32),
        pltpu.VMEM((EPS,), jnp.float32),
        pltpu.VMEM((NP,), jnp.float32),
        pltpu.VMEM((NB, K, DH), jnp.float32),
        pltpu.VMEM_SHARED((NP, DH), jnp.float32),
        pltpu.SemaphoreType.DMA((NB,)),
        pltpu.SemaphoreType.DMA((NB,)),
    ],
    compiler_params=_sc_params,
)
def _agg(row_hbm, col_hbm, ew_hbm, dis_hbm, table_hbm, out_hbm,
         rowv, colv, wv, disv, msgv, acc, gsem, ssem):
    cid = lax.axis_index("c")
    sid = lax.axis_index("s")
    zeros16 = jnp.zeros((16,), jnp.float32)

    @pl.loop(0, K)
    def _(r):
        for q in range(DH // 16):
            msgv[0, r, pl.ds(q * 16, 16)] = zeros16

    for j in range(RPT // ZR):
        pltpu.sync_copy(msgv.at[0, pl.ds(0, ZR)],
                        acc.at[pl.ds(sid * RPT + j * ZR, ZR)])

    pltpu.sync_copy(dis_hbm.at[0], disv)
    ebase = sid * EPS
    pltpu.sync_copy(row_hbm.at[pl.ds(ebase, EPS)], rowv)
    pltpu.sync_copy(col_hbm.at[pl.ds(ebase, EPS)], colv)
    pltpu.sync_copy(ew_hbm.at[pl.ds(ebase, EPS)], wv)

    @plsc.parallel_loop(0, EPS, step=16, unroll=2)
    def _(e):
        sl = pl.ds(e, 16)
        dr = plsc.load_gather(disv, [rowv[sl]])
        dc = plsc.load_gather(disv, [colv[sl]])
        wv[sl] = wv[sl] * dr * dc

    table = table_hbm.at[cid]

    def _gather_start(c, b):
        pltpu.async_copy(table.at[rowv.at[pl.ds(c * K, K)]], msgv.at[b],
                         gsem.at[b])

    def _gather_wait(c, b):
        pltpu.make_async_copy(table.at[rowv.at[pl.ds(c * K, K)]], msgv.at[b],
                              gsem.at[b]).wait()

    def _scatter_start(c, b):
        pltpu.async_copy(msgv.at[b], acc.at[colv.at[pl.ds(c * K, K)]],
                         ssem.at[b], add=True)

    def _scatter_wait(c, b):
        pltpu.make_async_copy(msgv.at[b], acc.at[colv.at[pl.ds(c * K, K)]],
                              ssem.at[b]).wait()

    _gather_start(0, 0)
    _gather_start(1, 1)
    plsc.subcore_barrier()

    @pl.loop(0, NCHUNK, step=NB)
    def _(c0):
        for b in range(NB):
            c = c0 + b
            _gather_wait(c, b)
            cvec = jnp.full((16,), c * K, dtype=jnp.int32)

            @plsc.parallel_loop(0, K, unroll=4)
            def _(j):
                jvec = jnp.full((16,), j, dtype=jnp.int32)
                wj = plsc.load_gather(wv, [cvec + jvec])
                for q in range(DH // 16):
                    sl = pl.ds(q * 16, 16)
                    msgv[b, j, sl] = msgv[b, j, sl] * wj

            _scatter_start(c, b)
            bn = (b + 2) % NB

            @pl.when(jnp.logical_and(c >= 1, c + 2 < NCHUNK))
            def _():
                _scatter_wait(c - 1, bn)

            @pl.when(c + 2 < NCHUNK)
            def _():
                _gather_start(c + 2, bn)

    for b in range(NB):
        _scatter_wait(NCHUNK - NB + b, b)
    plsc.subcore_barrier()
    pltpu.sync_copy(acc.at[pl.ds(sid * RPT, RPT)],
                    out_hbm.at[cid, pl.ds(sid * RPT, RPT)])


def _mm_body(x_ref, w_ref, o_ref):
    r = jnp.dot(x_ref[...], w_ref[...], preferred_element_type=jnp.float32)
    r = jnp.concatenate([r, jnp.zeros((NP - N, D), jnp.float32)])
    o_ref[0] = r[:, :DH]
    o_ref[1] = r[:, DH:]


_mm = pl.pallas_call(
    _mm_body, out_shape=jax.ShapeDtypeStruct((NC, NP, DH), jnp.float32))


def _relu_mm_body(a_ref, b_ref, w_ref, o_ref):
    a = jnp.concatenate([a_ref[0], a_ref[1]], axis=1)
    h = jnp.maximum(a + b_ref[...], 0.0)
    r = jnp.dot(h, w_ref[...], preferred_element_type=jnp.float32)
    o_ref[0] = r[:, :DH]
    o_ref[1] = r[:, DH:]


_relu_mm = pl.pallas_call(
    _relu_mm_body, out_shape=jax.ShapeDtypeStruct((NC, NP, DH), jnp.float32))


def _relu_body(a_ref, b_ref, o_ref):
    a = jnp.concatenate([a_ref[0], a_ref[1]], axis=1)
    o_ref[...] = jnp.maximum(a + b_ref[...], 0.0)


_relu = pl.pallas_call(
    _relu_body, out_shape=jax.ShapeDtypeStruct((NP, D), jnp.float32))


def kernel(x, edge_index, edge_weight, W1, b1, W2, b2):
    row = edge_index[0].astype(jnp.int32)
    col = edge_index[1].astype(jnp.int32)
    loop = jnp.arange(N, dtype=jnp.int32)
    padi = jnp.full((EP - E - N,), NP - 1, dtype=jnp.int32)
    row_f = jnp.concatenate([row, loop, padi])
    col_f = jnp.concatenate([col, loop, padi])
    ew_f = jnp.concatenate([
        edge_weight.astype(jnp.float32),
        jnp.ones((N,), jnp.float32),
        jnp.zeros((EP - E - N,), jnp.float32),
    ])
    dis = _dis(_deg(col_f.reshape(NW, EPW), ew_f.reshape(NW, EPW)))
    y1 = _mm(x, W1)
    agg1 = _agg(row_f, col_f, ew_f, dis, y1)
    y2 = _relu_mm(agg1, b1.reshape(1, D), W2)
    agg2 = _agg(row_f, col_f, ew_f, dis, y2)
    out = _relu(agg2, b2.reshape(1, D))
    return out[:N]

# --- scband reference (transcript-rebuilt; emitter-appended) ---
"""Pipeline reference for scband-gcnbackbone-48189533061602 (READ-ONLY COPY).

The authoritative reference and input builder live on the scoring server;
editing this copy changes nothing except your own understanding.
"""

import jax, jax.numpy as jnp
import numpy as np

N_NODES = 10000
N_EDGES = 320000
DIN = 128
DMID = 128
DOUT = 128


def gcn_conv(x, row, col, ew, W, b):
    # PyG GCNConv with add_self_loops=True, normalize=True (symmetric gcn_norm)
    N = x.shape[0]
    loop = jnp.arange(N, dtype=row.dtype)
    row_f = jnp.concatenate([row, loop])
    col_f = jnp.concatenate([col, loop])
    ew_f = jnp.concatenate([ew, jnp.ones((N,), dtype=ew.dtype)])
    deg = jnp.zeros((N,), dtype=ew.dtype).at[col_f].add(ew_f)
    deg_inv_sqrt = jnp.where(deg > 0, jax.lax.rsqrt(jnp.where(deg > 0, deg, 1.0)), 0.0)
    norm = deg_inv_sqrt[row_f] * ew_f * deg_inv_sqrt[col_f]
    xw = x @ W
    msg = xw[row_f] * norm[:, None]
    out = jnp.zeros((N, W.shape[1]), dtype=x.dtype).at[col_f].add(msg)
    return out + b


def setup_inputs(seed: int = 0) -> dict:
    key = jax.random.key(seed)
    k1, k2, k3, k4, k5, k6, k7 = jax.random.split(key, 7)
    x = jax.random.normal(k1, (N_NODES, DIN), dtype=jnp.float32)
    edge_index = jax.random.randint(k2, (2, N_EDGES), 0, N_NODES, dtype=jnp.int64)
    edge_weight = jax.random.uniform(k3, (N_EDGES,), dtype=jnp.float32)
    W1 = jax.random.normal(k4, (DIN, DMID), dtype=jnp.float32) * (1.0 / np.sqrt(DIN))
    b1 = jnp.zeros((DMID,), dtype=jnp.float32)
    W2 = jax.random.normal(k5, (DMID, DOUT), dtype=jnp.float32) * (1.0 / np.sqrt(DMID))
    b2 = jnp.zeros((DOUT,), dtype=jnp.float32)
    return {"x": x, "edge_index": edge_index, "edge_weight": edge_weight, "W1": W1, "b1": b1, "W2": W2, "b2": b2}


def reference(x, edge_index, edge_weight, W1, b1, W2, b2):
    row, col = edge_index[0], edge_index[1]
    f = jax.nn.relu(gcn_conv(x, row, col, edge_weight, W1, b1))
    # prev_h is None -> zeros_like(f), so f + prev_h == f
    out = jax.nn.relu(gcn_conv(f, row, col, edge_weight, W2, b2))
    return out

if __name__ == "__main__":
    import jax
    _d = setup_inputs()
    print(jax.jit(kernel)(*tuple(_d.values())))

</pallas_src>

<mosaic_0001>
#map = affine_map<(d0, d1) -> (0)>
#map1 = affine_map<(d0, d1) -> (0, 0)>
#map2 = affine_map<(d0, d1) -> (0, 0, 0)>
module attributes {stable_mosaic.version = 14 : i64} {
  func.func @_agg(%arg0: i32, %arg1: i32, %arg2: memref<330240xi32, #tpu.memory_space<hbm>>, %arg3: memref<330240xi32, #tpu.memory_space<hbm>>, %arg4: memref<330240xf32, #tpu.memory_space<hbm>>, %arg5: memref<1x10240xf32, #tpu.memory_space<hbm>>, %arg6: memref<2x10240x64xf32, #tpu.memory_space<hbm>>, %arg7: memref<2x10240x64xf32, #tpu.memory_space<hbm>>, %arg8: memref<20640xi32, #tpu.memory_space<vmem>>, %arg9: memref<20640xi32, #tpu.memory_space<vmem>>, %arg10: memref<20640xf32, #tpu.memory_space<vmem>>, %arg11: memref<10240xf32, #tpu.memory_space<vmem>>, %arg12: memref<3x80x64xf32, #tpu.memory_space<vmem>>, %arg13: memref<10240x64xf32, #tpu.memory_space<vmem_shared>>, %arg14: memref<3x!tpu.dma_semaphore, #tpu.memory_space<semaphore_mem>>, %arg15: memref<3x!tpu.dma_semaphore, #tpu.memory_space<semaphore_mem>>) attributes {dimension_semantics = [#tpu.dimension_semantics<core_parallel>, #tpu.dimension_semantics<subcore_parallel>], iteration_bounds = array<i64: 2, 16>, scalar_prefetch = 0 : i64, scratch_operands = 8 : i64, tpu.core_type = #tpu.core_type<sc_vector_subcore>, window_params = [{transform_indices = #map}, {transform_indices = #map}, {transform_indices = #map}, {transform_indices = #map1}, {transform_indices = #map2}, {transform_indices = #map2}]} {
    %broadcast_in_dim3A = arith.constant 0.000000e+00 : f32
    %broadcast_in_dim3A_0 = vector.broadcast %broadcast_in_dim3A : f32 to vector<16xf32>
    %scan3A = arith.constant 0 : i32
    %scan3A_1 = arith.constant 80 : i32
    %scan3A_2 = arith.addi %scan3A, %scan3A_1 : i32
    %scan3A_3 = arith.constant 1 : i32
    scf.for %scan3A_128 = %scan3A to %scan3A_2 step %scan3A_3  : i32 {
      %mul3A_129 = arith.constant 1 : i32
      %mul3A_130 = arith.muli %scan3A_128, %mul3A_129 : i32
      %add3A_131 = arith.constant 0 : i32
      %add3A_132 = arith.addi %add3A_131, %mul3A_130 : i32
      %swap3A = arith.constant 0 : i32
      %swap3A_133 = arith.index_cast %swap3A : i32 to index
      %swap3A_134 = arith.index_cast %add3A_132 : i32 to index
      %swap3A_135 = arith.constant 0 : index
      %swap3A_136 = tpu.vector_load %arg12[%swap3A_133, %swap3A_134, %swap3A_135] {strides = array<i32>} : memref<3x80x64xf32, #tpu.memory_space<vmem>>, vector<16xf32>,
      tpu.vector_store %arg12[%swap3A_133, %swap3A_134, %swap3A_135], %broadcast_in_dim3A_0 {strides = array<i32>} : memref<3x80x64xf32, #tpu.memory_space<vmem>>, vector<16xf32>,
      %swap3A_137 = arith.constant 0 : i32
      %swap3A_138 = arith.index_cast %swap3A_137 : i32 to index
      %swap3A_139 = arith.index_cast %add3A_132 : i32 to index
      %swap3A_140 = arith.constant 16 : index
      %swap3A_141 = tpu.vector_load %arg12[%swap3A_138, %swap3A_139, %swap3A_140] {strides = array<i32>} : memref<3x80x64xf32, #tpu.memory_space<vmem>>, vector<16xf32>,
      tpu.vector_store %arg12[%swap3A_138, %swap3A_139, %swap3A_140], %broadcast_in_dim3A_0 {strides = array<i32>} : memref<3x80x64xf32, #tpu.memory_space<vmem>>, vector<16xf32>,
      %swap3A_142 = arith.constant 0 : i32
      %swap3A_143 = arith.index_cast %swap3A_142 : i32 to index
      %swap3A_144 = arith.index_cast %add3A_132 : i32 to index
      %swap3A_145 = arith.constant 32 : index
      %swap3A_146 = tpu.vector_load %arg12[%swap3A_143, %swap3A_144, %swap3A_145] {strides = array<i32>} : memref<3x80x64xf32, #tpu.memory_space<vmem>>, vector<16xf32>,
      tpu.vector_store %arg12[%swap3A_143, %swap3A_144, %swap3A_145], %broadcast_in_dim3A_0 {strides = array<i32>} : memref<3x80x64xf32, #tpu.memory_space<vmem>>, vector<16xf32>,
      %swap3A_147 = arith.constant 0 : i32
      %swap3A_148 = arith.index_cast %swap3A_147 : i32 to index
      %swap3A_149 = arith.index_cast %add3A_132 : i32 to index
      %swap3A_150 = arith.constant 48 : index
      %swap3A_151 = tpu.vector_load %arg12[%swap3A_148, %swap3A_149, %swap3A_150] {strides = array<i32>} : memref<3x80x64xf32, #tpu.memory_space<vmem>>, vector<16xf32>,
      tpu.vector_store %arg12[%swap3A_148, %swap3A_149, %swap3A_150], %broadcast_in_dim3A_0 {strides = array<i32>} : memref<3x80x64xf32, #tpu.memory_space<vmem>>, vector<16xf32>,
    }
    %scan3A_4 = arith.constant 80 : i32
    %mul3A = arith.constant 640 : i32
    %mul3A_5 = arith.muli %arg1, %mul3A : i32
    %add3A = arith.constant 0 : i32
    %add3A_6 = arith.addi %mul3A_5, %add3A : i32
    %run_scoped3A = arith.constant 0 : i32
    "tpu.region"() ({
      %run_scoped3A_128 = tpu.sem_alloc : memref<!tpu.dma_semaphore, #tpu.memory_space<semaphore_mem>>
      %dma_start3A_129 = arith.constant 0 : i32
      %dma_start3A_130 = arith.constant 0 : i32
      %dma_start3A_131 = tpu.memref_slice %arg12[%run_scoped3A, %dma_start3A_129, %dma_start3A_130] : memref<3x80x64xf32, #tpu.memory_space<vmem>> -> memref<1x80x64xf32, #tpu.memory_space<vmem>>
      %dma_start3A_132 = tpu.memref_squeeze %dma_start3A_131 : memref<1x80x64xf32, #tpu.memory_space<vmem>> -> memref<80x64xf32, #tpu.memory_space<vmem>>
      %dma_start3A_133 = arith.constant 0 : i32
      %dma_start3A_134 = tpu.memref_slice %arg13[%add3A_6, %dma_start3A_133] : memref<10240x64xf32, #tpu.memory_space<vmem_shared>> -> memref<80x64xf32, #tpu.memory_space<vmem_shared>>
      %dma_start3A_135 = arith.constant 0 : i32
      %dma_start3A_136 = tpu.memref_slice %arg13[%add3A_6, %dma_start3A_135] : memref<10240x64xf32, #tpu.memory_space<vmem_shared>> -> memref<80x64xf32, #tpu.memory_space<vmem_shared>>
      %dma_start3A_137 = arith.constant 0 : i32
      %dma_start3A_138 = arith.constant 0 : i32
      %dma_start3A_139 = tpu.memref_slice %arg12[%run_scoped3A, %dma_start3A_137, %dma_start3A_138] : memref<3x80x64xf32, #tpu.memory_space<vmem>> -> memref<1x80x64xf32, #tpu.memory_space<vmem>>
      %dma_start3A_140 = tpu.memref_squeeze %dma_start3A_139 : memref<1x80x64xf32, #tpu.memory_space<vmem>> -> memref<80x64xf32, #tpu.memory_space<vmem>>
      tpu.enqueue_dma source(%dma_start3A_140 : memref<80x64xf32, #tpu.memory_space<vmem>>) target(%dma_start3A_136 : memref<80x64xf32, #tpu.memory_space<vmem_shared>>) target_semaphore(%run_scoped3A_128 : memref<!tpu.dma_semaphore, #tpu.memory_space<semaphore_mem>>)
      %dma_wait3A_141 = arith.constant 0 : i32
      %dma_wait3A_142 = arith.constant 0 : i32
      %dma_wait3A_143 = tpu.memref_slice %arg12[%run_scoped3A, %dma_wait3A_141, %dma_wait3A_142] : memref<3x80x64xf32, #tpu.memory_space<vmem>> -> memref<1x80x64xf32, #tpu.memory_space<vmem>>
      %dma_wait3A_144 = tpu.memref_squeeze %dma_wait3A_143 : memref<1x80x64xf32, #tpu.memory_space<vmem>> -> memref<80x64xf32, #tpu.memory_space<vmem>>
      %dma_wait3A_145 = arith.constant 0 : i32
      %dma_wait3A_146 = tpu.memref_slice %arg13[%add3A_6, %dma_wait3A_145] : memref<10240x64xf32, #tpu.memory_space<vmem_shared>> -> memref<80x64xf32, #tpu.memory_space<vmem_shared>>
      %dma_wait3A_147 = arith.constant 0 : i32
      %dma_wait3A_148 = tpu.memref_slice %arg13[%add3A_6, %dma_wait3A_147] : memref<10240x64xf32, #tpu.memory_space<vmem_shared>> -> memref<80x64xf32, #tpu.memory_space<vmem_shared>>
      %dma_wait3A_149 = arith.constant 0 : i32
      %dma_wait3A_150 = arith.constant 0 : i32
      %dma_wait3A_151 = tpu.memref_slice %arg12[%run_scoped3A, %dma_wait3A_149, %dma_wait3A_150] : memref<3x80x64xf32, #tpu.memory_space<vmem>> -> memref<1x80x64xf32, #tpu.memory_space<vmem>>
      %dma_wait3A_152 = tpu.memref_squeeze %dma_wait3A_151 : memref<1x80x64xf32, #tpu.memory_space<vmem>> -> memref<80x64xf32, #tpu.memory_space<vmem>>
      tpu.wait_dma2 semaphore(%run_scoped3A_128 : memref<!tpu.dma_semaphore, #tpu.memory_space<semaphore_mem>>) src(%dma_wait3A_152 : memref<80x64xf32, #tpu.memory_space<vmem>>) dst(%dma_wait3A_148 : memref<80x64xf32, #tpu.memory_space<vmem_shared>>)
      tpu.yield
    }) : () -> ()
    %mul3A_7 = arith.constant 640 : i32
    %mul3A_8 = arith.muli %arg1, %mul3A_7 : i32
    %add3A_9 = arith.constant 80 : i32
    %add3A_10 = arith.addi %mul3A_8, %add3A_9 : i32
    %run_scoped3A_11 = arith.constant 0 : i32
    "tpu.region"() ({
      %run_scoped3A_128 = tpu.sem_alloc : memref<!tpu.dma_semaphore, #tpu.memory_space<semaphore_mem>>
      %dma_start3A_129 = arith.constant 0 : i32
      %dma_start3A_130 = arith.constant 0 : i32
      %dma_start3A_131 = tpu.memref_slice %arg12[%run_scoped3A_11, %dma_start3A_129, %dma_start3A_130] : memref<3x80x64xf32, #tpu.memory_space<vmem>> -> memref<1x80x64xf32, #tpu.memory_space<vmem>>
      %dma_start3A_132 = tpu.memref_squeeze %dma_start3A_131 : memref<1x80x64xf32, #tpu.memory_space<vmem>> -> memref<80x64xf32, #tpu.memory_space<vmem>>
      %dma_start3A_133 = arith.constant 0 : i32
      %dma_start3A_134 = tpu.memref_slice %arg13[%add3A_10, %dma_start3A_133] : memref<10240x64xf32, #tpu.memory_space<vmem_shared>> -> memref<80x64xf32, #tpu.memory_space<vmem_shared>>
      %dma_start3A_135 = arith.constant 0 : i32
      %dma_start3A_136 = tpu.memref_slice %arg13[%add3A_10, %dma_start3A_135] : memref<10240x64xf32, #tpu.memory_space<vmem_shared>> -> memref<80x64xf32, #tpu.memory_space<vmem_shared>>
      %dma_start3A_137 = arith.constant 0 : i32
      %dma_start3A_138 = arith.constant 0 : i32
      %dma_start3A_139 = tpu.memref_slice %arg12[%run_scoped3A_11, %dma_start3A_137, %dma_start3A_138] : memref<3x80x64xf32, #tpu.memory_space<vmem>> -> memref<1x80x64xf32, #tpu.memory_space<vmem>>
      %dma_start3A_140 = tpu.memref_squeeze %dma_start3A_139 : memref<1x80x64xf32, #tpu.memory_space<vmem>> -> memref<80x64xf32, #tpu.memory_space<vmem>>
      tpu.enqueue_dma source(%dma_start3A_140 : memref<80x64xf32, #tpu.memory_space<vmem>>) target(%dma_start3A_136 : memref<80x64xf32, #tpu.memory_space<vmem_shared>>) target_semaphore(%run_scoped3A_128 : memref<!tpu.dma_semaphore, #tpu.memory_space<semaphore_mem>>)
      %dma_wait3A_141 = arith.constant 0 : i32
      %dma_wait3A_142 = arith.constant 0 : i32
      %dma_wait3A_143 = tpu.memref_slice %arg12[%run_scoped3A_11, %dma_wait3A_141, %dma_wait3A_142] : memref<3x80x64xf32, #tpu.memory_space<vmem>> -> memref<1x80x64xf32, #tpu.memory_space<vmem>>
      %dma_wait3A_144 = tpu.memref_squeeze %dma_wait3A_143 : memref<1x80x64xf32, #tpu.memory_space<vmem>> -> memref<80x64xf32, #tpu.memory_space<vmem>>
      %dma_wait3A_145 = arith.constant 0 : i32
      %dma_wait3A_146 = tpu.memref_slice %arg13[%add3A_10, %dma_wait3A_145] : memref<10240x64xf32, #tpu.memory_space<vmem_shared>> -> memref<80x64xf32, #tpu.memory_space<vmem_shared>>
      %dma_wait3A_147 = arith.constant 0 : i32
      %dma_wait3A_148 = tpu.memref_slice %arg13[%add3A_10, %dma_wait3A_147] : memref<10240x64xf32, #tpu.memory_space<vmem_shared>> -> memref<80x64xf32, #tpu.memory_space<vmem_shared>>
      %dma_wait3A_149 = arith.constant 0 : i32
      %dma_wait3A_150 = arith.constant 0 : i32
      %dma_wait3A_151 = tpu.memref_slice %arg12[%run_scoped3A_11, %dma_wait3A_149, %dma_wait3A_150] : memref<3x80x64xf32, #tpu.memory_space<vmem>> -> memref<1x80x64xf32, #tpu.memory_space<vmem>>
      %dma_wait3A_152 = tpu.memref_squeeze %dma_wait3A_151 : memref<1x80x64xf32, #tpu.memory_space<vmem>> -> memref<80x64xf32, #tpu.memory_space<vmem>>
      tpu.wait_dma2 semaphore(%run_scoped3A_128 : memref<!tpu.dma_semaphore, #tpu.memory_space<semaphore_mem>>) src(%dma_wait3A_152 : memref<80x64xf32, #tpu.memory_space<vmem>>) dst(%dma_wait3A_148 : memref<80x64xf32, #tpu.memory_space<vmem_shared>>)
      tpu.yield
    }) : () -> ()
    %mul3A_12 = arith.constant 640 : i32
    %mul3A_13 = arith.muli %arg1, %mul3A_12 : i32
    %add3A_14 = arith.constant 160 : i32
    %add3A_15 = arith.addi %mul3A_13, %add3A_14 : i32
    %run_scoped3A_16 = arith.constant 0 : i32
    "tpu.region"() ({
      %run_scoped3A_128 = tpu.sem_alloc : memref<!tpu.dma_semaphore, #tpu.memory_space<semaphore_mem>>
      %dma_start3A_129 = arith.constant 0 : i32
      %dma_start3A_130 = arith.constant 0 : i32
      %dma_start3A_131 = tpu.memref_slice %arg12[%run_scoped3A_16, %dma_start3A_129, %dma_start3A_130] : memref<3x80x64xf32, #tpu.memory_space<vmem>> -> memref<1x80x64xf32, #tpu.memory_space<vmem>>
      %dma_start3A_132 = tpu.memref_squeeze %dma_start3A_131 : memref<1x80x64xf32, #tpu.memory_space<vmem>> -> memref<80x64xf32, #tpu.memory_space<vmem>>
      %dma_start3A_133 = arith.constant 0 : i32
      %dma_start3A_134 = tpu.memref_slice %arg13[%add3A_15, %dma_start3A_133] : memref<10240x64xf32, #tpu.memory_space<vmem_shared>> -> memref<80x64xf32, #tpu.memory_space<vmem_shared>>
      %dma_start3A_135 = arith.constant 0 : i32
      %dma_start3A_136 = tpu.memref_slice %arg13[%add3A_15, %dma_start3A_135] : memref<10240x64xf32, #tpu.memory_space<vmem_shared>> -> memref<80x64xf32, #tpu.memory_space<vmem_shared>>
      %dma_start3A_137 = arith.constant 0 : i32
      %dma_start3A_138 = arith.constant 0 : i32
      %dma_start3A_139 = tpu.memref_slice %arg12[%run_scoped3A_16, %dma_start3A_137, %dma_start3A_138] : memref<3x80x64xf32, #tpu.memory_space<vmem>> -> memref<1x80x64xf32, #tpu.memory_space<vmem>>
      %dma_start3A_140 = tpu.memref_squeeze %dma_start3A_139 : memref<1x80x64xf32, #tpu.memory_space<vmem>> -> memref<80x64xf32, #tpu.memory_space<vmem>>
      tpu.enqueue_dma source(%dma_start3A_140 : memref<80x64xf32, #tpu.memory_space<vmem>>) target(%dma_start3A_136 : memref<80x64xf32, #tpu.memory_space<vmem_shared>>) target_semaphore(%run_scoped3A_128 : memref<!tpu.dma_semaphore, #tpu.memory_space<semaphore_mem>>)
      %dma_wait3A_141 = arith.constant 0 : i32
      %dma_wait3A_142 = arith.constant 0 : i32
      %dma_wait3A_143 = tpu.memref_slice %arg12[%run_scoped3A_16, %dma_wait3A_141, %dma_wait3A_142] : memref<3x80x64xf32, #tpu.memory_space<vmem>> -> memref<1x80x64xf32, #tpu.memory_space<vmem>>
      %dma_wait3A_144 = tpu.memref_squeeze %dma_wait3A_143 : memref<1x80x64xf32, #tpu.memory_space<vmem>> -> memref<80x64xf32, #tpu.memory_space<vmem>>
      %dma_wait3A_145 = arith.constant 0 : i32
      %dma_wait3A_146 = tpu.memref_slice %arg13[%add3A_15, %dma_wait3A_145] : memref<10240x64xf32, #tpu.memory_space<vmem_shared>> -> memref<80x64xf32, #tpu.memory_space<vmem_shared>>
      %dma_wait3A_147 = arith.constant 0 : i32
      %dma_wait3A_148 = tpu.memref_slice %arg13[%add3A_15, %dma_wait3A_147] : memref<10240x64xf32, #tpu.memory_space<vmem_shared>> -> memref<80x64xf32, #tpu.memory_space<vmem_shared>>
      %dma_wait3A_149 = arith.constant 0 : i32
      %dma_wait3A_150 = arith.constant 0 : i32
      %dma_wait3A_151 = tpu.memref_slice %arg12[%run_scoped3A_16, %dma_wait3A_149, %dma_wait3A_150] : memref<3x80x64xf32, #tpu.memory_space<vmem>> -> memref<1x80x64xf32, #tpu.memory_space<vmem>>
      %dma_wait3A_152 = tpu.memref_squeeze %dma_wait3A_151 : memref<1x80x64xf32, #tpu.memory_space<vmem>> -> memref<80x64xf32, #tpu.memory_space<vmem>>
      tpu.wait_dma2 semaphore(%run_scoped3A_128 : memref<!tpu.dma_semaphore, #tpu.memory_space<semaphore_mem>>) src(%dma_wait3A_152 : memref<80x64xf32, #tpu.memory_space<vmem>>) dst(%dma_wait3A_148 : memref<80x64xf32, #tpu.memory_space<vmem_shared>>)
      tpu.yield
    }) : () -> ()
    %mul3A_17 = arith.constant 640 : i32
    %mul3A_18 = arith.muli %arg1, %mul3A_17 : i32
    %add3A_19 = arith.constant 240 : i32
    %add3A_20 = arith.addi %mul3A_18, %add3A_19 : i32
    %run_scoped3A_21 = arith.constant 0 : i32
    "tpu.region"() ({
      %run_scoped3A_128 = tpu.sem_alloc : memref<!tpu.dma_semaphore, #tpu.memory_space<semaphore_mem>>
      %dma_start3A_129 = arith.constant 0 : i32
      %dma_start3A_130 = arith.constant 0 : i32
      %dma_start3A_131 = tpu.memref_slice %arg12[%run_scoped3A_21, %dma_start3A_129, %dma_start3A_130] : memref<3x80x64xf32, #tpu.memory_space<vmem>> -> memref<1x80x64xf32, #tpu.memory_space<vmem>>
      %dma_start3A_132 = tpu.memref_squeeze %dma_start3A_131 : memref<1x80x64xf32, #tpu.memory_space<vmem>> -> memref<80x64xf32, #tpu.memory_space<vmem>>
      %dma_start3A_133 = arith.constant 0 : i32
      %dma_start3A_134 = tpu.memref_slice %arg13[%add3A_20, %dma_start3A_133] : memref<10240x64xf32, #tpu.memory_space<vmem_shared>> -> memref<80x64xf32, #tpu.memory_space<vmem_shared>>
      %dma_start3A_135 = arith.constant 0 : i32
      %dma_start3A_136 = tpu.memref_slice %arg13[%add3A_20, %dma_start3A_135] : memref<10240x64xf32, #tpu.memory_space<vmem_shared>> -> memref<80x64xf32, #tpu.memory_space<vmem_shared>>
      %dma_start3A_137 = arith.constant 0 : i32
      %dma_start3A_138 = arith.constant 0 : i32
      %dma_start3A_139 = tpu.memref_slice %arg12[%run_scoped3A_21, %dma_start3A_137, %dma_start3A_138] : memref<3x80x64xf32, #tpu.memory_space<vmem>> -> memref<1x80x64xf32, #tpu.memory_space<vmem>>
      %dma_start3A_140 = tpu.memref_squeeze %dma_start3A_139 : memref<1x80x64xf32, #tpu.memory_space<vmem>> -> memref<80x64xf32, #tpu.memory_space<vmem>>
      tpu.enqueue_dma source(%dma_start3A_140 : memref<80x64xf32, #tpu.memory_space<vmem>>) target(%dma_start3A_136 : memref<80x64xf32, #tpu.memory_space<vmem_shared>>) target_semaphore(%run_scoped3A_128 : memref<!tpu.dma_semaphore, #tpu.memory_space<semaphore_mem>>)
      %dma_wait3A_141 = arith.constant 0 : i32
      %dma_wait3A_142 = arith.constant 0 : i32
      %dma_wait3A_143 = tpu.memref_slice %arg12[%run_scoped3A_21, %dma_wait3A_141, %dma_wait3A_142] : memref<3x80x64xf32, #tpu.memory_space<vmem>> -> memref<1x80x64xf32, #tpu.memory_space<vmem>>
      %dma_wait3A_144 = tpu.memref_squeeze %dma_wait3A_143 : memref<1x80x64xf32, #tpu.memory_space<vmem>> -> memref<80x64xf32, #tpu.memory_space<vmem>>
      %dma_wait3A_145 = arith.constant 0 : i32
      %dma_wait3A_146 = tpu.memref_slice %arg13[%add3A_20, %dma_wait3A_145] : memref<10240x64xf32, #tpu.memory_space<vmem_shared>> -> memref<80x64xf32, #tpu.memory_space<vmem_shared>>
      %dma_wait3A_147 = arith.constant 0 : i32
      %dma_wait3A_148 = tpu.memref_slice %arg13[%add3A_20, %dma_wait3A_147] : memref<10240x64xf32, #tpu.memory_space<vmem_shared>> -> memref<80x64xf32, #tpu.memory_space<vmem_shared>>
      %dma_wait3A_149 = arith.constant 0 : i32
      %dma_wait3A_150 = arith.constant 0 : i32
      %dma_wait3A_151 = tpu.memref_slice %arg12[%run_scoped3A_21, %dma_wait3A_149, %dma_wait3A_150] : memref<3x80x64xf32, #tpu.memory_space<vmem>> -> memref<1x80x64xf32, #tpu.memory_space<vmem>>
      %dma_wait3A_152 = tpu.memref_squeeze %dma_wait3A_151 : memref<1x80x64xf32, #tpu.memory_space<vmem>> -> memref<80x64xf32, #tpu.memory_space<vmem>>
      tpu.wait_dma2 semaphore(%run_scoped3A_128 : memref<!tpu.dma_semaphore, #tpu.memory_space<semaphore_mem>>) src(%dma_wait3A_152 : memref<80x64xf32, #tpu.memory_space<vmem>>) dst(%dma_wait3A_148 : memref<80x64xf32, #tpu.memory_space<vmem_shared>>)
      tpu.yield
    }) : () -> ()
    %mul3A_22 = arith.constant 640 : i32
    %mul3A_23 = arith.muli %arg1, %mul3A_22 : i32
    %add3A_24 = arith.constant 320 : i32
    %add3A_25 = arith.addi %mul3A_23, %add3A_24 : i32
    %run_scoped3A_26 = arith.constant 0 : i32
    "tpu.region"() ({
      %run_scoped3A_128 = tpu.sem_alloc : memref<!tpu.dma_semaphore, #tpu.memory_space<semaphore_mem>>
      %dma_start3A_129 = arith.constant 0 : i32
      %dma_start3A_130 = arith.constant 0 : i32
      %dma_start3A_131 = tpu.memref_slice %arg12[%run_scoped3A_26, %dma_start3A_129, %dma_start3A_130] : memref<3x80x64xf32, #tpu.memory_space<vmem>> -> memref<1x80x64xf32, #tpu.memory_space<vmem>>
      %dma_start3A_132 = tpu.memref_squeeze %dma_start3A_131 : memref<1x80x64xf32, #tpu.memory_space<vmem>> -> memref<80x64xf32, #tpu.memory_space<vmem>>
      %dma_start3A_133 = arith.constant 0 : i32
      %dma_start3A_134 = tpu.memref_slice %arg13[%add3A_25, %dma_start3A_133] : memref<10240x64xf32, #tpu.memory_space<vmem_shared>> -> memref<80x64xf32, #tpu.memory_space<vmem_shared>>
      %dma_start3A_135 = arith.constant 0 : i32
      %dma_start3A_136 = tpu.memref_slice %arg13[%add3A_25, %dma_start3A_135] : memref<10240x64xf32, #tpu.memory_space<vmem_shared>> -> memref<80x64xf32, #tpu.memory_space<vmem_shared>>
      %dma_start3A_137 = arith.constant 0 : i32
      %dma_start3A_138 = arith.constant 0 : i32
      %dma_start3A_139 = tpu.memref_slice %arg12[%run_scoped3A_26, %dma_start3A_137, %dma_start3A_138] : memref<3x80x64xf32, #tpu.memory_space<vmem>> -> memref<1x80x64xf32, #tpu.memory_space<vmem>>
      %dma_start3A_140 = tpu.memref_squeeze %dma_start3A_139 : memref<1x80x64xf32, #tpu.memory_space<vmem>> -> memref<80x64xf32, #tpu.memory_space<vmem>>
      tpu.enqueue_dma source(%dma_start3A_140 : memref<80x64xf32, #tpu.memory_space<vmem>>) target(%dma_start3A_136 : memref<80x64xf32, #tpu.memory_space<vmem_shared>>) target_semaphore(%run_scoped3A_128 : memref<!tpu.dma_semaphore, #tpu.memory_space<semaphore_mem>>)
      %dma_wait3A_141 = arith.constant 0 : i32
      %dma_wait3A_142 = arith.constant 0 : i32
      %dma_wait3A_143 = tpu.memref_slice %arg12[%run_scoped3A_26, %dma_wait3A_141, %dma_wait3A_142] : memref<3x80x64xf32, #tpu.memory_space<vmem>> -> memref<1x80x64xf32, #tpu.memory_space<vmem>>
      %dma_wait3A_144 = tpu.memref_squeeze %dma_wait3A_143 : memref<1x80x64xf32, #tpu.memory_space<vmem>> -> memref<80x64xf32, #tpu.memory_space<vmem>>
      %dma_wait3A_145 = arith.constant 0 : i32
      %dma_wait3A_146 = tpu.memref_slice %arg13[%add3A_25, %dma_wait3A_145] : memref<10240x64xf32, #tpu.memory_space<vmem_shared>> -> memref<80x64xf32, #tpu.memory_space<vmem_shared>>
      %dma_wait3A_147 = arith.constant 0 : i32
      %dma_wait3A_148 = tpu.memref_slice %arg13[%add3A_25, %dma_wait3A_147] : memref<10240x64xf32, #tpu.memory_space<vmem_shared>> -> memref<80x64xf32, #tpu.memory_space<vmem_shared>>
      %dma_wait3A_149 = arith.constant 0 : i32
      %dma_wait3A_150 = arith.constant 0 : i32
      %dma_wait3A_151 = tpu.memref_slice %arg12[%run_scoped3A_26, %dma_wait3A_149, %dma_wait3A_150] : memref<3x80x64xf32, #tpu.memory_space<vmem>> -> memref<1x80x64xf32, #tpu.memory_space<vmem>>
      %dma_wait3A_152 = tpu.memref_squeeze %dma_wait3A_151 : memref<1x80x64xf32, #tpu.memory_space<vmem>> -> memref<80x64xf32, #tpu.memory_space<vmem>>
      tpu.wait_dma2 semaphore(%run_scoped3A_128 : memref<!tpu.dma_semaphore, #tpu.memory_space<semaphore_mem>>) src(%dma_wait3A_152 : memref<80x64xf32, #tpu.memory_space<vmem>>) dst(%dma_wait3A_148 : memref<80x64xf32, #tpu.memory_space<vmem_shared>>)
      tpu.yield
    }) : () -> ()
    %mul3A_27 = arith.constant 640 : i32
    %mul3A_28 = arith.muli %arg1, %mul3A_27 : i32
    %add3A_29 = arith.constant 400 : i32
    %add3A_30 = arith.addi %mul3A_28, %add3A_29 : i32
    %run_scoped3A_31 = arith.constant 0 : i32
    "tpu.region"() ({
      %run_scoped3A_128 = tpu.sem_alloc : memref<!tpu.dma_semaphore, #tpu.memory_space<semaphore_mem>>
      %dma_start3A_129 = arith.constant 0 : i32
      %dma_start3A_130 = arith.constant 0 : i32
      %dma_start3A_131 = tpu.memref_slice %arg12[%run_scoped3A_31, %dma_start3A_129, %dma_start3A_130] : memref<3x80x64xf32, #tpu.memory_space<vmem>> -> memref<1x80x64xf32, #tpu.memory_space<vmem>>
      %dma_start3A_132 = tpu.memref_squeeze %dma_start3A_131 : memref<1x80x64xf32, #tpu.memory_space<vmem>> -> memref<80x64xf32, #tpu.memory_space<vmem>>
      %dma_start3A_133 = arith.constant 0 : i32
      %dma_start3A_134 = tpu.memref_slice %arg13[%add3A_30, %dma_start3A_133] : memref<10240x64xf32, #tpu.memory_space<vmem_shared>> -> memref<80x64xf32, #tpu.memory_space<vmem_shared>>
      %dma_start3A_135 = arith.constant 0 : i32
      %dma_start3A_136 = tpu.memref_slice %arg13[%add3A_30, %dma_start3A_135] : memref<10240x64xf32, #tpu.memory_space<vmem_shared>> -> memref<80x64xf32, #tpu.memory_space<vmem_shared>>
      %dma_start3A_137 = arith.constant 0 : i32
      %dma_start3A_138 = arith.constant 0 : i32
      %dma_start3A_139 = tpu.memref_slice %arg12[%run_scoped3A_31, %dma_start3A_137, %dma_start3A_138] : memref<3x80x64xf32, #tpu.memory_space<vmem>> -> memref<1x80x64xf32, #tpu.memory_space<vmem>>
      %dma_start3A_140 = tpu.memref_squeeze %dma_start3A_139 : memref<1x80x64xf32, #tpu.memory_space<vmem>> -> memref<80x64xf32, #tpu.memory_space<vmem>>
      tpu.enqueue_dma source(%dma_start3A_140 : memref<80x64xf32, #tpu.memory_space<vmem>>) target(%dma_start3A_136 : memref<80x64xf32, #tpu.memory_space<vmem_shared>>) target_semaphore(%run_scoped3A_128 : memref<!tpu.dma_semaphore, #tpu.memory_space<semaphore_mem>>)
      %dma_wait3A_141 = arith.constant 0 : i32
      %dma_wait3A_142 = arith.constant 0 : i32
      %dma_wait3A_143 = tpu.memref_slice %arg12[%run_scoped3A_31, %dma_wait3A_141, %dma_wait3A_142] : memref<3x80x64xf32, #tpu.memory_space<vmem>> -> memref<1x80x64xf32, #tpu.memory_space<vmem>>
      %dma_wait3A_144 = tpu.memref_squeeze %dma_wait3A_143 : memref<1x80x64xf32, #tpu.memory_space<vmem>> -> memref<80x64xf32, #tpu.memory_space<vmem>>
      %dma_wait3A_145 = arith.constant 0 : i32
      %dma_wait3A_146 = tpu.memref_slice %arg13[%add3A_30, %dma_wait3A_145] : memref<10240x64xf32, #tpu.memory_space<vmem_shared>> -> memref<80x64xf32, #tpu.memory_space<vmem_shared>>
      %dma_wait3A_147 = arith.constant 0 : i32
      %dma_wait3A_148 = tpu.memref_slice %arg13[%add3A_30, %dma_wait3A_147] : memref<10240x64xf32, #tpu.memory_space<vmem_shared>> -> memref<80x64xf32, #tpu.memory_space<vmem_shared>>
      %dma_wait3A_149 = arith.constant 0 : i32
      %dma_wait3A_150 = arith.constant 0 : i32
      %dma_wait3A_151 = tpu.memref_slice %arg12[%run_scoped3A_31, %dma_wait3A_149, %dma_wait3A_150] : memref<3x80x64xf32, #tpu.memory_space<vmem>> -> memref<1x80x64xf32, #tpu.memory_space<vmem>>
      %dma_wait3A_152 = tpu.memref_squeeze %dma_wait3A_151 : memref<1x80x64xf32, #tpu.memory_space<vmem>> -> memref<80x64xf32, #tpu.memory_space<vmem>>
      tpu.wait_dma2 semaphore(%run_scoped3A_128 : memref<!tpu.dma_semaphore, #tpu.memory_space<semaphore_mem>>) src(%dma_wait3A_152 : memref<80x64xf32, #tpu.memory_space<vmem>>) dst(%dma_wait3A_148 : memref<80x64xf32, #tpu.memory_space<vmem_shared>>)
      tpu.yield
    }) : () -> ()
    %mul3A_32 = arith.constant 640 : i32
    %mul3A_33 = arith.muli %arg1, %mul3A_32 : i32
    %add3A_34 = arith.constant 480 : i32
    %add3A_35 = arith.addi %mul3A_33, %add3A_34 : i32
    %run_scoped3A_36 = arith.constant 0 : i32
    "tpu.region"() ({
      %run_scoped3A_128 = tpu.sem_alloc : memref<!tpu.dma_semaphore, #tpu.memory_space<semaphore_mem>>
      %dma_start3A_129 = arith.constant 0 : i32
      %dma_start3A_130 = arith.constant 0 : i32
      %dma_start3A_131 = tpu.memref_slice %arg12[%run_scoped3A_36, %dma_start3A_129, %dma_start3A_130] : memref<3x80x64xf32, #tpu.memory_space<vmem>> -> memref<1x80x64xf32, #tpu.memory_space<vmem>>
      %dma_start3A_132 = tpu.memref_squeeze %dma_start3A_131 : memref<1x80x64xf32, #tpu.memory_space<vmem>> -> memref<80x64xf32, #tpu.memory_space<vmem>>
      %dma_start3A_133 = arith.constant 0 : i32
      %dma_start3A_134 = tpu.memref_slice %arg13[%add3A_35, %dma_start3A_133] : memref<10240x64xf32, #tpu.memory_space<vmem_shared>> -> memref<80x64xf32, #tpu.memory_space<vmem_shared>>
      %dma_start3A_135 = arith.constant 0 : i32
      %dma_start3A_136 = tpu.memref_slice %arg13[%add3A_35, %dma_start3A_135] : memref<10240x64xf32, #tpu.memory_space<vmem_shared>> -> memref<80x64xf32, #tpu.memory_space<vmem_shared>>
      %dma_start3A_137 = arith.constant 0 : i32
      %dma_start3A_138 = arith.constant 0 : i32
      %dma_start3A_139 = tpu.memref_slice %arg12[%run_scoped3A_36, %dma_start3A_137, %dma_start3A_138] : memref<3x80x64xf32, #tpu.memory_space<vmem>> -> memref<1x80x64xf32, #tpu.memory_space<vmem>>
      %dma_start3A_140 = tpu.memref_squeeze %dma_start3A_139 : memref<1x80x64xf32, #tpu.memory_space<vmem>> -> memref<80x64xf32, #tpu.memory_space<vmem>>
      tpu.enqueue_dma source(%dma_start3A_140 : memref<80x64xf32, #tpu.memory_space<vmem>>) target(%dma_start3A_136 : memref<80x64xf32, #tpu.memory_space<vmem_shared>>) target_semaphore(%run_scoped3A_128 : memref<!tpu.dma_semaphore, #tpu.memory_space<semaphore_mem>>)
      %dma_wait3A_141 = arith.constant 0 : i32
      %dma_wait3A_142 = arith.constant 0 : i32
      %dma_wait3A_143 = tpu.memref_slice %arg12[%run_scoped3A_36, %dma_wait3A_141, %dma_wait3A_142] : memref<3x80x64xf32, #tpu.memory_space<vmem>> -> memref<1x80x64xf32, #tpu.memory_space<vmem>>
      %dma_wait3A_144 = tpu.memref_squeeze %dma_wait3A_143 : memref<1x80x64xf32, #tpu.memory_space<vmem>> -> memref<80x64xf32, #tpu.memory_space<vmem>>
      %dma_wait3A_145 = arith.constant 0 : i32
      %dma_wait3A_146 = tpu.memref_slice %arg13[%add3A_35, %dma_wait3A_145] : memref<10240x64xf32, #tpu.memory_space<vmem_shared>> -> memref<80x64xf32, #tpu.memory_space<vmem_shared>>
      %dma_wait3A_147 = arith.constant 0 : i32
      %dma_wait3A_148 = tpu.memref_slice %arg13[%add3A_35, %dma_wait3A_147] : memref<10240x64xf32, #tpu.memory_space<vmem_shared>> -> memref<80x64xf32, #tpu.memory_space<vmem_shared>>
      %dma_wait3A_149 = arith.constant 0 : i32
      %dma_wait3A_150 = arith.constant 0 : i32
      %dma_wait3A_151 = tpu.memref_slice %arg12[%run_scoped3A_36, %dma_wait3A_149, %dma_wait3A_150] : memref<3x80x64xf32, #tpu.memory_space<vmem>> -> memref<1x80x64xf32, #tpu.memory_space<vmem>>
      %dma_wait3A_152 = tpu.memref_squeeze %dma_wait3A_151 : memref<1x80x64xf32, #tpu.memory_space<vmem>> -> memref<80x64xf32, #tpu.memory_space<vmem>>
      tpu.wait_dma2 semaphore(%run_scoped3A_128 : memref<!tpu.dma_semaphore, #tpu.memory_space<semaphore_mem>>) src(%dma_wait3A_152 : memref<80x64xf32, #tpu.memory_space<vmem>>) dst(%dma_wait3A_148 : memref<80x64xf32, #tpu.memory_space<vmem_shared>>)
      tpu.yield
    }) : () -> ()
    %mul3A_37 = arith.constant 640 : i32
    %mul3A_38 = arith.muli %arg1, %mul3A_37 : i32
    %add3A_39 = arith.constant 560 : i32
    %add3A_40 = arith.addi %mul3A_38, %add3A_39 : i32
    %run_scoped3A_41 = arith.constant 0 : i32
    "tpu.region"() ({
      %run_scoped3A_128 = tpu.sem_alloc : memref<!tpu.dma_semaphore, #tpu.memory_space<semaphore_mem>>
      %dma_start3A_129 = arith.constant 0 : i32
      %dma_start3A_130 = arith.constant 0 : i32
      %dma_start3A_131 = tpu.memref_slice %arg12[%run_scoped3A_41, %dma_start3A_129, %dma_start3A_130] : memref<3x80x64xf32, #tpu.memory_space<vmem>> -> memref<1x80x64xf32, #tpu.memory_space<vmem>>
      %dma_start3A_132 = tpu.memref_squeeze %dma_start3A_131 : memref<1x80x64xf32, #tpu.memory_space<vmem>> -> memref<80x64xf32, #tpu.memory_space<vmem>>
      %dma_start3A_133 = arith.constant 0 : i32
      %dma_start3A_134 = tpu.memref_slice %arg13[%add3A_40, %dma_start3A_133] : memref<10240x64xf32, #tpu.memory_space<vmem_shared>> -> memref<80x64xf32, #tpu.memory_space<vmem_shared>>
      %dma_start3A_135 = arith.constant 0 : i32
      %dma_start3A_136 = tpu.memref_slice %arg13[%add3A_40, %dma_start3A_135] : memref<10240x64xf32, #tpu.memory_space<vmem_shared>> -> memref<80x64xf32, #tpu.memory_space<vmem_shared>>
      %dma_start3A_137 = arith.constant 0 : i32
      %dma_start3A_138 = arith.constant 0 : i32
      %dma_start3A_139 = tpu.memref_slice %arg12[%run_scoped3A_41, %dma_start3A_137, %dma_start3A_138] : memref<3x80x64xf32, #tpu.memory_space<vmem>> -> memref<1x80x64xf32, #tpu.memory_space<vmem>>
      %dma_start3A_140 = tpu.memref_squeeze %dma_start3A_139 : memref<1x80x64xf32, #tpu.memory_space<vmem>> -> memref<80x64xf32, #tpu.memory_space<vmem>>
      tpu.enqueue_dma source(%dma_start3A_140 : memref<80x64xf32, #tpu.memory_space<vmem>>) target(%dma_start3A_136 : memref<80x64xf32, #tpu.memory_space<vmem_shared>>) target_semaphore(%run_scoped3A_128 : memref<!tpu.dma_semaphore, #tpu.memory_space<semaphore_mem>>)
      %dma_wait3A_141 = arith.constant 0 : i32
      %dma_wait3A_142 = arith.constant 0 : i32
      %dma_wait3A_143 = tpu.memref_slice %arg12[%run_scoped3A_41, %dma_wait3A_141, %dma_wait3A_142] : memref<3x80x64xf32, #tpu.memory_space<vmem>> -> memref<1x80x64xf32, #tpu.memory_space<vmem>>
      %dma_wait3A_144 = tpu.memref_squeeze %dma_wait3A_143 : memref<1x80x64xf32, #tpu.memory_space<vmem>> -> memref<80x64xf32, #tpu.memory_space<vmem>>
      %dma_wait3A_145 = arith.constant 0 : i32
      %dma_wait3A_146 = tpu.memref_slice %arg13[%add3A_40, %dma_wait3A_145] : memref<10240x64xf32, #tpu.memory_space<vmem_shared>> -> memref<80x64xf32, #tpu.memory_space<vmem_shared>>
      %dma_wait3A_147 = arith.constant 0 : i32
      %dma_wait3A_148 = tpu.memref_slice %arg13[%add3A_40, %dma_wait3A_147] : memref<10240x64xf32, #tpu.memory_space<vmem_shared>> -> memref<80x64xf32, #tpu.memory_space<vmem_shared>>
      %dma_wait3A_149 = arith.constant 0 : i32
      %dma_wait3A_150 = arith.constant 0 : i32
      %dma_wait3A_151 = tpu.memref_slice %arg12[%run_scoped3A_41, %dma_wait3A_149, %dma_wait3A_150] : memref<3x80x64xf32, #tpu.memory_space<vmem>> -> memref<1x80x64xf32, #tpu.memory_space<vmem>>
      %dma_wait3A_152 = tpu.memref_squeeze %dma_wait3A_151 : memref<1x80x64xf32, #tpu.memory_space<vmem>> -> memref<80x64xf32, #tpu.memory_space<vmem>>
      tpu.wait_dma2 semaphore(%run_scoped3A_128 : memref<!tpu.dma_semaphore, #tpu.memory_space<semaphore_mem>>) src(%dma_wait3A_152 : memref<80x64xf32, #tpu.memory_space<vmem>>) dst(%dma_wait3A_148 : memref<80x64xf32, #tpu.memory_space<vmem_shared>>)
      tpu.yield
    }) : () -> ()
    %run_scoped3A_42 = arith.constant 0 : i32
    "tpu.region"() ({
      %run_scoped3A_128 = tpu.sem_alloc : memref<!tpu.dma_semaphore, #tpu.memory_space<semaphore_mem>>
      %dma_start3A_129 = arith.constant 0 : i32
      %dma_start3A_130 = tpu.memref_slice %arg5[%run_scoped3A_42, %dma_start3A_129] : memref<1x10240xf32, #tpu.memory_space<hbm>> -> memref<1x10240xf32, #tpu.memory_space<hbm>>
      %dma_start3A_131 = tpu.memref_squeeze %dma_start3A_130 : memref<1x10240xf32, #tpu.memory_space<hbm>> -> memref<10240xf32, #tpu.memory_space<hbm>>
      %dma_start3A_132 = arith.constant 0 : i32
      %dma_start3A_133 = tpu.memref_slice %arg5[%run_scoped3A_42, %dma_start3A_132] : memref<1x10240xf32, #tpu.memory_space<hbm>> -> memref<1x10240xf32, #tpu.memory_space<hbm>>
      %dma_start3A_134 = tpu.memref_squeeze %dma_start3A_133 : memref<1x10240xf32, #tpu.memory_space<hbm>> -> memref<10240xf32, #tpu.memory_space<hbm>>
      tpu.enqueue_dma source(%dma_start3A_134 : memref<10240xf32, #tpu.memory_space<hbm>>) target(%arg11 : memref<10240xf32, #tpu.memory_space<vmem>>) target_semaphore(%run_scoped3A_128 : memref<!tpu.dma_semaphore, #tpu.memory_space<semaphore_mem>>)
      %dma_wait3A_135 = arith.constant 0 : i32
      %dma_wait3A_136 = tpu.memref_slice %arg5[%run_scoped3A_42, %dma_wait3A_135] : memref<1x10240xf32, #tpu.memory_space<hbm>> -> memref<1x10240xf32, #tpu.memory_space<hbm>>
      %dma_wait3A_137 = tpu.memref_squeeze %dma_wait3A_136 : memref<1x10240xf32, #tpu.memory_space<hbm>> -> memref<10240xf32, #tpu.memory_space<hbm>>
      %dma_wait3A_138 = arith.constant 0 : i32
      %dma_wait3A_139 = tpu.memref_slice %arg5[%run_scoped3A_42, %dma_wait3A_138] : memref<1x10240xf32, #tpu.memory_space<hbm>> -> memref<1x10240xf32, #tpu.memory_space<hbm>>
      %dma_wait3A_140 = tpu.memref_squeeze %dma_wait3A_139 : memref<1x10240xf32, #tpu.memory_space<hbm>> -> memref<10240xf32, #tpu.memory_space<hbm>>
      tpu.wait_dma2 semaphore(%run_scoped3A_128 : memref<!tpu.dma_semaphore, #tpu.memory_space<semaphore_mem>>) src(%dma_wait3A_140 : memref<10240xf32, #tpu.memory_space<hbm>>) dst(%arg11 : memref<10240xf32, #tpu.memory_space<vmem>>)
      tpu.yield
    }) : () -> ()
    %mul3A_43 = arith.constant 20640 : i32
    %mul3A_44 = arith.muli %arg1, %mul3A_43 : i32
    "tpu.region"() ({
      %run_scoped3A_128 = tpu.sem_alloc : memref<!tpu.dma_semaphore, #tpu.memory_space<semaphore_mem>>
      %dma_start3A_129 = tpu.memref_slice %arg2[%mul3A_44] : memref<330240xi32, #tpu.memory_space<hbm>> -> memref<20640xi32, #tpu.memory_space<hbm>>
      %dma_start3A_130 = tpu.memref_slice %arg2[%mul3A_44] : memref<330240xi32, #tpu.memory_space<hbm>> -> memref<20640xi32, #tpu.memory_space<hbm>>
      tpu.enqueue_dma source(%dma_start3A_130 : memref<20640xi32, #tpu.memory_space<hbm>>) target(%arg8 : memref<20640xi32, #tpu.memory_space<vmem>>) target_semaphore(%run_scoped3A_128 : memref<!tpu.dma_semaphore, #tpu.memory_space<semaphore_mem>>)
      %dma_wait3A_131 = tpu.memref_slice %arg2[%mul3A_44] : memref<330240xi32, #tpu.memory_space<hbm>> -> memref<20640xi32, #tpu.memory_space<hbm>>
      %dma_wait3A_132 = tpu.memref_slice %arg2[%mul3A_44] : memref<330240xi32, #tpu.memory_space<hbm>> -> memref<20640xi32, #tpu.memory_space<hbm>>
      tpu.wait_dma2 semaphore(%run_scoped3A_128 : memref<!tpu.dma_semaphore, #tpu.memory_space<semaphore_mem>>) src(%dma_wait3A_132 : memref<20640xi32, #tpu.memory_space<hbm>>) dst(%arg8 : memref<20640xi32, #tpu.memory_space<vmem>>)
      tpu.yield
    }) : () -> ()
    "tpu.region"() ({
      %run_scoped3A_128 = tpu.sem_alloc : memref<!tpu.dma_semaphore, #tpu.memory_space<semaphore_mem>>
      %dma_start3A_129 = tpu.memref_slice %arg3[%mul3A_44] : memref<330240xi32, #tpu.memory_space<hbm>> -> memref<20640xi32, #tpu.memory_space<hbm>>
      %dma_start3A_130 = tpu.memref_slice %arg3[%mul3A_44] : memref<330240xi32, #tpu.memory_space<hbm>> -> memref<20640xi32, #tpu.memory_space<hbm>>
      tpu.enqueue_dma source(%dma_start3A_130 : memref<20640xi32, #tpu.memory_space<hbm>>) target(%arg9 : memref<20640xi32, #tpu.memory_space<vmem>>) target_semaphore(%run_scoped3A_128 : memref<!tpu.dma_semaphore, #tpu.memory_space<semaphore_mem>>)
      %dma_wait3A_131 = tpu.memref_slice %arg3[%mul3A_44] : memref<330240xi32, #tpu.memory_space<hbm>> -> memref<20640xi32, #tpu.memory_space<hbm>>
      %dma_wait3A_132 = tpu.memref_slice %arg3[%mul3A_44] : memref<330240xi32, #tpu.memory_space<hbm>> -> memref<20640xi32, #tpu.memory_space<hbm>>
      tpu.wait_dma2 semaphore(%run_scoped3A_128 : memref<!tpu.dma_semaphore, #tpu.memory_space<semaphore_mem>>) src(%dma_wait3A_132 : memref<20640xi32, #tpu.memory_space<hbm>>) dst(%arg9 : memref<20640xi32, #tpu.memory_space<vmem>>)
      tpu.yield
    }) : () -> ()
    "tpu.region"() ({
      %run_scoped3A_128 = tpu.sem_alloc : memref<!tpu.dma_semaphore, #tpu.memory_space<semaphore_mem>>
      %dma_start3A_129 = tpu.memref_slice %arg4[%mul3A_44] : memref<330240xf32, #tpu.memory_space<hbm>> -> memref<20640xf32, #tpu.memory_space<hbm>>
      %dma_start3A_130 = tpu.memref_slice %arg4[%mul3A_44] : memref<330240xf32, #tpu.memory_space<hbm>> -> memref<20640xf32, #tpu.memory_space<hbm>>
      tpu.enqueue_dma source(%dma_start3A_130 : memref<20640xf32, #tpu.memory_space<hbm>>) target(%arg10 : memref<20640xf32, #tpu.memory_space<vmem>>) target_semaphore(%run_scoped3A_128 : memref<!tpu.dma_semaphore, #tpu.memory_space<semaphore_mem>>)
      %dma_wait3A_131 = tpu.memref_slice %arg4[%mul3A_44] : memref<330240xf32, #tpu.memory_space<hbm>> -> memref<20640xf32, #tpu.memory_space<hbm>>
      %dma_wait3A_132 = tpu.memref_slice %arg4[%mul3A_44] : memref<330240xf32, #tpu.memory_space<hbm>> -> memref<20640xf32, #tpu.memory_space<hbm>>
      tpu.wait_dma2 semaphore(%run_scoped3A_128 : memref<!tpu.dma_semaphore, #tpu.memory_space<semaphore_mem>>) src(%dma_wait3A_132 : memref<20640xf32, #tpu.memory_space<hbm>>) dst(%arg10 : memref<20640xf32, #tpu.memory_space<vmem>>)
      tpu.yield
    }) : () -> ()
    %parallel_loop3A = arith.constant 0 : i32
    %parallel_loop3A_45 = arith.constant 20640 : i32
    %parallel_loop3A_46 = arith.constant 16 : i32
    scf.for %parallel_loop3A_128 = %parallel_loop3A to %parallel_loop3A_45 step %parallel_loop3A_46  : i32 {
      %parallel_loop3A_129 = arith.index_cast %parallel_loop3A_128 : i32 to index
      %parallel_loop3A_130 = tpu.vector_load %arg8[%parallel_loop3A_129] {strides = array<i32>} : memref<20640xi32, #tpu.memory_space<vmem>>, vector<16xi32>,
      %parallel_loop3A_131 = tpu.vector_load_idx %arg11[%parallel_loop3A_130] : memref<10240xf32, #tpu.memory_space<vmem>>[vector<16xi32>], vector<16xf32>,
      %parallel_loop3A_132 = arith.index_cast %parallel_loop3A_128 : i32 to index
      %parallel_loop3A_133 = tpu.vector_load %arg9[%parallel_loop3A_132] {strides = array<i32>} : memref<20640xi32, #tpu.memory_space<vmem>>, vector<16xi32>,
      %parallel_loop3A_134 = tpu.vector_load_idx %arg11[%parallel_loop3A_133] : memref<10240xf32, #tpu.memory_space<vmem>>[vector<16xi32>], vector<16xf32>,
      %parallel_loop3A_135 = arith.index_cast %parallel_loop3A_128 : i32 to index
      %parallel_loop3A_136 = tpu.vector_load %arg10[%parallel_loop3A_135] {strides = array<i32>} : memref<20640xf32, #tpu.memory_space<vmem>>, vector<16xf32>,
      %parallel_loop3A_137 = arith.mulf %parallel_loop3A_136, %parallel_loop3A_131 : vector<16xf32>
      %parallel_loop3A_138 = arith.mulf %parallel_loop3A_137, %parallel_loop3A_134 : vector<16xf32>
      %parallel_loop3A_139 = arith.index_cast %parallel_loop3A_128 : i32 to index
      %parallel_loop3A_140 = tpu.vector_load %arg10[%parallel_loop3A_139] {strides = array<i32>} : memref<20640xf32, #tpu.memory_space<vmem>>, vector<16xf32>,
      tpu.vector_store %arg10[%parallel_loop3A_139], %parallel_loop3A_138 {strides = array<i32>} : memref<20640xf32, #tpu.memory_space<vmem>>, vector<16xf32>,
    } {sc.loop_unroll_factor = 2 : i64, sc.parallel_access}
    %dma_start3A = arith.constant 0 : i32
    %dma_start3A_47 = arith.constant 0 : i32
    %dma_start3A_48 = arith.constant 0 : i32
    %dma_start3A_49 = arith.constant 0 : i32
    %dma_start3A_50 = tpu.memref_slice %arg12[%dma_start3A, %dma_start3A_48, %dma_start3A_49] : memref<3x80x64xf32, #tpu.memory_space<vmem>> -> memref<1x80x64xf32, #tpu.memory_space<vmem>>
    %dma_start3A_51 = tpu.memref_squeeze %dma_start3A_50 : memref<1x80x64xf32, #tpu.memory_space<vmem>> -> memref<80x64xf32, #tpu.memory_space<vmem>>
    %dma_start3A_52 = arith.constant 0 : i32
    %dma_start3A_53 = tpu.memref_slice %arg8[%dma_start3A_52] : memref<20640xi32, #tpu.memory_space<vmem>> -> memref<80xi32, #tpu.memory_space<vmem>>
    %dma_start3A_54 = arith.constant 0 : i32
    %dma_start3A_55 = arith.constant 0 : i32
    %dma_start3A_56 = tpu.memref_slice %arg6[%arg0, %dma_start3A_54, %dma_start3A_55] : memref<2x10240x64xf32, #tpu.memory_space<hbm>> -> memref<1x10240x64xf32, #tpu.memory_space<hbm>>
    %dma_start3A_57 = tpu.memref_squeeze %dma_start3A_56 : memref<1x10240x64xf32, #tpu.memory_space<hbm>> -> memref<10240x64xf32, #tpu.memory_space<hbm>>
    %dma_start3A_58 = arith.constant 0 : i32
    %dma_start3A_59 = arith.constant 0 : i32
    %dma_start3A_60 = tpu.memref_slice %dma_start3A_57[%dma_start3A_58, %dma_start3A_59] : memref<10240x64xf32, #tpu.memory_space<hbm>> -> memref<10240x64xf32, #tpu.memory_space<hbm>>
    %dma_start3A_61 = tpu.memref_slice %arg14[%dma_start3A_47] : memref<3x!tpu.dma_semaphore, #tpu.memory_space<semaphore_mem>> -> memref<1x!tpu.dma_semaphore, #tpu.memory_space<semaphore_mem>>
    %dma_start3A_62 = tpu.memref_squeeze %dma_start3A_61 : memref<1x!tpu.dma_semaphore, #tpu.memory_space<semaphore_mem>> -> memref<!tpu.dma_semaphore, #tpu.memory_space<semaphore_mem>>
    tpu.enqueue_indirect_dma source(%dma_start3A_60 : memref<10240x64xf32, #tpu.memory_space<hbm>>) target(%dma_start3A_51 : memref<80x64xf32, #tpu.memory_space<vmem>>) offsets(%dma_start3A_53 : memref<80xi32, #tpu.memory_space<vmem>>) semaphore(%dma_start3A_62 : memref<!tpu.dma_semaphore, #tpu.memory_space<semaphore_mem>>)
    %dma_start3A_63 = arith.constant 1 : i32
    %dma_start3A_64 = arith.constant 1 : i32
    %dma_start3A_65 = arith.constant 0 : i32
    %dma_start3A_66 = arith.constant 0 : i32
    %dma_start3A_67 = tpu.memref_slice %arg12[%dma_start3A_63, %dma_start3A_65, %dma_start3A_66] : memref<3x80x64xf32, #tpu.memory_space<vmem>> -> memref<1x80x64xf32, #tpu.memory_space<vmem>>
    %dma_start3A_68 = tpu.memref_squeeze %dma_start3A_67 : memref<1x80x64xf32, #tpu.memory_space<vmem>> -> memref<80x64xf32, #tpu.memory_space<vmem>>
    %dma_start3A_69 = arith.constant 80 : i32
    %dma_start3A_70 = tpu.memref_slice %arg8[%dma_start3A_69] : memref<20640xi32, #tpu.memory_space<vmem>> -> memref<80xi32, #tpu.memory_space<vmem>>
    %dma_start3A_71 = arith.constant 0 : i32
    %dma_start3A_72 = arith.constant 0 : i32
    %dma_start3A_73 = tpu.memref_slice %arg6[%arg0, %dma_start3A_71, %dma_start3A_72] : memref<2x10240x64xf32, #tpu.memory_space<hbm>> -> memref<1x10240x64xf32, #tpu.memory_space<hbm>>
    %dma_start3A_74 = tpu.memref_squeeze %dma_start3A_73 : memref<1x10240x64xf32, #tpu.memory_space<hbm>> -> memref<10240x64xf32, #tpu.memory_space<hbm>>
    %dma_start3A_75 = arith.constant 0 : i32
    %dma_start3A_76 = arith.constant 0 : i32
    %dma_start3A_77 = tpu.memref_slice %dma_start3A_74[%dma_start3A_75, %dma_start3A_76] : memref<10240x64xf32, #tpu.memory_space<hbm>> -> memref<10240x64xf32, #tpu.memory_space<hbm>>
    %dma_start3A_78 = tpu.memref_slice %arg14[%dma_start3A_64] : memref<3x!tpu.dma_semaphore, #tpu.memory_space<semaphore_mem>> -> memref<1x!tpu.dma_semaphore, #tpu.memory_space<semaphore_mem>>
    %dma_start3A_79 = tpu.memref_squeeze %dma_start3A_78 : memref<1x!tpu.dma_semaphore, #tpu.memory_space<semaphore_mem>> -> memref<!tpu.dma_semaphore, #tpu.memory_space<semaphore_mem>>
    tpu.enqueue_indirect_dma source(%dma_start3A_77 : memref<10240x64xf32, #tpu.memory_space<hbm>>) target(%dma_start3A_68 : memref<80x64xf32, #tpu.memory_space<vmem>>) offsets(%dma_start3A_70 : memref<80xi32, #tpu.memory_space<vmem>>) semaphore(%dma_start3A_79 : memref<!tpu.dma_semaphore, #tpu.memory_space<semaphore_mem>>)
    %barrier3A = arith.constant 0 : index
    tpu.barrier barrier_id(%barrier3A)
    %scan3A_80 = arith.constant 0 : i32
    %scan3A_81 = arith.constant 86 : i32
    %scan3A_82 = arith.addi %scan3A_80, %scan3A_81 : i32
    %scan3A_83 = arith.constant 1 : i32
    scf.for %scan3A_128 = %scan3A_80 to %scan3A_82 step %scan3A_83  : i32 {
      %mul3A_129 = arith.constant 3 : i32
      %mul3A_130 = arith.muli %scan3A_128, %mul3A_129 : i32
      %add3A_131 = arith.constant 0 : i32
      %add3A_132 = arith.addi %add3A_131, %mul3A_130 : i32
      %add3A_133 = arith.constant 0 : i32
      %add3A_134 = arith.addi %add3A_132, %add3A_133 : i32
      %mul3A_135 = arith.constant 80 : i32
      %mul3A_136 = arith.muli %add3A_134, %mul3A_135 : i32
      %dma_wait3A_137 = arith.constant 0 : i32
      %dma_wait3A_138 = arith.constant 0 : i32
      %dma_wait3A_139 = arith.constant 0 : i32
      %dma_wait3A_140 = arith.constant 0 : i32
      %dma_wait3A_141 = tpu.memref_slice %arg12[%dma_wait3A_137, %dma_wait3A_139, %dma_wait3A_140] : memref<3x80x64xf32, #tpu.memory_space<vmem>> -> memref<1x80x64xf32, #tpu.memory_space<vmem>>
      %dma_wait3A_142 = tpu.memref_squeeze %dma_wait3A_141 : memref<1x80x64xf32, #tpu.memory_space<vmem>> -> memref<80x64xf32, #tpu.memory_space<vmem>>
      %dma_wait3A_143 = tpu.memref_slice %arg8[%mul3A_136] : memref<20640xi32, #tpu.memory_space<vmem>> -> memref<80xi32, #tpu.memory_space<vmem>>
      %dma_wait3A_144 = arith.constant 0 : i32
      %dma_wait3A_145 = arith.constant 0 : i32
      %dma_wait3A_146 = tpu.memref_slice %arg6[%arg0, %dma_wait3A_144, %dma_wait3A_145] : memref<2x10240x64xf32, #tpu.memory_space<hbm>> -> memref<1x10240x64xf32, #tpu.memory_space<hbm>>
      %dma_wait3A_147 = tpu.memref_squeeze %dma_wait3A_146 : memref<1x10240x64xf32, #tpu.memory_space<hbm>> -> memref<10240x64xf32, #tpu.memory_space<hbm>>
      %dma_wait3A_148 = arith.constant 0 : i32
      %dma_wait3A_149 = arith.constant 0 : i32
      %dma_wait3A_150 = tpu.memref_slice %dma_wait3A_147[%dma_wait3A_148, %dma_wait3A_149] : memref<10240x64xf32, #tpu.memory_space<hbm>> -> memref<10240x64xf32, #tpu.memory_space<hbm>>
      %dma_wait3A_151 = tpu.memref_slice %arg14[%dma_wait3A_138] : memref<3x!tpu.dma_semaphore, #tpu.memory_space<semaphore_mem>> -> memref<1x!tpu.dma_semaphore, #tpu.memory_space<semaphore_mem>>
      %dma_wait3A_152 = tpu.memref_squeeze %dma_wait3A_151 : memref<1x!tpu.dma_semaphore, #tpu.memory_space<semaphore_mem>> -> memref<!tpu.dma_semaphore, #tpu.memory_space<semaphore_mem>>
      tpu.wait_indirect_dma semaphore(%dma_wait3A_152 : memref<!tpu.dma_semaphore, #tpu.memory_space<semaphore_mem>>) src(%dma_wait3A_150 : memref<10240x64xf32, #tpu.memory_space<hbm>>) dst(%dma_wait3A_142 : memref<80x64xf32, #tpu.memory_space<vmem>>)
      %mul3A_153 = arith.constant 80 : i32
      %mul3A_154 = arith.muli %add3A_134, %mul3A_153 : i32
      %broadcast_in_dim3A_155 = vector.broadcast %mul3A_154 : i32 to vector<16xi32>
      %parallel_loop3A_156 = arith.constant 0 : i32
      %parallel_loop3A_157 = arith.constant 80 : i32
      %parallel_loop3A_158 = arith.constant 1 : i32
      scf.for %parallel_loop3A_299 = %parallel_loop3A_156 to %parallel_loop3A_157 step %parallel_loop3A_158  : i32 {
        %parallel_loop3A_300 = vector.broadcast %parallel_loop3A_299 : i32 to vector<16xi32>
        %parallel_loop3A_301 = arith.addi %broadcast_in_dim3A_155, %parallel_loop3A_300 : vector<16xi32>
        %parallel_loop3A_302 = tpu.vector_load_idx %arg10[%parallel_loop3A_301] : memref<20640xf32, #tpu.memory_space<vmem>>[vector<16xi32>], vector<16xf32>,
        %parallel_loop3A_303 = arith.constant 0 : i32
        %parallel_loop3A_304 = arith.index_cast %parallel_loop3A_303 : i32 to index
        %parallel_loop3A_305 = arith.index_cast %parallel_loop3A_299 : i32 to index
        %parallel_loop3A_306 = arith.constant 0 : index
        %parallel_loop3A_307 = tpu.vector_load %arg12[%parallel_loop3A_304, %parallel_loop3A_305, %parallel_loop3A_306] {strides = array<i32>} : memref<3x80x64xf32, #tpu.memory_space<vmem>>, vector<16xf32>,
        %parallel_loop3A_308 = arith.mulf %parallel_loop3A_307, %parallel_loop3A_302 : vector<16xf32>
        %parallel_loop3A_309 = arith.constant 0 : i32
        %parallel_loop3A_310 = arith.index_cast %parallel_loop3A_309 : i32 to index
        %parallel_loop3A_311 = arith.index_cast %parallel_loop3A_299 : i32 to index
        %parallel_loop3A_312 = arith.constant 0 : index
        %parallel_loop3A_313 = tpu.vector_load %arg12[%parallel_loop3A_310, %parallel_loop3A_311, %parallel_loop3A_312] {strides = array<i32>} : memref<3x80x64xf32, #tpu.memory_space<vmem>>, vector<16xf32>,
        tpu.vector_store %arg12[%parallel_loop3A_310, %parallel_loop3A_311, %parallel_loop3A_312], %parallel_loop3A_308 {strides = array<i32>} : memref<3x80x64xf32, #tpu.memory_space<vmem>>, vector<16xf32>,
        %parallel_loop3A_314 = arith.constant 0 : i32
        %parallel_loop3A_315 = arith.index_cast %parallel_loop3A_314 : i32 to index
        %parallel_loop3A_316 = arith.index_cast %parallel_loop3A_299 : i32 to index
        %parallel_loop3A_317 = arith.constant 16 : index
        %parallel_loop3A_318 = tpu.vector_load %arg12[%parallel_loop3A_315, %parallel_loop3A_316, %parallel_loop3A_317] {strides = array<i32>} : memref<3x80x64xf32, #tpu.memory_space<vmem>>, vector<16xf32>,
        %parallel_loop3A_319 = arith.mulf %parallel_loop3A_318, %parallel_loop3A_302 : vector<16xf32>
        %parallel_loop3A_320 = arith.constant 0 : i32
        %parallel_loop3A_321 = arith.index_cast %parallel_loop3A_320 : i32 to index
        %parallel_loop3A_322 = arith.index_cast %parallel_loop3A_299 : i32 to index
        %parallel_loop3A_323 = arith.constant 16 : index
        %parallel_loop3A_324 = tpu.vector_load %arg12[%parallel_loop3A_321, %parallel_loop3A_322, %parallel_loop3A_323] {strides = array<i32>} : memref<3x80x64xf32, #tpu.memory_space<vmem>>, vector<16xf32>,
        tpu.vector_store %arg12[%parallel_loop3A_321, %parallel_loop3A_322, %parallel_loop3A_323], %parallel_loop3A_319 {strides = array<i32>} : memref<3x80x64xf32, #tpu.memory_space<vmem>>, vector<16xf32>,
        %parallel_loop3A_325 = arith.constant 0 : i32
        %parallel_loop3A_326 = arith.index_cast %parallel_loop3A_325 : i32 to index
        %parallel_loop3A_327 = arith.index_cast %parallel_loop3A_299 : i32 to index
        %parallel_loop3A_328 = arith.constant 32 : index
        %parallel_loop3A_329 = tpu.vector_load %arg12[%parallel_loop3A_326, %parallel_loop3A_327, %parallel_loop3A_328] {strides = array<i32>} : memref<3x80x64xf32, #tpu.memory_space<vmem>>, vector<16xf32>,
        %parallel_loop3A_330 = arith.mulf %parallel_loop3A_329, %parallel_loop3A_302 : vector<16xf32>
        %parallel_loop3A_331 = arith.constant 0 : i32
        %parallel_loop3A_332 = arith.index_cast %parallel_loop3A_331 : i32 to index
        %parallel_loop3A_333 = arith.index_cast %parallel_loop3A_299 : i32 to index
        %parallel_loop3A_334 = arith.constant 32 : index
        %parallel_loop3A_335 = tpu.vector_load %arg12[%parallel_loop3A_332, %parallel_loop3A_333, %parallel_loop3A_334] {strides = array<i32>} : memref<3x80x64xf32, #tpu.memory_space<vmem>>, vector<16xf32>,
        tpu.vector_store %arg12[%parallel_loop3A_332, %parallel_loop3A_333, %parallel_loop3A_334], %parallel_loop3A_330 {strides = array<i32>} : memref<3x80x64xf32, #tpu.memory_space<vmem>>, vector<16xf32>,
        %parallel_loop3A_336 = arith.constant 0 : i32
        %parallel_loop3A_337 = arith.index_cast %parallel_loop3A_336 : i32 to index
        %parallel_loop3A_338 = arith.index_cast %parallel_loop3A_299 : i32 to index
        %parallel_loop3A_339 = arith.constant 48 : index
        %parallel_loop3A_340 = tpu.vector_load %arg12[%parallel_loop3A_337, %parallel_loop3A_338, %parallel_loop3A_339] {strides = array<i32>} : memref<3x80x64xf32, #tpu.memory_space<vmem>>, vector<16xf32>,
        %parallel_loop3A_341 = arith.mulf %parallel_loop3A_340, %parallel_loop3A_302 : vector<16xf32>
        %parallel_loop3A_342 = arith.constant 0 : i32
        %parallel_loop3A_343 = arith.index_cast %parallel_loop3A_342 : i32 to index
        %parallel_loop3A_344 = arith.index_cast %parallel_loop3A_299 : i32 to index
        %parallel_loop3A_345 = arith.constant 48 : index
        %parallel_loop3A_346 = tpu.vector_load %arg12[%parallel_loop3A_343, %parallel_loop3A_344, %parallel_loop3A_345] {strides = array<i32>} : memref<3x80x64xf32, #tpu.memory_space<vmem>>, vector<16xf32>,
        tpu.vector_store %arg12[%parallel_loop3A_343, %parallel_loop3A_344, %parallel_loop3A_345], %parallel_loop3A_341 {strides = array<i32>} : memref<3x80x64xf32, #tpu.memory_space<vmem>>, vector<16xf32>,
      } {sc.loop_unroll_factor = 4 : i64, sc.parallel_access}
      %mul3A_159 = arith.constant 80 : i32
      %mul3A_160 = arith.muli %add3A_134, %mul3A_159 : i32
      %dma_start3A_161 = arith.constant 0 : i32
      %dma_start3A_162 = arith.constant 0 : i32
      %dma_start3A_163 = arith.constant 0 : i32
      %dma_start3A_164 = arith.constant 0 : i32
      %dma_start3A_165 = tpu.memref_slice %arg12[%dma_start3A_161, %dma_start3A_163, %dma_start3A_164] : memref<3x80x64xf32, #tpu.memory_space<vmem>> -> memref<1x80x64xf32, #tpu.memory_space<vmem>>
      %dma_start3A_166 = tpu.memref_squeeze %dma_start3A_165 : memref<1x80x64xf32, #tpu.memory_space<vmem>> -> memref<80x64xf32, #tpu.memory_space<vmem>>
      %dma_start3A_167 = tpu.memref_slice %arg9[%mul3A_160] : memref<20640xi32, #tpu.memory_space<vmem>> -> memref<80xi32, #tpu.memory_space<vmem>>
      %dma_start3A_168 = arith.constant 0 : i32
      %dma_start3A_169 = arith.constant 0 : i32
      %dma_start3A_170 = tpu.memref_slice %arg13[%dma_start3A_168, %dma_start3A_169] : memref<10240x64xf32, #tpu.memory_space<vmem_shared>> -> memref<10240x64xf32, #tpu.memory_space<vmem_shared>>
      %dma_start3A_171 = tpu.memref_slice %arg15[%dma_start3A_162] : memref<3x!tpu.dma_semaphore, #tpu.memory_space<semaphore_mem>> -> memref<1x!tpu.dma_semaphore, #tpu.memory_space<semaphore_mem>>
      %dma_start3A_172 = tpu.memref_squeeze %dma_start3A_171 : memref<1x!tpu.dma_semaphore, #tpu.memory_space<semaphore_mem>> -> memref<!tpu.dma_semaphore, #tpu.memory_space<semaphore_mem>>
      tpu.enqueue_indirect_dma source(%dma_start3A_166 : memref<80x64xf32, #tpu.memory_space<vmem>>) target(%dma_start3A_170 : memref<10240x64xf32, #tpu.memory_space<vmem_shared>>) offsets(%dma_start3A_167 : memref<80xi32, #tpu.memory_space<vmem>>) semaphore(%dma_start3A_172 : memref<!tpu.dma_semaphore, #tpu.memory_space<semaphore_mem>>) {add = true}
      %ge3A = arith.constant 1 : i32
      %ge3A_173 = arith.cmpi sge, %add3A_134, %ge3A : i32
      %add3A_174 = arith.constant 2 : i32
      %add3A_175 = arith.addi %add3A_134, %add3A_174 : i32
      %lt3A = arith.constant 258 : i32
      %lt3A_176 = arith.cmpi slt, %add3A_175, %lt3A : i32
      %and3A = arith.andi %ge3A_173, %lt3A_176 : i1
      %convert_element_type3A = arith.extui %and3A : i1 to i32
      %cond3A = arith.constant 0 : i32
      %cond3A_177 = arith.cmpi ne, %convert_element_type3A, %cond3A : i32
      scf.if %cond3A_177 {
        %sub3A = arith.constant 1 : i32
        %sub3A_299 = arith.subi %add3A_134, %sub3A : i32
        %mul3A_300 = arith.constant 80 : i32
        %mul3A_301 = arith.muli %sub3A_299, %mul3A_300 : i32
        %dma_wait3A_302 = arith.constant 2 : i32
        %dma_wait3A_303 = arith.constant 2 : i32
        %dma_wait3A_304 = arith.constant 0 : i32
        %dma_wait3A_305 = arith.constant 0 : i32
        %dma_wait3A_306 = tpu.memref_slice %arg12[%dma_wait3A_302, %dma_wait3A_304, %dma_wait3A_305] : memref<3x80x64xf32, #tpu.memory_space<vmem>> -> memref<1x80x64xf32, #tpu.memory_space<vmem>>
        %dma_wait3A_307 = tpu.memref_squeeze %dma_wait3A_306 : memref<1x80x64xf32, #tpu.memory_space<vmem>> -> memref<80x64xf32, #tpu.memory_space<vmem>>
        %dma_wait3A_308 = tpu.memref_slice %arg9[%mul3A_301] : memref<20640xi32, #tpu.memory_space<vmem>> -> memref<80xi32, #tpu.memory_space<vmem>>
        %dma_wait3A_309 = arith.constant 0 : i32
        %dma_wait3A_310 = arith.constant 0 : i32
        %dma_wait3A_311 = tpu.memref_slice %arg13[%dma_wait3A_309, %dma_wait3A_310] : memref<10240x64xf32, #tpu.memory_space<vmem_shared>> -> memref<10240x64xf32, #tpu.memory_space<vmem_shared>>
        %dma_wait3A_312 = tpu.memref_slice %arg15[%dma_wait3A_303] : memref<3x!tpu.dma_semaphore, #tpu.memory_space<semaphore_mem>> -> memref<1x!tpu.dma_semaphore, #tpu.memory_space<semaphore_mem>>
        %dma_wait3A_313 = tpu.memref_squeeze %dma_wait3A_312 : memref<1x!tpu.dma_semaphore, #tpu.memory_space<semaphore_mem>> -> memref<!tpu.dma_semaphore, #tpu.memory_space<semaphore_mem>>
        tpu.wait_indirect_dma semaphore(%dma_wait3A_313 : memref<!tpu.dma_semaphore, #tpu.memory_space<semaphore_mem>>) src(%dma_wait3A_307 : memref<80x64xf32, #tpu.memory_space<vmem>>) dst(%dma_wait3A_311 : memref<10240x64xf32, #tpu.memory_space<vmem_shared>>)
      } else {
      }
      %add3A_178 = arith.constant 2 : i32
      %add3A_179 = arith.addi %add3A_134, %add3A_178 : i32
      %lt3A_180 = arith.constant 258 : i32
      %lt3A_181 = arith.cmpi slt, %add3A_179, %lt3A_180 : i32
      %convert_element_type3A_182 = arith.extui %lt3A_181 : i1 to i32
      %cond3A_183 = arith.constant 0 : i32
      %cond3A_184 = arith.cmpi ne, %convert_element_type3A_182, %cond3A_183 : i32
      scf.if %cond3A_184 {
        %add3A_299 = arith.constant 2 : i32
        %add3A_300 = arith.addi %add3A_134, %add3A_299 : i32
        %mul3A_301 = arith.constant 80 : i32
        %mul3A_302 = arith.muli %add3A_300, %mul3A_301 : i32
        %dma_start3A_303 = arith.constant 2 : i32
        %dma_start3A_304 = arith.constant 2 : i32
        %dma_start3A_305 = arith.constant 0 : i32
        %dma_start3A_306 = arith.constant 0 : i32
        %dma_start3A_307 = tpu.memref_slice %arg12[%dma_start3A_303, %dma_start3A_305, %dma_start3A_306] : memref<3x80x64xf32, #tpu.memory_space<vmem>> -> memref<1x80x64xf32, #tpu.memory_space<vmem>>
        %dma_start3A_308 = tpu.memref_squeeze %dma_start3A_307 : memref<1x80x64xf32, #tpu.memory_space<vmem>> -> memref<80x64xf32, #tpu.memory_space<vmem>>
        %dma_start3A_309 = tpu.memref_slice %arg8[%mul3A_302] : memref<20640xi32, #tpu.memory_space<vmem>> -> memref<80xi32, #tpu.memory_space<vmem>>
        %dma_start3A_310 = arith.constant 0 : i32
        %dma_start3A_311 = arith.constant 0 : i32
        %dma_start3A_312 = tpu.memref_slice %arg6[%arg0, %dma_start3A_310, %dma_start3A_311] : memref<2x10240x64xf32, #tpu.memory_space<hbm>> -> memref<1x10240x64xf32, #tpu.memory_space<hbm>>
        %dma_start3A_313 = tpu.memref_squeeze %dma_start3A_312 : memref<1x10240x64xf32, #tpu.memory_space<hbm>> -> memref<10240x64xf32, #tpu.memory_space<hbm>>
        %dma_start3A_314 = arith.constant 0 : i32
        %dma_start3A_315 = arith.constant 0 : i32
        %dma_start3A_316 = tpu.memref_slice %dma_start3A_313[%dma_start3A_314, %dma_start3A_315] : memref<10240x64xf32, #tpu.memory_space<hbm>> -> memref<10240x64xf32, #tpu.memory_space<hbm>>
        %dma_start3A_317 = tpu.memref_slice %arg14[%dma_start3A_304] : memref<3x!tpu.dma_semaphore, #tpu.memory_space<semaphore_mem>> -> memref<1x!tpu.dma_semaphore, #tpu.memory_space<semaphore_mem>>
        %dma_start3A_318 = tpu.memref_squeeze %dma_start3A_317 : memref<1x!tpu.dma_semaphore, #tpu.memory_space<semaphore_mem>> -> memref<!tpu.dma_semaphore, #tpu.memory_space<semaphore_mem>>
        tpu.enqueue_indirect_dma source(%dma_start3A_316 : memref<10240x64xf32, #tpu.memory_space<hbm>>) target(%dma_start3A_308 : memref<80x64xf32, #tpu.memory_space<vmem>>) offsets(%dma_start3A_309 : memref<80xi32, #tpu.memory_space<vmem>>) semaphore(%dma_start3A_318 : memref<!tpu.dma_semaphore, #tpu.memory_space<semaphore_mem>>)
      } else {
      }
      %add3A_185 = arith.constant 1 : i32
      %add3A_186 = arith.addi %add3A_132, %add3A_185 : i32
      %mul3A_187 = arith.constant 80 : i32
      %mul3A_188 = arith.muli %add3A_186, %mul3A_187 : i32
      %dma_wait3A_189 = arith.constant 1 : i32
      %dma_wait3A_190 = arith.constant 1 : i32
      %dma_wait3A_191 = arith.constant 0 : i32
      %dma_wait3A_192 = arith.constant 0 : i32
      %dma_wait3A_193 = tpu.memref_slice %arg12[%dma_wait3A_189, %dma_wait3A_191, %dma_wait3A_192] : memref<3x80x64xf32, #tpu.memory_space<vmem>> -> memref<1x80x64xf32, #tpu.memory_space<vmem>>
      %dma_wait3A_194 = tpu.memref_squeeze %dma_wait3A_193 : memref<1x80x64xf32, #tpu.memory_space<vmem>> -> memref<80x64xf32, #tpu.memory_space<vmem>>
      %dma_wait3A_195 = tpu.memref_slice %arg8[%mul3A_188] : memref<20640xi32, #tpu.memory_space<vmem>> -> memref<80xi32, #tpu.memory_space<vmem>>
      %dma_wait3A_196 = arith.constant 0 : i32
      %dma_wait3A_197 = arith.constant 0 : i32
      %dma_wait3A_198 = tpu.memref_slice %arg6[%arg0, %dma_wait3A_196, %dma_wait3A_197] : memref<2x10240x64xf32, #tpu.memory_space<hbm>> -> memref<1x10240x64xf32, #tpu.memory_space<hbm>>
      %dma_wait3A_199 = tpu.memref_squeeze %dma_wait3A_198 : memref<1x10240x64xf32, #tpu.memory_space<hbm>> -> memref<10240x64xf32, #tpu.memory_space<hbm>>
      %dma_wait3A_200 = arith.constant 0 : i32
      %dma_wait3A_201 = arith.constant 0 : i32
      %dma_wait3A_202 = tpu.memref_slice %dma_wait3A_199[%dma_wait3A_200, %dma_wait3A_201] : memref<10240x64xf32, #tpu.memory_space<hbm>> -> memref<10240x64xf32, #tpu.memory_space<hbm>>
      %dma_wait3A_203 = tpu.memref_slice %arg14[%dma_wait3A_190] : memref<3x!tpu.dma_semaphore, #tpu.memory_space<semaphore_mem>> -> memref<1x!tpu.dma_semaphore, #tpu.memory_space<semaphore_mem>>
      %dma_wait3A_204 = tpu.memref_squeeze %dma_wait3A_203 : memref<1x!tpu.dma_semaphore, #tpu.memory_space<semaphore_mem>> -> memref<!tpu.dma_semaphore, #tpu.memory_space<semaphore_mem>>
      tpu.wait_indirect_dma semaphore(%dma_wait3A_204 : memref<!tpu.dma_semaphore, #tpu.memory_space<semaphore_mem>>) src(%dma_wait3A_202 : memref<10240x64xf32, #tpu.memory_space<hbm>>) dst(%dma_wait3A_194 : memref<80x64xf32, #tpu.memory_space<vmem>>)
      %mul3A_205 = arith.constant 80 : i32
      %mul3A_206 = arith.muli %add3A_186, %mul3A_205 : i32
      %broadcast_in_dim3A_207 = vector.broadcast %mul3A_206 : i32 to vector<16xi32>
      %parallel_loop3A_208 = arith.constant 0 : i32
      %parallel_loop3A_209 = arith.constant 80 : i32
      %parallel_loop3A_210 = arith.constant 1 : i32
      scf.for %parallel_loop3A_299 = %parallel_loop3A_208 to %parallel_loop3A_209 step %parallel_loop3A_210  : i32 {
        %parallel_loop3A_300 = vector.broadcast %parallel_loop3A_299 : i32 to vector<16xi32>
        %parallel_loop3A_301 = arith.addi %broadcast_in_dim3A_207, %parallel_loop3A_300 : vector<16xi32>
        %parallel_loop3A_302 = tpu.vector_load_idx %arg10[%parallel_loop3A_301] : memref<20640xf32, #tpu.memory_space<vmem>>[vector<16xi32>], vector<16xf32>,
        %parallel_loop3A_303 = arith.constant 1 : i32
        %parallel_loop3A_304 = arith.index_cast %parallel_loop3A_303 : i32 to index
        %parallel_loop3A_305 = arith.index_cast %parallel_loop3A_299 : i32 to index
        %parallel_loop3A_306 = arith.constant 0 : index
        %parallel_loop3A_307 = tpu.vector_load %arg12[%parallel_loop3A_304, %parallel_loop3A_305, %parallel_loop3A_306] {strides = array<i32>} : memref<3x80x64xf32, #tpu.memory_space<vmem>>, vector<16xf32>,
        %parallel_loop3A_308 = arith.mulf %parallel_loop3A_307, %parallel_loop3A_302 : vector<16xf32>
        %parallel_loop3A_309 = arith.constant 1 : i32
        %parallel_loop3A_310 = arith.index_cast %parallel_loop3A_309 : i32 to index
        %parallel_loop3A_311 = arith.index_cast %parallel_loop3A_299 : i32 to index
        %parallel_loop3A_312 = arith.constant 0 : index
        %parallel_loop3A_313 = tpu.vector_load %arg12[%parallel_loop3A_310, %parallel_loop3A_311, %parallel_loop3A_312] {strides = array<i32>} : memref<3x80x64xf32, #tpu.memory_space<vmem>>, vector<16xf32>,
        tpu.vector_store %arg12[%parallel_loop3A_310, %parallel_loop3A_311, %parallel_loop3A_312], %parallel_loop3A_308 {strides = array<i32>} : memref<3x80x64xf32, #tpu.memory_space<vmem>>, vector<16xf32>,
        %parallel_loop3A_314 = arith.constant 1 : i32
        %parallel_loop3A_315 = arith.index_cast %parallel_loop3A_314 : i32 to index
        %parallel_loop3A_316 = arith.index_cast %parallel_loop3A_299 : i32 to index
        %parallel_loop3A_317 = arith.constant 16 : index
        %parallel_loop3A_318 = tpu.vector_load %arg12[%parallel_loop3A_315, %parallel_loop3A_316, %parallel_loop3A_317] {strides = array<i32>} : memref<3x80x64xf32, #tpu.memory_space<vmem>>, vector<16xf32>,
        %parallel_loop3A_319 = arith.mulf %parallel_loop3A_318, %parallel_loop3A_302 : vector<16xf32>
        %parallel_loop3A_320 = arith.constant 1 : i32
        %parallel_loop3A_321 = arith.index_cast %parallel_loop3A_320 : i32 to index
        %parallel_loop3A_322 = arith.index_cast %parallel_loop3A_299 : i32 to index
        %parallel_loop3A_323 = arith.constant 16 : index
        %parallel_loop3A_324 = tpu.vector_load %arg12[%parallel_loop3A_321, %parallel_loop3A_322, %parallel_loop3A_323] {strides = array<i32>} : memref<3x80x64xf32, #tpu.memory_space<vmem>>, vector<16xf32>,
        tpu.vector_store %arg12[%parallel_loop3A_321, %parallel_loop3A_322, %parallel_loop3A_323], %parallel_loop3A_319 {strides = array<i32>} : memref<3x80x64xf32, #tpu.memory_space<vmem>>, vector<16xf32>,
        %parallel_loop3A_325 = arith.constant 1 : i32
        %parallel_loop3A_326 = arith.index_cast %parallel_loop3A_325 : i32 to index
        %parallel_loop3A_327 = arith.index_cast %parallel_loop3A_299 : i32 to index
        %parallel_loop3A_328 = arith.constant 32 : index
        %parallel_loop3A_329 = tpu.vector_load %arg12[%parallel_loop3A_326, %parallel_loop3A_327, %parallel_loop3A_328] {strides = array<i32>} : memref<3x80x64xf32, #tpu.memory_space<vmem>>, vector<16xf32>,
        %parallel_loop3A_330 = arith.mulf %parallel_loop3A_329, %parallel_loop3A_302 : vector<16xf32>
        %parallel_loop3A_331 = arith.constant 1 : i32
        %parallel_loop3A_332 = arith.index_cast %parallel_loop3A_331 : i32 to index
        %parallel_loop3A_333 = arith.index_cast %parallel_loop3A_299 : i32 to index
        %parallel_loop3A_334 = arith.constant 32 : index
        %parallel_loop3A_335 = tpu.vector_load %arg12[%parallel_loop3A_332, %parallel_loop3A_333, %parallel_loop3A_334] {strides = array<i32>} : memref<3x80x64xf32, #tpu.memory_space<vmem>>, vector<16xf32>,
        tpu.vector_store %arg12[%parallel_loop3A_332, %parallel_loop3A_333, %parallel_loop3A_334], %parallel_loop3A_330 {strides = array<i32>} : memref<3x80x64xf32, #tpu.memory_space<vmem>>, vector<16xf32>,
        %parallel_loop3A_336 = arith.constant 1 : i32
        %parallel_loop3A_337 = arith.index_cast %parallel_loop3A_336 : i32 to index
        %parallel_loop3A_338 = arith.index_cast %parallel_loop3A_299 : i32 to index
        %parallel_loop3A_339 = arith.constant 48 : index
        %parallel_loop3A_340 = tpu.vector_load %arg12[%parallel_loop3A_337, %parallel_loop3A_338, %parallel_loop3A_339] {strides = array<i32>} : memref<3x80x64xf32, #tpu.memory_space<vmem>>, vector<16xf32>,
        %parallel_loop3A_341 = arith.mulf %parallel_loop3A_340, %parallel_loop3A_302 : vector<16xf32>
        %parallel_loop3A_342 = arith.constant 1 : i32
        %parallel_loop3A_343 = arith.index_cast %parallel_loop3A_342 : i32 to index
        %parallel_loop3A_344 = arith.index_cast %parallel_loop3A_299 : i32 to index
        %parallel_loop3A_345 = arith.constant 48 : index
        %parallel_loop3A_346 = tpu.vector_load %arg12[%parallel_loop3A_343, %parallel_loop3A_344, %parallel_loop3A_345] {strides = array<i32>} : memref<3x80x64xf32, #tpu.memory_space<vmem>>, vector<16xf32>,
        tpu.vector_store %arg12[%parallel_loop3A_343, %parallel_loop3A_344, %parallel_loop3A_345], %parallel_loop3A_341 {strides = array<i32>} : memref<3x80x64xf32, #tpu.memory_space<vmem>>, vector<16xf32>,
      } {sc.loop_unroll_factor = 4 : i64, sc.parallel_access}
      %mul3A_211 = arith.constant 80 : i32
      %mul3A_212 = arith.muli %add3A_186, %mul3A_211 : i32
      %dma_start3A_213 = arith.constant 1 : i32
      %dma_start3A_214 = arith.constant 1 : i32
      %dma_start3A_215 = arith.constant 0 : i32
      %dma_start3A_216 = arith.constant 0 : i32
      %dma_start3A_217 = tpu.memref_slice %arg12[%dma_start3A_213, %dma_start3A_215, %dma_start3A_216] : memref<3x80x64xf32, #tpu.memory_space<vmem>> -> memref<1x80x64xf32, #tpu.memory_space<vmem>>
      %dma_start3A_218 = tpu.memref_squeeze %dma_start3A_217 : memref<1x80x64xf32, #tpu.memory_space<vmem>> -> memref<80x64xf32, #tpu.memory_space<vmem>>
      %dma_start3A_219 = tpu.memref_slice %arg9[%mul3A_212] : memref<20640xi32, #tpu.memory_space<vmem>> -> memref<80xi32, #tpu.memory_space<vmem>>
      %dma_start3A_220 = arith.constant 0 : i32
      %dma_start3A_221 = arith.constant 0 : i32
      %dma_start3A_222 = tpu.memref_slice %arg13[%dma_start3A_220, %dma_start3A_221] : memref<10240x64xf32, #tpu.memory_space<vmem_shared>> -> memref<10240x64xf32, #tpu.memory_space<vmem_shared>>
      %dma_start3A_223 = tpu.memref_slice %arg15[%dma_start3A_214] : memref<3x!tpu.dma_semaphore, #tpu.memory_space<semaphore_mem>> -> memref<1x!tpu.dma_semaphore, #tpu.memory_space<semaphore_mem>>
      %dma_start3A_224 = tpu.memref_squeeze %dma_start3A_223 : memref<1x!tpu.dma_semaphore, #tpu.memory_space<semaphore_mem>> -> memref<!tpu.dma_semaphore, #tpu.memory_space<semaphore_mem>>
      tpu.enqueue_indirect_dma source(%dma_start3A_218 : memref<80x64xf32, #tpu.memory_space<vmem>>) target(%dma_start3A_222 : memref<10240x64xf32, #tpu.memory_space<vmem_shared>>) offsets(%dma_start3A_219 : memref<80xi32, #tpu.memory_space<vmem>>) semaphore(%dma_start3A_224 : memref<!tpu.dma_semaphore, #tpu.memory_space<semaphore_mem>>) {add = true}
      %ge3A_225 = arith.constant 1 : i32
      %ge3A_226 = arith.cmpi sge, %add3A_186, %ge3A_225 : i32
      %add3A_227 = arith.constant 2 : i32
      %add3A_228 = arith.addi %add3A_186, %add3A_227 : i32
      %lt3A_229 = arith.constant 258 : i32
      %lt3A_230 = arith.cmpi slt, %add3A_228, %lt3A_229 : i32
      %and3A_231 = arith.andi %ge3A_226, %lt3A_230 : i1
      %convert_element_type3A_232 = arith.extui %and3A_231 : i1 to i32
      %cond3A_233 = arith.constant 0 : i32
      %cond3A_234 = arith.cmpi ne, %convert_element_type3A_232, %cond3A_233 : i32
      scf.if %cond3A_234 {
        %sub3A = arith.constant 1 : i32
        %sub3A_299 = arith.subi %add3A_186, %sub3A : i32
        %mul3A_300 = arith.constant 80 : i32
        %mul3A_301 = arith.muli %sub3A_299, %mul3A_300 : i32
        %dma_wait3A_302 = arith.constant 0 : i32
        %dma_wait3A_303 = arith.constant 0 : i32
        %dma_wait3A_304 = arith.constant 0 : i32
        %dma_wait3A_305 = arith.constant 0 : i32
        %dma_wait3A_306 = tpu.memref_slice %arg12[%dma_wait3A_302, %dma_wait3A_304, %dma_wait3A_305] : memref<3x80x64xf32, #tpu.memory_space<vmem>> -> memref<1x80x64xf32, #tpu.memory_space<vmem>>
        %dma_wait3A_307 = tpu.memref_squeeze %dma_wait3A_306 : memref<1x80x64xf32, #tpu.memory_space<vmem>> -> memref<80x64xf32, #tpu.memory_space<vmem>>
        %dma_wait3A_308 = tpu.memref_slice %arg9[%mul3A_301] : memref<20640xi32, #tpu.memory_space<vmem>> -> memref<80xi32, #tpu.memory_space<vmem>>
        %dma_wait3A_309 = arith.constant 0 : i32
        %dma_wait3A_310 = arith.constant 0 : i32
        %dma_wait3A_311 = tpu.memref_slice %arg13[%dma_wait3A_309, %dma_wait3A_310] : memref<10240x64xf32, #tpu.memory_space<vmem_shared>> -> memref<10240x64xf32, #tpu.memory_space<vmem_shared>>
        %dma_wait3A_312 = tpu.memref_slice %arg15[%dma_wait3A_303] : memref<3x!tpu.dma_semaphore, #tpu.memory_space<semaphore_mem>> -> memref<1x!tpu.dma_semaphore, #tpu.memory_space<semaphore_mem>>
        %dma_wait3A_313 = tpu.memref_squeeze %dma_wait3A_312 : memref<1x!tpu.dma_semaphore, #tpu.memory_space<semaphore_mem>> -> memref<!tpu.dma_semaphore, #tpu.memory_space<semaphore_mem>>
        tpu.wait_indirect_dma semaphore(%dma_wait3A_313 : memref<!tpu.dma_semaphore, #tpu.memory_space<semaphore_mem>>) src(%dma_wait3A_307 : memref<80x64xf32, #tpu.memory_space<vmem>>) dst(%dma_wait3A_311 : memref<10240x64xf32, #tpu.memory_space<vmem_shared>>)
      } else {
      }
      %add3A_235 = arith.constant 2 : i32
      %add3A_236 = arith.addi %add3A_186, %add3A_235 : i32
      %lt3A_237 = arith.constant 258 : i32
      %lt3A_238 = arith.cmpi slt, %add3A_236, %lt3A_237 : i32
      %convert_element_type3A_239 = arith.extui %lt3A_238 : i1 to i32
      %cond3A_240 = arith.constant 0 : i32
      %cond3A_241 = arith.cmpi ne, %convert_element_type3A_239, %cond3A_240 : i32
      scf.if %cond3A_241 {
        %add3A_299 = arith.constant 2 : i32
        %add3A_300 = arith.addi %add3A_186, %add3A_299 : i32
        %mul3A_301 = arith.constant 80 : i32
        %mul3A_302 = arith.muli %add3A_300, %mul3A_301 : i32
        %dma_start3A_303 = arith.constant 0 : i32
        %dma_start3A_304 = arith.constant 0 : i32
        %dma_start3A_305 = arith.constant 0 : i32
        %dma_start3A_306 = arith.constant 0 : i32
        %dma_start3A_307 = tpu.memref_slice %arg12[%dma_start3A_303, %dma_start3A_305, %dma_start3A_306] : memref<3x80x64xf32, #tpu.memory_space<vmem>> -> memref<1x80x64xf32, #tpu.memory_space<vmem>>
        %dma_start3A_308 = tpu.memref_squeeze %dma_start3A_307 : memref<1x80x64xf32, #tpu.memory_space<vmem>> -> memref<80x64xf32, #tpu.memory_space<vmem>>
        %dma_start3A_309 = tpu.memref_slice %arg8[%mul3A_302] : memref<20640xi32, #tpu.memory_space<vmem>> -> memref<80xi32, #tpu.memory_space<vmem>>
        %dma_start3A_310 = arith.constant 0 : i32
        %dma_start3A_311 = arith.constant 0 : i32
        %dma_start3A_312 = tpu.memref_slice %arg6[%arg0, %dma_start3A_310, %dma_start3A_311] : memref<2x10240x64xf32, #tpu.memory_space<hbm>> -> memref<1x10240x64xf32, #tpu.memory_space<hbm>>
        %dma_start3A_313 = tpu.memref_squeeze %dma_start3A_312 : memref<1x10240x64xf32, #tpu.memory_space<hbm>> -> memref<10240x64xf32, #tpu.memory_space<hbm>>
        %dma_start3A_314 = arith.constant 0 : i32
        %dma_start3A_315 = arith.constant 0 : i32
        %dma_start3A_316 = tpu.memref_slice %dma_start3A_313[%dma_start3A_314, %dma_start3A_315] : memref<10240x64xf32, #tpu.memory_space<hbm>> -> memref<10240x64xf32, #tpu.memory_space<hbm>>
        %dma_start3A_317 = tpu.memref_slice %arg14[%dma_start3A_304] : memref<3x!tpu.dma_semaphore, #tpu.memory_space<semaphore_mem>> -> memref<1x!tpu.dma_semaphore, #tpu.memory_space<semaphore_mem>>
        %dma_start3A_318 = tpu.memref_squeeze %dma_start3A_317 : memref<1x!tpu.dma_semaphore, #tpu.memory_space<semaphore_mem>> -> memref<!tpu.dma_semaphore, #tpu.memory_space<semaphore_mem>>
        tpu.enqueue_indirect_dma source(%dma_start3A_316 : memref<10240x64xf32, #tpu.memory_space<hbm>>) target(%dma_start3A_308 : memref<80x64xf32, #tpu.memory_space<vmem>>) offsets(%dma_start3A_309 : memref<80xi32, #tpu.memory_space<vmem>>) semaphore(%dma_start3A_318 : memref<!tpu.dma_semaphore, #tpu.memory_space<semaphore_mem>>)
      } else {
      }
      %add3A_242 = arith.constant 2 : i32
      %add3A_243 = arith.addi %add3A_132, %add3A_242 : i32
      %mul3A_244 = arith.constant 80 : i32
      %mul3A_245 = arith.muli %add3A_243, %mul3A_244 : i32
      %dma_wait3A_246 = arith.constant 2 : i32
      %dma_wait3A_247 = arith.constant 2 : i32
      %dma_wait3A_248 = arith.constant 0 : i32
      %dma_wait3A_249 = arith.constant 0 : i32
      %dma_wait3A_250 = tpu.memref_slice %arg12[%dma_wait3A_246, %dma_wait3A_248, %dma_wait3A_249] : memref<3x80x64xf32, #tpu.memory_space<vmem>> -> memref<1x80x64xf32, #tpu.memory_space<vmem>>
      %dma_wait3A_251 = tpu.memref_squeeze %dma_wait3A_250 : memref<1x80x64xf32, #tpu.memory_space<vmem>> -> memref<80x64xf32, #tpu.memory_space<vmem>>
      %dma_wait3A_252 = tpu.memref_slice %arg8[%mul3A_245] : memref<20640xi32, #tpu.memory_space<vmem>> -> memref<80xi32, #tpu.memory_space<vmem>>
      %dma_wait3A_253 = arith.constant 0 : i32
      %dma_wait3A_254 = arith.constant 0 : i32
      %dma_wait3A_255 = tpu.memref_slice %arg6[%arg0, %dma_wait3A_253, %dma_wait3A_254] : memref<2x10240x64xf32, #tpu.memory_space<hbm>> -> memref<1x10240x64xf32, #tpu.memory_space<hbm>>
      %dma_wait3A_256 = tpu.memref_squeeze %dma_wait3A_255 : memref<1x10240x64xf32, #tpu.memory_space<hbm>> -> memref<10240x64xf32, #tpu.memory_space<hbm>>
      %dma_wait3A_257 = arith.constant 0 : i32
      %dma_wait3A_258 = arith.constant 0 : i32
      %dma_wait3A_259 = tpu.memref_slice %dma_wait3A_256[%dma_wait3A_257, %dma_wait3A_258] : memref<10240x64xf32, #tpu.memory_space<hbm>> -> memref<10240x64xf32, #tpu.memory_space<hbm>>
      %dma_wait3A_260 = tpu.memref_slice %arg14[%dma_wait3A_247] : memref<3x!tpu.dma_semaphore, #tpu.memory_space<semaphore_mem>> -> memref<1x!tpu.dma_semaphore, #tpu.memory_space<semaphore_mem>>
      %dma_wait3A_261 = tpu.memref_squeeze %dma_wait3A_260 : memref<1x!tpu.dma_semaphore, #tpu.memory_space<semaphore_mem>> -> memref<!tpu.dma_semaphore, #tpu.memory_space<semaphore_mem>>
      tpu.wait_indirect_dma semaphore(%dma_wait3A_261 : memref<!tpu.dma_semaphore, #tpu.memory_space<semaphore_mem>>) src(%dma_wait3A_259 : memref<10240x64xf32, #tpu.memory_space<hbm>>) dst(%dma_wait3A_251 : memref<80x64xf32, #tpu.memory_space<vmem>>)
      %mul3A_262 = arith.constant 80 : i32
      %mul3A_263 = arith.muli %add3A_243, %mul3A_262 : i32
      %broadcast_in_dim3A_264 = vector.broadcast %mul3A_263 : i32 to vector<16xi32>
      %parallel_loop3A_265 = arith.constant 0 : i32
      %parallel_loop3A_266 = arith.constant 80 : i32
      %parallel_loop3A_267 = arith.constant 1 : i32
      scf.for %parallel_loop3A_299 = %parallel_loop3A_265 to %parallel_loop3A_266 step %parallel_loop3A_267  : i32 {
        %parallel_loop3A_300 = vector.broadcast %parallel_loop3A_299 : i32 to vector<16xi32>
        %parallel_loop3A_301 = arith.addi %broadcast_in_dim3A_264, %parallel_loop3A_300 : vector<16xi32>
        %parallel_loop3A_302 = tpu.vector_load_idx %arg10[%parallel_loop3A_301] : memref<20640xf32, #tpu.memory_space<vmem>>[vector<16xi32>], vector<16xf32>,
        %parallel_loop3A_303 = arith.constant 2 : i32
        %parallel_loop3A_304 = arith.index_cast %parallel_loop3A_303 : i32 to index
        %parallel_loop3A_305 = arith.index_cast %parallel_loop3A_299 : i32 to index
        %parallel_loop3A_306 = arith.constant 0 : index
        %parallel_loop3A_307 = tpu.vector_load %arg12[%parallel_loop3A_304, %parallel_loop3A_305, %parallel_loop3A_306] {strides = array<i32>} : memref<3x80x64xf32, #tpu.memory_space<vmem>>, vector<16xf32>,
        %parallel_loop3A_308 = arith.mulf %parallel_loop3A_307, %parallel_loop3A_302 : vector<16xf32>
        %parallel_loop3A_309 = arith.constant 2 : i32
        %parallel_loop3A_310 = arith.index_cast %parallel_loop3A_309 : i32 to index
        %parallel_loop3A_311 = arith.index_cast %parallel_loop3A_299 : i32 to index
        %parallel_loop3A_312 = arith.constant 0 : index
        %parallel_loop3A_313 = tpu.vector_load %arg12[%parallel_loop3A_310, %parallel_loop3A_311, %parallel_loop3A_312] {strides = array<i32>} : memref<3x80x64xf32, #tpu.memory_space<vmem>>, vector<16xf32>,
        tpu.vector_store %arg12[%parallel_loop3A_310, %parallel_loop3A_311, %parallel_loop3A_312], %parallel_loop3A_308 {strides = array<i32>} : memref<3x80x64xf32, #tpu.memory_space<vmem>>, vector<16xf32>,
        %parallel_loop3A_314 = arith.constant 2 : i32
        %parallel_loop3A_315 = arith.index_cast %parallel_loop3A_314 : i32 to index
        %parallel_loop3A_316 = arith.index_cast %parallel_loop3A_299 : i32 to index
        %parallel_loop3A_317 = arith.constant 16 : index
        %parallel_loop3A_318 = tpu.vector_load %arg12[%parallel_loop3A_315, %parallel_loop3A_316, %parallel_loop3A_317] {strides = array<i32>} : memref<3x80x64xf32, #tpu.memory_space<vmem>>, vector<16xf32>,
        %parallel_loop3A_319 = arith.mulf %parallel_loop3A_318, %parallel_loop3A_302 : vector<16xf32>
        %parallel_loop3A_320 = arith.constant 2 : i32
        %parallel_loop3A_321 = arith.index_cast %parallel_loop3A_320 : i32 to index
        %parallel_loop3A_322 = arith.index_cast %parallel_loop3A_299 : i32 to index
        %parallel_loop3A_323 = arith.constant 16 : index
        %parallel_loop3A_324 = tpu.vector_load %arg12[%parallel_loop3A_321, %parallel_loop3A_322, %parallel_loop3A_323] {strides = array<i32>} : memref<3x80x64xf32, #tpu.memory_space<vmem>>, vector<16xf32>,
        tpu.vector_store %arg12[%parallel_loop3A_321, %parallel_loop3A_322, %parallel_loop3A_323], %parallel_loop3A_319 {strides = array<i32>} : memref<3x80x64xf32, #tpu.memory_space<vmem>>, vector<16xf32>,
        %parallel_loop3A_325 = arith.constant 2 : i32
        %parallel_loop3A_326 = arith.index_cast %parallel_loop3A_325 : i32 to index
        %parallel_loop3A_327 = arith.index_cast %parallel_loop3A_299 : i32 to index
        %parallel_loop3A_328 = arith.constant 32 : index
        %parallel_loop3A_329 = tpu.vector_load %arg12[%parallel_loop3A_326, %parallel_loop3A_327, %parallel_loop3A_328] {strides = array<i32>} : memref<3x80x64xf32, #tpu.memory_space<vmem>>, vector<16xf32>,
        %parallel_loop3A_330 = arith.mulf %parallel_loop3A_329, %parallel_loop3A_302 : vector<16xf32>
        %parallel_loop3A_331 = arith.constant 2 : i32
        %parallel_loop3A_332 = arith.index_cast %parallel_loop3A_331 : i32 to index
        %parallel_loop3A_333 = arith.index_cast %parallel_loop3A_299 : i32 to index
        %parallel_loop3A_334 = arith.constant 32 : index
        %parallel_loop3A_335 = tpu.vector_load %arg12[%parallel_loop3A_332, %parallel_loop3A_333, %parallel_loop3A_334] {strides = array<i32>} : memref<3x80x64xf32, #tpu.memory_space<vmem>>, vector<16xf32>,
        tpu.vector_store %arg12[%parallel_loop3A_332, %parallel_loop3A_333, %parallel_loop3A_334], %parallel_loop3A_330 {strides = array<i32>} : memref<3x80x64xf32, #tpu.memory_space<vmem>>, vector<16xf32>,
        %parallel_loop3A_336 = arith.constant 2 : i32
        %parallel_loop3A_337 = arith.index_cast %parallel_loop3A_336 : i32 to index
        %parallel_loop3A_338 = arith.index_cast %parallel_loop3A_299 : i32 to index
        %parallel_loop3A_339 = arith.constant 48 : index
        %parallel_loop3A_340 = tpu.vector_load %arg12[%parallel_loop3A_337, %parallel_loop3A_338, %parallel_loop3A_339] {strides = array<i32>} : memref<3x80x64xf32, #tpu.memory_space<vmem>>, vector<16xf32>,
        %parallel_loop3A_341 = arith.mulf %parallel_loop3A_340, %parallel_loop3A_302 : vector<16xf32>
        %parallel_loop3A_342 = arith.constant 2 : i32
        %parallel_loop3A_343 = arith.index_cast %parallel_loop3A_342 : i32 to index
        %parallel_loop3A_344 = arith.index_cast %parallel_loop3A_299 : i32 to index
        %parallel_loop3A_345 = arith.constant 48 : index
        %parallel_loop3A_346 = tpu.vector_load %arg12[%parallel_loop3A_343, %parallel_loop3A_344, %parallel_loop3A_345] {strides = array<i32>} : memref<3x80x64xf32, #tpu.memory_space<vmem>>, vector<16xf32>,
        tpu.vector_store %arg12[%parallel_loop3A_343, %parallel_loop3A_344, %parallel_loop3A_345], %parallel_loop3A_341 {strides = array<i32>} : memref<3x80x64xf32, #tpu.memory_space<vmem>>, vector<16xf32>,
      } {sc.loop_unroll_factor = 4 : i64, sc.parallel_access}
      %mul3A_268 = arith.constant 80 : i32
      %mul3A_269 = arith.muli %add3A_243, %mul3A_268 : i32
      %dma_start3A_270 = arith.constant 2 : i32
      %dma_start3A_271 = arith.constant 2 : i32
      %dma_start3A_272 = arith.constant 0 : i32
      %dma_start3A_273 = arith.constant 0 : i32
      %dma_start3A_274 = tpu.memref_slice %arg12[%dma_start3A_270, %dma_start3A_272, %dma_start3A_273] : memref<3x80x64xf32, #tpu.memory_space<vmem>> -> memref<1x80x64xf32, #tpu.memory_space<vmem>>
      %dma_start3A_275 = tpu.memref_squeeze %dma_start3A_274 : memref<1x80x64xf32, #tpu.memory_space<vmem>> -> memref<80x64xf32, #tpu.memory_space<vmem>>
      %dma_start3A_276 = tpu.memref_slice %arg9[%mul3A_269] : memref<20640xi32, #tpu.memory_space<vmem>> -> memref<80xi32, #tpu.memory_space<vmem>>
      %dma_start3A_277 = arith.constant 0 : i32
      %dma_start3A_278 = arith.constant 0 : i32
      %dma_start3A_279 = tpu.memref_slice %arg13[%dma_start3A_277, %dma_start3A_278] : memref<10240x64xf32, #tpu.memory_space<vmem_shared>> -> memref<10240x64xf32, #tpu.memory_space<vmem_shared>>
      %dma_start3A_280 = tpu.memref_slice %arg15[%dma_start3A_271] : memref<3x!tpu.dma_semaphore, #tpu.memory_space<semaphore_mem>> -> memref<1x!tpu.dma_semaphore, #tpu.memory_space<semaphore_mem>>
      %dma_start3A_281 = tpu.memref_squeeze %dma_start3A_280 : memref<1x!tpu.dma_semaphore, #tpu.memory_space<semaphore_mem>> -> memref<!tpu.dma_semaphore, #tpu.memory_space<semaphore_mem>>
      tpu.enqueue_indirect_dma source(%dma_start3A_275 : memref<80x64xf32, #tpu.memory_space<vmem>>) target(%dma_start3A_279 : memref<10240x64xf32, #tpu.memory_space<vmem_shared>>) offsets(%dma_start3A_276 : memref<80xi32, #tpu.memory_space<vmem>>) semaphore(%dma_start3A_281 : memref<!tpu.dma_semaphore, #tpu.memory_space<semaphore_mem>>) {add = true}
      %ge3A_282 = arith.constant 1 : i32
      %ge3A_283 = arith.cmpi sge, %add3A_243, %ge3A_282 : i32
      %add3A_284 = arith.constant 2 : i32
      %add3A_285 = arith.addi %add3A_243, %add3A_284 : i32
      %lt3A_286 = arith.constant 258 : i32
      %lt3A_287 = arith.cmpi slt, %add3A_285, %lt3A_286 : i32
      %and3A_288 = arith.andi %ge3A_283, %lt3A_287 : i1
      %convert_element_type3A_289 = arith.extui %and3A_288 : i1 to i32
      %cond3A_290 = arith.constant 0 : i32
      %cond3A_291 = arith.cmpi ne, %convert_element_type3A_289, %cond3A_290 : i32
      scf.if %cond3A_291 {
        %sub3A = arith.constant 1 : i32
        %sub3A_299 = arith.subi %add3A_243, %sub3A : i32
        %mul3A_300 = arith.constant 80 : i32
        %mul3A_301 = arith.muli %sub3A_299, %mul3A_300 : i32
        %dma_wait3A_302 = arith.constant 1 : i32
        %dma_wait3A_303 = arith.constant 1 : i32
        %dma_wait3A_304 = arith.constant 0 : i32
        %dma_wait3A_305 = arith.constant 0 : i32
        %dma_wait3A_306 = tpu.memref_slice %arg12[%dma_wait3A_302, %dma_wait3A_304, %dma_wait3A_305] : memref<3x80x64xf32, #tpu.memory_space<vmem>> -> memref<1x80x64xf32, #tpu.memory_space<vmem>>
        %dma_wait3A_307 = tpu.memref_squeeze %dma_wait3A_306 : memref<1x80x64xf32, #tpu.memory_space<vmem>> -> memref<80x64xf32, #tpu.memory_space<vmem>>
        %dma_wait3A_308 = tpu.memref_slice %arg9[%mul3A_301] : memref<20640xi32, #tpu.memory_space<vmem>> -> memref<80xi32, #tpu.memory_space<vmem>>
        %dma_wait3A_309 = arith.constant 0 : i32
        %dma_wait3A_310 = arith.constant 0 : i32
        %dma_wait3A_311 = tpu.memref_slice %arg13[%dma_wait3A_309, %dma_wait3A_310] : memref<10240x64xf32, #tpu.memory_space<vmem_shared>> -> memref<10240x64xf32, #tpu.memory_space<vmem_shared>>
        %dma_wait3A_312 = tpu.memref_slice %arg15[%dma_wait3A_303] : memref<3x!tpu.dma_semaphore, #tpu.memory_space<semaphore_mem>> -> memref<1x!tpu.dma_semaphore, #tpu.memory_space<semaphore_mem>>
        %dma_wait3A_313 = tpu.memref_squeeze %dma_wait3A_312 : memref<1x!tpu.dma_semaphore, #tpu.memory_space<semaphore_mem>> -> memref<!tpu.dma_semaphore, #tpu.memory_space<semaphore_mem>>
        tpu.wait_indirect_dma semaphore(%dma_wait3A_313 : memref<!tpu.dma_semaphore, #tpu.memory_space<semaphore_mem>>) src(%dma_wait3A_307 : memref<80x64xf32, #tpu.memory_space<vmem>>) dst(%dma_wait3A_311 : memref<10240x64xf32, #tpu.memory_space<vmem_shared>>)
      } else {
      }
      %add3A_292 = arith.constant 2 : i32
      %add3A_293 = arith.addi %add3A_243, %add3A_292 : i32
      %lt3A_294 = arith.constant 258 : i32
      %lt3A_295 = arith.cmpi slt, %add3A_293, %lt3A_294 : i32
      %convert_element_type3A_296 = arith.extui %lt3A_295 : i1 to i32
      %cond3A_297 = arith.constant 0 : i32
      %cond3A_298 = arith.cmpi ne, %convert_element_type3A_296, %cond3A_297 : i32
      scf.if %cond3A_298 {
        %add3A_299 = arith.constant 2 : i32
        %add3A_300 = arith.addi %add3A_243, %add3A_299 : i32
        %mul3A_301 = arith.constant 80 : i32
        %mul3A_302 = arith.muli %add3A_300, %mul3A_301 : i32
        %dma_start3A_303 = arith.constant 1 : i32
        %dma_start3A_304 = arith.constant 1 : i32
        %dma_start3A_305 = arith.constant 0 : i32
        %dma_start3A_306 = arith.constant 0 : i32
        %dma_start3A_307 = tpu.memref_slice %arg12[%dma_start3A_303, %dma_start3A_305, %dma_start3A_306] : memref<3x80x64xf32, #tpu.memory_space<vmem>> -> memref<1x80x64xf32, #tpu.memory_space<vmem>>
        %dma_start3A_308 = tpu.memref_squeeze %dma_start3A_307 : memref<1x80x64xf32, #tpu.memory_space<vmem>> -> memref<80x64xf32, #tpu.memory_space<vmem>>
        %dma_start3A_309 = tpu.memref_slice %arg8[%mul3A_302] : memref<20640xi32, #tpu.memory_space<vmem>> -> memref<80xi32, #tpu.memory_space<vmem>>
        %dma_start3A_310 = arith.constant 0 : i32
        %dma_start3A_311 = arith.constant 0 : i32
        %dma_start3A_312 = tpu.memref_slice %arg6[%arg0, %dma_start3A_310, %dma_start3A_311] : memref<2x10240x64xf32, #tpu.memory_space<hbm>> -> memref<1x10240x64xf32, #tpu.memory_space<hbm>>
        %dma_start3A_313 = tpu.memref_squeeze %dma_start3A_312 : memref<1x10240x64xf32, #tpu.memory_space<hbm>> -> memref<10240x64xf32, #tpu.memory_space<hbm>>
        %dma_start3A_314 = arith.constant 0 : i32
        %dma_start3A_315 = arith.constant 0 : i32
        %dma_start3A_316 = tpu.memref_slice %dma_start3A_313[%dma_start3A_314, %dma_start3A_315] : memref<10240x64xf32, #tpu.memory_space<hbm>> -> memref<10240x64xf32, #tpu.memory_space<hbm>>
        %dma_start3A_317 = tpu.memref_slice %arg14[%dma_start3A_304] : memref<3x!tpu.dma_semaphore, #tpu.memory_space<semaphore_mem>> -> memref<1x!tpu.dma_semaphore, #tpu.memory_space<semaphore_mem>>
        %dma_start3A_318 = tpu.memref_squeeze %dma_start3A_317 : memref<1x!tpu.dma_semaphore, #tpu.memory_space<semaphore_mem>> -> memref<!tpu.dma_semaphore, #tpu.memory_space<semaphore_mem>>
        tpu.enqueue_indirect_dma source(%dma_start3A_316 : memref<10240x64xf32, #tpu.memory_space<hbm>>) target(%dma_start3A_308 : memref<80x64xf32, #tpu.memory_space<vmem>>) offsets(%dma_start3A_309 : memref<80xi32, #tpu.memory_space<vmem>>) semaphore(%dma_start3A_318 : memref<!tpu.dma_semaphore, #tpu.memory_space<semaphore_mem>>)
      } else {
      }
    }
    %scan3A_84 = arith.constant 86 : i32
    %dma_wait3A = arith.constant 0 : i32
    %dma_wait3A_85 = arith.constant 0 : i32
    %dma_wait3A_86 = arith.constant 0 : i32
    %dma_wait3A_87 = arith.constant 0 : i32
    %dma_wait3A_88 = tpu.memref_slice %arg12[%dma_wait3A, %dma_wait3A_86, %dma_wait3A_87] : memref<3x80x64xf32, #tpu.memory_space<vmem>> -> memref<1x80x64xf32, #tpu.memory_space<vmem>>
    %dma_wait3A_89 = tpu.memref_squeeze %dma_wait3A_88 : memref<1x80x64xf32, #tpu.memory_space<vmem>> -> memref<80x64xf32, #tpu.memory_space<vmem>>
    %dma_wait3A_90 = arith.constant 20400 : i32
    %dma_wait3A_91 = tpu.memref_slice %arg9[%dma_wait3A_90] : memref<20640xi32, #tpu.memory_space<vmem>> -> memref<80xi32, #tpu.memory_space<vmem>>
    %dma_wait3A_92 = arith.constant 0 : i32
    %dma_wait3A_93 = arith.constant 0 : i32
    %dma_wait3A_94 = tpu.memref_slice %arg13[%dma_wait3A_92, %dma_wait3A_93] : memref<10240x64xf32, #tpu.memory_space<vmem_shared>> -> memref<10240x64xf32, #tpu.memory_space<vmem_shared>>
    %dma_wait3A_95 = tpu.memref_slice %arg15[%dma_wait3A_85] : memref<3x!tpu.dma_semaphore, #tpu.memory_space<semaphore_mem>> -> memref<1x!tpu.dma_semaphore, #tpu.memory_space<semaphore_mem>>
    %dma_wait3A_96 = tpu.memref_squeeze %dma_wait3A_95 : memref<1x!tpu.dma_semaphore, #tpu.memory_space<semaphore_mem>> -> memref<!tpu.dma_semaphore, #tpu.memory_space<semaphore_mem>>
    tpu.wait_indirect_dma semaphore(%dma_wait3A_96 : memref<!tpu.dma_semaphore, #tpu.memory_space<semaphore_mem>>) src(%dma_wait3A_89 : memref<80x64xf32, #tpu.memory_space<vmem>>) dst(%dma_wait3A_94 : memref<10240x64xf32, #tpu.memory_space<vmem_shared>>)
    %dma_wait3A_97 = arith.constant 1 : i32
    %dma_wait3A_98 = arith.constant 1 : i32
    %dma_wait3A_99 = arith.constant 0 : i32
    %dma_wait3A_100 = arith.constant 0 : i32
    %dma_wait3A_101 = tpu.memref_slice %arg12[%dma_wait3A_97, %dma_wait3A_99, %dma_wait3A_100] : memref<3x80x64xf32, #tpu.memory_space<vmem>> -> memref<1x80x64xf32, #tpu.memory_space<vmem>>
    %dma_wait3A_102 = tpu.memref_squeeze %dma_wait3A_101 : memref<1x80x64xf32, #tpu.memory_space<vmem>> -> memref<80x64xf32, #tpu.memory_space<vmem>>
    %dma_wait3A_103 = arith.constant 20480 : i32
    %dma_wait3A_104 = tpu.memref_slice %arg9[%dma_wait3A_103] : memref<20640xi32, #tpu.memory_space<vmem>> -> memref<80xi32, #tpu.memory_space<vmem>>
    %dma_wait3A_105 = arith.constant 0 : i32
    %dma_wait3A_106 = arith.constant 0 : i32
    %dma_wait3A_107 = tpu.memref_slice %arg13[%dma_wait3A_105, %dma_wait3A_106] : memref<10240x64xf32, #tpu.memory_space<vmem_shared>> -> memref<10240x64xf32, #tpu.memory_space<vmem_shared>>
    %dma_wait3A_108 = tpu.memref_slice %arg15[%dma_wait3A_98] : memref<3x!tpu.dma_semaphore, #tpu.memory_space<semaphore_mem>> -> memref<1x!tpu.dma_semaphore, #tpu.memory_space<semaphore_mem>>
    %dma_wait3A_109 = tpu.memref_squeeze %dma_wait3A_108 : memref<1x!tpu.dma_semaphore, #tpu.memory_space<semaphore_mem>> -> memref<!tpu.dma_semaphore, #tpu.memory_space<semaphore_mem>>
    tpu.wait_indirect_dma semaphore(%dma_wait3A_109 : memref<!tpu.dma_semaphore, #tpu.memory_space<semaphore_mem>>) src(%dma_wait3A_102 : memref<80x64xf32, #tpu.memory_space<vmem>>) dst(%dma_wait3A_107 : memref<10240x64xf32, #tpu.memory_space<vmem_shared>>)
    %dma_wait3A_110 = arith.constant 2 : i32
    %dma_wait3A_111 = arith.constant 2 : i32
    %dma_wait3A_112 = arith.constant 0 : i32
    %dma_wait3A_113 = arith.constant 0 : i32
    %dma_wait3A_114 = tpu.memref_slice %arg12[%dma_wait3A_110, %dma_wait3A_112, %dma_wait3A_113] : memref<3x80x64xf32, #tpu.memory_space<vmem>> -> memref<1x80x64xf32, #tpu.memory_space<vmem>>
    %dma_wait3A_115 = tpu.memref_squeeze %dma_wait3A_114 : memref<1x80x64xf32, #tpu.memory_space<vmem>> -> memref<80x64xf32, #tpu.memory_space<vmem>>
    %dma_wait3A_116 = arith.constant 20560 : i32
    %dma_wait3A_117 = tpu.memref_slice %arg9[%dma_wait3A_116] : memref<20640xi32, #tpu.memory_space<vmem>> -> memref<80xi32, #tpu.memory_space<vmem>>
    %dma_wait3A_118 = arith.constant 0 : i32
    %dma_wait3A_119 = arith.constant 0 : i32
    %dma_wait3A_120 = tpu.memref_slice %arg13[%dma_wait3A_118, %dma_wait3A_119] : memref<10240x64xf32, #tpu.memory_space<vmem_shared>> -> memref<10240x64xf32, #tpu.memory_space<vmem_shared>>
    %dma_wait3A_121 = tpu.memref_slice %arg15[%dma_wait3A_111] : memref<3x!tpu.dma_semaphore, #tpu.memory_space<semaphore_mem>> -> memref<1x!tpu.dma_semaphore, #tpu.memory_space<semaphore_mem>>
    %dma_wait3A_122 = tpu.memref_squeeze %dma_wait3A_121 : memref<1x!tpu.dma_semaphore, #tpu.memory_space<semaphore_mem>> -> memref<!tpu.dma_semaphore, #tpu.memory_space<semaphore_mem>>
    tpu.wait_indirect_dma semaphore(%dma_wait3A_122 : memref<!tpu.dma_semaphore, #tpu.memory_space<semaphore_mem>>) src(%dma_wait3A_115 : memref<80x64xf32, #tpu.memory_space<vmem>>) dst(%dma_wait3A_120 : memref<10240x64xf32, #tpu.memory_space<vmem_shared>>)
    %barrier3A_123 = arith.constant 0 : index
    tpu.barrier barrier_id(%barrier3A_123)
    %mul3A_124 = arith.constant 640 : i32
    %mul3A_125 = arith.muli %arg1, %mul3A_124 : i32
    %mul3A_126 = arith.constant 640 : i32
    %mul3A_127 = arith.muli %arg1, %mul3A_126 : i32
    "tpu.region"() ({
      %run_scoped3A_128 = tpu.sem_alloc : memref<!tpu.dma_semaphore, #tpu.memory_space<semaphore_mem>>
      %dma_start3A_129 = arith.constant 0 : i32
      %dma_start3A_130 = tpu.memref_slice %arg7[%arg0, %mul3A_127, %dma_start3A_129] : memref<2x10240x64xf32, #tpu.memory_space<hbm>> -> memref<1x640x64xf32, #tpu.memory_space<hbm>>
      %dma_start3A_131 = tpu.memref_squeeze %dma_start3A_130 : memref<1x640x64xf32, #tpu.memory_space<hbm>> -> memref<640x64xf32, #tpu.memory_space<hbm>>
      %dma_start3A_132 = arith.constant 0 : i32
      %dma_start3A_133 = tpu.memref_slice %arg13[%mul3A_125, %dma_start3A_132] : memref<10240x64xf32, #tpu.memory_space<vmem_shared>> -> memref<640x64xf32, #tpu.memory_space<vmem_shared>>
      tpu.enqueue_dma source(%dma_start3A_133 : memref<640x64xf32, #tpu.memory_space<vmem_shared>>) target(%dma_start3A_131 : memref<640x64xf32, #tpu.memory_space<hbm>>) target_semaphore(%run_scoped3A_128 : memref<!tpu.dma_semaphore, #tpu.memory_space<semaphore_mem>>)
      %dma_wait3A_134 = arith.constant 0 : i32
      %dma_wait3A_135 = tpu.memref_slice %arg7[%arg0, %mul3A_127, %dma_wait3A_134] : memref<2x10240x64xf32, #tpu.memory_space<hbm>> -> memref<1x640x64xf32, #tpu.memory_space<hbm>>
      %dma_wait3A_136 = tpu.memref_squeeze %dma_wait3A_135 : memref<1x640x64xf32, #tpu.memory_space<hbm>> -> memref<640x64xf32, #tpu.memory_space<hbm>>
      %dma_wait3A_137 = arith.constant 0 : i32
      %dma_wait3A_138 = tpu.memref_slice %arg13[%mul3A_125, %dma_wait3A_137] : memref<10240x64xf32, #tpu.memory_space<vmem_shared>> -> memref<640x64xf32, #tpu.memory_space<vmem_shared>>
      tpu.wait_dma2 semaphore(%run_scoped3A_128 : memref<!tpu.dma_semaphore, #tpu.memory_space<semaphore_mem>>) src(%dma_wait3A_138 : memref<640x64xf32, #tpu.memory_space<vmem_shared>>) dst(%dma_wait3A_136 : memref<640x64xf32, #tpu.memory_space<hbm>>)
      tpu.yield
    }) : () -> ()
    return
  }
}

#map = affine_map<(d0, d1) -> (0)>
#map1 = affine_map<(d0, d1) -> (0, 0)>
#map2 = affine_map<(d0, d1) -> (0, 0, 0)>
module attributes {stable_mosaic.version = 14 : i64} {
  func.func @_agg(%arg0: i32, %arg1: i32, %arg2: memref<330240xi32, #tpu.memory_space<hbm>>, %arg3: memref<330240xi32, #tpu.memory_space<hbm>>, %arg4: memref<330240xf32, #tpu.memory_space<hbm>>, %arg5: memref<1x10240xf32, #tpu.memory_space<hbm>>, %arg6: memref<2x10240x64xf32, #tpu.memory_space<hbm>>, %arg7: memref<2x10240x64xf32, #tpu.memory_space<hbm>>, %arg8: memref<20640xi32, #tpu.memory_space<vmem>>, %arg9: memref<20640xi32, #tpu.memory_space<vmem>>, %arg10: memref<20640xf32, #tpu.memory_space<vmem>>, %arg11: memref<10240xf32, #tpu.memory_space<vmem>>, %arg12: memref<3x80x64xf32, #tpu.memory_space<vmem>>, %arg13: memref<10240x64xf32, #tpu.memory_space<vmem_shared>>, %arg14: memref<3x!tpu.dma_semaphore, #tpu.memory_space<semaphore_mem>>, %arg15: memref<3x!tpu.dma_semaphore, #tpu.memory_space<semaphore_mem>>) attributes {dimension_semantics = [#tpu.dimension_semantics<core_parallel>, #tpu.dimension_semantics<subcore_parallel>], iteration_bounds = array<i64: 2, 16>, scalar_prefetch = 0 : i64, scratch_operands = 8 : i64, tpu.core_type = #tpu.core_type<sc_vector_subcore>, window_params = [{transform_indices = #map}, {transform_indices = #map}, {transform_indices = #map}, {transform_indices = #map1}, {transform_indices = #map2}, {transform_indices = #map2}]} {
    %broadcast_in_dim3A = arith.constant 0.000000e+00 : f32
    %broadcast_in_dim3A_0 = vector.broadcast %broadcast_in_dim3A : f32 to vector<16xf32>
    %scan3A = arith.constant 0 : i32
    %scan3A_1 = arith.constant 80 : i32
    %scan3A_2 = arith.addi %scan3A, %scan3A_1 : i32
    %scan3A_3 = arith.constant 1 : i32
    scf.for %scan3A_128 = %scan3A to %scan3A_2 step %scan3A_3  : i32 {
      %mul3A_129 = arith.constant 1 : i32
      %mul3A_130 = arith.muli %scan3A_128, %mul3A_129 : i32
      %add3A_131 = arith.constant 0 : i32
      %add3A_132 = arith.addi %add3A_131, %mul3A_130 : i32
      %swap3A = arith.constant 0 : i32
      %swap3A_133 = arith.index_cast %swap3A : i32 to index
      %swap3A_134 = arith.index_cast %add3A_132 : i32 to index
      %swap3A_135 = arith.constant 0 : index
      %swap3A_136 = tpu.vector_load %arg12[%swap3A_133, %swap3A_134, %swap3A_135] {strides = array<i32>} : memref<3x80x64xf32, #tpu.memory_space<vmem>>, vector<16xf32>,
      tpu.vector_store %arg12[%swap3A_133, %swap3A_134, %swap3A_135], %broadcast_in_dim3A_0 {strides = array<i32>} : memref<3x80x64xf32, #tpu.memory_space<vmem>>, vector<16xf32>,
      %swap3A_137 = arith.constant 0 : i32
      %swap3A_138 = arith.index_cast %swap3A_137 : i32 to index
      %swap3A_139 = arith.index_cast %add3A_132 : i32 to index
      %swap3A_140 = arith.constant 16 : index
      %swap3A_141 = tpu.vector_load %arg12[%swap3A_138, %swap3A_139, %swap3A_140] {strides = array<i32>} : memref<3x80x64xf32, #tpu.memory_space<vmem>>, vector<16xf32>,
      tpu.vector_store %arg12[%swap3A_138, %swap3A_139, %swap3A_140], %broadcast_in_dim3A_0 {strides = array<i32>} : memref<3x80x64xf32, #tpu.memory_space<vmem>>, vector<16xf32>,
      %swap3A_142 = arith.constant 0 : i32
      %swap3A_143 = arith.index_cast %swap3A_142 : i32 to index
      %swap3A_144 = arith.index_cast %add3A_132 : i32 to index
      %swap3A_145 = arith.constant 32 : index
      %swap3A_146 = tpu.vector_load %arg12[%swap3A_143, %swap3A_144, %swap3A_145] {strides = array<i32>} : memref<3x80x64xf32, #tpu.memory_space<vmem>>, vector<16xf32>,
      tpu.vector_store %arg12[%swap3A_143, %swap3A_144, %swap3A_145], %broadcast_in_dim3A_0 {strides = array<i32>} : memref<3x80x64xf32, #tpu.memory_space<vmem>>, vector<16xf32>,
      %swap3A_147 = arith.constant 0 : i32
      %swap3A_148 = arith.index_cast %swap3A_147 : i32 to index
      %swap3A_149 = arith.index_cast %add3A_132 : i32 to index
      %swap3A_150 = arith.constant 48 : index
      %swap3A_151 = tpu.vector_load %arg12[%swap3A_148, %swap3A_149, %swap3A_150] {strides = array<i32>} : memref<3x80x64xf32, #tpu.memory_space<vmem>>, vector<16xf32>,
      tpu.vector_store %arg12[%swap3A_148, %swap3A_149, %swap3A_150], %broadcast_in_dim3A_0 {strides = array<i32>} : memref<3x80x64xf32, #tpu.memory_space<vmem>>, vector<16xf32>,
    }
    %scan3A_4 = arith.constant 80 : i32
    %mul3A = arith.constant 640 : i32
    %mul3A_5 = arith.muli %arg1, %mul3A : i32
    %add3A = arith.constant 0 : i32
    %add3A_6 = arith.addi %mul3A_5, %add3A : i32
    %run_scoped3A = arith.constant 0 : i32
    "tpu.region"() ({
      %run_scoped3A_128 = tpu.sem_alloc : memref<!tpu.dma_semaphore, #tpu.memory_space<semaphore_mem>>
      %dma_start3A_129 = arith.constant 0 : i32
      %dma_start3A_130 = arith.constant 0 : i32
      %dma_start3A_131 = tpu.memref_slice %arg12[%run_scoped3A, %dma_start3A_129, %dma_start3A_130] : memref<3x80x64xf32, #tpu.memory_space<vmem>> -> memref<1x80x64xf32, #tpu.memory_space<vmem>>
      %dma_start3A_132 = tpu.memref_squeeze %dma_start3A_131 : memref<1x80x64xf32, #tpu.memory_space<vmem>> -> memref<80x64xf32, #tpu.memory_space<vmem>>
      %dma_start3A_133 = arith.constant 0 : i32
      %dma_start3A_134 = tpu.memref_slice %arg13[%add3A_6, %dma_start3A_133] : memref<10240x64xf32, #tpu.memory_space<vmem_shared>> -> memref<80x64xf32, #tpu.memory_space<vmem_shared>>
      %dma_start3A_135 = arith.constant 0 : i32
      %dma_start3A_136 = tpu.memref_slice %arg13[%add3A_6, %dma_start3A_135] : memref<10240x64xf32, #tpu.memory_space<vmem_shared>> -> memref<80x64xf32, #tpu.memory_space<vmem_shared>>
      %dma_start3A_137 = arith.constant 0 : i32
      %dma_start3A_138 = arith.constant 0 : i32
      %dma_start3A_139 = tpu.memref_slice %arg12[%run_scoped3A, %dma_start3A_137, %dma_start3A_138] : memref<3x80x64xf32, #tpu.memory_space<vmem>> -> memref<1x80x64xf32, #tpu.memory_space<vmem>>
      %dma_start3A_140 = tpu.memref_squeeze %dma_start3A_139 : memref<1x80x64xf32, #tpu.memory_space<vmem>> -> memref<80x64xf32, #tpu.memory_space<vmem>>
      tpu.enqueue_dma source(%dma_start3A_140 : memref<80x64xf32, #tpu.memory_space<vmem>>) target(%dma_start3A_136 : memref<80x64xf32, #tpu.memory_space<vmem_shared>>) target_semaphore(%run_scoped3A_128 : memref<!tpu.dma_semaphore, #tpu.memory_space<semaphore_mem>>)
      %dma_wait3A_141 = arith.constant 0 : i32
      %dma_wait3A_142 = arith.constant 0 : i32
      %dma_wait3A_143 = tpu.memref_slice %arg12[%run_scoped3A, %dma_wait3A_141, %dma_wait3A_142] : memref<3x80x64xf32, #tpu.memory_space<vmem>> -> memref<1x80x64xf32, #tpu.memory_space<vmem>>
      %dma_wait3A_144 = tpu.memref_squeeze %dma_wait3A_143 : memref<1x80x64xf32, #tpu.memory_space<vmem>> -> memref<80x64xf32, #tpu.memory_space<vmem>>
      %dma_wait3A_145 = arith.constant 0 : i32
      %dma_wait3A_146 = tpu.memref_slice %arg13[%add3A_6, %dma_wait3A_145] : memref<10240x64xf32, #tpu.memory_space<vmem_shared>> -> memref<80x64xf32, #tpu.memory_space<vmem_shared>>
      %dma_wait3A_147 = arith.constant 0 : i32
      %dma_wait3A_148 = tpu.memref_slice %arg13[%add3A_6, %dma_wait3A_147] : memref<10240x64xf32, #tpu.memory_space<vmem_shared>> -> memref<80x64xf32, #tpu.memory_space<vmem_shared>>
      %dma_wait3A_149 = arith.constant 0 : i32
      %dma_wait3A_150 = arith.constant 0 : i32
      %dma_wait3A_151 = tpu.memref_slice %arg12[%run_scoped3A, %dma_wait3A_149, %dma_wait3A_150] : memref<3x80x64xf32, #tpu.memory_space<vmem>> -> memref<1x80x64xf32, #tpu.memory_space<vmem>>
      %dma_wait3A_152 = tpu.memref_squeeze %dma_wait3A_151 : memref<1x80x64xf32, #tpu.memory_space<vmem>> -> memref<80x64xf32, #tpu.memory_space<vmem>>
      tpu.wait_dma2 semaphore(%run_scoped3A_128 : memref<!tpu.dma_semaphore, #tpu.memory_space<semaphore_mem>>) src(%dma_wait3A_152 : memref<80x64xf32, #tpu.memory_space<vmem>>) dst(%dma_wait3A_148 : memref<80x64xf32, #tpu.memory_space<vmem_shared>>)
      tpu.yield
    }) : () -> ()
    %mul3A_7 = arith.constant 640 : i32
    %mul3A_8 = arith.muli %arg1, %mul3A_7 : i32
    %add3A_9 = arith.constant 80 : i32
    %add3A_10 = arith.addi %mul3A_8, %add3A_9 : i32
    %run_scoped3A_11 = arith.constant 0 : i32
    "tpu.region"() ({
      %run_scoped3A_128 = tpu.sem_alloc : memref<!tpu.dma_semaphore, #tpu.memory_space<semaphore_mem>>
      %dma_start3A_129 = arith.constant 0 : i32
      %dma_start3A_130 = arith.constant 0 : i32
      %dma_start3A_131 = tpu.memref_slice %arg12[%run_scoped3A_11, %dma_start3A_129, %dma_start3A_130] : memref<3x80x64xf32, #tpu.memory_space<vmem>> -> memref<1x80x64xf32, #tpu.memory_space<vmem>>
      %dma_start3A_132 = tpu.memref_squeeze %dma_start3A_131 : memref<1x80x64xf32, #tpu.memory_space<vmem>> -> memref<80x64xf32, #tpu.memory_space<vmem>>
      %dma_start3A_133 = arith.constant 0 : i32
      %dma_start3A_134 = tpu.memref_slice %arg13[%add3A_10, %dma_start3A_133] : memref<10240x64xf32, #tpu.memory_space<vmem_shared>> -> memref<80x64xf32, #tpu.memory_space<vmem_shared>>
      %dma_start3A_135 = arith.constant 0 : i32
      %dma_start3A_136 = tpu.memref_slice %arg13[%add3A_10, %dma_start3A_135] : memref<10240x64xf32, #tpu.memory_space<vmem_shared>> -> memref<80x64xf32, #tpu.memory_space<vmem_shared>>
      %dma_start3A_137 = arith.constant 0 : i32
      %dma_start3A_138 = arith.constant 0 : i32
      %dma_start3A_139 = tpu.memref_slice %arg12[%run_scoped3A_11, %dma_start3A_137, %dma_start3A_138] : memref<3x80x64xf32, #tpu.memory_space<vmem>> -> memref<1x80x64xf32, #tpu.memory_space<vmem>>
      %dma_start3A_140 = tpu.memref_squeeze %dma_start3A_139 : memref<1x80x64xf32, #tpu.memory_space<vmem>> -> memref<80x64xf32, #tpu.memory_space<vmem>>
      tpu.enqueue_dma source(%dma_start3A_140 : memref<80x64xf32, #tpu.memory_space<vmem>>) target(%dma_start3A_136 : memref<80x64xf32, #tpu.memory_space<vmem_shared>>) target_semaphore(%run_scoped3A_128 : memref<!tpu.dma_semaphore, #tpu.memory_space<semaphore_mem>>)
      %dma_wait3A_141 = arith.constant 0 : i32
      %dma_wait3A_142 = arith.constant 0 : i32
      %dma_wait3A_143 = tpu.memref_slice %arg12[%run_scoped3A_11, %dma_wait3A_141, %dma_wait3A_142] : memref<3x80x64xf32, #tpu.memory_space<vmem>> -> memref<1x80x64xf32, #tpu.memory_space<vmem>>
      %dma_wait3A_144 = tpu.memref_squeeze %dma_wait3A_143 : memref<1x80x64xf32, #tpu.memory_space<vmem>> -> memref<80x64xf32, #tpu.memory_space<vmem>>
      %dma_wait3A_145 = arith.constant 0 : i32
      %dma_wait3A_146 = tpu.memref_slice %arg13[%add3A_10, %dma_wait3A_145] : memref<10240x64xf32, #tpu.memory_space<vmem_shared>> -> memref<80x64xf32, #tpu.memory_space<vmem_shared>>
      %dma_wait3A_147 = arith.constant 0 : i32
      %dma_wait3A_148 = tpu.memref_slice %arg13[%add3A_10, %dma_wait3A_147] : memref<10240x64xf32, #tpu.memory_space<vmem_shared>> -> memref<80x64xf32, #tpu.memory_space<vmem_shared>>
      %dma_wait3A_149 = arith.constant 0 : i32
      %dma_wait3A_150 = arith.constant 0 : i32
      %dma_wait3A_151 = tpu.memref_slice %arg12[%run_scoped3A_11, %dma_wait3A_149, %dma_wait3A_150] : memref<3x80x64xf32, #tpu.memory_space<vmem>> -> memref<1x80x64xf32, #tpu.memory_space<vmem>>
      %dma_wait3A_152 = tpu.memref_squeeze %dma_wait3A_151 : memref<1x80x64xf32, #tpu.memory_space<vmem>> -> memref<80x64xf32, #tpu.memory_space<vmem>>
      tpu.wait_dma2 semaphore(%run_scoped3A_128 : memref<!tpu.dma_semaphore, #tpu.memory_space<semaphore_mem>>) src(%dma_wait3A_152 : memref<80x64xf32, #tpu.memory_space<vmem>>) dst(%dma_wait3A_148 : memref<80x64xf32, #tpu.memory_space<vmem_shared>>)
      tpu.yield
    }) : () -> ()
    %mul3A_12 = arith.constant 640 : i32
    %mul3A_13 = arith.muli %arg1, %mul3A_12 : i32
    %add3A_14 = arith.constant 160 : i32
    %add3A_15 = arith.addi %mul3A_13, %add3A_14 : i32
    %run_scoped3A_16 = arith.constant 0 : i32
    "tpu.region"() ({
      %run_scoped3A_128 = tpu.sem_alloc : memref<!tpu.dma_semaphore, #tpu.memory_space<semaphore_mem>>
      %dma_start3A_129 = arith.constant 0 : i32
      %dma_start3A_130 = arith.constant 0 : i32
      %dma_start3A_131 = tpu.memref_slice %arg12[%run_scoped3A_16, %dma_start3A_129, %dma_start3A_130] : memref<3x80x64xf32, #tpu.memory_space<vmem>> -> memref<1x80x64xf32, #tpu.memory_space<vmem>>
      %dma_start3A_132 = tpu.memref_squeeze %dma_start3A_131 : memref<1x80x64xf32, #tpu.memory_space<vmem>> -> memref<80x64xf32, #tpu.memory_space<vmem>>
      %dma_start3A_133 = arith.constant 0 : i32
      %dma_start3A_134 = tpu.memref_slice %arg13[%add3A_15, %dma_start3A_133] : memref<10240x64xf32, #tpu.memory_space<vmem_shared>> -> memref<80x64xf32, #tpu.memory_space<vmem_shared>>
      %dma_start3A_135 = arith.constant 0 : i32
      %dma_start3A_136 = tpu.memref_slice %arg13[%add3A_15, %dma_start3A_135] : memref<10240x64xf32, #tpu.memory_space<vmem_shared>> -> memref<80x64xf32, #tpu.memory_space<vmem_shared>>
      %dma_start3A_137 = arith.constant 0 : i32
      %dma_start3A_138 = arith.constant 0 : i32
      %dma_start3A_139 = tpu.memref_slice %arg12[%run_scoped3A_16, %dma_start3A_137, %dma_start3A_138] : memref<3x80x64xf32, #tpu.memory_space<vmem>> -> memref<1x80x64xf32, #tpu.memory_space<vmem>>
      %dma_start3A_140 = tpu.memref_squeeze %dma_start3A_139 : memref<1x80x64xf32, #tpu.memory_space<vmem>> -> memref<80x64xf32, #tpu.memory_space<vmem>>
      tpu.enqueue_dma source(%dma_start3A_140 : memref<80x64xf32, #tpu.memory_space<vmem>>) target(%dma_start3A_136 : memref<80x64xf32, #tpu.memory_space<vmem_shared>>) target_semaphore(%run_scoped3A_128 : memref<!tpu.dma_semaphore, #tpu.memory_space<semaphore_mem>>)
      %dma_wait3A_141 = arith.constant 0 : i32
      %dma_wait3A_142 = arith.constant 0 : i32
      %dma_wait3A_143 = tpu.memref_slice %arg12[%run_scoped3A_16, %dma_wait3A_141, %dma_wait3A_142] : memref<3x80x64xf32, #tpu.memory_space<vmem>> -> memref<1x80x64xf32, #tpu.memory_space<vmem>>
      %dma_wait3A_144 = tpu.memref_squeeze %dma_wait3A_143 : memref<1x80x64xf32, #tpu.memory_space<vmem>> -> memref<80x64xf32, #tpu.memory_space<vmem>>
      %dma_wait3A_145 = arith.constant 0 : i32
      %dma_wait3A_146 = tpu.memref_slice %arg13[%add3A_15, %dma_wait3A_145] : memref<10240x64xf32, #tpu.memory_space<vmem_shared>> -> memref<80x64xf32, #tpu.memory_space<vmem_shared>>
      %dma_wait3A_147 = arith.constant 0 : i32
      %dma_wait3A_148 = tpu.memref_slice %arg13[%add3A_15, %dma_wait3A_147] : memref<10240x64xf32, #tpu.memory_space<vmem_shared>> -> memref<80x64xf32, #tpu.memory_space<vmem_shared>>
      %dma_wait3A_149 = arith.constant 0 : i32
      %dma_wait3A_150 = arith.constant 0 : i32
      %dma_wait3A_151 = tpu.memref_slice %arg12[%run_scoped3A_16, %dma_wait3A_149, %dma_wait3A_150] : memref<3x80x64xf32, #tpu.memory_space<vmem>> -> memref<1x80x64xf32, #tpu.memory_space<vmem>>
      %dma_wait3A_152 = tpu.memref_squeeze %dma_wait3A_151 : memref<1x80x64xf32, #tpu.memory_space<vmem>> -> memref<80x64xf32, #tpu.memory_space<vmem>>
      tpu.wait_dma2 semaphore(%run_scoped3A_128 : memref<!tpu.dma_semaphore, #tpu.memory_space<semaphore_mem>>) src(%dma_wait3A_152 : memref<80x64xf32, #tpu.memory_space<vmem>>) dst(%dma_wait3A_148 : memref<80x64xf32, #tpu.memory_space<vmem_shared>>)
      tpu.yield
    }) : () -> ()
    %mul3A_17 = arith.constant 640 : i32
    %mul3A_18 = arith.muli %arg1, %mul3A_17 : i32
    %add3A_19 = arith.constant 240 : i32
    %add3A_20 = arith.addi %mul3A_18, %add3A_19 : i32
    %run_scoped3A_21 = arith.constant 0 : i32
    "tpu.region"() ({
      %run_scoped3A_128 = tpu.sem_alloc : memref<!tpu.dma_semaphore, #tpu.memory_space<semaphore_mem>>
      %dma_start3A_129 = arith.constant 0 : i32
      %dma_start3A_130 = arith.constant 0 : i32
      %dma_start3A_131 = tpu.memref_slice %arg12[%run_scoped3A_21, %dma_start3A_129, %dma_start3A_130] : memref<3x80x64xf32, #tpu.memory_space<vmem>> -> memref<1x80x64xf32, #tpu.memory_space<vmem>>
      %dma_start3A_132 = tpu.memref_squeeze %dma_start3A_131 : memref<1x80x64xf32, #tpu.memory_space<vmem>> -> memref<80x64xf32, #tpu.memory_space<vmem>>
      %dma_start3A_133 = arith.constant 0 : i32
      %dma_start3A_134 = tpu.memref_slice %arg13[%add3A_20, %dma_start3A_133] : memref<10240x64xf32, #tpu.memory_space<vmem_shared>> -> memref<80x64xf32, #tpu.memory_space<vmem_shared>>
      %dma_start3A_135 = arith.constant 0 : i32
      %dma_start3A_136 = tpu.memref_slice %arg13[%add3A_20, %dma_start3A_135] : memref<10240x64xf32, #tpu.memory_space<vmem_shared>> -> memref<80x64xf32, #tpu.memory_space<vmem_shared>>
      %dma_start3A_137 = arith.constant 0 : i32
      %dma_start3A_138 = arith.constant 0 : i32
      %dma_start3A_139 = tpu.memref_slice %arg12[%run_scoped3A_21, %dma_start3A_137, %dma_start3A_138] : memref<3x80x64xf32, #tpu.memory_space<vmem>> -> memref<1x80x64xf32, #tpu.memory_space<vmem>>
      %dma_start3A_140 = tpu.memref_squeeze %dma_start3A_139 : memref<1x80x64xf32, #tpu.memory_space<vmem>> -> memref<80x64xf32, #tpu.memory_space<vmem>>
      tpu.enqueue_dma source(%dma_start3A_140 : memref<80x64xf32, #tpu.memory_space<vmem>>) target(%dma_start3A_136 : memref<80x64xf32, #tpu.memory_space<vmem_shared>>) target_semaphore(%run_scoped3A_128 : memref<!tpu.dma_semaphore, #tpu.memory_space<semaphore_mem>>)
      %dma_wait3A_141 = arith.constant 0 : i32
      %dma_wait3A_142 = arith.constant 0 : i32
      %dma_wait3A_143 = tpu.memref_slice %arg12[%run_scoped3A_21, %dma_wait3A_141, %dma_wait3A_142] : memref<3x80x64xf32, #tpu.memory_space<vmem>> -> memref<1x80x64xf32, #tpu.memory_space<vmem>>
      %dma_wait3A_144 = tpu.memref_squeeze %dma_wait3A_143 : memref<1x80x64xf32, #tpu.memory_space<vmem>> -> memref<80x64xf32, #tpu.memory_space<vmem>>
      %dma_wait3A_145 = arith.constant 0 : i32
      %dma_wait3A_146 = tpu.memref_slice %arg13[%add3A_20, %dma_wait3A_145] : memref<10240x64xf32, #tpu.memory_space<vmem_shared>> -> memref<80x64xf32, #tpu.memory_space<vmem_shared>>
      %dma_wait3A_147 = arith.constant 0 : i32
      %dma_wait3A_148 = tpu.memref_slice %arg13[%add3A_20, %dma_wait3A_147] : memref<10240x64xf32, #tpu.memory_space<vmem_shared>> -> memref<80x64xf32, #tpu.memory_space<vmem_shared>>
      %dma_wait3A_149 = arith.constant 0 : i32
      %dma_wait3A_150 = arith.constant 0 : i32
      %dma_wait3A_151 = tpu.memref_slice %arg12[%run_scoped3A_21, %dma_wait3A_149, %dma_wait3A_150] : memref<3x80x64xf32, #tpu.memory_space<vmem>> -> memref<1x80x64xf32, #tpu.memory_space<vmem>>
      %dma_wait3A_152 = tpu.memref_squeeze %dma_wait3A_151 : memref<1x80x64xf32, #tpu.memory_space<vmem>> -> memref<80x64xf32, #tpu.memory_space<vmem>>
      tpu.wait_dma2 semaphore(%run_scoped3A_128 : memref<!tpu.dma_semaphore, #tpu.memory_space<semaphore_mem>>) src(%dma_wait3A_152 : memref<80x64xf32, #tpu.memory_space<vmem>>) dst(%dma_wait3A_148 : memref<80x64xf32, #tpu.memory_space<vmem_shared>>)
      tpu.yield
    }) : () -> ()
    %mul3A_22 = arith.constant 640 : i32
    %mul3A_23 = arith.muli %arg1, %mul3A_22 : i32
    %add3A_24 = arith.constant 320 : i32
    %add3A_25 = arith.addi %mul3A_23, %add3A_24 : i32
    %run_scoped3A_26 = arith.constant 0 : i32
    "tpu.region"() ({
      %run_scoped3A_128 = tpu.sem_alloc : memref<!tpu.dma_semaphore, #tpu.memory_space<semaphore_mem>>
      %dma_start3A_129 = arith.constant 0 : i32
      %dma_start3A_130 = arith.constant 0 : i32
      %dma_start3A_131 = tpu.memref_slice %arg12[%run_scoped3A_26, %dma_start3A_129, %dma_start3A_130] : memref<3x80x64xf32, #tpu.memory_space<vmem>> -> memref<1x80x64xf32, #tpu.memory_space<vmem>>
      %dma_start3A_132 = tpu.memref_squeeze %dma_start3A_131 : memref<1x80x64xf32, #tpu.memory_space<vmem>> -> memref<80x64xf32, #tpu.memory_space<vmem>>
      %dma_start3A_133 = arith.constant 0 : i32
      %dma_start3A_134 = tpu.memref_slice %arg13[%add3A_25, %dma_start3A_133] : memref<10240x64xf32, #tpu.memory_space<vmem_shared>> -> memref<80x64xf32, #tpu.memory_space<vmem_shared>>
      %dma_start3A_135 = arith.constant 0 : i32
      %dma_start3A_136 = tpu.memref_slice %arg13[%add3A_25, %dma_start3A_135] : memref<10240x64xf32, #tpu.memory_space<vmem_shared>> -> memref<80x64xf32, #tpu.memory_space<vmem_shared>>
      %dma_start3A_137 = arith.constant 0 : i32
      %dma_start3A_138 = arith.constant 0 : i32
      %dma_start3A_139 = tpu.memref_slice %arg12[%run_scoped3A_26, %dma_start3A_137, %dma_start3A_138] : memref<3x80x64xf32, #tpu.memory_space<vmem>> -> memref<1x80x64xf32, #tpu.memory_space<vmem>>
      %dma_start3A_140 = tpu.memref_squeeze %dma_start3A_139 : memref<1x80x64xf32, #tpu.memory_space<vmem>> -> memref<80x64xf32, #tpu.memory_space<vmem>>
      tpu.enqueue_dma source(%dma_start3A_140 : memref<80x64xf32, #tpu.memory_space<vmem>>) target(%dma_start3A_136 : memref<80x64xf32, #tpu.memory_space<vmem_shared>>) target_semaphore(%run_scoped3A_128 : memref<!tpu.dma_semaphore, #tpu.memory_space<semaphore_mem>>)
      %dma_wait3A_141 = arith.constant 0 : i32
      %dma_wait3A_142 = arith.constant 0 : i32
      %dma_wait3A_143 = tpu.memref_slice %arg12[%run_scoped3A_26, %dma_wait3A_141, %dma_wait3A_142] : memref<3x80x64xf32, #tpu.memory_space<vmem>> -> memref<1x80x64xf32, #tpu.memory_space<vmem>>
      %dma_wait3A_144 = tpu.memref_squeeze %dma_wait3A_143 : memref<1x80x64xf32, #tpu.memory_space<vmem>> -> memref<80x64xf32, #tpu.memory_space<vmem>>
      %dma_wait3A_145 = arith.constant 0 : i32
      %dma_wait3A_146 = tpu.memref_slice %arg13[%add3A_25, %dma_wait3A_145] : memref<10240x64xf32, #tpu.memory_space<vmem_shared>> -> memref<80x64xf32, #tpu.memory_space<vmem_shared>>
      %dma_wait3A_147 = arith.constant 0 : i32
      %dma_wait3A_148 = tpu.memref_slice %arg13[%add3A_25, %dma_wait3A_147] : memref<10240x64xf32, #tpu.memory_space<vmem_shared>> -> memref<80x64xf32, #tpu.memory_space<vmem_shared>>
      %dma_wait3A_149 = arith.constant 0 : i32
      %dma_wait3A_150 = arith.constant 0 : i32
      %dma_wait3A_151 = tpu.memref_slice %arg12[%run_scoped3A_26, %dma_wait3A_149, %dma_wait3A_150] : memref<3x80x64xf32, #tpu.memory_space<vmem>> -> memref<1x80x64xf32, #tpu.memory_space<vmem>>
      %dma_wait3A_152 = tpu.memref_squeeze %dma_wait3A_151 : memref<1x80x64xf32, #tpu.memory_space<vmem>> -> memref<80x64xf32, #tpu.memory_space<vmem>>
      tpu.wait_dma2 semaphore(%run_scoped3A_128 : memref<!tpu.dma_semaphore, #tpu.memory_space<semaphore_mem>>) src(%dma_wait3A_152 : memref<80x64xf32, #tpu.memory_space<vmem>>) dst(%dma_wait3A_148 : memref<80x64xf32, #tpu.memory_space<vmem_shared>>)
      tpu.yield
    }) : () -> ()
    %mul3A_27 = arith.constant 640 : i32
    %mul3A_28 = arith.muli %arg1, %mul3A_27 : i32
    %add3A_29 = arith.constant 400 : i32
    %add3A_30 = arith.addi %mul3A_28, %add3A_29 : i32
    %run_scoped3A_31 = arith.constant 0 : i32
    "tpu.region"() ({
      %run_scoped3A_128 = tpu.sem_alloc : memref<!tpu.dma_semaphore, #tpu.memory_space<semaphore_mem>>
      %dma_start3A_129 = arith.constant 0 : i32
      %dma_start3A_130 = arith.constant 0 : i32
      %dma_start3A_131 = tpu.memref_slice %arg12[%run_scoped3A_31, %dma_start3A_129, %dma_start3A_130] : memref<3x80x64xf32, #tpu.memory_space<vmem>> -> memref<1x80x64xf32, #tpu.memory_space<vmem>>
      %dma_start3A_132 = tpu.memref_squeeze %dma_start3A_131 : memref<1x80x64xf32, #tpu.memory_space<vmem>> -> memref<80x64xf32, #tpu.memory_space<vmem>>
      %dma_start3A_133 = arith.constant 0 : i32
      %dma_start3A_134 = tpu.memref_slice %arg13[%add3A_30, %dma_start3A_133] : memref<10240x64xf32, #tpu.memory_space<vmem_shared>> -> memref<80x64xf32, #tpu.memory_space<vmem_shared>>
      %dma_start3A_135 = arith.constant 0 : i32
      %dma_start3A_136 = tpu.memref_slice %arg13[%add3A_30, %dma_start3A_135] : memref<10240x64xf32, #tpu.memory_space<vmem_shared>> -> memref<80x64xf32, #tpu.memory_space<vmem_shared>>
      %dma_start3A_137 = arith.constant 0 : i32
      %dma_start3A_138 = arith.constant 0 : i32
      %dma_start3A_139 = tpu.memref_slice %arg12[%run_scoped3A_31, %dma_start3A_137, %dma_start3A_138] : memref<3x80x64xf32, #tpu.memory_space<vmem>> -> memref<1x80x64xf32, #tpu.memory_space<vmem>>
      %dma_start3A_140 = tpu.memref_squeeze %dma_start3A_139 : memref<1x80x64xf32, #tpu.memory_space<vmem>> -> memref<80x64xf32, #tpu.memory_space<vmem>>
      tpu.enqueue_dma source(%dma_start3A_140 : memref<80x64xf32, #tpu.memory_space<vmem>>) target(%dma_start3A_136 : memref<80x64xf32, #tpu.memory_space<vmem_shared>>) target_semaphore(%run_scoped3A_128 : memref<!tpu.dma_semaphore, #tpu.memory_space<semaphore_mem>>)
      %dma_wait3A_141 = arith.constant 0 : i32
      %dma_wait3A_142 = arith.constant 0 : i32
      %dma_wait3A_143 = tpu.memref_slice %arg12[%run_scoped3A_31, %dma_wait3A_141, %dma_wait3A_142] : memref<3x80x64xf32, #tpu.memory_space<vmem>> -> memref<1x80x64xf32, #tpu.memory_space<vmem>>
      %dma_wait3A_144 = tpu.memref_squeeze %dma_wait3A_143 : memref<1x80x64xf32, #tpu.memory_space<vmem>> -> memref<80x64xf32, #tpu.memory_space<vmem>>
      %dma_wait3A_145 = arith.constant 0 : i32
      %dma_wait3A_146 = tpu.memref_slice %arg13[%add3A_30, %dma_wait3A_145] : memref<10240x64xf32, #tpu.memory_space<vmem_shared>> -> memref<80x64xf32, #tpu.memory_space<vmem_shared>>
      %dma_wait3A_147 = arith.constant 0 : i32
      %dma_wait3A_148 = tpu.memref_slice %arg13[%add3A_30, %dma_wait3A_147] : memref<10240x64xf32, #tpu.memory_space<vmem_shared>> -> memref<80x64xf32, #tpu.memory_space<vmem_shared>>
      %dma_wait3A_149 = arith.constant 0 : i32
      %dma_wait3A_150 = arith.constant 0 : i32
      %dma_wait3A_151 = tpu.memref_slice %arg12[%run_scoped3A_31, %dma_wait3A_149, %dma_wait3A_150] : memref<3x80x64xf32, #tpu.memory_space<vmem>> -> memref<1x80x64xf32, #tpu.memory_space<vmem>>
      %dma_wait3A_152 = tpu.memref_squeeze %dma_wait3A_151 : memref<1x80x64xf32, #tpu.memory_space<vmem>> -> memref<80x64xf32, #tpu.memory_space<vmem>>
      tpu.wait_dma2 semaphore(%run_scoped3A_128 : memref<!tpu.dma_semaphore, #tpu.memory_space<semaphore_mem>>) src(%dma_wait3A_152 : memref<80x64xf32, #tpu.memory_space<vmem>>) dst(%dma_wait3A_148 : memref<80x64xf32, #tpu.memory_space<vmem_shared>>)
      tpu.yield
    }) : () -> ()
    %mul3A_32 = arith.constant 640 : i32
    %mul3A_33 = arith.muli %arg1, %mul3A_32 : i32
    %add3A_34 = arith.constant 480 : i32
    %add3A_35 = arith.addi %mul3A_33, %add3A_34 : i32
    %run_scoped3A_36 = arith.constant 0 : i32
    "tpu.region"() ({
      %run_scoped3A_128 = tpu.sem_alloc : memref<!tpu.dma_semaphore, #tpu.memory_space<semaphore_mem>>
      %dma_start3A_129 = arith.constant 0 : i32
      %dma_start3A_130 = arith.constant 0 : i32
      %dma_start3A_131 = tpu.memref_slice %arg12[%run_scoped3A_36, %dma_start3A_129, %dma_start3A_130] : memref<3x80x64xf32, #tpu.memory_space<vmem>> -> memref<1x80x64xf32, #tpu.memory_space<vmem>>
      %dma_start3A_132 = tpu.memref_squeeze %dma_start3A_131 : memref<1x80x64xf32, #tpu.memory_space<vmem>> -> memref<80x64xf32, #tpu.memory_space<vmem>>
      %dma_start3A_133 = arith.constant 0 : i32
      %dma_start3A_134 = tpu.memref_slice %arg13[%add3A_35, %dma_start3A_133] : memref<10240x64xf32, #tpu.memory_space<vmem_shared>> -> memref<80x64xf32, #tpu.memory_space<vmem_shared>>
      %dma_start3A_135 = arith.constant 0 : i32
      %dma_start3A_136 = tpu.memref_slice %arg13[%add3A_35, %dma_start3A_135] : memref<10240x64xf32, #tpu.memory_space<vmem_shared>> -> memref<80x64xf32, #tpu.memory_space<vmem_shared>>
      %dma_start3A_137 = arith.constant 0 : i32
      %dma_start3A_138 = arith.constant 0 : i32
      %dma_start3A_139 = tpu.memref_slice %arg12[%run_scoped3A_36, %dma_start3A_137, %dma_start3A_138] : memref<3x80x64xf32, #tpu.memory_space<vmem>> -> memref<1x80x64xf32, #tpu.memory_space<vmem>>
      %dma_start3A_140 = tpu.memref_squeeze %dma_start3A_139 : memref<1x80x64xf32, #tpu.memory_space<vmem>> -> memref<80x64xf32, #tpu.memory_space<vmem>>
      tpu.enqueue_dma source(%dma_start3A_140 : memref<80x64xf32, #tpu.memory_space<vmem>>) target(%dma_start3A_136 : memref<80x64xf32, #tpu.memory_space<vmem_shared>>) target_semaphore(%run_scoped3A_128 : memref<!tpu.dma_semaphore, #tpu.memory_space<semaphore_mem>>)
      %dma_wait3A_141 = arith.constant 0 : i32
      %dma_wait3A_142 = arith.constant 0 : i32
      %dma_wait3A_143 = tpu.memref_slice %arg12[%run_scoped3A_36, %dma_wait3A_141, %dma_wait3A_142] : memref<3x80x64xf32, #tpu.memory_space<vmem>> -> memref<1x80x64xf32, #tpu.memory_space<vmem>>
      %dma_wait3A_144 = tpu.memref_squeeze %dma_wait3A_143 : memref<1x80x64xf32, #tpu.memory_space<vmem>> -> memref<80x64xf32, #tpu.memory_space<vmem>>
      %dma_wait3A_145 = arith.constant 0 : i32
      %dma_wait3A_146 = tpu.memref_slice %arg13[%add3A_35, %dma_wait3A_145] : memref<10240x64xf32, #tpu.memory_space<vmem_shared>> -> memref<80x64xf32, #tpu.memory_space<vmem_shared>>
      %dma_wait3A_147 = arith.constant 0 : i32
      %dma_wait3A_148 = tpu.memref_slice %arg13[%add3A_35, %dma_wait3A_147] : memref<10240x64xf32, #tpu.memory_space<vmem_shared>> -> memref<80x64xf32, #tpu.memory_space<vmem_shared>>
      %dma_wait3A_149 = arith.constant 0 : i32
      %dma_wait3A_150 = arith.constant 0 : i32
      %dma_wait3A_151 = tpu.memref_slice %arg12[%run_scoped3A_36, %dma_wait3A_149, %dma_wait3A_150] : memref<3x80x64xf32, #tpu.memory_space<vmem>> -> memref<1x80x64xf32, #tpu.memory_space<vmem>>
      %dma_wait3A_152 = tpu.memref_squeeze %dma_wait3A_151 : memref<1x80x64xf32, #tpu.memory_space<vmem>> -> memref<80x64xf32, #tpu.memory_space<vmem>>
      tpu.wait_dma2 semaphore(%run_scoped3A_128 : memref<!tpu.dma_semaphore, #tpu.memory_space<semaphore_mem>>) src(%dma_wait3A_152 : memref<80x64xf32, #tpu.memory_space<vmem>>) dst(%dma_wait3A_148 : memref<80x64xf32, #tpu.memory_space<vmem_shared>>)
      tpu.yield
    }) : () -> ()
    %mul3A_37 = arith.constant 640 : i32
    %mul3A_38 = arith.muli %arg1, %mul3A_37 : i32
    %add3A_39 = arith.constant 560 : i32
    %add3A_40 = arith.addi %mul3A_38, %add3A_39 : i32
    %run_scoped3A_41 = arith.constant 0 : i32
    "tpu.region"() ({
      %run_scoped3A_128 = tpu.sem_alloc : memref<!tpu.dma_semaphore, #tpu.memory_space<semaphore_mem>>
      %dma_start3A_129 = arith.constant 0 : i32
      %dma_start3A_130 = arith.constant 0 : i32
      %dma_start3A_131 = tpu.memref_slice %arg12[%run_scoped3A_41, %dma_start3A_129, %dma_start3A_130] : memref<3x80x64xf32, #tpu.memory_space<vmem>> -> memref<1x80x64xf32, #tpu.memory_space<vmem>>
      %dma_start3A_132 = tpu.memref_squeeze %dma_start3A_131 : memref<1x80x64xf32, #tpu.memory_space<vmem>> -> memref<80x64xf32, #tpu.memory_space<vmem>>
      %dma_start3A_133 = arith.constant 0 : i32
      %dma_start3A_134 = tpu.memref_slice %arg13[%add3A_40, %dma_start3A_133] : memref<10240x64xf32, #tpu.memory_space<vmem_shared>> -> memref<80x64xf32, #tpu.memory_space<vmem_shared>>
      %dma_start3A_135 = arith.constant 0 : i32
      %dma_start3A_136 = tpu.memref_slice %arg13[%add3A_40, %dma_start3A_135] : memref<10240x64xf32, #tpu.memory_space<vmem_shared>> -> memref<80x64xf32, #tpu.memory_space<vmem_shared>>
      %dma_start3A_137 = arith.constant 0 : i32
      %dma_start3A_138 = arith.constant 0 : i32
      %dma_start3A_139 = tpu.memref_slice %arg12[%run_scoped3A_41, %dma_start3A_137, %dma_start3A_138] : memref<3x80x64xf32, #tpu.memory_space<vmem>> -> memref<1x80x64xf32, #tpu.memory_space<vmem>>
      %dma_start3A_140 = tpu.memref_squeeze %dma_start3A_139 : memref<1x80x64xf32, #tpu.memory_space<vmem>> -> memref<80x64xf32, #tpu.memory_space<vmem>>
      tpu.enqueue_dma source(%dma_start3A_140 : memref<80x64xf32, #tpu.memory_space<vmem>>) target(%dma_start3A_136 : memref<80x64xf32, #tpu.memory_space<vmem_shared>>) target_semaphore(%run_scoped3A_128 : memref<!tpu.dma_semaphore, #tpu.memory_space<semaphore_mem>>)
      %dma_wait3A_141 = arith.constant 0 : i32
      %dma_wait3A_142 = arith.constant 0 : i32
      %dma_wait3A_143 = tpu.memref_slice %arg12[%run_scoped3A_41, %dma_wait3A_141, %dma_wait3A_142] : memref<3x80x64xf32, #tpu.memory_space<vmem>> -> memref<1x80x64xf32, #tpu.memory_space<vmem>>
      %dma_wait3A_144 = tpu.memref_squeeze %dma_wait3A_143 : memref<1x80x64xf32, #tpu.memory_space<vmem>> -> memref<80x64xf32, #tpu.memory_space<vmem>>
      %dma_wait3A_145 = arith.constant 0 : i32
      %dma_wait3A_146 = tpu.memref_slice %arg13[%add3A_40, %dma_wait3A_145] : memref<10240x64xf32, #tpu.memory_space<vmem_shared>> -> memref<80x64xf32, #tpu.memory_space<vmem_shared>>
      %dma_wait3A_147 = arith.constant 0 : i32
      %dma_wait3A_148 = tpu.memref_slice %arg13[%add3A_40, %dma_wait3A_147] : memref<10240x64xf32, #tpu.memory_space<vmem_shared>> -> memref<80x64xf32, #tpu.memory_space<vmem_shared>>
      %dma_wait3A_149 = arith.constant 0 : i32
      %dma_wait3A_150 = arith.constant 0 : i32
      %dma_wait3A_151 = tpu.memref_slice %arg12[%run_scoped3A_41, %dma_wait3A_149, %dma_wait3A_150] : memref<3x80x64xf32, #tpu.memory_space<vmem>> -> memref<1x80x64xf32, #tpu.memory_space<vmem>>
      %dma_wait3A_152 = tpu.memref_squeeze %dma_wait3A_151 : memref<1x80x64xf32, #tpu.memory_space<vmem>> -> memref<80x64xf32, #tpu.memory_space<vmem>>
      tpu.wait_dma2 semaphore(%run_scoped3A_128 : memref<!tpu.dma_semaphore, #tpu.memory_space<semaphore_mem>>) src(%dma_wait3A_152 : memref<80x64xf32, #tpu.memory_space<vmem>>) dst(%dma_wait3A_148 : memref<80x64xf32, #tpu.memory_space<vmem_shared>>)
      tpu.yield
    }) : () -> ()
    %run_scoped3A_42 = arith.constant 0 : i32
    "tpu.region"() ({
      %run_scoped3A_128 = tpu.sem_alloc : memref<!tpu.dma_semaphore, #tpu.memory_space<semaphore_mem>>
      %dma_start3A_129 = arith.constant 0 : i32
      %dma_start3A_130 = tpu.memref_slice %arg5[%run_scoped3A_42, %dma_start3A_129] : memref<1x10240xf32, #tpu.memory_space<hbm>> -> memref<1x10240xf32, #tpu.memory_space<hbm>>
      %dma_start3A_131 = tpu.memref_squeeze %dma_start3A_130 : memref<1x10240xf32, #tpu.memory_space<hbm>> -> memref<10240xf32, #tpu.memory_space<hbm>>
      %dma_start3A_132 = arith.constant 0 : i32
      %dma_start3A_133 = tpu.memref_slice %arg5[%run_scoped3A_42, %dma_start3A_132] : memref<1x10240xf32, #tpu.memory_space<hbm>> -> memref<1x10240xf32, #tpu.memory_space<hbm>>
      %dma_start3A_134 = tpu.memref_squeeze %dma_start3A_133 : memref<1x10240xf32, #tpu.memory_space<hbm>> -> memref<10240xf32, #tpu.memory_space<hbm>>
      tpu.enqueue_dma source(%dma_start3A_134 : memref<10240xf32, #tpu.memory_space<hbm>>) target(%arg11 : memref<10240xf32, #tpu.memory_space<vmem>>) target_semaphore(%run_scoped3A_128 : memref<!tpu.dma_semaphore, #tpu.memory_space<semaphore_mem>>)
      %dma_wait3A_135 = arith.constant 0 : i32
      %dma_wait3A_136 = tpu.memref_slice %arg5[%run_scoped3A_42, %dma_wait3A_135] : memref<1x10240xf32, #tpu.memory_space<hbm>> -> memref<1x10240xf32, #tpu.memory_space<hbm>>
      %dma_wait3A_137 = tpu.memref_squeeze %dma_wait3A_136 : memref<1x10240xf32, #tpu.memory_space<hbm>> -> memref<10240xf32, #tpu.memory_space<hbm>>
      %dma_wait3A_138 = arith.constant 0 : i32
      %dma_wait3A_139 = tpu.memref_slice %arg5[%run_scoped3A_42, %dma_wait3A_138] : memref<1x10240xf32, #tpu.memory_space<hbm>> -> memref<1x10240xf32, #tpu.memory_space<hbm>>
      %dma_wait3A_140 = tpu.memref_squeeze %dma_wait3A_139 : memref<1x10240xf32, #tpu.memory_space<hbm>> -> memref<10240xf32, #tpu.memory_space<hbm>>
      tpu.wait_dma2 semaphore(%run_scoped3A_128 : memref<!tpu.dma_semaphore, #tpu.memory_space<semaphore_mem>>) src(%dma_wait3A_140 : memref<10240xf32, #tpu.memory_space<hbm>>) dst(%arg11 : memref<10240xf32, #tpu.memory_space<vmem>>)
      tpu.yield
    }) : () -> ()
    %mul3A_43 = arith.constant 20640 : i32
    %mul3A_44 = arith.muli %arg1, %mul3A_43 : i32
    "tpu.region"() ({
      %run_scoped3A_128 = tpu.sem_alloc : memref<!tpu.dma_semaphore, #tpu.memory_space<semaphore_mem>>
      %dma_start3A_129 = tpu.memref_slice %arg2[%mul3A_44] : memref<330240xi32, #tpu.memory_space<hbm>> -> memref<20640xi32, #tpu.memory_space<hbm>>
      %dma_start3A_130 = tpu.memref_slice %arg2[%mul3A_44] : memref<330240xi32, #tpu.memory_space<hbm>> -> memref<20640xi32, #tpu.memory_space<hbm>>
      tpu.enqueue_dma source(%dma_start3A_130 : memref<20640xi32, #tpu.memory_space<hbm>>) target(%arg8 : memref<20640xi32, #tpu.memory_space<vmem>>) target_semaphore(%run_scoped3A_128 : memref<!tpu.dma_semaphore, #tpu.memory_space<semaphore_mem>>)
      %dma_wait3A_131 = tpu.memref_slice %arg2[%mul3A_44] : memref<330240xi32, #tpu.memory_space<hbm>> -> memref<20640xi32, #tpu.memory_space<hbm>>
      %dma_wait3A_132 = tpu.memref_slice %arg2[%mul3A_44] : memref<330240xi32, #tpu.memory_space<hbm>> -> memref<20640xi32, #tpu.memory_space<hbm>>
      tpu.wait_dma2 semaphore(%run_scoped3A_128 : memref<!tpu.dma_semaphore, #tpu.memory_space<semaphore_mem>>) src(%dma_wait3A_132 : memref<20640xi32, #tpu.memory_space<hbm>>) dst(%arg8 : memref<20640xi32, #tpu.memory_space<vmem>>)
      tpu.yield
    }) : () -> ()
    "tpu.region"() ({
      %run_scoped3A_128 = tpu.sem_alloc : memref<!tpu.dma_semaphore, #tpu.memory_space<semaphore_mem>>
      %dma_start3A_129 = tpu.memref_slice %arg3[%mul3A_44] : memref<330240xi32, #tpu.memory_space<hbm>> -> memref<20640xi32, #tpu.memory_space<hbm>>
      %dma_start3A_130 = tpu.memref_slice %arg3[%mul3A_44] : memref<330240xi32, #tpu.memory_space<hbm>> -> memref<20640xi32, #tpu.memory_space<hbm>>
      tpu.enqueue_dma source(%dma_start3A_130 : memref<20640xi32, #tpu.memory_space<hbm>>) target(%arg9 : memref<20640xi32, #tpu.memory_space<vmem>>) target_semaphore(%run_scoped3A_128 : memref<!tpu.dma_semaphore, #tpu.memory_space<semaphore_mem>>)
      %dma_wait3A_131 = tpu.memref_slice %arg3[%mul3A_44] : memref<330240xi32, #tpu.memory_space<hbm>> -> memref<20640xi32, #tpu.memory_space<hbm>>
      %dma_wait3A_132 = tpu.memref_slice %arg3[%mul3A_44] : memref<330240xi32, #tpu.memory_space<hbm>> -> memref<20640xi32, #tpu.memory_space<hbm>>
      tpu.wait_dma2 semaphore(%run_scoped3A_128 : memref<!tpu.dma_semaphore, #tpu.memory_space<semaphore_mem>>) src(%dma_wait3A_132 : memref<20640xi32, #tpu.memory_space<hbm>>) dst(%arg9 : memref<20640xi32, #tpu.memory_space<vmem>>)
      tpu.yield
    }) : () -> ()
    "tpu.region"() ({
      %run_scoped3A_128 = tpu.sem_alloc : memref<!tpu.dma_semaphore, #tpu.memory_space<semaphore_mem>>
      %dma_start3A_129 = tpu.memref_slice %arg4[%mul3A_44] : memref<330240xf32, #tpu.memory_space<hbm>> -> memref<20640xf32, #tpu.memory_space<hbm>>
      %dma_start3A_130 = tpu.memref_slice %arg4[%mul3A_44] : memref<330240xf32, #tpu.memory_space<hbm>> -> memref<20640xf32, #tpu.memory_space<hbm>>
      tpu.enqueue_dma source(%dma_start3A_130 : memref<20640xf32, #tpu.memory_space<hbm>>) target(%arg10 : memref<20640xf32, #tpu.memory_space<vmem>>) target_semaphore(%run_scoped3A_128 : memref<!tpu.dma_semaphore, #tpu.memory_space<semaphore_mem>>)
      %dma_wait3A_131 = tpu.memref_slice %arg4[%mul3A_44] : memref<330240xf32, #tpu.memory_space<hbm>> -> memref<20640xf32, #tpu.memory_space<hbm>>
      %dma_wait3A_132 = tpu.memref_slice %arg4[%mul3A_44] : memref<330240xf32, #tpu.memory_space<hbm>> -> memref<20640xf32, #tpu.memory_space<hbm>>
      tpu.wait_dma2 semaphore(%run_scoped3A_128 : memref<!tpu.dma_semaphore, #tpu.memory_space<semaphore_mem>>) src(%dma_wait3A_132 : memref<20640xf32, #tpu.memory_space<hbm>>) dst(%arg10 : memref<20640xf32, #tpu.memory_space<vmem>>)
      tpu.yield
    }) : () -> ()
    %parallel_loop3A = arith.constant 0 : i32
    %parallel_loop3A_45 = arith.constant 20640 : i32
    %parallel_loop3A_46 = arith.constant 16 : i32
    scf.for %parallel_loop3A_128 = %parallel_loop3A to %parallel_loop3A_45 step %parallel_loop3A_46  : i32 {
      %parallel_loop3A_129 = arith.index_cast %parallel_loop3A_128 : i32 to index
      %parallel_loop3A_130 = tpu.vector_load %arg8[%parallel_loop3A_129] {strides = array<i32>} : memref<20640xi32, #tpu.memory_space<vmem>>, vector<16xi32>,
      %parallel_loop3A_131 = tpu.vector_load_idx %arg11[%parallel_loop3A_130] : memref<10240xf32, #tpu.memory_space<vmem>>[vector<16xi32>], vector<16xf32>,
      %parallel_loop3A_132 = arith.index_cast %parallel_loop3A_128 : i32 to index
      %parallel_loop3A_133 = tpu.vector_load %arg9[%parallel_loop3A_132] {strides = array<i32>} : memref<20640xi32, #tpu.memory_space<vmem>>, vector<16xi32>,
      %parallel_loop3A_134 = tpu.vector_load_idx %arg11[%parallel_loop3A_133] : memref<10240xf32, #tpu.memory_space<vmem>>[vector<16xi32>], vector<16xf32>,
      %parallel_loop3A_135 = arith.index_cast %parallel_loop3A_128 : i32 to index
      %parallel_loop3A_136 = tpu.vector_load %arg10[%parallel_loop3A_135] {strides = array<i32>} : memref<20640xf32, #tpu.memory_space<vmem>>, vector<16xf32>,
      %parallel_loop3A_137 = arith.mulf %parallel_loop3A_136, %parallel_loop3A_131 : vector<16xf32>
      %parallel_loop3A_138 = arith.mulf %parallel_loop3A_137, %parallel_loop3A_134 : vector<16xf32>
      %parallel_loop3A_139 = arith.index_cast %parallel_loop3A_128 : i32 to index
      %parallel_loop3A_140 = tpu.vector_load %arg10[%parallel_loop3A_139] {strides = array<i32>} : memref<20640xf32, #tpu.memory_space<vmem>>, vector<16xf32>,
      tpu.vector_store %arg10[%parallel_loop3A_139], %parallel_loop3A_138 {strides = array<i32>} : memref<20640xf32, #tpu.memory_space<vmem>>, vector<16xf32>,
    } {sc.loop_unroll_factor = 2 : i64, sc.parallel_access}
    %dma_start3A = arith.constant 0 : i32
    %dma_start3A_47 = arith.constant 0 : i32
    %dma_start3A_48 = arith.constant 0 : i32
    %dma_start3A_49 = arith.constant 0 : i32
    %dma_start3A_50 = tpu.memref_slice %arg12[%dma_start3A, %dma_start3A_48, %dma_start3A_49] : memref<3x80x64xf32, #tpu.memory_space<vmem>> -> memref<1x80x64xf32, #tpu.memory_space<vmem>>
    %dma_start3A_51 = tpu.memref_squeeze %dma_start3A_50 : memref<1x80x64xf32, #tpu.memory_space<vmem>> -> memref<80x64xf32, #tpu.memory_space<vmem>>
    %dma_start3A_52 = arith.constant 0 : i32
    %dma_start3A_53 = tpu.memref_slice %arg8[%dma_start3A_52] : memref<20640xi32, #tpu.memory_space<vmem>> -> memref<80xi32, #tpu.memory_space<vmem>>
    %dma_start3A_54 = arith.constant 0 : i32
    %dma_start3A_55 = arith.constant 0 : i32
    %dma_start3A_56 = tpu.memref_slice %arg6[%arg0, %dma_start3A_54, %dma_start3A_55] : memref<2x10240x64xf32, #tpu.memory_space<hbm>> -> memref<1x10240x64xf32, #tpu.memory_space<hbm>>
    %dma_start3A_57 = tpu.memref_squeeze %dma_start3A_56 : memref<1x10240x64xf32, #tpu.memory_space<hbm>> -> memref<10240x64xf32, #tpu.memory_space<hbm>>
    %dma_start3A_58 = arith.constant 0 : i32
    %dma_start3A_59 = arith.constant 0 : i32
    %dma_start3A_60 = tpu.memref_slice %dma_start3A_57[%dma_start3A_58, %dma_start3A_59] : memref<10240x64xf32, #tpu.memory_space<hbm>> -> memref<10240x64xf32, #tpu.memory_space<hbm>>
    %dma_start3A_61 = tpu.memref_slice %arg14[%dma_start3A_47] : memref<3x!tpu.dma_semaphore, #tpu.memory_space<semaphore_mem>> -> memref<1x!tpu.dma_semaphore, #tpu.memory_space<semaphore_mem>>
    %dma_start3A_62 = tpu.memref_squeeze %dma_start3A_61 : memref<1x!tpu.dma_semaphore, #tpu.memory_space<semaphore_mem>> -> memref<!tpu.dma_semaphore, #tpu.memory_space<semaphore_mem>>
    tpu.enqueue_indirect_dma source(%dma_start3A_60 : memref<10240x64xf32, #tpu.memory_space<hbm>>) target(%dma_start3A_51 : memref<80x64xf32, #tpu.memory_space<vmem>>) offsets(%dma_start3A_53 : memref<80xi32, #tpu.memory_space<vmem>>) semaphore(%dma_start3A_62 : memref<!tpu.dma_semaphore, #tpu.memory_space<semaphore_mem>>)
    %dma_start3A_63 = arith.constant 1 : i32
    %dma_start3A_64 = arith.constant 1 : i32
    %dma_start3A_65 = arith.constant 0 : i32
    %dma_start3A_66 = arith.constant 0 : i32
    %dma_start3A_67 = tpu.memref_slice %arg12[%dma_start3A_63, %dma_start3A_65, %dma_start3A_66] : memref<3x80x64xf32, #tpu.memory_space<vmem>> -> memref<1x80x64xf32, #tpu.memory_space<vmem>>
    %dma_start3A_68 = tpu.memref_squeeze %dma_start3A_67 : memref<1x80x64xf32, #tpu.memory_space<vmem>> -> memref<80x64xf32, #tpu.memory_space<vmem>>
    %dma_start3A_69 = arith.constant 80 : i32
    %dma_start3A_70 = tpu.memref_slice %arg8[%dma_start3A_69] : memref<20640xi32, #tpu.memory_space<vmem>> -> memref<80xi32, #tpu.memory_space<vmem>>
    %dma_start3A_71 = arith.constant 0 : i32
    %dma_start3A_72 = arith.constant 0 : i32
    %dma_start3A_73 = tpu.memref_slice %arg6[%arg0, %dma_start3A_71, %dma_start3A_72] : memref<2x10240x64xf32, #tpu.memory_space<hbm>> -> memref<1x10240x64xf32, #tpu.memory_space<hbm>>
    %dma_start3A_74 = tpu.memref_squeeze %dma_start3A_73 : memref<1x10240x64xf32, #tpu.memory_space<hbm>> -> memref<10240x64xf32, #tpu.memory_space<hbm>>
    %dma_start3A_75 = arith.constant 0 : i32
    %dma_start3A_76 = arith.constant 0 : i32
    %dma_start3A_77 = tpu.memref_slice %dma_start3A_74[%dma_start3A_75, %dma_start3A_76] : memref<10240x64xf32, #tpu.memory_space<hbm>> -> memref<10240x64xf32, #tpu.memory_space<hbm>>
    %dma_start3A_78 = tpu.memref_slice %arg14[%dma_start3A_64] : memref<3x!tpu.dma_semaphore, #tpu.memory_space<semaphore_mem>> -> memref<1x!tpu.dma_semaphore, #tpu.memory_space<semaphore_mem>>
    %dma_start3A_79 = tpu.memref_squeeze %dma_start3A_78 : memref<1x!tpu.dma_semaphore, #tpu.memory_space<semaphore_mem>> -> memref<!tpu.dma_semaphore, #tpu.memory_space<semaphore_mem>>
    tpu.enqueue_indirect_dma source(%dma_start3A_77 : memref<10240x64xf32, #tpu.memory_space<hbm>>) target(%dma_start3A_68 : memref<80x64xf32, #tpu.memory_space<vmem>>) offsets(%dma_start3A_70 : memref<80xi32, #tpu.memory_space<vmem>>) semaphore(%dma_start3A_79 : memref<!tpu.dma_semaphore, #tpu.memory_space<semaphore_mem>>)
    %barrier3A = arith.constant 0 : index
    tpu.barrier barrier_id(%barrier3A)
    %scan3A_80 = arith.constant 0 : i32
    %scan3A_81 = arith.constant 86 : i32
    %scan3A_82 = arith.addi %scan3A_80, %scan3A_81 : i32
    %scan3A_83 = arith.constant 1 : i32
    scf.for %scan3A_128 = %scan3A_80 to %scan3A_82 step %scan3A_83  : i32 {
      %mul3A_129 = arith.constant 3 : i32
      %mul3A_130 = arith.muli %scan3A_128, %mul3A_129 : i32
      %add3A_131 = arith.constant 0 : i32
      %add3A_132 = arith.addi %add3A_131, %mul3A_130 : i32
      %add3A_133 = arith.constant 0 : i32
      %add3A_134 = arith.addi %add3A_132, %add3A_133 : i32
      %mul3A_135 = arith.constant 80 : i32
      %mul3A_136 = arith.muli %add3A_134, %mul3A_135 : i32
      %dma_wait3A_137 = arith.constant 0 : i32
      %dma_wait3A_138 = arith.constant 0 : i32
      %dma_wait3A_139 = arith.constant 0 : i32
      %dma_wait3A_140 = arith.constant 0 : i32
      %dma_wait3A_141 = tpu.memref_slice %arg12[%dma_wait3A_137, %dma_wait3A_139, %dma_wait3A_140] : memref<3x80x64xf32, #tpu.memory_space<vmem>> -> memref<1x80x64xf32, #tpu.memory_space<vmem>>
      %dma_wait3A_142 = tpu.memref_squeeze %dma_wait3A_141 : memref<1x80x64xf32, #tpu.memory_space<vmem>> -> memref<80x64xf32, #tpu.memory_space<vmem>>
      %dma_wait3A_143 = tpu.memref_slice %arg8[%mul3A_136] : memref<20640xi32, #tpu.memory_space<vmem>> -> memref<80xi32, #tpu.memory_space<vmem>>
      %dma_wait3A_144 = arith.constant 0 : i32
      %dma_wait3A_145 = arith.constant 0 : i32
      %dma_wait3A_146 = tpu.memref_slice %arg6[%arg0, %dma_wait3A_144, %dma_wait3A_145] : memref<2x10240x64xf32, #tpu.memory_space<hbm>> -> memref<1x10240x64xf32, #tpu.memory_space<hbm>>
      %dma_wait3A_147 = tpu.memref_squeeze %dma_wait3A_146 : memref<1x10240x64xf32, #tpu.memory_space<hbm>> -> memref<10240x64xf32, #tpu.memory_space<hbm>>
      %dma_wait3A_148 = arith.constant 0 : i32
      %dma_wait3A_149 = arith.constant 0 : i32
      %dma_wait3A_150 = tpu.memref_slice %dma_wait3A_147[%dma_wait3A_148, %dma_wait3A_149] : memref<10240x64xf32, #tpu.memory_space<hbm>> -> memref<10240x64xf32, #tpu.memory_space<hbm>>
      %dma_wait3A_151 = tpu.memref_slice %arg14[%dma_wait3A_138] : memref<3x!tpu.dma_semaphore, #tpu.memory_space<semaphore_mem>> -> memref<1x!tpu.dma_semaphore, #tpu.memory_space<semaphore_mem>>
      %dma_wait3A_152 = tpu.memref_squeeze %dma_wait3A_151 : memref<1x!tpu.dma_semaphore, #tpu.memory_space<semaphore_mem>> -> memref<!tpu.dma_semaphore, #tpu.memory_space<semaphore_mem>>
      tpu.wait_indirect_dma semaphore(%dma_wait3A_152 : memref<!tpu.dma_semaphore, #tpu.memory_space<semaphore_mem>>) src(%dma_wait3A_150 : memref<10240x64xf32, #tpu.memory_space<hbm>>) dst(%dma_wait3A_142 : memref<80x64xf32, #tpu.memory_space<vmem>>)
      %mul3A_153 = arith.constant 80 : i32
      %mul3A_154 = arith.muli %add3A_134, %mul3A_153 : i32
      %broadcast_in_dim3A_155 = vector.broadcast %mul3A_154 : i32 to vector<16xi32>
      %parallel_loop3A_156 = arith.constant 0 : i32
      %parallel_loop3A_157 = arith.constant 80 : i32
      %parallel_loop3A_158 = arith.constant 1 : i32
      scf.for %parallel_loop3A_299 = %parallel_loop3A_156 to %parallel_loop3A_157 step %parallel_loop3A_158  : i32 {
        %parallel_loop3A_300 = vector.broadcast %parallel_loop3A_299 : i32 to vector<16xi32>
        %parallel_loop3A_301 = arith.addi %broadcast_in_dim3A_155, %parallel_loop3A_300 : vector<16xi32>
        %parallel_loop3A_302 = tpu.vector_load_idx %arg10[%parallel_loop3A_301] : memref<20640xf32, #tpu.memory_space<vmem>>[vector<16xi32>], vector<16xf32>,
        %parallel_loop3A_303 = arith.constant 0 : i32
        %parallel_loop3A_304 = arith.index_cast %parallel_loop3A_303 : i32 to index
        %parallel_loop3A_305 = arith.index_cast %parallel_loop3A_299 : i32 to index
        %parallel_loop3A_306 = arith.constant 0 : index
        %parallel_loop3A_307 = tpu.vector_load %arg12[%parallel_loop3A_304, %parallel_loop3A_305, %parallel_loop3A_306] {strides = array<i32>} : memref<3x80x64xf32, #tpu.memory_space<vmem>>, vector<16xf32>,
        %parallel_loop3A_308 = arith.mulf %parallel_loop3A_307, %parallel_loop3A_302 : vector<16xf32>
        %parallel_loop3A_309 = arith.constant 0 : i32
        %parallel_loop3A_310 = arith.index_cast %parallel_loop3A_309 : i32 to index
        %parallel_loop3A_311 = arith.index_cast %parallel_loop3A_299 : i32 to index
        %parallel_loop3A_312 = arith.constant 0 : index
        %parallel_loop3A_313 = tpu.vector_load %arg12[%parallel_loop3A_310, %parallel_loop3A_311, %parallel_loop3A_312] {strides = array<i32>} : memref<3x80x64xf32, #tpu.memory_space<vmem>>, vector<16xf32>,
        tpu.vector_store %arg12[%parallel_loop3A_310, %parallel_loop3A_311, %parallel_loop3A_312], %parallel_loop3A_308 {strides = array<i32>} : memref<3x80x64xf32, #tpu.memory_space<vmem>>, vector<16xf32>,
        %parallel_loop3A_314 = arith.constant 0 : i32
        %parallel_loop3A_315 = arith.index_cast %parallel_loop3A_314 : i32 to index
        %parallel_loop3A_316 = arith.index_cast %parallel_loop3A_299 : i32 to index
        %parallel_loop3A_317 = arith.constant 16 : index
        %parallel_loop3A_318 = tpu.vector_load %arg12[%parallel_loop3A_315, %parallel_loop3A_316, %parallel_loop3A_317] {strides = array<i32>} : memref<3x80x64xf32, #tpu.memory_space<vmem>>, vector<16xf32>,
        %parallel_loop3A_319 = arith.mulf %parallel_loop3A_318, %parallel_loop3A_302 : vector<16xf32>
        %parallel_loop3A_320 = arith.constant 0 : i32
        %parallel_loop3A_321 = arith.index_cast %parallel_loop3A_320 : i32 to index
        %parallel_loop3A_322 = arith.index_cast %parallel_loop3A_299 : i32 to index
        %parallel_loop3A_323 = arith.constant 16 : index
        %parallel_loop3A_324 = tpu.vector_load %arg12[%parallel_loop3A_321, %parallel_loop3A_322, %parallel_loop3A_323] {strides = array<i32>} : memref<3x80x64xf32, #tpu.memory_space<vmem>>, vector<16xf32>,
        tpu.vector_store %arg12[%parallel_loop3A_321, %parallel_loop3A_322, %parallel_loop3A_323], %parallel_loop3A_319 {strides = array<i32>} : memref<3x80x64xf32, #tpu.memory_space<vmem>>, vector<16xf32>,
        %parallel_loop3A_325 = arith.constant 0 : i32
        %parallel_loop3A_326 = arith.index_cast %parallel_loop3A_325 : i32 to index
        %parallel_loop3A_327 = arith.index_cast %parallel_loop3A_299 : i32 to index
        %parallel_loop3A_328 = arith.constant 32 : index
        %parallel_loop3A_329 = tpu.vector_load %arg12[%parallel_loop3A_326, %parallel_loop3A_327, %parallel_loop3A_328] {strides = array<i32>} : memref<3x80x64xf32, #tpu.memory_space<vmem>>, vector<16xf32>,
        %parallel_loop3A_330 = arith.mulf %parallel_loop3A_329, %parallel_loop3A_302 : vector<16xf32>
        %parallel_loop3A_331 = arith.constant 0 : i32
        %parallel_loop3A_332 = arith.index_cast %parallel_loop3A_331 : i32 to index
        %parallel_loop3A_333 = arith.index_cast %parallel_loop3A_299 : i32 to index
        %parallel_loop3A_334 = arith.constant 32 : index
        %parallel_loop3A_335 = tpu.vector_load %arg12[%parallel_loop3A_332, %parallel_loop3A_333, %parallel_loop3A_334] {strides = array<i32>} : memref<3x80x64xf32, #tpu.memory_space<vmem>>, vector<16xf32>,
        tpu.vector_store %arg12[%parallel_loop3A_332, %parallel_loop3A_333, %parallel_loop3A_334], %parallel_loop3A_330 {strides = array<i32>} : memref<3x80x64xf32, #tpu.memory_space<vmem>>, vector<16xf32>,
        %parallel_loop3A_336 = arith.constant 0 : i32
        %parallel_loop3A_337 = arith.index_cast %parallel_loop3A_336 : i32 to index
        %parallel_loop3A_338 = arith.index_cast %parallel_loop3A_299 : i32 to index
        %parallel_loop3A_339 = arith.constant 48 : index
        %parallel_loop3A_340 = tpu.vector_load %arg12[%parallel_loop3A_337, %parallel_loop3A_338, %parallel_loop3A_339] {strides = array<i32>} : memref<3x80x64xf32, #tpu.memory_space<vmem>>, vector<16xf32>,
        %parallel_loop3A_341 = arith.mulf %parallel_loop3A_340, %parallel_loop3A_302 : vector<16xf32>
        %parallel_loop3A_342 = arith.constant 0 : i32
        %parallel_loop3A_343 = arith.index_cast %parallel_loop3A_342 : i32 to index
        %parallel_loop3A_344 = arith.index_cast %parallel_loop3A_299 : i32 to index
        %parallel_loop3A_345 = arith.constant 48 : index
        %parallel_loop3A_346 = tpu.vector_load %arg12[%parallel_loop3A_343, %parallel_loop3A_344, %parallel_loop3A_345] {strides = array<i32>} : memref<3x80x64xf32, #tpu.memory_space<vmem>>, vector<16xf32>,
        tpu.vector_store %arg12[%parallel_loop3A_343, %parallel_loop3A_344, %parallel_loop3A_345], %parallel_loop3A_341 {strides = array<i32>} : memref<3x80x64xf32, #tpu.memory_space<vmem>>, vector<16xf32>,
      } {sc.loop_unroll_factor = 4 : i64, sc.parallel_access}
      %mul3A_159 = arith.constant 80 : i32
      %mul3A_160 = arith.muli %add3A_134, %mul3A_159 : i32
      %dma_start3A_161 = arith.constant 0 : i32
      %dma_start3A_162 = arith.constant 0 : i32
      %dma_start3A_163 = arith.constant 0 : i32
      %dma_start3A_164 = arith.constant 0 : i32
      %dma_start3A_165 = tpu.memref_slice %arg12[%dma_start3A_161, %dma_start3A_163, %dma_start3A_164] : memref<3x80x64xf32, #tpu.memory_space<vmem>> -> memref<1x80x64xf32, #tpu.memory_space<vmem>>
      %dma_start3A_166 = tpu.memref_squeeze %dma_start3A_165 : memref<1x80x64xf32, #tpu.memory_space<vmem>> -> memref<80x64xf32, #tpu.memory_space<vmem>>
      %dma_start3A_167 = tpu.memref_slice %arg9[%mul3A_160] : memref<20640xi32, #tpu.memory_space<vmem>> -> memref<80xi32, #tpu.memory_space<vmem>>
      %dma_start3A_168 = arith.constant 0 : i32
      %dma_start3A_169 = arith.constant 0 : i32
      %dma_start3A_170 = tpu.memref_slice %arg13[%dma_start3A_168, %dma_start3A_169] : memref<10240x64xf32, #tpu.memory_space<vmem_shared>> -> memref<10240x64xf32, #tpu.memory_space<vmem_shared>>
      %dma_start3A_171 = tpu.memref_slice %arg15[%dma_start3A_162] : memref<3x!tpu.dma_semaphore, #tpu.memory_space<semaphore_mem>> -> memref<1x!tpu.dma_semaphore, #tpu.memory_space<semaphore_mem>>
      %dma_start3A_172 = tpu.memref_squeeze %dma_start3A_171 : memref<1x!tpu.dma_semaphore, #tpu.memory_space<semaphore_mem>> -> memref<!tpu.dma_semaphore, #tpu.memory_space<semaphore_mem>>
      tpu.enqueue_indirect_dma source(%dma_start3A_166 : memref<80x64xf32, #tpu.memory_space<vmem>>) target(%dma_start3A_170 : memref<10240x64xf32, #tpu.memory_space<vmem_shared>>) offsets(%dma_start3A_167 : memref<80xi32, #tpu.memory_space<vmem>>) semaphore(%dma_start3A_172 : memref<!tpu.dma_semaphore, #tpu.memory_space<semaphore_mem>>) {add = true}
      %ge3A = arith.constant 1 : i32
      %ge3A_173 = arith.cmpi sge, %add3A_134, %ge3A : i32
      %add3A_174 = arith.constant 2 : i32
      %add3A_175 = arith.addi %add3A_134, %add3A_174 : i32
      %lt3A = arith.constant 258 : i32
      %lt3A_176 = arith.cmpi slt, %add3A_175, %lt3A : i32
      %and3A = arith.andi %ge3A_173, %lt3A_176 : i1
      %convert_element_type3A = arith.extui %and3A : i1 to i32
      %cond3A = arith.constant 0 : i32
      %cond3A_177 = arith.cmpi ne, %convert_element_type3A, %cond3A : i32
      scf.if %cond3A_177 {
        %sub3A = arith.constant 1 : i32
        %sub3A_299 = arith.subi %add3A_134, %sub3A : i32
        %mul3A_300 = arith.constant 80 : i32
        %mul3A_301 = arith.muli %sub3A_299, %mul3A_300 : i32
        %dma_wait3A_302 = arith.constant 2 : i32
        %dma_wait3A_303 = arith.constant 2 : i32
        %dma_wait3A_304 = arith.constant 0 : i32
        %dma_wait3A_305 = arith.constant 0 : i32
        %dma_wait3A_306 = tpu.memref_slice %arg12[%dma_wait3A_302, %dma_wait3A_304, %dma_wait3A_305] : memref<3x80x64xf32, #tpu.memory_space<vmem>> -> memref<1x80x64xf32, #tpu.memory_space<vmem>>
        %dma_wait3A_307 = tpu.memref_squeeze %dma_wait3A_306 : memref<1x80x64xf32, #tpu.memory_space<vmem>> -> memref<80x64xf32, #tpu.memory_space<vmem>>
        %dma_wait3A_308 = tpu.memref_slice %arg9[%mul3A_301] : memref<20640xi32, #tpu.memory_space<vmem>> -> memref<80xi32, #tpu.memory_space<vmem>>
        %dma_wait3A_309 = arith.constant 0 : i32
        %dma_wait3A_310 = arith.constant 0 : i32
        %dma_wait3A_311 = tpu.memref_slice %arg13[%dma_wait3A_309, %dma_wait3A_310] : memref<10240x64xf32, #tpu.memory_space<vmem_shared>> -> memref<10240x64xf32, #tpu.memory_space<vmem_shared>>
        %dma_wait3A_312 = tpu.memref_slice %arg15[%dma_wait3A_303] : memref<3x!tpu.dma_semaphore, #tpu.memory_space<semaphore_mem>> -> memref<1x!tpu.dma_semaphore, #tpu.memory_space<semaphore_mem>>
        %dma_wait3A_313 = tpu.memref_squeeze %dma_wait3A_312 : memref<1x!tpu.dma_semaphore, #tpu.memory_space<semaphore_mem>> -> memref<!tpu.dma_semaphore, #tpu.memory_space<semaphore_mem>>
        tpu.wait_indirect_dma semaphore(%dma_wait3A_313 : memref<!tpu.dma_semaphore, #tpu.memory_space<semaphore_mem>>) src(%dma_wait3A_307 : memref<80x64xf32, #tpu.memory_space<vmem>>) dst(%dma_wait3A_311 : memref<10240x64xf32, #tpu.memory_space<vmem_shared>>)
      } else {
      }
      %add3A_178 = arith.constant 2 : i32
      %add3A_179 = arith.addi %add3A_134, %add3A_178 : i32
      %lt3A_180 = arith.constant 258 : i32
      %lt3A_181 = arith.cmpi slt, %add3A_179, %lt3A_180 : i32
      %convert_element_type3A_182 = arith.extui %lt3A_181 : i1 to i32
      %cond3A_183 = arith.constant 0 : i32
      %cond3A_184 = arith.cmpi ne, %convert_element_type3A_182, %cond3A_183 : i32
      scf.if %cond3A_184 {
        %add3A_299 = arith.constant 2 : i32
        %add3A_300 = arith.addi %add3A_134, %add3A_299 : i32
        %mul3A_301 = arith.constant 80 : i32
        %mul3A_302 = arith.muli %add3A_300, %mul3A_301 : i32
        %dma_start3A_303 = arith.constant 2 : i32
        %dma_start3A_304 = arith.constant 2 : i32
        %dma_start3A_305 = arith.constant 0 : i32
        %dma_start3A_306 = arith.constant 0 : i32
        %dma_start3A_307 = tpu.memref_slice %arg12[%dma_start3A_303, %dma_start3A_305, %dma_start3A_306] : memref<3x80x64xf32, #tpu.memory_space<vmem>> -> memref<1x80x64xf32, #tpu.memory_space<vmem>>
        %dma_start3A_308 = tpu.memref_squeeze %dma_start3A_307 : memref<1x80x64xf32, #tpu.memory_space<vmem>> -> memref<80x64xf32, #tpu.memory_space<vmem>>
        %dma_start3A_309 = tpu.memref_slice %arg8[%mul3A_302] : memref<20640xi32, #tpu.memory_space<vmem>> -> memref<80xi32, #tpu.memory_space<vmem>>
        %dma_start3A_310 = arith.constant 0 : i32
        %dma_start3A_311 = arith.constant 0 : i32
        %dma_start3A_312 = tpu.memref_slice %arg6[%arg0, %dma_start3A_310, %dma_start3A_311] : memref<2x10240x64xf32, #tpu.memory_space<hbm>> -> memref<1x10240x64xf32, #tpu.memory_space<hbm>>
        %dma_start3A_313 = tpu.memref_squeeze %dma_start3A_312 : memref<1x10240x64xf32, #tpu.memory_space<hbm>> -> memref<10240x64xf32, #tpu.memory_space<hbm>>
        %dma_start3A_314 = arith.constant 0 : i32
        %dma_start3A_315 = arith.constant 0 : i32
        %dma_start3A_316 = tpu.memref_slice %dma_start3A_313[%dma_start3A_314, %dma_start3A_315] : memref<10240x64xf32, #tpu.memory_space<hbm>> -> memref<10240x64xf32, #tpu.memory_space<hbm>>
        %dma_start3A_317 = tpu.memref_slice %arg14[%dma_start3A_304] : memref<3x!tpu.dma_semaphore, #tpu.memory_space<semaphore_mem>> -> memref<1x!tpu.dma_semaphore, #tpu.memory_space<semaphore_mem>>
        %dma_start3A_318 = tpu.memref_squeeze %dma_start3A_317 : memref<1x!tpu.dma_semaphore, #tpu.memory_space<semaphore_mem>> -> memref<!tpu.dma_semaphore, #tpu.memory_space<semaphore_mem>>
        tpu.enqueue_indirect_dma source(%dma_start3A_316 : memref<10240x64xf32, #tpu.memory_space<hbm>>) target(%dma_start3A_308 : memref<80x64xf32, #tpu.memory_space<vmem>>) offsets(%dma_start3A_309 : memref<80xi32, #tpu.memory_space<vmem>>) semaphore(%dma_start3A_318 : memref<!tpu.dma_semaphore, #tpu.memory_space<semaphore_mem>>)
      } else {
      }
      %add3A_185 = arith.constant 1 : i32
      %add3A_186 = arith.addi %add3A_132, %add3A_185 : i32
      %mul3A_187 = arith.constant 80 : i32
      %mul3A_188 = arith.muli %add3A_186, %mul3A_187 : i32
      %dma_wait3A_189 = arith.constant 1 : i32
      %dma_wait3A_190 = arith.constant 1 : i32
      %dma_wait3A_191 = arith.constant 0 : i32
      %dma_wait3A_192 = arith.constant 0 : i32
      %dma_wait3A_193 = tpu.memref_slice %arg12[%dma_wait3A_189, %dma_wait3A_191, %dma_wait3A_192] : memref<3x80x64xf32, #tpu.memory_space<vmem>> -> memref<1x80x64xf32, #tpu.memory_space<vmem>>
      %dma_wait3A_194 = tpu.memref_squeeze %dma_wait3A_193 : memref<1x80x64xf32, #tpu.memory_space<vmem>> -> memref<80x64xf32, #tpu.memory_space<vmem>>
      %dma_wait3A_195 = tpu.memref_slice %arg8[%mul3A_188] : memref<20640xi32, #tpu.memory_space<vmem>> -> memref<80xi32, #tpu.memory_space<vmem>>
      %dma_wait3A_196 = arith.constant 0 : i32
      %dma_wait3A_197 = arith.constant 0 : i32
      %dma_wait3A_198 = tpu.memref_slice %arg6[%arg0, %dma_wait3A_196, %dma_wait3A_197] : memref<2x10240x64xf32, #tpu.memory_space<hbm>> -> memref<1x10240x64xf32, #tpu.memory_space<hbm>>
      %dma_wait3A_199 = tpu.memref_squeeze %dma_wait3A_198 : memref<1x10240x64xf32, #tpu.memory_space<hbm>> -> memref<10240x64xf32, #tpu.memory_space<hbm>>
      %dma_wait3A_200 = arith.constant 0 : i32
      %dma_wait3A_201 = arith.constant 0 : i32
      %dma_wait3A_202 = tpu.memref_slice %dma_wait3A_199[%dma_wait3A_200, %dma_wait3A_201] : memref<10240x64xf32, #tpu.memory_space<hbm>> -> memref<10240x64xf32, #tpu.memory_space<hbm>>
      %dma_wait3A_203 = tpu.memref_slice %arg14[%dma_wait3A_190] : memref<3x!tpu.dma_semaphore, #tpu.memory_space<semaphore_mem>> -> memref<1x!tpu.dma_semaphore, #tpu.memory_space<semaphore_mem>>
      %dma_wait3A_204 = tpu.memref_squeeze %dma_wait3A_203 : memref<1x!tpu.dma_semaphore, #tpu.memory_space<semaphore_mem>> -> memref<!tpu.dma_semaphore, #tpu.memory_space<semaphore_mem>>
      tpu.wait_indirect_dma semaphore(%dma_wait3A_204 : memref<!tpu.dma_semaphore, #tpu.memory_space<semaphore_mem>>) src(%dma_wait3A_202 : memref<10240x64xf32, #tpu.memory_space<hbm>>) dst(%dma_wait3A_194 : memref<80x64xf32, #tpu.memory_space<vmem>>)
      %mul3A_205 = arith.constant 80 : i32
      %mul3A_206 = arith.muli %add3A_186, %mul3A_205 : i32
      %broadcast_in_dim3A_207 = vector.broadcast %mul3A_206 : i32 to vector<16xi32>
      %parallel_loop3A_208 = arith.constant 0 : i32
      %parallel_loop3A_209 = arith.constant 80 : i32
      %parallel_loop3A_210 = arith.constant 1 : i32
      scf.for %parallel_loop3A_299 = %parallel_loop3A_208 to %parallel_loop3A_209 step %parallel_loop3A_210  : i32 {
        %parallel_loop3A_300 = vector.broadcast %parallel_loop3A_299 : i32 to vector<16xi32>
        %parallel_loop3A_301 = arith.addi %broadcast_in_dim3A_207, %parallel_loop3A_300 : vector<16xi32>
        %parallel_loop3A_302 = tpu.vector_load_idx %arg10[%parallel_loop3A_301] : memref<20640xf32, #tpu.memory_space<vmem>>[vector<16xi32>], vector<16xf32>,
        %parallel_loop3A_303 = arith.constant 1 : i32
        %parallel_loop3A_304 = arith.index_cast %parallel_loop3A_303 : i32 to index
        %parallel_loop3A_305 = arith.index_cast %parallel_loop3A_299 : i32 to index
        %parallel_loop3A_306 = arith.constant 0 : index
        %parallel_loop3A_307 = tpu.vector_load %arg12[%parallel_loop3A_304, %parallel_loop3A_305, %parallel_loop3A_306] {strides = array<i32>} : memref<3x80x64xf32, #tpu.memory_space<vmem>>, vector<16xf32>,
        %parallel_loop3A_308 = arith.mulf %parallel_loop3A_307, %parallel_loop3A_302 : vector<16xf32>
        %parallel_loop3A_309 = arith.constant 1 : i32
        %parallel_loop3A_310 = arith.index_cast %parallel_loop3A_309 : i32 to index
        %parallel_loop3A_311 = arith.index_cast %parallel_loop3A_299 : i32 to index
        %parallel_loop3A_312 = arith.constant 0 : index
        %parallel_loop3A_313 = tpu.vector_load %arg12[%parallel_loop3A_310, %parallel_loop3A_311, %parallel_loop3A_312] {strides = array<i32>} : memref<3x80x64xf32, #tpu.memory_space<vmem>>, vector<16xf32>,
        tpu.vector_store %arg12[%parallel_loop3A_310, %parallel_loop3A_311, %parallel_loop3A_312], %parallel_loop3A_308 {strides = array<i32>} : memref<3x80x64xf32, #tpu.memory_space<vmem>>, vector<16xf32>,
        %parallel_loop3A_314 = arith.constant 1 : i32
        %parallel_loop3A_315 = arith.index_cast %parallel_loop3A_314 : i32 to index
        %parallel_loop3A_316 = arith.index_cast %parallel_loop3A_299 : i32 to index
        %parallel_loop3A_317 = arith.constant 16 : index
        %parallel_loop3A_318 = tpu.vector_load %arg12[%parallel_loop3A_315, %parallel_loop3A_316, %parallel_loop3A_317] {strides = array<i32>} : memref<3x80x64xf32, #tpu.memory_space<vmem>>, vector<16xf32>,
        %parallel_loop3A_319 = arith.mulf %parallel_loop3A_318, %parallel_loop3A_302 : vector<16xf32>
        %parallel_loop3A_320 = arith.constant 1 : i32
        %parallel_loop3A_321 = arith.index_cast %parallel_loop3A_320 : i32 to index
        %parallel_loop3A_322 = arith.index_cast %parallel_loop3A_299 : i32 to index
        %parallel_loop3A_323 = arith.constant 16 : index
        %parallel_loop3A_324 = tpu.vector_load %arg12[%parallel_loop3A_321, %parallel_loop3A_322, %parallel_loop3A_323] {strides = array<i32>} : memref<3x80x64xf32, #tpu.memory_space<vmem>>, vector<16xf32>,
        tpu.vector_store %arg12[%parallel_loop3A_321, %parallel_loop3A_322, %parallel_loop3A_323], %parallel_loop3A_319 {strides = array<i32>} : memref<3x80x64xf32, #tpu.memory_space<vmem>>, vector<16xf32>,
        %parallel_loop3A_325 = arith.constant 1 : i32
        %parallel_loop3A_326 = arith.index_cast %parallel_loop3A_325 : i32 to index
        %parallel_loop3A_327 = arith.index_cast %parallel_loop3A_299 : i32 to index
        %parallel_loop3A_328 = arith.constant 32 : index
        %parallel_loop3A_329 = tpu.vector_load %arg12[%parallel_loop3A_326, %parallel_loop3A_327, %parallel_loop3A_328] {strides = array<i32>} : memref<3x80x64xf32, #tpu.memory_space<vmem>>, vector<16xf32>,
        %parallel_loop3A_330 = arith.mulf %parallel_loop3A_329, %parallel_loop3A_302 : vector<16xf32>
        %parallel_loop3A_331 = arith.constant 1 : i32
        %parallel_loop3A_332 = arith.index_cast %parallel_loop3A_331 : i32 to index
        %parallel_loop3A_333 = arith.index_cast %parallel_loop3A_299 : i32 to index
        %parallel_loop3A_334 = arith.constant 32 : index
        %parallel_loop3A_335 = tpu.vector_load %arg12[%parallel_loop3A_332, %parallel_loop3A_333, %parallel_loop3A_334] {strides = array<i32>} : memref<3x80x64xf32, #tpu.memory_space<vmem>>, vector<16xf32>,
        tpu.vector_store %arg12[%parallel_loop3A_332, %parallel_loop3A_333, %parallel_loop3A_334], %parallel_loop3A_330 {strides = array<i32>} : memref<3x80x64xf32, #tpu.memory_space<vmem>>, vector<16xf32>,
        %parallel_loop3A_336 = arith.constant 1 : i32
        %parallel_loop3A_337 = arith.index_cast %parallel_loop3A_336 : i32 to index
        %parallel_loop3A_338 = arith.index_cast %parallel_loop3A_299 : i32 to index
        %parallel_loop3A_339 = arith.constant 48 : index
        %parallel_loop3A_340 = tpu.vector_load %arg12[%parallel_loop3A_337, %parallel_loop3A_338, %parallel_loop3A_339] {strides = array<i32>} : memref<3x80x64xf32, #tpu.memory_space<vmem>>, vector<16xf32>,
        %parallel_loop3A_341 = arith.mulf %parallel_loop3A_340, %parallel_loop3A_302 : vector<16xf32>
        %parallel_loop3A_342 = arith.constant 1 : i32
        %parallel_loop3A_343 = arith.index_cast %parallel_loop3A_342 : i32 to index
        %parallel_loop3A_344 = arith.index_cast %parallel_loop3A_299 : i32 to index
        %parallel_loop3A_345 = arith.constant 48 : index
        %parallel_loop3A_346 = tpu.vector_load %arg12[%parallel_loop3A_343, %parallel_loop3A_344, %parallel_loop3A_345] {strides = array<i32>} : memref<3x80x64xf32, #tpu.memory_space<vmem>>, vector<16xf32>,
        tpu.vector_store %arg12[%parallel_loop3A_343, %parallel_loop3A_344, %parallel_loop3A_345], %parallel_loop3A_341 {strides = array<i32>} : memref<3x80x64xf32, #tpu.memory_space<vmem>>, vector<16xf32>,
      } {sc.loop_unroll_factor = 4 : i64, sc.parallel_access}
      %mul3A_211 = arith.constant 80 : i32
      %mul3A_212 = arith.muli %add3A_186, %mul3A_211 : i32
      %dma_start3A_213 = arith.constant 1 : i32
      %dma_start3A_214 = arith.constant 1 : i32
      %dma_start3A_215 = arith.constant 0 : i32
      %dma_start3A_216 = arith.constant 0 : i32
      %dma_start3A_217 = tpu.memref_slice %arg12[%dma_start3A_213, %dma_start3A_215, %dma_start3A_216] : memref<3x80x64xf32, #tpu.memory_space<vmem>> -> memref<1x80x64xf32, #tpu.memory_space<vmem>>
      %dma_start3A_218 = tpu.memref_squeeze %dma_start3A_217 : memref<1x80x64xf32, #tpu.memory_space<vmem>> -> memref<80x64xf32, #tpu.memory_space<vmem>>
      %dma_start3A_219 = tpu.memref_slice %arg9[%mul3A_212] : memref<20640xi32, #tpu.memory_space<vmem>> -> memref<80xi32, #tpu.memory_space<vmem>>
      %dma_start3A_220 = arith.constant 0 : i32
      %dma_start3A_221 = arith.constant 0 : i32
      %dma_start3A_222 = tpu.memref_slice %arg13[%dma_start3A_220, %dma_start3A_221] : memref<10240x64xf32, #tpu.memory_space<vmem_shared>> -> memref<10240x64xf32, #tpu.memory_space<vmem_shared>>
      %dma_start3A_223 = tpu.memref_slice %arg15[%dma_start3A_214] : memref<3x!tpu.dma_semaphore, #tpu.memory_space<semaphore_mem>> -> memref<1x!tpu.dma_semaphore, #tpu.memory_space<semaphore_mem>>
      %dma_start3A_224 = tpu.memref_squeeze %dma_start3A_223 : memref<1x!tpu.dma_semaphore, #tpu.memory_space<semaphore_mem>> -> memref<!tpu.dma_semaphore, #tpu.memory_space<semaphore_mem>>
      tpu.enqueue_indirect_dma source(%dma_start3A_218 : memref<80x64xf32, #tpu.memory_space<vmem>>) target(%dma_start3A_222 : memref<10240x64xf32, #tpu.memory_space<vmem_shared>>) offsets(%dma_start3A_219 : memref<80xi32, #tpu.memory_space<vmem>>) semaphore(%dma_start3A_224 : memref<!tpu.dma_semaphore, #tpu.memory_space<semaphore_mem>>) {add = true}
      %ge3A_225 = arith.constant 1 : i32
      %ge3A_226 = arith.cmpi sge, %add3A_186, %ge3A_225 : i32
      %add3A_227 = arith.constant 2 : i32
      %add3A_228 = arith.addi %add3A_186, %add3A_227 : i32
      %lt3A_229 = arith.constant 258 : i32
      %lt3A_230 = arith.cmpi slt, %add3A_228, %lt3A_229 : i32
      %and3A_231 = arith.andi %ge3A_226, %lt3A_230 : i1
      %convert_element_type3A_232 = arith.extui %and3A_231 : i1 to i32
      %cond3A_233 = arith.constant 0 : i32
      %cond3A_234 = arith.cmpi ne, %convert_element_type3A_232, %cond3A_233 : i32
      scf.if %cond3A_234 {
        %sub3A = arith.constant 1 : i32
        %sub3A_299 = arith.subi %add3A_186, %sub3A : i32
        %mul3A_300 = arith.constant 80 : i32
        %mul3A_301 = arith.muli %sub3A_299, %mul3A_300 : i32
        %dma_wait3A_302 = arith.constant 0 : i32
        %dma_wait3A_303 = arith.constant 0 : i32
        %dma_wait3A_304 = arith.constant 0 : i32
        %dma_wait3A_305 = arith.constant 0 : i32
        %dma_wait3A_306 = tpu.memref_slice %arg12[%dma_wait3A_302, %dma_wait3A_304, %dma_wait3A_305] : memref<3x80x64xf32, #tpu.memory_space<vmem>> -> memref<1x80x64xf32, #tpu.memory_space<vmem>>
        %dma_wait3A_307 = tpu.memref_squeeze %dma_wait3A_306 : memref<1x80x64xf32, #tpu.memory_space<vmem>> -> memref<80x64xf32, #tpu.memory_space<vmem>>
        %dma_wait3A_308 = tpu.memref_slice %arg9[%mul3A_301] : memref<20640xi32, #tpu.memory_space<vmem>> -> memref<80xi32, #tpu.memory_space<vmem>>
        %dma_wait3A_309 = arith.constant 0 : i32
        %dma_wait3A_310 = arith.constant 0 : i32
        %dma_wait3A_311 = tpu.memref_slice %arg13[%dma_wait3A_309, %dma_wait3A_310] : memref<10240x64xf32, #tpu.memory_space<vmem_shared>> -> memref<10240x64xf32, #tpu.memory_space<vmem_shared>>
        %dma_wait3A_312 = tpu.memref_slice %arg15[%dma_wait3A_303] : memref<3x!tpu.dma_semaphore, #tpu.memory_space<semaphore_mem>> -> memref<1x!tpu.dma_semaphore, #tpu.memory_space<semaphore_mem>>
        %dma_wait3A_313 = tpu.memref_squeeze %dma_wait3A_312 : memref<1x!tpu.dma_semaphore, #tpu.memory_space<semaphore_mem>> -> memref<!tpu.dma_semaphore, #tpu.memory_space<semaphore_mem>>
        tpu.wait_indirect_dma semaphore(%dma_wait3A_313 : memref<!tpu.dma_semaphore, #tpu.memory_space<semaphore_mem>>) src(%dma_wait3A_307 : memref<80x64xf32, #tpu.memory_space<vmem>>) dst(%dma_wait3A_311 : memref<10240x64xf32, #tpu.memory_space<vmem_shared>>)
      } else {
      }
      %add3A_235 = arith.constant 2 : i32
      %add3A_236 = arith.addi %add3A_186, %add3A_235 : i32
      %lt3A_237 = arith.constant 258 : i32
      %lt3A_238 = arith.cmpi slt, %add3A_236, %lt3A_237 : i32
      %convert_element_type3A_239 = arith.extui %lt3A_238 : i1 to i32
      %cond3A_240 = arith.constant 0 : i32
      %cond3A_241 = arith.cmpi ne, %convert_element_type3A_239, %cond3A_240 : i32
      scf.if %cond3A_241 {
        %add3A_299 = arith.constant 2 : i32
        %add3A_300 = arith.addi %add3A_186, %add3A_299 : i32
        %mul3A_301 = arith.constant 80 : i32
        %mul3A_302 = arith.muli %add3A_300, %mul3A_301 : i32
        %dma_start3A_303 = arith.constant 0 : i32
        %dma_start3A_304 = arith.constant 0 : i32
        %dma_start3A_305 = arith.constant 0 : i32
        %dma_start3A_306 = arith.constant 0 : i32
        %dma_start3A_307 = tpu.memref_slice %arg12[%dma_start3A_303, %dma_start3A_305, %dma_start3A_306] : memref<3x80x64xf32, #tpu.memory_space<vmem>> -> memref<1x80x64xf32, #tpu.memory_space<vmem>>
        %dma_start3A_308 = tpu.memref_squeeze %dma_start3A_307 : memref<1x80x64xf32, #tpu.memory_space<vmem>> -> memref<80x64xf32, #tpu.memory_space<vmem>>
        %dma_start3A_309 = tpu.memref_slice %arg8[%mul3A_302] : memref<20640xi32, #tpu.memory_space<vmem>> -> memref<80xi32, #tpu.memory_space<vmem>>
        %dma_start3A_310 = arith.constant 0 : i32
        %dma_start3A_311 = arith.constant 0 : i32
        %dma_start3A_312 = tpu.memref_slice %arg6[%arg0, %dma_start3A_310, %dma_start3A_311] : memref<2x10240x64xf32, #tpu.memory_space<hbm>> -> memref<1x10240x64xf32, #tpu.memory_space<hbm>>
        %dma_start3A_313 = tpu.memref_squeeze %dma_start3A_312 : memref<1x10240x64xf32, #tpu.memory_space<hbm>> -> memref<10240x64xf32, #tpu.memory_space<hbm>>
        %dma_start3A_314 = arith.constant 0 : i32
        %dma_start3A_315 = arith.constant 0 : i32
        %dma_start3A_316 = tpu.memref_slice %dma_start3A_313[%dma_start3A_314, %dma_start3A_315] : memref<10240x64xf32, #tpu.memory_space<hbm>> -> memref<10240x64xf32, #tpu.memory_space<hbm>>
        %dma_start3A_317 = tpu.memref_slice %arg14[%dma_start3A_304] : memref<3x!tpu.dma_semaphore, #tpu.memory_space<semaphore_mem>> -> memref<1x!tpu.dma_semaphore, #tpu.memory_space<semaphore_mem>>
        %dma_start3A_318 = tpu.memref_squeeze %dma_start3A_317 : memref<1x!tpu.dma_semaphore, #tpu.memory_space<semaphore_mem>> -> memref<!tpu.dma_semaphore, #tpu.memory_space<semaphore_mem>>
        tpu.enqueue_indirect_dma source(%dma_start3A_316 : memref<10240x64xf32, #tpu.memory_space<hbm>>) target(%dma_start3A_308 : memref<80x64xf32, #tpu.memory_space<vmem>>) offsets(%dma_start3A_309 : memref<80xi32, #tpu.memory_space<vmem>>) semaphore(%dma_start3A_318 : memref<!tpu.dma_semaphore, #tpu.memory_space<semaphore_mem>>)
      } else {
      }
      %add3A_242 = arith.constant 2 : i32
      %add3A_243 = arith.addi %add3A_132, %add3A_242 : i32
      %mul3A_244 = arith.constant 80 : i32
      %mul3A_245 = arith.muli %add3A_243, %mul3A_244 : i32
      %dma_wait3A_246 = arith.constant 2 : i32
      %dma_wait3A_247 = arith.constant 2 : i32
      %dma_wait3A_248 = arith.constant 0 : i32
      %dma_wait3A_249 = arith.constant 0 : i32
      %dma_wait3A_250 = tpu.memref_slice %arg12[%dma_wait3A_246, %dma_wait3A_248, %dma_wait3A_249] : memref<3x80x64xf32, #tpu.memory_space<vmem>> -> memref<1x80x64xf32, #tpu.memory_space<vmem>>
      %dma_wait3A_251 = tpu.memref_squeeze %dma_wait3A_250 : memref<1x80x64xf32, #tpu.memory_space<vmem>> -> memref<80x64xf32, #tpu.memory_space<vmem>>
      %dma_wait3A_252 = tpu.memref_slice %arg8[%mul3A_245] : memref<20640xi32, #tpu.memory_space<vmem>> -> memref<80xi32, #tpu.memory_space<vmem>>
      %dma_wait3A_253 = arith.constant 0 : i32
      %dma_wait3A_254 = arith.constant 0 : i32
      %dma_wait3A_255 = tpu.memref_slice %arg6[%arg0, %dma_wait3A_253, %dma_wait3A_254] : memref<2x10240x64xf32, #tpu.memory_space<hbm>> -> memref<1x10240x64xf32, #tpu.memory_space<hbm>>
      %dma_wait3A_256 = tpu.memref_squeeze %dma_wait3A_255 : memref<1x10240x64xf32, #tpu.memory_space<hbm>> -> memref<10240x64xf32, #tpu.memory_space<hbm>>
      %dma_wait3A_257 = arith.constant 0 : i32
      %dma_wait3A_258 = arith.constant 0 : i32
      %dma_wait3A_259 = tpu.memref_slice %dma_wait3A_256[%dma_wait3A_257, %dma_wait3A_258] : memref<10240x64xf32, #tpu.memory_space<hbm>> -> memref<10240x64xf32, #tpu.memory_space<hbm>>
      %dma_wait3A_260 = tpu.memref_slice %arg14[%dma_wait3A_247] : memref<3x!tpu.dma_semaphore, #tpu.memory_space<semaphore_mem>> -> memref<1x!tpu.dma_semaphore, #tpu.memory_space<semaphore_mem>>
      %dma_wait3A_261 = tpu.memref_squeeze %dma_wait3A_260 : memref<1x!tpu.dma_semaphore, #tpu.memory_space<semaphore_mem>> -> memref<!tpu.dma_semaphore, #tpu.memory_space<semaphore_mem>>
      tpu.wait_indirect_dma semaphore(%dma_wait3A_261 : memref<!tpu.dma_semaphore, #tpu.memory_space<semaphore_mem>>) src(%dma_wait3A_259 : memref<10240x64xf32, #tpu.memory_space<hbm>>) dst(%dma_wait3A_251 : memref<80x64xf32, #tpu.memory_space<vmem>>)
      %mul3A_262 = arith.constant 80 : i32
      %mul3A_263 = arith.muli %add3A_243, %mul3A_262 : i32
      %broadcast_in_dim3A_264 = vector.broadcast %mul3A_263 : i32 to vector<16xi32>
      %parallel_loop3A_265 = arith.constant 0 : i32
      %parallel_loop3A_266 = arith.constant 80 : i32
      %parallel_loop3A_267 = arith.constant 1 : i32
      scf.for %parallel_loop3A_299 = %parallel_loop3A_265 to %parallel_loop3A_266 step %parallel_loop3A_267  : i32 {
        %parallel_loop3A_300 = vector.broadcast %parallel_loop3A_299 : i32 to vector<16xi32>
        %parallel_loop3A_301 = arith.addi %broadcast_in_dim3A_264, %parallel_loop3A_300 : vector<16xi32>
        %parallel_loop3A_302 = tpu.vector_load_idx %arg10[%parallel_loop3A_301] : memref<20640xf32, #tpu.memory_space<vmem>>[vector<16xi32>], vector<16xf32>,
        %parallel_loop3A_303 = arith.constant 2 : i32
        %parallel_loop3A_304 = arith.index_cast %parallel_loop3A_303 : i32 to index
        %parallel_loop3A_305 = arith.index_cast %parallel_loop3A_299 : i32 to index
        %parallel_loop3A_306 = arith.constant 0 : index
        %parallel_loop3A_307 = tpu.vector_load %arg12[%parallel_loop3A_304, %parallel_loop3A_305, %parallel_loop3A_306] {strides = array<i32>} : memref<3x80x64xf32, #tpu.memory_space<vmem>>, vector<16xf32>,
        %parallel_loop3A_308 = arith.mulf %parallel_loop3A_307, %parallel_loop3A_302 : vector<16xf32>
        %parallel_loop3A_309 = arith.constant 2 : i32
        %parallel_loop3A_310 = arith.index_cast %parallel_loop3A_309 : i32 to index
        %parallel_loop3A_311 = arith.index_cast %parallel_loop3A_299 : i32 to index
        %parallel_loop3A_312 = arith.constant 0 : index
        %parallel_loop3A_313 = tpu.vector_load %arg12[%parallel_loop3A_310, %parallel_loop3A_311, %parallel_loop3A_312] {strides = array<i32>} : memref<3x80x64xf32, #tpu.memory_space<vmem>>, vector<16xf32>,
        tpu.vector_store %arg12[%parallel_loop3A_310, %parallel_loop3A_311, %parallel_loop3A_312], %parallel_loop3A_308 {strides = array<i32>} : memref<3x80x64xf32, #tpu.memory_space<vmem>>, vector<16xf32>,
        %parallel_loop3A_314 = arith.constant 2 : i32
        %parallel_loop3A_315 = arith.index_cast %parallel_loop3A_314 : i32 to index
        %parallel_loop3A_316 = arith.index_cast %parallel_loop3A_299 : i32 to index
        %parallel_loop3A_317 = arith.constant 16 : index
        %parallel_loop3A_318 = tpu.vector_load %arg12[%parallel_loop3A_315, %parallel_loop3A_316, %parallel_loop3A_317] {strides = array<i32>} : memref<3x80x64xf32, #tpu.memory_space<vmem>>, vector<16xf32>,
        %parallel_loop3A_319 = arith.mulf %parallel_loop3A_318, %parallel_loop3A_302 : vector<16xf32>
        %parallel_loop3A_320 = arith.constant 2 : i32
        %parallel_loop3A_321 = arith.index_cast %parallel_loop3A_320 : i32 to index
        %parallel_loop3A_322 = arith.index_cast %parallel_loop3A_299 : i32 to index
        %parallel_loop3A_323 = arith.constant 16 : index
        %parallel_loop3A_324 = tpu.vector_load %arg12[%parallel_loop3A_321, %parallel_loop3A_322, %parallel_loop3A_323] {strides = array<i32>} : memref<3x80x64xf32, #tpu.memory_space<vmem>>, vector<16xf32>,
        tpu.vector_store %arg12[%parallel_loop3A_321, %parallel_loop3A_322, %parallel_loop3A_323], %parallel_loop3A_319 {strides = array<i32>} : memref<3x80x64xf32, #tpu.memory_space<vmem>>, vector<16xf32>,
        %parallel_loop3A_325 = arith.constant 2 : i32
        %parallel_loop3A_326 = arith.index_cast %parallel_loop3A_325 : i32 to index
        %parallel_loop3A_327 = arith.index_cast %parallel_loop3A_299 : i32 to index
        %parallel_loop3A_328 = arith.constant 32 : index
        %parallel_loop3A_329 = tpu.vector_load %arg12[%parallel_loop3A_326, %parallel_loop3A_327, %parallel_loop3A_328] {strides = array<i32>} : memref<3x80x64xf32, #tpu.memory_space<vmem>>, vector<16xf32>,
        %parallel_loop3A_330 = arith.mulf %parallel_loop3A_329, %parallel_loop3A_302 : vector<16xf32>
        %parallel_loop3A_331 = arith.constant 2 : i32
        %parallel_loop3A_332 = arith.index_cast %parallel_loop3A_331 : i32 to index
        %parallel_loop3A_333 = arith.index_cast %parallel_loop3A_299 : i32 to index
        %parallel_loop3A_334 = arith.constant 32 : index
        %parallel_loop3A_335 = tpu.vector_load %arg12[%parallel_loop3A_332, %parallel_loop3A_333, %parallel_loop3A_334] {strides = array<i32>} : memref<3x80x64xf32, #tpu.memory_space<vmem>>, vector<16xf32>,
        tpu.vector_store %arg12[%parallel_loop3A_332, %parallel_loop3A_333, %parallel_loop3A_334], %parallel_loop3A_330 {strides = array<i32>} : memref<3x80x64xf32, #tpu.memory_space<vmem>>, vector<16xf32>,
        %parallel_loop3A_336 = arith.constant 2 : i32
        %parallel_loop3A_337 = arith.index_cast %parallel_loop3A_336 : i32 to index
        %parallel_loop3A_338 = arith.index_cast %parallel_loop3A_299 : i32 to index
        %parallel_loop3A_339 = arith.constant 48 : index
        %parallel_loop3A_340 = tpu.vector_load %arg12[%parallel_loop3A_337, %parallel_loop3A_338, %parallel_loop3A_339] {strides = array<i32>} : memref<3x80x64xf32, #tpu.memory_space<vmem>>, vector<16xf32>,
        %parallel_loop3A_341 = arith.mulf %parallel_loop3A_340, %parallel_loop3A_302 : vector<16xf32>
        %parallel_loop3A_342 = arith.constant 2 : i32
        %parallel_loop3A_343 = arith.index_cast %parallel_loop3A_342 : i32 to index
        %parallel_loop3A_344 = arith.index_cast %parallel_loop3A_299 : i32 to index
        %parallel_loop3A_345 = arith.constant 48 : index
        %parallel_loop3A_346 = tpu.vector_load %arg12[%parallel_loop3A_343, %parallel_loop3A_344, %parallel_loop3A_345] {strides = array<i32>} : memref<3x80x64xf32, #tpu.memory_space<vmem>>, vector<16xf32>,
        tpu.vector_store %arg12[%parallel_loop3A_343, %parallel_loop3A_344, %parallel_loop3A_345], %parallel_loop3A_341 {strides = array<i32>} : memref<3x80x64xf32, #tpu.memory_space<vmem>>, vector<16xf32>,
      } {sc.loop_unroll_factor = 4 : i64, sc.parallel_access}
      %mul3A_268 = arith.constant 80 : i32
      %mul3A_269 = arith.muli %add3A_243, %mul3A_268 : i32
      %dma_start3A_270 = arith.constant 2 : i32
      %dma_start3A_271 = arith.constant 2 : i32
      %dma_start3A_272 = arith.constant 0 : i32
      %dma_start3A_273 = arith.constant 0 : i32
      %dma_start3A_274 = tpu.memref_slice %arg12[%dma_start3A_270, %dma_start3A_272, %dma_start3A_273] : memref<3x80x64xf32, #tpu.memory_space<vmem>> -> memref<1x80x64xf32, #tpu.memory_space<vmem>>
      %dma_start3A_275 = tpu.memref_squeeze %dma_start3A_274 : memref<1x80x64xf32, #tpu.memory_space<vmem>> -> memref<80x64xf32, #tpu.memory_space<vmem>>
      %dma_start3A_276 = tpu.memref_slice %arg9[%mul3A_269] : memref<20640xi32, #tpu.memory_space<vmem>> -> memref<80xi32, #tpu.memory_space<vmem>>
      %dma_start3A_277 = arith.constant 0 : i32
      %dma_start3A_278 = arith.constant 0 : i32
      %dma_start3A_279 = tpu.memref_slice %arg13[%dma_start3A_277, %dma_start3A_278] : memref<10240x64xf32, #tpu.memory_space<vmem_shared>> -> memref<10240x64xf32, #tpu.memory_space<vmem_shared>>
      %dma_start3A_280 = tpu.memref_slice %arg15[%dma_start3A_271] : memref<3x!tpu.dma_semaphore, #tpu.memory_space<semaphore_mem>> -> memref<1x!tpu.dma_semaphore, #tpu.memory_space<semaphore_mem>>
      %dma_start3A_281 = tpu.memref_squeeze %dma_start3A_280 : memref<1x!tpu.dma_semaphore, #tpu.memory_space<semaphore_mem>> -> memref<!tpu.dma_semaphore, #tpu.memory_space<semaphore_mem>>
      tpu.enqueue_indirect_dma source(%dma_start3A_275 : memref<80x64xf32, #tpu.memory_space<vmem>>) target(%dma_start3A_279 : memref<10240x64xf32, #tpu.memory_space<vmem_shared>>) offsets(%dma_start3A_276 : memref<80xi32, #tpu.memory_space<vmem>>) semaphore(%dma_start3A_281 : memref<!tpu.dma_semaphore, #tpu.memory_space<semaphore_mem>>) {add = true}
      %ge3A_282 = arith.constant 1 : i32
      %ge3A_283 = arith.cmpi sge, %add3A_243, %ge3A_282 : i32
      %add3A_284 = arith.constant 2 : i32
      %add3A_285 = arith.addi %add3A_243, %add3A_284 : i32
      %lt3A_286 = arith.constant 258 : i32
      %lt3A_287 = arith.cmpi slt, %add3A_285, %lt3A_286 : i32
      %and3A_288 = arith.andi %ge3A_283, %lt3A_287 : i1
      %convert_element_type3A_289 = arith.extui %and3A_288 : i1 to i32
      %cond3A_290 = arith.constant 0 : i32
      %cond3A_291 = arith.cmpi ne, %convert_element_type3A_289, %cond3A_290 : i32
      scf.if %cond3A_291 {
        %sub3A = arith.constant 1 : i32
        %sub3A_299 = arith.subi %add3A_243, %sub3A : i32
        %mul3A_300 = arith.constant 80 : i32
        %mul3A_301 = arith.muli %sub3A_299, %mul3A_300 : i32
        %dma_wait3A_302 = arith.constant 1 : i32
        %dma_wait3A_303 = arith.constant 1 : i32
        %dma_wait3A_304 = arith.constant 0 : i32
        %dma_wait3A_305 = arith.constant 0 : i32
        %dma_wait3A_306 = tpu.memref_slice %arg12[%dma_wait3A_302, %dma_wait3A_304, %dma_wait3A_305] : memref<3x80x64xf32, #tpu.memory_space<vmem>> -> memref<1x80x64xf32, #tpu.memory_space<vmem>>
        %dma_wait3A_307 = tpu.memref_squeeze %dma_wait3A_306 : memref<1x80x64xf32, #tpu.memory_space<vmem>> -> memref<80x64xf32, #tpu.memory_space<vmem>>
        %dma_wait3A_308 = tpu.memref_slice %arg9[%mul3A_301] : memref<20640xi32, #tpu.memory_space<vmem>> -> memref<80xi32, #tpu.memory_space<vmem>>
        %dma_wait3A_309 = arith.constant 0 : i32
        %dma_wait3A_310 = arith.constant 0 : i32
        %dma_wait3A_311 = tpu.memref_slice %arg13[%dma_wait3A_309, %dma_wait3A_310] : memref<10240x64xf32, #tpu.memory_space<vmem_shared>> -> memref<10240x64xf32, #tpu.memory_space<vmem_shared>>
        %dma_wait3A_312 = tpu.memref_slice %arg15[%dma_wait3A_303] : memref<3x!tpu.dma_semaphore, #tpu.memory_space<semaphore_mem>> -> memref<1x!tpu.dma_semaphore, #tpu.memory_space<semaphore_mem>>
        %dma_wait3A_313 = tpu.memref_squeeze %dma_wait3A_312 : memref<1x!tpu.dma_semaphore, #tpu.memory_space<semaphore_mem>> -> memref<!tpu.dma_semaphore, #tpu.memory_space<semaphore_mem>>
        tpu.wait_indirect_dma semaphore(%dma_wait3A_313 : memref<!tpu.dma_semaphore, #tpu.memory_space<semaphore_mem>>) src(%dma_wait3A_307 : memref<80x64xf32, #tpu.memory_space<vmem>>) dst(%dma_wait3A_311 : memref<10240x64xf32, #tpu.memory_space<vmem_shared>>)
      } else {
      }
      %add3A_292 = arith.constant 2 : i32
      %add3A_293 = arith.addi %add3A_243, %add3A_292 : i32
      %lt3A_294 = arith.constant 258 : i32
      %lt3A_295 = arith.cmpi slt, %add3A_293, %lt3A_294 : i32
      %convert_element_type3A_296 = arith.extui %lt3A_295 : i1 to i32
      %cond3A_297 = arith.constant 0 : i32
      %cond3A_298 = arith.cmpi ne, %convert_element_type3A_296, %cond3A_297 : i32
      scf.if %cond3A_298 {
        %add3A_299 = arith.constant 2 : i32
        %add3A_300 = arith.addi %add3A_243, %add3A_299 : i32
        %mul3A_301 = arith.constant 80 : i32
        %mul3A_302 = arith.muli %add3A_300, %mul3A_301 : i32
        %dma_start3A_303 = arith.constant 1 : i32
        %dma_start3A_304 = arith.constant 1 : i32
        %dma_start3A_305 = arith.constant 0 : i32
        %dma_start3A_306 = arith.constant 0 : i32
        %dma_start3A_307 = tpu.memref_slice %arg12[%dma_start3A_303, %dma_start3A_305, %dma_start3A_306] : memref<3x80x64xf32, #tpu.memory_space<vmem>> -> memref<1x80x64xf32, #tpu.memory_space<vmem>>
        %dma_start3A_308 = tpu.memref_squeeze %dma_start3A_307 : memref<1x80x64xf32, #tpu.memory_space<vmem>> -> memref<80x64xf32, #tpu.memory_space<vmem>>
        %dma_start3A_309 = tpu.memref_slice %arg8[%mul3A_302] : memref<20640xi32, #tpu.memory_space<vmem>> -> memref<80xi32, #tpu.memory_space<vmem>>
        %dma_start3A_310 = arith.constant 0 : i32
        %dma_start3A_311 = arith.constant 0 : i32
        %dma_start3A_312 = tpu.memref_slice %arg6[%arg0, %dma_start3A_310, %dma_start3A_311] : memref<2x10240x64xf32, #tpu.memory_space<hbm>> -> memref<1x10240x64xf32, #tpu.memory_space<hbm>>
        %dma_start3A_313 = tpu.memref_squeeze %dma_start3A_312 : memref<1x10240x64xf32, #tpu.memory_space<hbm>> -> memref<10240x64xf32, #tpu.memory_space<hbm>>
        %dma_start3A_314 = arith.constant 0 : i32
        %dma_start3A_315 = arith.constant 0 : i32
        %dma_start3A_316 = tpu.memref_slice %dma_start3A_313[%dma_start3A_314, %dma_start3A_315] : memref<10240x64xf32, #tpu.memory_space<hbm>> -> memref<10240x64xf32, #tpu.memory_space<hbm>>
        %dma_start3A_317 = tpu.memref_slice %arg14[%dma_start3A_304] : memref<3x!tpu.dma_semaphore, #tpu.memory_space<semaphore_mem>> -> memref<1x!tpu.dma_semaphore, #tpu.memory_space<semaphore_mem>>
        %dma_start3A_318 = tpu.memref_squeeze %dma_start3A_317 : memref<1x!tpu.dma_semaphore, #tpu.memory_space<semaphore_mem>> -> memref<!tpu.dma_semaphore, #tpu.memory_space<semaphore_mem>>
        tpu.enqueue_indirect_dma source(%dma_start3A_316 : memref<10240x64xf32, #tpu.memory_space<hbm>>) target(%dma_start3A_308 : memref<80x64xf32, #tpu.memory_space<vmem>>) offsets(%dma_start3A_309 : memref<80xi32, #tpu.memory_space<vmem>>) semaphore(%dma_start3A_318 : memref<!tpu.dma_semaphore, #tpu.memory_space<semaphore_mem>>)
      } else {
      }
    }
    %scan3A_84 = arith.constant 86 : i32
    %dma_wait3A = arith.constant 0 : i32
    %dma_wait3A_85 = arith.constant 0 : i32
    %dma_wait3A_86 = arith.constant 0 : i32
    %dma_wait3A_87 = arith.constant 0 : i32
    %dma_wait3A_88 = tpu.memref_slice %arg12[%dma_wait3A, %dma_wait3A_86, %dma_wait3A_87] : memref<3x80x64xf32, #tpu.memory_space<vmem>> -> memref<1x80x64xf32, #tpu.memory_space<vmem>>
    %dma_wait3A_89 = tpu.memref_squeeze %dma_wait3A_88 : memref<1x80x64xf32, #tpu.memory_space<vmem>> -> memref<80x64xf32, #tpu.memory_space<vmem>>
    %dma_wait3A_90 = arith.constant 20400 : i32
    %dma_wait3A_91 = tpu.memref_slice %arg9[%dma_wait3A_90] : memref<20640xi32, #tpu.memory_space<vmem>> -> memref<80xi32, #tpu.memory_space<vmem>>
    %dma_wait3A_92 = arith.constant 0 : i32
    %dma_wait3A_93 = arith.constant 0 : i32
    %dma_wait3A_94 = tpu.memref_slice %arg13[%dma_wait3A_92, %dma_wait3A_93] : memref<10240x64xf32, #tpu.memory_space<vmem_shared>> -> memref<10240x64xf32, #tpu.memory_space<vmem_shared>>
    %dma_wait3A_95 = tpu.memref_slice %arg15[%dma_wait3A_85] : memref<3x!tpu.dma_semaphore, #tpu.memory_space<semaphore_mem>> -> memref<1x!tpu.dma_semaphore, #tpu.memory_space<semaphore_mem>>
    %dma_wait3A_96 = tpu.memref_squeeze %dma_wait3A_95 : memref<1x!tpu.dma_semaphore, #tpu.memory_space<semaphore_mem>> -> memref<!tpu.dma_semaphore, #tpu.memory_space<semaphore_mem>>
    tpu.wait_indirect_dma semaphore(%dma_wait3A_96 : memref<!tpu.dma_semaphore, #tpu.memory_space<semaphore_mem>>) src(%dma_wait3A_89 : memref<80x64xf32, #tpu.memory_space<vmem>>) dst(%dma_wait3A_94 : memref<10240x64xf32, #tpu.memory_space<vmem_shared>>)
    %dma_wait3A_97 = arith.constant 1 : i32
    %dma_wait3A_98 = arith.constant 1 : i32
    %dma_wait3A_99 = arith.constant 0 : i32
    %dma_wait3A_100 = arith.constant 0 : i32
    %dma_wait3A_101 = tpu.memref_slice %arg12[%dma_wait3A_97, %dma_wait3A_99, %dma_wait3A_100] : memref<3x80x64xf32, #tpu.memory_space<vmem>> -> memref<1x80x64xf32, #tpu.memory_space<vmem>>
    %dma_wait3A_102 = tpu.memref_squeeze %dma_wait3A_101 : memref<1x80x64xf32, #tpu.memory_space<vmem>> -> memref<80x64xf32, #tpu.memory_space<vmem>>
    %dma_wait3A_103 = arith.constant 20480 : i32
    %dma_wait3A_104 = tpu.memref_slice %arg9[%dma_wait3A_103] : memref<20640xi32, #tpu.memory_space<vmem>> -> memref<80xi32, #tpu.memory_space<vmem>>
    %dma_wait3A_105 = arith.constant 0 : i32
    %dma_wait3A_106 = arith.constant 0 : i32
    %dma_wait3A_107 = tpu.memref_slice %arg13[%dma_wait3A_105, %dma_wait3A_106] : memref<10240x64xf32, #tpu.memory_space<vmem_shared>> -> memref<10240x64xf32, #tpu.memory_space<vmem_shared>>
    %dma_wait3A_108 = tpu.memref_slice %arg15[%dma_wait3A_98] : memref<3x!tpu.dma_semaphore, #tpu.memory_space<semaphore_mem>> -> memref<1x!tpu.dma_semaphore, #tpu.memory_space<semaphore_mem>>
    %dma_wait3A_109 = tpu.memref_squeeze %dma_wait3A_108 : memref<1x!tpu.dma_semaphore, #tpu.memory_space<semaphore_mem>> -> memref<!tpu.dma_semaphore, #tpu.memory_space<semaphore_mem>>
    tpu.wait_indirect_dma semaphore(%dma_wait3A_109 : memref<!tpu.dma_semaphore, #tpu.memory_space<semaphore_mem>>) src(%dma_wait3A_102 : memref<80x64xf32, #tpu.memory_space<vmem>>) dst(%dma_wait3A_107 : memref<10240x64xf32, #tpu.memory_space<vmem_shared>>)
    %dma_wait3A_110 = arith.constant 2 : i32
    %dma_wait3A_111 = arith.constant 2 : i32
    %dma_wait3A_112 = arith.constant 0 : i32
    %dma_wait3A_113 = arith.constant 0 : i32
    %dma_wait3A_114 = tpu.memref_slice %arg12[%dma_wait3A_110, %dma_wait3A_112, %dma_wait3A_113] : memref<3x80x64xf32, #tpu.memory_space<vmem>> -> memref<1x80x64xf32, #tpu.memory_space<vmem>>
    %dma_wait3A_115 = tpu.memref_squeeze %dma_wait3A_114 : memref<1x80x64xf32, #tpu.memory_space<vmem>> -> memref<80x64xf32, #tpu.memory_space<vmem>>
    %dma_wait3A_116 = arith.constant 20560 : i32
    %dma_wait3A_117 = tpu.memref_slice %arg9[%dma_wait3A_116] : memref<20640xi32, #tpu.memory_space<vmem>> -> memref<80xi32, #tpu.memory_space<vmem>>
    %dma_wait3A_118 = arith.constant 0 : i32
    %dma_wait3A_119 = arith.constant 0 : i32
    %dma_wait3A_120 = tpu.memref_slice %arg13[%dma_wait3A_118, %dma_wait3A_119] : memref<10240x64xf32, #tpu.memory_space<vmem_shared>> -> memref<10240x64xf32, #tpu.memory_space<vmem_shared>>
    %dma_wait3A_121 = tpu.memref_slice %arg15[%dma_wait3A_111] : memref<3x!tpu.dma_semaphore, #tpu.memory_space<semaphore_mem>> -> memref<1x!tpu.dma_semaphore, #tpu.memory_space<semaphore_mem>>
    %dma_wait3A_122 = tpu.memref_squeeze %dma_wait3A_121 : memref<1x!tpu.dma_semaphore, #tpu.memory_space<semaphore_mem>> -> memref<!tpu.dma_semaphore, #tpu.memory_space<semaphore_mem>>
    tpu.wait_indirect_dma semaphore(%dma_wait3A_122 : memref<!tpu.dma_semaphore, #tpu.memory_space<semaphore_mem>>) src(%dma_wait3A_115 : memref<80x64xf32, #tpu.memory_space<vmem>>) dst(%dma_wait3A_120 : memref<10240x64xf32, #tpu.memory_space<vmem_shared>>)
    %barrier3A_123 = arith.constant 0 : index
    tpu.barrier barrier_id(%barrier3A_123)
    %mul3A_124 = arith.constant 640 : i32
    %mul3A_125 = arith.muli %arg1, %mul3A_124 : i32
    %mul3A_126 = arith.constant 640 : i32
    %mul3A_127 = arith.muli %arg1, %mul3A_126 : i32
    "tpu.region"() ({
      %run_scoped3A_128 = tpu.sem_alloc : memref<!tpu.dma_semaphore, #tpu.memory_space<semaphore_mem>>
      %dma_start3A_129 = arith.constant 0 : i32
      %dma_start3A_130 = tpu.memref_slice %arg7[%arg0, %mul3A_127, %dma_start3A_129] : memref<2x10240x64xf32, #tpu.memory_space<hbm>> -> memref<1x640x64xf32, #tpu.memory_space<hbm>>
      %dma_start3A_131 = tpu.memref_squeeze %dma_start3A_130 : memref<1x640x64xf32, #tpu.memory_space<hbm>> -> memref<640x64xf32, #tpu.memory_space<hbm>>
      %dma_start3A_132 = arith.constant 0 : i32
      %dma_start3A_133 = tpu.memref_slice %arg13[%mul3A_125, %dma_start3A_132] : memref<10240x64xf32, #tpu.memory_space<vmem_shared>> -> memref<640x64xf32, #tpu.memory_space<vmem_shared>>
      tpu.enqueue_dma source(%dma_start3A_133 : memref<640x64xf32, #tpu.memory_space<vmem_shared>>) target(%dma_start3A_131 : memref<640x64xf32, #tpu.memory_space<hbm>>) target_semaphore(%run_scoped3A_128 : memref<!tpu.dma_semaphore, #tpu.memory_space<semaphore_mem>>)
      %dma_wait3A_134 = arith.constant 0 : i32
      %dma_wait3A_135 = tpu.memref_slice %arg7[%arg0, %mul3A_127, %dma_wait3A_134] : memref<2x10240x64xf32, #tpu.memory_space<hbm>> -> memref<1x640x64xf32, #tpu.memory_space<hbm>>
      %dma_wait3A_136 = tpu.memref_squeeze %dma_wait3A_135 : memref<1x640x64xf32, #tpu.memory_space<hbm>> -> memref<640x64xf32, #tpu.memory_space<hbm>>
      %dma_wait3A_137 = arith.constant 0 : i32
      %dma_wait3A_138 = tpu.memref_slice %arg13[%mul3A_125, %dma_wait3A_137] : memref<10240x64xf32, #tpu.memory_space<vmem_shared>> -> memref<640x64xf32, #tpu.memory_space<vmem_shared>>
      tpu.wait_dma2 semaphore(%run_scoped3A_128 : memref<!tpu.dma_semaphore, #tpu.memory_space<semaphore_mem>>) src(%dma_wait3A_138 : memref<640x64xf32, #tpu.memory_space<vmem_shared>>) dst(%dma_wait3A_136 : memref<640x64xf32, #tpu.memory_space<hbm>>)
      tpu.yield
    }) : () -> ()
    return
  }
}

#map = affine_map<(d0, d1) -> (0, 0)>
module attributes {stable_mosaic.version = 14 : i64} {
  func.func @_deg(%arg0: i32, %arg1: i32, %arg2: memref<32x10320xi32, #tpu.memory_space<hbm>>, %arg3: memref<32x10320xf32, #tpu.memory_space<hbm>>, %arg4: memref<32x10240xf32, #tpu.memory_space<hbm>>, %arg5: memref<10320xi32, #tpu.memory_space<vmem>>, %arg6: memref<10320xf32, #tpu.memory_space<vmem>>, %arg7: memref<10240xf32, #tpu.memory_space<vmem>>) attributes {dimension_semantics = [#tpu.dimension_semantics<core_parallel>, #tpu.dimension_semantics<subcore_parallel>], iteration_bounds = array<i64: 2, 16>, scalar_prefetch = 0 : i64, scratch_operands = 3 : i64, tpu.core_type = #tpu.core_type<sc_vector_subcore>, window_params = [{transform_indices = #map}, {transform_indices = #map}, {transform_indices = #map}]} {
    %mul3A = arith.constant 2 : i32
    %mul3A_0 = arith.muli %arg1, %mul3A : i32
    %add3A = arith.addi %mul3A_0, %arg0 : i32
    %broadcast_in_dim3A = arith.constant 0.000000e+00 : f32
    %broadcast_in_dim3A_1 = vector.broadcast %broadcast_in_dim3A : f32 to vector<16xf32>
    %scan3A = arith.constant 0 : i32
    %scan3A_2 = arith.constant 640 : i32
    %scan3A_3 = arith.addi %scan3A, %scan3A_2 : i32
    %scan3A_4 = arith.constant 1 : i32
    scf.for %scan3A_11 = %scan3A to %scan3A_3 step %scan3A_4  : i32 {
      %mul3A_12 = arith.constant 16 : i32
      %mul3A_13 = arith.muli %scan3A_11, %mul3A_12 : i32
      %add3A_14 = arith.constant 0 : i32
      %add3A_15 = arith.addi %add3A_14, %mul3A_13 : i32
      %swap3A = arith.index_cast %add3A_15 : i32 to index
      %swap3A_16 = tpu.vector_load %arg7[%swap3A] {strides = array<i32>} : memref<10240xf32, #tpu.memory_space<vmem>>, vector<16xf32>,
      tpu.vector_store %arg7[%swap3A], %broadcast_in_dim3A_1 {strides = array<i32>} : memref<10240xf32, #tpu.memory_space<vmem>>, vector<16xf32>,
    }
    %scan3A_5 = arith.constant 640 : i32
    "tpu.region"() ({
      %run_scoped3A = tpu.sem_alloc : memref<!tpu.dma_semaphore, #tpu.memory_space<semaphore_mem>>
      %dma_start3A = arith.constant 0 : i32
      %dma_start3A_11 = tpu.memref_slice %arg2[%add3A, %dma_start3A] : memref<32x10320xi32, #tpu.memory_space<hbm>> -> memref<1x10320xi32, #tpu.memory_space<hbm>>
      %dma_start3A_12 = tpu.memref_squeeze %dma_start3A_11 : memref<1x10320xi32, #tpu.memory_space<hbm>> -> memref<10320xi32, #tpu.memory_space<hbm>>
      %dma_start3A_13 = arith.constant 0 : i32
      %dma_start3A_14 = tpu.memref_slice %arg2[%add3A, %dma_start3A_13] : memref<32x10320xi32, #tpu.memory_space<hbm>> -> memref<1x10320xi32, #tpu.memory_space<hbm>>
      %dma_start3A_15 = tpu.memref_squeeze %dma_start3A_14 : memref<1x10320xi32, #tpu.memory_space<hbm>> -> memref<10320xi32, #tpu.memory_space<hbm>>
      tpu.enqueue_dma source(%dma_start3A_15 : memref<10320xi32, #tpu.memory_space<hbm>>) target(%arg5 : memref<10320xi32, #tpu.memory_space<vmem>>) target_semaphore(%run_scoped3A : memref<!tpu.dma_semaphore, #tpu.memory_space<semaphore_mem>>)
      %dma_wait3A = arith.constant 0 : i32
      %dma_wait3A_16 = tpu.memref_slice %arg2[%add3A, %dma_wait3A] : memref<32x10320xi32, #tpu.memory_space<hbm>> -> memref<1x10320xi32, #tpu.memory_space<hbm>>
      %dma_wait3A_17 = tpu.memref_squeeze %dma_wait3A_16 : memref<1x10320xi32, #tpu.memory_space<hbm>> -> memref<10320xi32, #tpu.memory_space<hbm>>
      %dma_wait3A_18 = arith.constant 0 : i32
      %dma_wait3A_19 = tpu.memref_slice %arg2[%add3A, %dma_wait3A_18] : memref<32x10320xi32, #tpu.memory_space<hbm>> -> memref<1x10320xi32, #tpu.memory_space<hbm>>
      %dma_wait3A_20 = tpu.memref_squeeze %dma_wait3A_19 : memref<1x10320xi32, #tpu.memory_space<hbm>> -> memref<10320xi32, #tpu.memory_space<hbm>>
      tpu.wait_dma2 semaphore(%run_scoped3A : memref<!tpu.dma_semaphore, #tpu.memory_space<semaphore_mem>>) src(%dma_wait3A_20 : memref<10320xi32, #tpu.memory_space<hbm>>) dst(%arg5 : memref<10320xi32, #tpu.memory_space<vmem>>)
      tpu.yield
    }) : () -> ()
    "tpu.region"() ({
      %run_scoped3A = tpu.sem_alloc : memref<!tpu.dma_semaphore, #tpu.memory_space<semaphore_mem>>
      %dma_start3A = arith.constant 0 : i32
      %dma_start3A_11 = tpu.memref_slice %arg3[%add3A, %dma_start3A] : memref<32x10320xf32, #tpu.memory_space<hbm>> -> memref<1x10320xf32, #tpu.memory_space<hbm>>
      %dma_start3A_12 = tpu.memref_squeeze %dma_start3A_11 : memref<1x10320xf32, #tpu.memory_space<hbm>> -> memref<10320xf32, #tpu.memory_space<hbm>>
      %dma_start3A_13 = arith.constant 0 : i32
      %dma_start3A_14 = tpu.memref_slice %arg3[%add3A, %dma_start3A_13] : memref<32x10320xf32, #tpu.memory_space<hbm>> -> memref<1x10320xf32, #tpu.memory_space<hbm>>
      %dma_start3A_15 = tpu.memref_squeeze %dma_start3A_14 : memref<1x10320xf32, #tpu.memory_space<hbm>> -> memref<10320xf32, #tpu.memory_space<hbm>>
      tpu.enqueue_dma source(%dma_start3A_15 : memref<10320xf32, #tpu.memory_space<hbm>>) target(%arg6 : memref<10320xf32, #tpu.memory_space<vmem>>) target_semaphore(%run_scoped3A : memref<!tpu.dma_semaphore, #tpu.memory_space<semaphore_mem>>)
      %dma_wait3A = arith.constant 0 : i32
      %dma_wait3A_16 = tpu.memref_slice %arg3[%add3A, %dma_wait3A] : memref<32x10320xf32, #tpu.memory_space<hbm>> -> memref<1x10320xf32, #tpu.memory_space<hbm>>
      %dma_wait3A_17 = tpu.memref_squeeze %dma_wait3A_16 : memref<1x10320xf32, #tpu.memory_space<hbm>> -> memref<10320xf32, #tpu.memory_space<hbm>>
      %dma_wait3A_18 = arith.constant 0 : i32
      %dma_wait3A_19 = tpu.memref_slice %arg3[%add3A, %dma_wait3A_18] : memref<32x10320xf32, #tpu.memory_space<hbm>> -> memref<1x10320xf32, #tpu.memory_space<hbm>>
      %dma_wait3A_20 = tpu.memref_squeeze %dma_wait3A_19 : memref<1x10320xf32, #tpu.memory_space<hbm>> -> memref<10320xf32, #tpu.memory_space<hbm>>
      tpu.wait_dma2 semaphore(%run_scoped3A : memref<!tpu.dma_semaphore, #tpu.memory_space<semaphore_mem>>) src(%dma_wait3A_20 : memref<10320xf32, #tpu.memory_space<hbm>>) dst(%arg6 : memref<10320xf32, #tpu.memory_space<vmem>>)
      tpu.yield
    }) : () -> ()
    %scan3A_6 = arith.constant 0 : i32
    %scan3A_7 = arith.constant 645 : i32
    %scan3A_8 = arith.addi %scan3A_6, %scan3A_7 : i32
    %scan3A_9 = arith.constant 1 : i32
    scf.for %scan3A_11 = %scan3A_6 to %scan3A_8 step %scan3A_9  : i32 {
      %mul3A_12 = arith.constant 16 : i32
      %mul3A_13 = arith.muli %scan3A_11, %mul3A_12 : i32
      %add3A_14 = arith.constant 0 : i32
      %add3A_15 = arith.addi %add3A_14, %mul3A_13 : i32
      %get3A = arith.index_cast %add3A_15 : i32 to index
      %get3A_16 = tpu.vector_load %arg5[%get3A] {strides = array<i32>} : memref<10320xi32, #tpu.memory_space<vmem>>, vector<16xi32>,
      %get3A_17 = arith.index_cast %add3A_15 : i32 to index
      %get3A_18 = tpu.vector_load %arg6[%get3A_17] {strides = array<i32>} : memref<10320xf32, #tpu.memory_space<vmem>>, vector<16xf32>,
      tpu.vector_store_idx %arg7[%get3A_16], %get3A_18 {add = true} : memref<10240xf32, #tpu.memory_space<vmem>>[vector<16xi32>], vector<16xf32>,
    }
    %scan3A_10 = arith.constant 645 : i32
    "tpu.region"() ({
      %run_scoped3A = tpu.sem_alloc : memref<!tpu.dma_semaphore, #tpu.memory_space<semaphore_mem>>
      %dma_start3A = arith.constant 0 : i32
      %dma_start3A_11 = tpu.memref_slice %arg4[%add3A, %dma_start3A] : memref<32x10240xf32, #tpu.memory_space<hbm>> -> memref<1x10240xf32, #tpu.memory_space<hbm>>
      %dma_start3A_12 = tpu.memref_squeeze %dma_start3A_11 : memref<1x10240xf32, #tpu.memory_space<hbm>> -> memref<10240xf32, #tpu.memory_space<hbm>>
      %dma_start3A_13 = arith.constant 0 : i32
      %dma_start3A_14 = tpu.memref_slice %arg4[%add3A, %dma_start3A_13] : memref<32x10240xf32, #tpu.memory_space<hbm>> -> memref<1x10240xf32, #tpu.memory_space<hbm>>
      %dma_start3A_15 = tpu.memref_squeeze %dma_start3A_14 : memref<1x10240xf32, #tpu.memory_space<hbm>> -> memref<10240xf32, #tpu.memory_space<hbm>>
      tpu.enqueue_dma source(%arg7 : memref<10240xf32, #tpu.memory_space<vmem>>) target(%dma_start3A_15 : memref<10240xf32, #tpu.memory_space<hbm>>) target_semaphore(%run_scoped3A : memref<!tpu.dma_semaphore, #tpu.memory_space<semaphore_mem>>)
      %dma_wait3A = arith.constant 0 : i32
      %dma_wait3A_16 = tpu.memref_slice %arg4[%add3A, %dma_wait3A] : memref<32x10240xf32, #tpu.memory_space<hbm>> -> memref<1x10240xf32, #tpu.memory_space<hbm>>
      %dma_wait3A_17 = tpu.memref_squeeze %dma_wait3A_16 : memref<1x10240xf32, #tpu.memory_space<hbm>> -> memref<10240xf32, #tpu.memory_space<hbm>>
      %dma_wait3A_18 = arith.constant 0 : i32
      %dma_wait3A_19 = tpu.memref_slice %arg4[%add3A, %dma_wait3A_18] : memref<32x10240xf32, #tpu.memory_space<hbm>> -> memref<1x10240xf32, #tpu.memory_space<hbm>>
      %dma_wait3A_20 = tpu.memref_squeeze %dma_wait3A_19 : memref<1x10240xf32, #tpu.memory_space<hbm>> -> memref<10240xf32, #tpu.memory_space<hbm>>
      tpu.wait_dma2 semaphore(%run_scoped3A : memref<!tpu.dma_semaphore, #tpu.memory_space<semaphore_mem>>) src(%arg7 : memref<10240xf32, #tpu.memory_space<vmem>>) dst(%dma_wait3A_20 : memref<10240xf32, #tpu.memory_space<hbm>>)
      tpu.yield
    }) : () -> ()
    return
  }
}

module attributes {stable_mosaic.version = 14 : i64} {
  func.func @_mm_body(%arg0: memref<10000x128xf32, #tpu.memory_space<vmem>>, %arg1: memref<128x128xf32, #tpu.memory_space<vmem>>, %arg2: memref<2x10240x64xf32, #tpu.memory_space<vmem>>) attributes {dimension_semantics = [], scalar_prefetch = 0 : i64, scratch_operands = 0 : i64, tpu.core_type = #tpu.core_type<tc>} {
    %get3A = arith.constant 0 : index
    %get3A_0 = arith.constant 0 : index
    %get3A_1 = vector.load %arg0[%get3A, %get3A_0] : memref<10000x128xf32, #tpu.memory_space<vmem>>, vector<10000x128xf32>
    %get3A_2 = arith.constant 0 : index
    %get3A_3 = arith.constant 0 : index
    %get3A_4 = vector.load %arg1[%get3A_2, %get3A_3] : memref<128x128xf32, #tpu.memory_space<vmem>>, vector<128x128xf32>
    %dot_general3A = arith.constant dense<0.000000e+00> : vector<10000x128xf32>
    %dot_general3A_5 = tpu.matmul %get3A_1, %get3A_4, %dot_general3A {dimension_numbers = #tpu.dot_dimension_numbers<[1], [0], [0], [1], [0, 0, 1, 1], [], []>, transpose_lhs_hint = false} : vector<10000x128xf32>, vector<128x128xf32>, vector<10000x128xf32> -> vector<10000x128xf32>
    %broadcast_in_dim3A = arith.constant 0.000000e+00 : f32
    %broadcast_in_dim3A_6 = vector.broadcast %broadcast_in_dim3A : f32 to vector<240x128xf32>
    %concatenate3A = tpu.concatenate %dot_general3A_5, %broadcast_in_dim3A_6 in 0 : vector<10000x128xf32>, vector<240x128xf32> -> vector<10240x128xf32>
    %slice3A = vector.extract_strided_slice %concatenate3A {offsets = [0, 0], sizes = [10240, 64], strides = [1, 1]} : vector<10240x128xf32> to vector<10240x64xf32>
    %swap3A = arith.constant 0 : index
    %swap3A_7 = arith.constant 0 : index
    %swap3A_8 = arith.constant 0 : index
    %swap3A_9 = vector.load %arg2[%swap3A, %swap3A_7, %swap3A_8] : memref<2x10240x64xf32, #tpu.memory_space<vmem>>, vector<1x10240x64xf32>
    %swap3A_10 = vector.shape_cast %swap3A_9 : vector<1x10240x64xf32> to vector<10240x64xf32>
    %swap3A_11 = vector.shape_cast %slice3A : vector<10240x64xf32> to vector<1x10240x64xf32>
    tpu.vector_store %arg2[%swap3A, %swap3A_7, %swap3A_8], %swap3A_11 {strides = array<i32>} : memref<2x10240x64xf32, #tpu.memory_space<vmem>>, vector<1x10240x64xf32>,
    %slice3A_12 = vector.extract_strided_slice %concatenate3A {offsets = [0, 64], sizes = [10240, 64], strides = [1, 1]} : vector<10240x128xf32> to vector<10240x64xf32>
    %swap3A_13 = arith.constant 1 : index
    %swap3A_14 = arith.constant 0 : index
    %swap3A_15 = arith.constant 0 : index
    %swap3A_16 = vector.load %arg2[%swap3A_13, %swap3A_14, %swap3A_15] : memref<2x10240x64xf32, #tpu.memory_space<vmem>>, vector<1x10240x64xf32>
    %swap3A_17 = vector.shape_cast %swap3A_16 : vector<1x10240x64xf32> to vector<10240x64xf32>
    %swap3A_18 = vector.shape_cast %slice3A_12 : vector<10240x64xf32> to vector<1x10240x64xf32>
    tpu.vector_store %arg2[%swap3A_13, %swap3A_14, %swap3A_15], %swap3A_18 {strides = array<i32>} : memref<2x10240x64xf32, #tpu.memory_space<vmem>>, vector<1x10240x64xf32>,
    return
  }
}

module attributes {stable_mosaic.version = 14 : i64} {
  func.func @_dis_body(%arg0: memref<32x10240xf32, #tpu.memory_space<vmem>>, %arg1: memref<1x10240xf32, #tpu.memory_space<vmem>>) attributes {dimension_semantics = [], scalar_prefetch = 0 : i64, scratch_operands = 0 : i64, tpu.core_type = #tpu.core_type<tc>} {
    %get3A = arith.constant 0 : index
    %get3A_0 = arith.constant 0 : index
    %get3A_1 = vector.load %arg0[%get3A, %get3A_0] : memref<32x10240xf32, #tpu.memory_space<vmem>>, vector<32x10240xf32>
    %reduce_sum3A = arith.constant dense<0.000000e+00> : vector<10240xf32>
    %reduce_sum3A_2 = vector.multi_reduction <add>, %get3A_1, %reduce_sum3A [0] : vector<32x10240xf32> to vector<10240xf32>
    %broadcast_in_dim3A = vector.shape_cast %reduce_sum3A_2 : vector<10240xf32> to vector<1x10240xf32>
    %gt3A = arith.constant 0.000000e+00 : f32
    %gt3A_3 = vector.broadcast %gt3A : f32 to vector<1x10240xf32>
    %gt3A_4 = arith.cmpf ogt, %broadcast_in_dim3A, %gt3A_3 : vector<1x10240xf32>
    %max3A = arith.constant 1.000000e-30 : f32
    %max3A_5 = vector.broadcast %max3A : f32 to vector<1x10240xf32>
    %max3A_6 = arith.maximumf %broadcast_in_dim3A, %max3A_5 : vector<1x10240xf32>
    %rsqrt3A = math.rsqrt %max3A_6 : vector<1x10240xf32>
    %jit3A = arith.constant 0.000000e+00 : f32
    %broadcast_in_dim3A_7 = vector.broadcast %jit3A : f32 to vector<1x10240xf32>
    %select_n3A = arith.select %gt3A_4, %rsqrt3A, %broadcast_in_dim3A_7 : vector<1x10240xi1>, vector<1x10240xf32>
    %swap3A = arith.constant 0 : index
    %swap3A_8 = arith.constant 0 : index
    %swap3A_9 = vector.load %arg1[%swap3A, %swap3A_8] : memref<1x10240xf32, #tpu.memory_space<vmem>>, vector<1x10240xf32>
    tpu.vector_store %arg1[%swap3A, %swap3A_8], %select_n3A {strides = array<i32>} : memref<1x10240xf32, #tpu.memory_space<vmem>>, vector<1x10240xf32>,
    return
  }
}

module attributes {stable_mosaic.version = 14 : i64} {
  func.func @_relu_mm_body(%arg0: memref<2x10240x64xf32, #tpu.memory_space<vmem>>, %arg1: memref<1x128xf32, #tpu.memory_space<vmem>>, %arg2: memref<128x128xf32, #tpu.memory_space<vmem>>, %arg3: memref<2x10240x64xf32, #tpu.memory_space<vmem>>) attributes {dimension_semantics = [], scalar_prefetch = 0 : i64, scratch_operands = 0 : i64, tpu.core_type = #tpu.core_type<tc>} {
    %get3A = arith.constant 0 : index
    %get3A_0 = arith.constant 0 : index
    %get3A_1 = arith.constant 0 : index
    %get3A_2 = vector.load %arg0[%get3A, %get3A_0, %get3A_1] : memref<2x10240x64xf32, #tpu.memory_space<vmem>>, vector<1x10240x64xf32>
    %get3A_3 = vector.shape_cast %get3A_2 : vector<1x10240x64xf32> to vector<10240x64xf32>
    %get3A_4 = arith.constant 1 : index
    %get3A_5 = arith.constant 0 : index
    %get3A_6 = arith.constant 0 : index
    %get3A_7 = vector.load %arg0[%get3A_4, %get3A_5, %get3A_6] : memref<2x10240x64xf32, #tpu.memory_space<vmem>>, vector<1x10240x64xf32>
    %get3A_8 = vector.shape_cast %get3A_7 : vector<1x10240x64xf32> to vector<10240x64xf32>
    %concatenate3A = tpu.concatenate %get3A_3, %get3A_8 in 1 : vector<10240x64xf32>, vector<10240x64xf32> -> vector<10240x128xf32>
    %get3A_9 = arith.constant 0 : index
    %get3A_10 = arith.constant 0 : index
    %get3A_11 = vector.load %arg1[%get3A_9, %get3A_10] : memref<1x128xf32, #tpu.memory_space<vmem>>, vector<1x128xf32>
    %add3A = vector.broadcast %get3A_11 : vector<1x128xf32> to vector<10240x128xf32>
    %add3A_12 = arith.addf %concatenate3A, %add3A : vector<10240x128xf32>
    %max3A = arith.constant 0.000000e+00 : f32
    %max3A_13 = vector.broadcast %max3A : f32 to vector<10240x128xf32>
    %max3A_14 = arith.maximumf %add3A_12, %max3A_13 : vector<10240x128xf32>
    %get3A_15 = arith.constant 0 : index
    %get3A_16 = arith.constant 0 : index
    %get3A_17 = vector.load %arg2[%get3A_15, %get3A_16] : memref<128x128xf32, #tpu.memory_space<vmem>>, vector<128x128xf32>
    %dot_general3A = arith.constant dense<0.000000e+00> : vector<10240x128xf32>
    %dot_general3A_18 = tpu.matmul %max3A_14, %get3A_17, %dot_general3A {dimension_numbers = #tpu.dot_dimension_numbers<[1], [0], [0], [1], [0, 0, 1, 1], [], []>, transpose_lhs_hint = false} : vector<10240x128xf32>, vector<128x128xf32>, vector<10240x128xf32> -> vector<10240x128xf32>
    %slice3A = vector.extract_strided_slice %dot_general3A_18 {offsets = [0, 0], sizes = [10240, 64], strides = [1, 1]} : vector<10240x128xf32> to vector<10240x64xf32>
    %swap3A = arith.constant 0 : index
    %swap3A_19 = arith.constant 0 : index
    %swap3A_20 = arith.constant 0 : index
    %swap3A_21 = vector.load %arg3[%swap3A, %swap3A_19, %swap3A_20] : memref<2x10240x64xf32, #tpu.memory_space<vmem>>, vector<1x10240x64xf32>
    %swap3A_22 = vector.shape_cast %swap3A_21 : vector<1x10240x64xf32> to vector<10240x64xf32>
    %swap3A_23 = vector.shape_cast %slice3A : vector<10240x64xf32> to vector<1x10240x64xf32>
    tpu.vector_store %arg3[%swap3A, %swap3A_19, %swap3A_20], %swap3A_23 {strides = array<i32>} : memref<2x10240x64xf32, #tpu.memory_space<vmem>>, vector<1x10240x64xf32>,
    %slice3A_24 = vector.extract_strided_slice %dot_general3A_18 {offsets = [0, 64], sizes = [10240, 64], strides = [1, 1]} : vector<10240x128xf32> to vector<10240x64xf32>
    %swap3A_25 = arith.constant 1 : index
    %swap3A_26 = arith.constant 0 : index
    %swap3A_27 = arith.constant 0 : index
    %swap3A_28 = vector.load %arg3[%swap3A_25, %swap3A_26, %swap3A_27] : memref<2x10240x64xf32, #tpu.memory_space<vmem>>, vector<1x10240x64xf32>
    %swap3A_29 = vector.shape_cast %swap3A_28 : vector<1x10240x64xf32> to vector<10240x64xf32>
    %swap3A_30 = vector.shape_cast %slice3A_24 : vector<10240x64xf32> to vector<1x10240x64xf32>
    tpu.vector_store %arg3[%swap3A_25, %swap3A_26, %swap3A_27], %swap3A_30 {strides = array<i32>} : memref<2x10240x64xf32, #tpu.memory_space<vmem>>, vector<1x10240x64xf32>,
    return
  }
}

module attributes {stable_mosaic.version = 14 : i64} {
  func.func @_relu_body(%arg0: memref<2x10240x64xf32, #tpu.memory_space<vmem>>, %arg1: memref<1x128xf32, #tpu.memory_space<vmem>>, %arg2: memref<10240x128xf32, #tpu.memory_space<vmem>>) attributes {dimension_semantics = [], scalar_prefetch = 0 : i64, scratch_operands = 0 : i64, tpu.core_type = #tpu.core_type<tc>} {
    %get3A = arith.constant 0 : index
    %get3A_0 = arith.constant 0 : index
    %get3A_1 = arith.constant 0 : index
    %get3A_2 = vector.load %arg0[%get3A, %get3A_0, %get3A_1] : memref<2x10240x64xf32, #tpu.memory_space<vmem>>, vector<1x10240x64xf32>
    %get3A_3 = vector.shape_cast %get3A_2 : vector<1x10240x64xf32> to vector<10240x64xf32>
    %get3A_4 = arith.constant 1 : index
    %get3A_5 = arith.constant 0 : index
    %get3A_6 = arith.constant 0 : index
    %get3A_7 = vector.load %arg0[%get3A_4, %get3A_5, %get3A_6] : memref<2x10240x64xf32, #tpu.memory_space<vmem>>, vector<1x10240x64xf32>
    %get3A_8 = vector.shape_cast %get3A_7 : vector<1x10240x64xf32> to vector<10240x64xf32>
    %concatenate3A = tpu.concatenate %get3A_3, %get3A_8 in 1 : vector<10240x64xf32>, vector<10240x64xf32> -> vector<10240x128xf32>
    %get3A_9 = arith.constant 0 : index
    %get3A_10 = arith.constant 0 : index
    %get3A_11 = vector.load %arg1[%get3A_9, %get3A_10] : memref<1x128xf32, #tpu.memory_space<vmem>>, vector<1x128xf32>
    %add3A = vector.broadcast %get3A_11 : vector<1x128xf32> to vector<10240x128xf32>
    %add3A_12 = arith.addf %concatenate3A, %add3A : vector<10240x128xf32>
    %max3A = arith.constant 0.000000e+00 : f32
    %max3A_13 = vector.broadcast %max3A : f32 to vector<10240x128xf32>
    %max3A_14 = arith.maximumf %add3A_12, %max3A_13 : vector<10240x128xf32>
    %swap3A = arith.constant 0 : index
    %swap3A_15 = arith.constant 0 : index
    %swap3A_16 = vector.load %arg2[%swap3A, %swap3A_15] : memref<10240x128xf32, #tpu.memory_space<vmem>>, vector<10240x128xf32>
    tpu.vector_store %arg2[%swap3A, %swap3A_15], %max3A_14 {strides = array<i32>} : memref<10240x128xf32, #tpu.memory_space<vmem>>, vector<10240x128xf32>,
    return
  }
}

</mosaic_0001>

<sc_bundles>
// kernel: kernel.12.cloned.1.call-start
scs
__scs_entry_jumppad:
0x0: {  	(pc) =	sbr.rel $0x88, $3  }
0x1: {  	(tag) =	ssettag $0x0;
	lr =	simm.s32 $0x1  }
0x2: {  	[smem:$0x3F9A] =	sst lr;
	_ =	strace $0xD0000000  }
0x3: {  	_ = 	snop  }
0x4: {  	_ = 	snop  }
0x5: {  	_ = 	snop  }
0x6: {  	_ = 	snop  }
0x7: {  	_ = 	snop  }
__scs_overlays_trampoline_lowered:
0x8: {  	[smem:$0x3FA9] =	sst s0  }
0x9: {  	[smem:$0x3FAA] =	sst s1  }
0xa: {  	[smem:$0x3FAB] =	sst s2  }
0xb: {  	[smem:$0x3FAC] =	sst s3  }
0xc: {  	[smem:$0x3FAD] =	sst s4  }
0xd: {  	[smem:$0x3FAE] =	sst s5  }
0xe: {  	[smem:$0x3FAF] =	sst s6  }
0xf: {  	[smem:$0x3FB0] =	sst s7  }
0x10: {  	[smem:$0x3FB1] =	sst s8  }
0x11: {  	[smem:$0x3FB2] =	sst s9;
	s0 =	simm.s32 @!p0 $0x0  }
0x12: {  	s1 =	sld [smem:$0x3F98];
	s0 =	simm.s32 @p0 $0x1  }
0x13: {  	[smem:$0x3FB3] =	sst s0;
	s0 =	simm.s32 @!p1 $0x0  }
0x14: {  	s2 =	sld [smem:$0x3F97];
	s0 =	simm.s32 @p1 $0x1  }
0x15: {  	[smem:$0x3FB4] =	sst s0;
	s0 =	simm.s32 @!p2 $0x0  }
0x16: {  	s3 =	sld [smem:$0x3FDB];
	s0 =	simm.s32 @p2 $0x1  }
0x17: {  	s4 =	simm.s32 $0x1BF5;
	[smem:$0x3FB6] =	sst s0  }
0x18: {  	s0 =	sld [smem:$0x3F99];
	_ =	swait.ge [sflag:s4], $0x0  }
0x19: {  	s7 =	sld [smem:$0x3F9A]  }
0x1a: {  	s8 =	sadd.s32 $0xFFFFE003, lr  }
0x1b: {  	s9 =	sadd.s32 $0xFFFFFEF7, lr;
	s5 =	simm.s32 $0xFFFFFFFF;
	p2 =	slt.u32 s8, $0xFFFFF086  }
0x1c: {  	p1 =	slt.u32 s9, $0xF7A;
	s5 =	simm.s32 @!p2 $0x0  }
0x1d: {  	s5 =	simm.s32 @p1 $0x1;
	p0 =	seq.s32 s7, s2  }
0x1e: {  	s7 =	smul.u32 @!p0 $0xF7A, s2;
	p2 =	seq.s32 @!p0 s5, $0x0  }
0x1f: {  	s9 =	smul.u32 $0xF7A, s1;
	s8 =	simm.s32 @!p0 $0x1BF5;
	p2 =	por !p2, p0  }
0x20: {  	[sflag:s8] =	ssyncset.s32 @!p0 $0xFFFFF086;
	s6 =	sadd.s32 @!p0 s3, s7;
	s7 =	simm.s32 @!p0 $0x108  }
0x21: {  	s3 =	sadd.s32 s3, s9;
	s6 =	sadd.s32 @!p0 $0x88, s6;
	s7 =	simm.s32 @p2 $0x1082  }
0x22: {  	[simem:s7], [sflag:s8] =	dma.local @!p0 [hbm:s6], $0xF7A  }
0x23: {  	s9 =	sor.u32 $0xD0000000, s2;
	s6 =	simm.s32 $0x108;
	_ =	swait.ge @!p0 [sflag:s8], $0x0  }
0x24: {  	s3 =	sadd.s32 $0x88, s3;
	s6 =	simm.s32 @!p1 $0x1082;
	[sflag:s4] =	ssyncset.s32 $0xFFFFF086  }
0x25: {  	[simem:s6], [sflag:s4] =	dma.local [hbm:s3], $0xF7A  }
0x26: {  	[smem:$0x3F9A] =	sst s1;
	(tag) =	ssettag s2;
	_ =	strace s9  }
0x27: {  	s1 =	sld [smem:$0x3FAA]  }
0x28: {  	s2 =	sld [smem:$0x3FAB]  }
0x29: {  	s4 =	sld [smem:$0x3FAD]  }
0x2a: {  	p0 =	seq.s32 s5, $0x0;
	s5 =	sld [smem:$0x3FAE]  }
0x2b: {  	s6 =	sld [smem:$0x3FAF]  }
0x2c: {  	s7 =	sld [smem:$0x3FB0]  }
0x2d: {  	s3 =	simm.s32 $0x108;
	s8 =	sld [smem:$0x3FB1]  }
0x2e: {  	s3 =	simm.s32 @!p0 $0x1082;
	s9 =	sld [smem:$0x3FB2]  }
0x2f: {  	lr =	sadd.s32 s0, s3;
	s0 =	sld [smem:$0x3FA9]  }
0x30: {  	s3 =	sld [smem:$0x3FAC]  }
0x31: {  	[smem:$0x3FB5] =	sst s10  }
0x32: {  	s10 =	sld [smem:$0x3FB3];
	_ =	sdelay $0x3  }
0x33: {  	p0 =	seq.s32 s10, $0x1;
	s10 =	sld [smem:$0x3FB5];
	_ =	sdelay $0x3  }
0x34: {  	[smem:$0x3FB5] =	sst s10  }
0x35: {  	s10 =	sld [smem:$0x3FB4];
	_ =	sdelay $0x3  }
0x36: {  	p1 =	seq.s32 s10, $0x1;
	s10 =	sld [smem:$0x3FB5];
	_ =	sdelay $0x3  }
0x37: {  	[smem:$0x3FB5] =	sst s10  }
0x38: {  	s10 =	sld [smem:$0x3FB6]  }
0x39: {  	_ = 	snop;
	(pc) =	sbr.ind lr, $3  }
0x3a: {  	_ = 	snop  }
0x3b: {  	_ = 	snop  }
0x3c: {  	p2 =	seq.s32 s10, $0x1;
	s10 =	sld [smem:$0x3FB5]  }
0x3d: {  	_ =	shalt  }
0x3e: {  	_ =	shalt  }
0x3f: {  	_ =	shalt  }
0x40: {  	_ =	shalt  }
0x41: {  	_ =	shalt  }
0x42: {  	_ =	shalt  }
0x43: {  	_ =	shalt  }
0x44: {  	_ =	shalt  }
0x45: {  	_ =	shalt  }
0x46: {  	_ =	shalt  }
0x47: {  	_ =	shalt  }
0x48: {  	_ =	shalt  }
0x49: {  	_ =	shalt  }
0x4a: {  	_ =	shalt  }
0x4b: {  	_ =	shalt  }
0x4c: {  	_ =	shalt  }
0x4d: {  	_ =	shalt  }
0x4e: {  	_ =	shalt  }
0x4f: {  	_ =	shalt  }
0x50: {  	_ =	shalt  }
0x51: {  	_ =	shalt  }
0x52: {  	_ =	shalt  }
0x53: {  	_ =	shalt  }
0x54: {  	_ =	shalt  }
0x55: {  	_ =	shalt  }
0x56: {  	_ =	shalt  }
0x57: {  	_ =	shalt  }
0x58: {  	_ =	shalt  }
0x59: {  	_ =	shalt  }
0x5a: {  	_ =	shalt  }
0x5b: {  	_ =	shalt  }
0x5c: {  	_ =	shalt  }
0x5d: {  	_ =	shalt  }
0x5e: {  	_ =	shalt  }
0x5f: {  	_ =	shalt  }
0x60: {  	_ =	shalt  }
0x61: {  	_ =	shalt  }
0x62: {  	_ =	shalt  }
0x63: {  	_ =	shalt  }
0x64: {  	_ =	shalt  }
0x65: {  	_ =	shalt  }
0x66: {  	_ =	shalt  }
0x67: {  	_ =	shalt  }
0x68: {  	_ =	shalt  }
0x69: {  	_ =	shalt  }
0x6a: {  	_ =	shalt  }
0x6b: {  	_ =	shalt  }
0x6c: {  	_ =	shalt  }
0x6d: {  	_ =	shalt  }
0x6e: {  	_ =	shalt  }
0x6f: {  	_ =	shalt  }
0x70: {  	_ =	shalt  }
0x71: {  	_ =	shalt  }
0x72: {  	_ =	shalt  }
0x73: {  	_ =	shalt  }
0x74: {  	_ =	shalt  }
0x75: {  	_ =	shalt  }
0x76: {  	_ =	shalt  }
0x77: {  	_ =	shalt  }
0x78: {  	_ =	shalt  }
0x79: {  	_ =	shalt  }
0x7a: {  	_ =	shalt  }
0x7b: {  	_ =	shalt  }
0x7c: {  	_ =	shalt  }
0x7d: {  	_ =	shalt  }
0x7e: {  	_ =	shalt  }
0x7f: {  	_ =	shalt  }
0x80: {  	_ =	shalt  }
0x81: {  	_ =	shalt  }
0x82: {  	_ =	shalt  }
0x83: {  	_ =	shalt  }
0x84: {  	_ =	shalt  }
0x85: {  	_ =	shalt  }
0x86: {  	_ =	shalt  }
0x87: {  	_ =	shalt  }
.Lfunc_end0:
.L_simem_size_0:
called_computation.1_lowered:
.L_overlay_start_0:
0x88: {  	s2 =	sld [smem:$0x3FD9]  }
0x89: {  	s3 =	sld [smem:$0x3FFE];
	_ =	sdelay $0x1  }
0x8a: {  	s1 =	srdreg.scid  }
0x8b: {  	s0 =	sand.u32 $0x1, s1  }
0x8c: {  	s17 =	sshll.u32 s0, $0xA;
	s2 =	sadd.s32 s3, s2  }
0x8d: {  	s2 =	sadd.s32 s2, s17  }
0x8e: {  	[smem:$0x3FC1] =	sst s2  }
0x8f: {  	_ = 	snop  }
0x90: {  	s2 =	sld [smem:$0x3FD0];
	(tm) =	ssettm $0x1  }
0x91: {  	s18 =	sld [smem:$0x3FFB];
	_ =	sdelay $0x3  }
0x92: {  	_ =	strace s18  }
0x93: {  	s3 =	sld [smem:$0x3FFC];
	_ =	sdelay $0x3  }
0x94: {  	_ =	strace s3  }
0x95: {  	s3 =	sld [smem:$0x3FFD];
	_ =	sdelay $0x3  }
0x96: {  	_ =	strace s3  }
0x97: {  	_ =	strace $0x8FFFFFFF  }
0x98: {  	s19 =	sld [smem:$0x3FDB];
	_ =	sdelay $0x1  }
0x99: {  	s4 =	simm.s32 $_scs_section_size  }
0x9a: {  	s5 =	simm.s32 $_size__tile_overlayer_lowered;
	s6 =	simm.s32 $_tile_overlayer_lowered  }
0x9b: {  	s22 =	simm.s32 $0x1BFF;
	s21 =	sshll.u32 s6, $0x1;
	s3 =	sadd.s32 s4, s19  }
0x9c: {  	s7 =	simm.s32 $0x0;
	s20 =	sshll.u32 s5, $0x1;
	s5 =	sadd.s32 s21, s3  }
0x9d: {  	[timem:s7], [sflag:s22] =	dma.local [hbm:s5], s20  }
0x9e: {  	_ =	swait.ge [sflag:s22], s20  }
0x9f: {  	s4 =	ssub.s32 $0x0, s20;
	[sflag:s22] =	ssyncset.done $0x0  }
0xa0: {  	[sflag:s22] =	ssyncadd.s32 s4;
	_ =	sdelay $0x1  }
0xa1: {  	s23 =	simm.s32 $0x1B8B  }
0xa2: {  	_ =	swait.ge [sflag:s23], $0x1  }
0xa3: {  	[sflag:s23] =	ssyncset.done $0x0  }
0xa4: {  	s25 =	simm.s32 $0x1B8E;
	s24 =	sld [smem:$0x3FFE];
	[sflag:s23] =	ssyncadd.s32 $0xFFFFFFFF  }
0xa5: {  	s26 =	simm.s32 $execute0_lowered;
	[smem:$0x3FD2] =	sst s25  }
0xa6: {  	s5 =	sshll.u32 s26, $0x1;
	_ =	strace $0x80000049;
	[dreg:$0x1] =	wrdreg $0xFFFFFFFF  }
0xa7: {  	s28 =	simm.s32 $_size_execute0_lowered;
	s3 =	sadd.s32 s3, s5;
	[dreg:$0x0] =	wrdreg $0x0  }
0xa8: {  	s5 =	sshll.u32 s28, $0x1;
	[dreg:$0x2] =	wrdreg s3  }
0xa9: {  	[dreg:$0x3] =	wrdreg s5  }
0xaa: {  	[dreg:$0x4] =	wrdreg $0xC0  }
0xab: {  	_ =	task [dreg:s7], $0x5FFFF  }
0xac: {  	[dreg:$0x1] =	wrdreg $0xFFFFFFFF  }
0xad: {  	[dreg:$0x0] =	wrdreg $0x60  }
0xae: {  	[dreg:$0x2] =	wrdreg s2  }
0xaf: {  	[dreg:$0x3] =	wrdreg s24  }
0xb0: {  	[dreg:$0x4] =	wrdreg $0x155E00  }
0xb1: {  	[dreg:$0x5] =	wrdreg $0x9  }
0xb2: {  	_ =	task.clear_ibuf [dreg:s7], $0x6FFFF;
	_ =	strace $0x90000049  }
0xb3: {  	s29 =	simm.s32 $0x9;
	_ =	strace $0x8000004B  }
0xb4: {  	_ =	swait.ge [sflag:s29], $0x1  }
0xb5: {  	[sflag:s29] =	ssyncadd.s32 $0xFFFFFFFF  }
0xb6: {  	_ =	strace $0x9000004B  }
0xb7: {  	_ =	sfence  }
0xb8: {  	s30 =	sld [smem:$0x0];
	_ =	sdelay $0x2  }
0xb9: {  	s31 =	sshll.u32 s1, $0xD;
	s1 =	sshrl.u32 s1, $0x2  }
0xba: {  	s3 =	sand.u32 $0x4000, s31;
	s1 =	sadd.s32 s1, s30  }
0xbb: {  	s0 =	sor.u32 s3, s0;
	s1 =	sshll.u32 s1, $0x11  }
0xbc: {  	s0 =	sor.u32 s1, s0  }
0xbd: {  	s0 =	sadd.s32 $0x8F2B, s0  }
0xbe: {  	[sflag:s0] =	ssyncadd.remote.s32 $0x1  }
0xbf: {  	_ =	sfence.sel $0xFFFF  }
0xc0: {  	[dreg:$0x0] =	wrdreg $0xFFFFFFFF;
	(pc) =	sbr.abs _section_cstart, $3  }
0xc1: {  	[dreg:$0x1] =	wrdreg $0xFFFFFFFF  }
0xc2: {  	_ =	task.clear_ibuf [dreg:s7], $0x2FFFF;
	_ =	strace $0x9FFFFFFF  }
0xc3: {  	(tm) =	ssettm $0x7FFFFFFF  }
tec
execute0_lowered:
.L_overlay_start_1:
0x0: {  	(tag) =	ssettag $0x1  }
0x1: {  	s0 =	rddreg [dreg:$0x0]  }
0x2: {  	s1 =	rddreg [dreg:$0x1]  }
0x3: {  	s2 =	rddreg [dreg:$0x2]  }
0x4: {  	s10 =	stileid.u32;
	s4 =	srdreg.scid;
	s3 =	simm.s32 $0x0  }
0x5: {  	s28 =	simm.s32 $0x141E0;
	s29 =	simm.s32 $0x2;
	s6 =	smul.u32 $0xA14, s10  }
0x6: {  	s30 =	simm.s32 $0x3;
	s31 =	simm.s32 $0x4;
	s7 =	smul.u32 $0xA000, s10  }
0x7: {  	s4 =	sand.u32 $0x1, s4;
	[smem:$0x7FF] =	sst s3;
	s10 =	smul.u32 $0x28000, s10  }
0x8: {  	s11 =	sadd.s32 $0x15C00, s1;
	s5 =	smul.u32 $0xA0000, s4;
	_ =	strace $0x8000004A  }
0x9: {  	[dreg:$0x4] =	wrdreg s11;
	s4 =	ssub.s32 $0x2, s4;
	s8 =	sadd.s32 s6, s1  }
0xa: {  	s10 =	sshrl.u32 s10, $0x2;
	s19 =	sshrl.u32 s4, $0x1;
	s0 =	sadd.s32 s0, s6  }
0xb: {  	s9 =	sshrl.u32 s5, $0x3;
	s5 =	sadd.s32 s7, s5;
	s10 =	sadd.s32 s10, s2  }
0xc: {  	s4 =	ssub.s32 s4, s19;
	[dreg:$0xc] =	wrdreg s0;
	s14 =	sadd.s32 $0xBA00, s8  }
0xd: {  	s15 =	sadd.s32 $0x1800, s8;
	s19 =	simm.s32 $0x119E0;
	s20 =	sadd.s32 $0x1400, s10  }
0xe: {  	s0 =	simm.s32 $0x5;
	s21 =	sadd.s32 $0x2800, s10;
	[dreg:$0x5] =	wrdreg s20  }
0xf: {  	s9 =	sadd.s32 s9, s1;
	s22 =	sadd.s32 $0x3C00, s10;
	[dreg:$0x6] =	wrdreg s21  }
0x10: {  	s5 =	sshrl.u32 s5, $0x3;
	s23 =	sadd.s32 $0x5000, s10;
	[dreg:$0x7] =	wrdreg s22  }
0x11: {  	s24 =	sadd.s32 $0x6400, s10;
	s25 =	sadd.s32 $0x7800, s10;
	[dreg:$0x8] =	wrdreg s23  }
0x12: {  	s26 =	sadd.s32 $0x8C00, s10;
	s18 =	smax.u32 s4, $0x1;
	[dreg:$0x9] =	wrdreg s24  }
.Ltmp0:
0x13: {  	s1 =	sadd.s32 s5, s1;
	[dreg:$0xa] =	wrdreg s25;
	(pc) =	sbr.rel .LBB2_1-.Ltmp0, $4  }
0x14: {  	s5 =	sadd.s32 s7, s2;
	[dreg:$0xb] =	wrdreg s26;
	s16 =	sadd.s32 $0x1FC00, s9  }
0x15: {  	s20 =	simm.s32 $0x7;
	s21 =	simm.s32 $0xF1E0;
	s23 =	simm.s32 $0xA140  }
0x16: {  	s24 =	simm.s32 $0x50;
	s25 =	simm.s32 $0x12DE0;
	s26 =	simm.s32 $0x1  }
0x17: {  	v0 =	vimm.f32 $0.0e+00;
	s22 =	simm.s32 $0x6;
	s17 =	sadd.s32 $0x47C00, s1;
	s1 =	simm.s32 $0x0  }
.LBB2_14:
0x18: {  	_ =	swait.ge [sflag:s31], $0x1400  }
0x19: {  	[sflag:s31] =	ssyncset.done $0x0  }
0x1a: {  	[sflag:s31] =	ssyncadd.s32 $0xFFFFEC00  }
0x1b: {  	_ =	swait.ge [sflag:s0], $0x1400  }
0x1c: {  	[sflag:s0] =	ssyncset.done $0x0  }
0x1d: {  	[sflag:s0] =	ssyncadd.s32 $0xFFFFEC00  }
0x1e: {  	s4 =	stileid.u32;
	_ =	swait.ge [sflag:s22], $0x1400  }
0x1f: {  	s6 =	sshrl.u32 s5, $0x3;
	s1 =	sadd.s32 $0x1, s1;
	[sflag:s22] =	ssyncset.done $0x0  }
0x20: {  	s4 =	sshll.u32 s4, $0x6;
	p0 =	sne.s32 s1, s18;
	[sflag:s22] =	ssyncadd.s32 $0xFFFFEC00  }
.Ltmp1:
0x21: {  	s4 =	sor.u32 $0x1C07, s4;
	[bflag:$0x0] =	sbarrier.arrive $0xFFFF;
	(pc) =	sbr.rel @!p0 .LBB2_15-.Ltmp1, $4  }
0x22: {  	[hbm:s17], [sflag:s4] =	dma.local [spmem:s6], $0x1400  }
0x23: {  	_ =	swait.ge [sflag:s20], $0x1400  }
0x24: {  	[sflag:s20] =	ssyncset.done $0x0  }
0x25: {  	[sflag:s20] =	ssyncadd.s32 $0xFFFFEC00  }
.LBB2_1:
0x26: {  	s6 =	simm.s32 $0x100;
	s4 =	simm.s32 $0x0  }
.LBB2_2:
0x27: {  	p0 =	sne.s32 s6, $0x4F00;
	[tilespmem:s4+$0x11A10] =	vst v0;
	s7 =	smov.u32 s6;
	s6 =	sadd.s32 $0x100, s6  }
.Ltmp2:
0x28: {  	[tilespmem:s4+$0x11A00] =	vst v0;
	(pc) =	sbr.rel @p0 .LBB2_2-.Ltmp2, $3  }
0x29: {  	[tilespmem:s4+$0x119E0] =	vst v0  }
0x2a: {  	[tilespmem:s4+$0x119F0] =	vst v0;
	_ =	sdelay $0x1  }
0x2b: {  	s4 =	sshra.s32 s7, $0x2  }
0x2c: {  	[tilespmem:s4+$0x11A10] =	vst v0  }
0x2d: {  	[tilespmem:s4+$0x11A00] =	vst v0  }
0x2e: {  	[tilespmem:s4+$0x119E0] =	vst v0  }
0x2f: {  	[tilespmem:s4+$0x119F0] =	vst v0  }
0x30: {  	[spmem:s5] =	stream.linear.scatter [tilespmem:s19], [sflag:$0x7], $0x1400, $0x38;
	[tilespmem:$0x1F5E0] =	vst v63  }
0x31: {  	_ =	swait.ge [sflag:s20], $0x1400  }
0x32: {  	[sflag:s20] =	ssyncset.done $0x0  }
0x33: {  	s10 =	rddreg [dreg:$0x5];
	[sflag:s20] =	ssyncadd.s32 $0xFFFFEC00  }
0x34: {  	[spmem:s10] =	stream.linear.scatter [tilespmem:s19], [sflag:$0x7], $0x1400, $0x38;
	[tilespmem:$0x1F5E0] =	vst v63  }
0x35: {  	_ =	swait.ge [sflag:s20], $0x1400  }
0x36: {  	[sflag:s20] =	ssyncset.done $0x0  }
0x37: {  	s11 =	rddreg [dreg:$0x6];
	[sflag:s20] =	ssyncadd.s32 $0xFFFFEC00  }
0x38: {  	[spmem:s11] =	stream.linear.scatter [tilespmem:s19], [sflag:$0x7], $0x1400, $0x38;
	[tilespmem:$0x1F5E0] =	vst v63  }
0x39: {  	_ =	swait.ge [sflag:s20], $0x1400  }
0x3a: {  	[sflag:s20] =	ssyncset.done $0x0  }
0x3b: {  	s12 =	rddreg [dreg:$0x7];
	[sflag:s20] =	ssyncadd.s32 $0xFFFFEC00  }
0x3c: {  	[spmem:s12] =	stream.linear.scatter [tilespmem:s19], [sflag:$0x7], $0x1400, $0x38;
	[tilespmem:$0x1F5E0] =	vst v63  }
0x3d: {  	_ =	swait.ge [sflag:s20], $0x1400  }
0x3e: {  	[sflag:s20] =	ssyncset.done $0x0  }
0x3f: {  	s13 =	rddreg [dreg:$0x8];
	[sflag:s20] =	ssyncadd.s32 $0xFFFFEC00  }
0x40: {  	[spmem:s13] =	stream.linear.scatter [tilespmem:s19], [sflag:$0x7], $0x1400, $0x38;
	[tilespmem:$0x1F5E0] =	vst v63  }
0x41: {  	_ =	swait.ge [sflag:s20], $0x1400  }
0x42: {  	[sflag:s20] =	ssyncset.done $0x0  }
0x43: {  	s6 =	rddreg [dreg:$0x9];
	[sflag:s20] =	ssyncadd.s32 $0xFFFFEC00  }
0x44: {  	[spmem:s6] =	stream.linear.scatter [tilespmem:s19], [sflag:$0x7], $0x1400, $0x38;
	[tilespmem:$0x1F5E0] =	vst v63  }
0x45: {  	_ =	swait.ge [sflag:s20], $0x1400  }
0x46: {  	[sflag:s20] =	ssyncset.done $0x0  }
0x47: {  	s7 =	rddreg [dreg:$0xa];
	[sflag:s20] =	ssyncadd.s32 $0xFFFFEC00  }
0x48: {  	[spmem:s7] =	stream.linear.scatter [tilespmem:s19], [sflag:$0x7], $0x1400, $0x38;
	[tilespmem:$0x1F5E0] =	vst v63  }
0x49: {  	_ =	swait.ge [sflag:s20], $0x1400  }
0x4a: {  	[sflag:s20] =	ssyncset.done $0x0  }
0x4b: {  	s8 =	rddreg [dreg:$0xb];
	[sflag:s20] =	ssyncadd.s32 $0xFFFFEC00  }
0x4c: {  	[spmem:s8] =	stream.linear.scatter [tilespmem:s19], [sflag:$0x7], $0x1400, $0x38;
	[tilespmem:$0x1F5E0] =	vst v63  }
0x4d: {  	_ =	swait.ge [sflag:s20], $0x1400  }
0x4e: {  	[sflag:s20] =	ssyncset.done $0x0  }
0x4f: {  	s9 =	rddreg [dreg:$0x4];
	[sflag:s20] =	ssyncadd.s32 $0xFFFFEC00  }
0x50: {  	[tilespmem:s21], [sflag:$0x7] =	stream.linear.gather [hbm4b:s9+s3], $0x2800, $0x38;
	[tilespmem:$0x1F5E0] =	vst v63  }
0x51: {  	_ =	swait.ge [sflag:s20], $0x2800  }
0x52: {  	[sflag:s20] =	ssyncset.done $0x0  }
0x53: {  	s10 =	rddreg [dreg:$0xc];
	[sflag:s20] =	ssyncadd.s32 $0xFFFFD800  }
0x54: {  	[tilespmem:s3], [sflag:$0x7] =	stream.linear.gather [hbm4b:s10+s3], $0x50A0, $0x38;
	[tilespmem:$0x1F5E0] =	vst v63  }
0x55: {  	_ =	swait.ge [sflag:s20], $0x50A0  }
0x56: {  	[sflag:s20] =	ssyncset.done $0x0  }
0x57: {  	s11 =	simm.s32 $0x50A0;
	[sflag:s20] =	ssyncadd.s32 $0xFFFFAF60  }
0x58: {  	[tilespmem:s11], [sflag:$0x7] =	stream.linear.gather [hbm4b:s14+s3], $0x50A0, $0x38;
	[tilespmem:$0x1F5E0] =	vst v63  }
0x59: {  	_ =	swait.ge [sflag:s20], $0x50A0  }
0x5a: {  	[sflag:s20] =	ssyncset.done $0x0  }
0x5b: {  	[sflag:s20] =	ssyncadd.s32 $0xFFFFAF60  }
0x5c: {  	[tilespmem:s23], [sflag:$0x7] =	stream.linear.gather [hbm4b:s15+s3], $0x50A0, $0x38;
	[tilespmem:$0x1F5E0] =	vst v63  }
0x5d: {  	_ =	swait.ge [sflag:s20], $0x50A0  }
0x5e: {  	[sflag:s20] =	ssyncset.done $0x0  }
0x5f: {  	s12 =	simm.s32 $0x10;
	[sflag:s20] =	ssyncadd.s32 $0xFFFFAF60  }
0x60: {  	v1 =	vld [tilespmem:s12+$0x0]  }
0x61: {  	s6 =	simm.s32 $0x50B0  }
0x62: {  	v2 =	vld [tilespmem:s6+$0x0];
	_ =	sdelay $0x1  }
0x63: {  	v4 =	vld [tilespmem:s12+$0xFFFFFFF0]  }
0x64: {  	s4 =	simm.s32 $0xA150;
	v5 =	vld [tilespmem:s6+$0xFFFFFFF0]  }
0x65: {  	s13 =	simm.s32 $0x30;
	v6 =	vld [tilespmem:s4+$0x0]  }
0x66: {  	v8 =	vld [tilespmem:s13+$0x0]  }
0x67: {  	s7 =	simm.s32 $0x50D0;
	v7 =	vld.idx.msk [tilespmem:v1+s21+$0x0], $0xffff  }
0x68: {  	v3 =	vld [tilespmem:s7+$0xFFFFFFF0]  }
0x69: {  	v9 =	vld.idx.msk [tilespmem:v2+s21+$0x0], $0xffff  }
0x6a: {  	v1 =	vld [tilespmem:s7+$0x0]  }
0x6b: {  	v2 =	vld [tilespmem:s13+$0xFFFFFFF0]  }
0x6c: {  	v4 =	vld.idx.msk [tilespmem:v4+s21+$0x0], $0xffff;
	v6 =	vmul.f32 v6, v7  }
0x6d: {  	v7 =	vld [tilespmem:s4+$0xFFFFFFF0]  }
0x6e: {  	v5 =	vld.idx.msk [tilespmem:v5+s21+$0x0], $0xffff;
	v9 =	vmul.f32 v6, v9  }
0x6f: {  	s6 =	simm.s32 $0xA170;
	v8 =	vld.idx.msk [tilespmem:v8+s21+$0x0], $0xffff  }
0x70: {  	s8 =	simm.s32 $0x20;
	s9 =	simm.s32 $0x50;
	v6 =	vld [tilespmem:s6+$0x0];
	[tilespmem:s4+$0x0] =	vst v9  }
.LBB2_4:
0x71: {  	v9 =	vld [tilespmem:s9+$0x0]  }
0x72: {  	s8 =	sadd.s32 $0x20, s8;
	v10 =	vld.idx.msk [tilespmem:v1+s21+$0x0], $0xffff;
	v4 =	vmul.f32 v7, v4  }
0x73: {  	s7 =	sadd.s32 $0x20, s7;
	p0 =	slt.u32 s8, $0x5080;
	v11 =	vld [tilespmem:s9+$0xFFFFFFF0]  }
0x74: {  	v1 =	vld [tilespmem:s7+$0x0];
	v5 =	vmul.f32 v4, v5  }
0x75: {  	v12 =	vld [tilespmem:s7+$0xFFFFFFF0]  }
.Ltmp3:
0x76: {  	v6 =	vmul.f32 v6, v8;
	v4 =	vld.idx.msk [tilespmem:v2+s21+$0x0], $0xffff;
	[tilespmem:s4+$0xFFFFFFF0] =	vst v5;
	s4 =	smov.u32 s6;
	(pc) =	sbr.rel @p0 .LBB2_4-.Ltmp3, $4  }
0x77: {  	v7 =	vld [tilespmem:s6+$0xFFFFFFF0]  }
0x78: {  	v10 =	vmul.f32 v6, v10;
	s6 =	sadd.s32 $0x20, s6;
	v5 =	vld.idx.msk [tilespmem:v3+s21+$0x0], $0xffff;
	v2 =	vmov v11  }
0x79: {  	v6 =	vld [tilespmem:s6+$0x0]  }
0x7a: {  	s9 =	sadd.s32 $0x20, s9;
	v8 =	vld.idx.msk [tilespmem:v9+s21+$0x0], $0xffff;
	[tilespmem:s4+$0x0] =	vst v10;
	v3 =	vmov v12  }
0x7b: {  	_ =	sdelay $0x3  }
0x7c: {  	v2 =	vld.idx.msk [tilespmem:v2+s21+$0x0], $0xffff  }
0x7d: {  	v9 =	vld [tilespmem:s6+$0xFFFFFFF0]  }
0x7e: {  	v1 =	vld.idx.msk [tilespmem:v1+s21+$0x0], $0xffff  }
0x7f: {  	v3 =	vld.idx.msk [tilespmem:v3+s21+$0x0], $0xffff  }
0x80: {  	v4 =	vmul.f32 v7, v4  }
0x81: {  	v6 =	vmul.f32 v6, v8  }
0x82: {  	v4 =	vmul.f32 v4, v5;
	v2 =	vmul.f32 v9, v2  }
0x83: {  	v1 =	vmul.f32 v6, v1  }
0x84: {  	[tilespmem:s4+$0xFFFFFFF0] =	vst v4;
	v2 =	vmul.f32 v2, v3  }
0x85: {  	[tilespmem:s6+$0x0] =	vst v1  }
0x86: {  	s4 =	simm.s32 $0x0;
	[tilespmem:s6+$0xFFFFFFF0] =	vst v2  }
0x87: {  	[tilespmem:s19], [sflag:$0x1] =	stream.indirect.gather [hbm4b:s16+s24], $0x40, s4, s24, $0xb8;
	[tilespmem:$0x1F5E0] =	vst v63  }
0x88: {  	_ = 	snop  }
0x89: {  	[tilespmem:s25], [sflag:$0x2] =	stream.indirect.gather [hbm4b:s16+s24], $0x40, s24, s24, $0xb8;
	[tilespmem:$0x1F5E0] =	vst v63  }
0x8a: {  	[bflag:$0x0] =	sbarrier.arrive $0xFFFF  }
.LBB2_6:
0x8b: {  	s6 =	smul.u32 $0xF0, s4;
	_ =	sdelay $0x1  }
0x8c: {  	s7 =	sadd.s32 $0x0, s6  }
0x8d: {  	s8 =	sadd.s32 $0x2, s7  }
0x8e: {  	v2 =	vmov s8  }
0x8f: {  	v2 =	vand.u32 $0xFFFFFFFE, v2  }
0x90: {  	_ =	swait.ge [sflag:s26], $0x1400;
	v1 =	vmov s7;
	v2 =	vbroadcast v2, $0x0  }
0x91: {  	[sflag:s26] =	ssyncset.done $0x0;
	v1 =	vand.u32 $0xFFFFFFFC, v1  }
0x92: {  	[sflag:s26] =	ssyncadd.s32 $0xFFFFEC00;
	s8 =	simm.s32 $0x11A60;
	v1 =	vbroadcast v1, $0x0  }
0x93: {  	s13 =	sadd.s32 $0x1, s7;
	v6 =	vld [tilespmem:s8+$0x30]  }
0x94: {  	s7 =	sadd.s32 $0x3, s7;
	v3 =	vmov s13;
	v8 =	vld [tilespmem:s8+$0xFFFFFF80]  }
0x95: {  	v5 =	vmov s7;
	v3 =	vand.u32 $0xFFFFFFFD, v3;
	v10 =	vld [tilespmem:s8+$0xFFFFFF90]  }
0x96: {  	v4 =	vbroadcast v3, $0x0;
	v2 =	vld.idx.msk [tilespmem:v2+s23+$0x0], $0xffff  }
0x97: {  	v9 =	vld [tilespmem:s8+$0xFFFFFFA0]  }
0x98: {  	v3 =	vld.idx.msk [tilespmem:v1+s23+$0x0], $0xffff  }
0x99: {  	v7 =	vld [tilespmem:s8+$0xFFFFFFD0]  }
0x9a: {  	v1 =	vld.idx.msk [tilespmem:v5+s23+$0x0], $0xffff  }
0x9b: {  	v5 =	vld [tilespmem:s8+$0xFFFFFFB0];
	v11 =	vmul.f32 v6, v2  }
0x9c: {  	v4 =	vld.idx.msk [tilespmem:v4+s23+$0x0], $0xffff  }
0x9d: {  	v6 =	vld [tilespmem:s8+$0xFFFFFFC0];
	[tilespmem:s8+$0x30] =	vst v11;
	v11 =	vmul.f32 v8, v3  }
0x9e: {  	s9 =	simm.s32 $0x8;
	s10 =	sadd.s32 $0x4, s6;
	s7 =	simm.s32 $0x11A60;
	v10 =	vmul.f32 v10, v3;
	v8 =	vld [tilespmem:s8+$0xFFFFFFE0]  }
.LBB2_7:
0x9f: {  	p0 =	slt.u32 s9, $0x4C;
	v12 =	vmov s10;
	s11 =	sadd.s32 $0x1, s10;
	s12 =	sadd.s32 $0x2, s10;
	[tilespmem:s8+$0xFFFFFF80] =	vst v11;
	v9 =	vmul.f32 v9, v3;
	v11 =	vld [tilespmem:s8+$0xFFFFFFF0]  }
0xa0: {  	s10 =	sadd.s32 $0x3, s10;
	v12 =	vand.u32 $0xFFFFFFFC, v12;
	v13 =	vmov s11;
	v14 =	vmov s12;
	[tilespmem:s8+$0xFFFFFF90] =	vst v10;
	v10 =	vld [tilespmem:s8+$0x0]  }
0xa1: {  	v12 =	vbroadcast v12, $0x0;
	v13 =	vand.u32 $0xFFFFFFFD, v13;
	v14 =	vand.u32 $0xFFFFFFFE, v14;
	[tilespmem:s8+$0xFFFFFFA0] =	vst v9;
	v9 =	vld [tilespmem:s8+$0x10]  }
0xa2: {  	v15 =	vmov s10;
	v13 =	vbroadcast v13, $0x0;
	v14 =	vbroadcast v14, $0x0;
	v16 =	vld [tilespmem:s8+$0x20]  }
0xa3: {  	v6 =	vmul.f32 v6, v4;
	v7 =	vmul.f32 v7, v4;
	v17 =	vld [tilespmem:s8+$0x40]  }
0xa4: {  	v8 =	vmul.f32 v8, v4;
	v4 =	vmul.f32 v11, v4;
	v11 =	vld [tilespmem:s8+$0x50]  }
0xa5: {  	v5 =	vmul.f32 v5, v3;
	[tilespmem:s8+$0xFFFFFFC0] =	vst v6;
	v6 =	vmul.f32 v10, v2;
	v10 =	vld [tilespmem:s8+$0x60]  }
0xa6: {  	[tilespmem:s8+$0xFFFFFFD0] =	vst v7;
	v7 =	vmul.f32 v9, v2;
	v9 =	vld [tilespmem:s8+$0x70]  }
0xa7: {  	v3 =	vld.idx.msk [tilespmem:v12+s23+$0x0], $0xffff;
	[tilespmem:s8+$0xFFFFFFE0] =	vst v8;
	v8 =	vmul.f32 v16, v2  }
0xa8: {  	s8 =	sadd.s32 $0x100, s8;
	v2 =	vld.idx.msk [tilespmem:v14+s23+$0x0], $0xffff;
	[tilespmem:s7+$0xFFFFFFF0] =	vst v4;
	v12 =	vmul.f32 v17, v1  }
0xa9: {  	v14 =	vld [tilespmem:s8+$0x30];
	[tilespmem:s7+$0x0] =	vst v6;
	v6 =	vmul.f32 v11, v1  }
0xaa: {  	v4 =	vld.idx.msk [tilespmem:v13+s23+$0x0], $0xffff;
	[tilespmem:s7+$0x10] =	vst v7;
	v7 =	vmul.f32 v10, v1  }
0xab: {  	[tilespmem:s7+$0x20] =	vst v8;
	v8 =	vmul.f32 v9, v1;
	v1 =	vld.idx.msk [tilespmem:v15+s23+$0x0], $0xffff  }
0xac: {  	v10 =	vld [tilespmem:s8+$0xFFFFFF80];
	[tilespmem:s7+$0xFFFFFFB0] =	vst v5  }
0xad: {  	v13 =	vld [tilespmem:s8+$0xFFFFFF90];
	[tilespmem:s7+$0x40] =	vst v12  }
.Ltmp4:
0xae: {  	v9 =	vld [tilespmem:s8+$0xFFFFFFA0];
	v11 =	vmul.f32 v14, v2;
	[tilespmem:s7+$0x50] =	vst v6;
	(pc) =	sbr.rel @p0 .LBB2_7-.Ltmp4, $4  }
0xaf: {  	v5 =	vld [tilespmem:s8+$0xFFFFFFB0];
	[tilespmem:s7+$0x60] =	vst v7  }
0xb0: {  	v6 =	vld [tilespmem:s8+$0xFFFFFFC0];
	[tilespmem:s8+$0x30] =	vst v11  }
0xb1: {  	v11 =	vmul.f32 v10, v3;
	v7 =	vld [tilespmem:s8+$0xFFFFFFD0];
	[tilespmem:s7+$0x70] =	vst v8;
	s7 =	smov.u32 s8  }
0xb2: {  	s10 =	sadd.s32 s6, s9;
	s9 =	sadd.s32 $0x4, s9;
	v10 =	vmul.f32 v13, v3;
	v8 =	vld [tilespmem:s8+$0xFFFFFFE0]  }
0xb3: {  	v13 =	vld [tilespmem:s8+$0xFFFFFFF0]  }
0xb4: {  	v15 =	vld [tilespmem:s8+$0x0]  }
0xb5: {  	v12 =	vmov s10;
	v16 =	vld [tilespmem:s8+$0x10]  }
0xb6: {  	s9 =	sadd.s32 $0x2, s10;
	s12 =	sadd.s32 $0x1, s10;
	v18 =	vld [tilespmem:s8+$0x20];
	[tilespmem:s8+$0xFFFFFF80] =	vst v11;
	v9 =	vmul.f32 v9, v3;
	v12 =	vand.u32 $0xFFFFFFFC, v12  }
0xb7: {  	v58 =	vld [tilespmem:s8+$0x40];
	s13 =	sadd.s32 $0x3, s10;
	s10 =	sadd.s32 $0x100, s8;
	v14 =	vmov s9;
	v17 =	vmov s12;
	[tilespmem:s8+$0xFFFFFF90] =	vst v10;
	v3 =	vmul.f32 v5, v3  }
0xb8: {  	v62 =	vld [tilespmem:s10+$0xFFFFFFA0];
	v12 =	vbroadcast v12, $0x0;
	v14 =	vand.u32 $0xFFFFFFFE, v14;
	v6 =	vmul.f32 v6, v4;
	[tilespmem:s8+$0xFFFFFFA0] =	vst v9  }
0xb9: {  	v11 =	vand.u32 $0xFFFFFFFD, v17;
	v9 =	vld [tilespmem:s8+$0x60];
	v14 =	vbroadcast v14, $0x0;
	v7 =	vmul.f32 v7, v4;
	[tilespmem:s7+$0xFFFFFFB0] =	vst v3  }
0xba: {  	v10 =	vbroadcast v11, $0x0;
	v11 =	vld [tilespmem:s8+$0x50];
	v8 =	vmul.f32 v8, v4;
	[tilespmem:s8+$0xFFFFFFC0] =	vst v6  }
0xbb: {  	v3 =	vld [tilespmem:s10+$0xFFFFFF90];
	v4 =	vmul.f32 v13, v4;
	[tilespmem:s8+$0xFFFFFFD0] =	vst v7;
	v59 =	vmul.f32 v15, v2  }
0xbc: {  	v6 =	vld [tilespmem:s8+$0x70];
	v60 =	vmul.f32 v16, v2;
	v2 =	vmul.f32 v18, v2;
	[tilespmem:s8+$0xFFFFFFE0] =	vst v8  }
0xbd: {  	[tilespmem:s7+$0xFFFFFFF0] =	vst v4;
	v4 =	vld [tilespmem:s10+$0x30]  }
0xbe: {  	[tilespmem:s7+$0x20] =	vst v2;
	v2 =	vld [tilespmem:s10+$0xFFFFFF80]  }
0xbf: {  	v7 =	vld.idx.msk [tilespmem:v12+s23+$0x0], $0xffff  }
0xc0: {  	v61 =	vmul.f32 v58, v1;
	[tilespmem:s7+$0x0] =	vst v59;
	v8 =	vld.idx.msk [tilespmem:v14+s23+$0x0], $0xffff  }
0xc1: {  	[tilespmem:s7+$0x10] =	vst v60;
	v9 =	vmul.f32 v9, v1;
	v10 =	vld.idx.msk [tilespmem:v10+s23+$0x0], $0xffff  }
0xc2: {  	[tilespmem:s7+$0x40] =	vst v61;
	v11 =	vmul.f32 v11, v1;
	v1 =	vmul.f32 v6, v1;
	v6 =	vld [tilespmem:s10+$0xFFFFFFD0]  }
0xc3: {  	v19 =	vmov s13;
	v63 =	vld [tilespmem:s10+$0xFFFFFFB0];
	[tilespmem:s7+$0x60] =	vst v9  }
0xc4: {  	[tilespmem:s7+$0x50] =	vst v11;
	v11 =	vld [tilespmem:s10+$0xFFFFFFC0];
	v2 =	vmul.f32 v2, v7  }
0xc5: {  	v9 =	vld [tilespmem:s10+$0x0];
	[tilespmem:s7+$0x70] =	vst v1;
	v4 =	vmul.f32 v4, v8  }
0xc6: {  	v1 =	vmul.f32 v3, v7;
	v3 =	vld [tilespmem:s10+$0xFFFFFFF0];
	[tilespmem:s10+$0xFFFFFF80] =	vst v2  }
0xc7: {  	v6 =	vmul.f32 v6, v10;
	[tilespmem:s10+$0x30] =	vst v4;
	v4 =	vld [tilespmem:s10+$0xFFFFFFE0]  }
0xc8: {  	v5 =	vld.idx.msk [tilespmem:v19+s23+$0x0], $0xffff;
	v2 =	vmul.f32 v62, v7;
	[tilespmem:s10+$0xFFFFFF90] =	vst v1  }
0xc9: {  	v1 =	vld [tilespmem:s10+$0x10];
	v11 =	vmul.f32 v11, v10;
	[tilespmem:s10+$0xFFFFFFD0] =	vst v6  }
0xca: {  	v9 =	vmul.f32 v9, v8;
	[tilespmem:s10+$0xFFFFFFA0] =	vst v2;
	v2 =	vld [tilespmem:s10+$0x20]  }
0xcb: {  	[tilespmem:s10+$0xFFFFFFC0] =	vst v11;
	v11 =	vld [tilespmem:s10+$0x40];
	v3 =	vmul.f32 v3, v10  }
0xcc: {  	v6 =	vld [tilespmem:s10+$0x50];
	[tilespmem:s10+$0x0] =	vst v9;
	v4 =	vmul.f32 v4, v10  }
0xcd: {  	v7 =	vmul.f32 v63, v7;
	[tilespmem:s10+$0xFFFFFFF0] =	vst v3;
	v3 =	vld [tilespmem:s10+$0x70]  }
0xce: {  	v1 =	vmul.f32 v1, v8;
	[tilespmem:s10+$0xFFFFFFE0] =	vst v4;
	v4 =	vld [tilespmem:s10+$0x60]  }
0xcf: {  	[tilespmem:s10+$0xFFFFFFB0] =	vst v7;
	v2 =	vmul.f32 v2, v8  }
0xd0: {  	[tilespmem:s10+$0x10] =	vst v1;
	v1 =	vmul.f32 v11, v5  }
0xd1: {  	[tilespmem:s10+$0x20] =	vst v2;
	v2 =	vmul.f32 v6, v5  }
0xd2: {  	[tilespmem:s10+$0x40] =	vst v1;
	v1 =	vmul.f32 v3, v5  }
0xd3: {  	s11 =	sadd.s32 $0x50A0, s6;
	s6 =	sadd.s32 $0x50, s6;
	s12 =	smul.u32 $0x3, s4;
	[tilespmem:s10+$0x50] =	vst v2;
	v4 =	vmul.f32 v4, v5  }
0xd4: {  	p0 =	seq.s32 s4, $0x0;
	s8 =	sadd.s32 $0x0, s6;
	[tilespmem:s10+$0x70] =	vst v1  }
0xd5: {  	s9 =	simm.s32 @!p0 $0x6;
	s13 =	sadd.s32 $0x2, s8;
	s7 =	sadd.s32 $0x2, s12;
	[tilespmem:s10+$0x60] =	vst v4  }
0xd6: {  	v1 =	vmov s8;
	[spmem:s2] =	stream.indirect.scatter.add.f32 [tilespmem:s19], [sflag:$0x4], $0x40, s11, s24, $0xb8;
	[tilespmem:$0x1F5E0] =	vst v63  }
0xd7: {  	v2 =	vmov s13;
	v1 =	vand.u32 $0xFFFFFFFC, v1;
	s11 =	smul.u32 $0x140, s7;
	_ =	swait.ge @!p0 [sflag:s9], $0x1400  }
0xd8: {  	s12 =	sadd.s32 $0x1, s8;
	v2 =	vand.u32 $0xFFFFFFFE, v2;
	v1 =	vbroadcast v1, $0x0;
	[sflag:s9] =	ssyncset.done @!p0 $0x0  }
0xd9: {  	v3 =	vmov s12;
	v2 =	vbroadcast v2, $0x0;
	s13 =	sshra.s32 s11, $0x2;
	[sflag:s9] =	ssyncadd.s32 @!p0 $0xFFFFEC00  }
0xda: {  	v3 =	vand.u32 $0xFFFFFFFD, v3;
	[tilespmem:s28], [sflag:$0x3] =	stream.indirect.gather [hbm4b:s16+s24], $0x40, s13, s24, $0xb8;
	[tilespmem:$0x1F5E0] =	vst v63  }
0xdb: {  	v4 =	vbroadcast v3, $0x0;
	_ =	swait.ge [sflag:s29], $0x1400  }
0xdc: {  	s8 =	sadd.s32 $0x3, s8;
	[sflag:s29] =	ssyncset.done $0x0  }
0xdd: {  	v5 =	vmov s8;
	[sflag:s29] =	ssyncadd.s32 $0xFFFFEC00  }
0xde: {  	v3 =	vld.idx.msk [tilespmem:v1+s23+$0x0], $0xffff  }
0xdf: {  	s9 =	simm.s32 $0x12ED0;
	v2 =	vld.idx.msk [tilespmem:v2+s23+$0x0], $0xffff  }
0xe0: {  	v6 =	vld [tilespmem:s9+$0xFFFFFFC0]  }
0xe1: {  	v4 =	vld.idx.msk [tilespmem:v4+s23+$0x0], $0xffff  }
0xe2: {  	v1 =	vld.idx.msk [tilespmem:v5+s23+$0x0], $0xffff  }
0xe3: {  	v8 =	vld [tilespmem:s9+$0xFFFFFF10]  }
0xe4: {  	v10 =	vld [tilespmem:s9+$0xFFFFFF20]  }
0xe5: {  	v9 =	vld [tilespmem:s9+$0xFFFFFF30]  }
0xe6: {  	v5 =	vld [tilespmem:s9+$0xFFFFFF40];
	v11 =	vmul.f32 v6, v2  }
0xe7: {  	v7 =	vld [tilespmem:s9+$0xFFFFFF60]  }
0xe8: {  	v6 =	vld [tilespmem:s9+$0xFFFFFF50];
	[tilespmem:s9+$0xFFFFFFC0] =	vst v11;
	v11 =	vmul.f32 v8, v3  }
0xe9: {  	s8 =	simm.s32 $0x12ED0;
	s10 =	simm.s32 $0x8;
	s11 =	sadd.s32 $0x4, s6;
	v10 =	vmul.f32 v10, v3;
	v8 =	vld [tilespmem:s9+$0xFFFFFF70]  }
.LBB2_9:
0xea: {  	p0 =	slt.u32 s10, $0x4C;
	v12 =	vmov s11;
	s12 =	sadd.s32 $0x1, s11;
	s13 =	sadd.s32 $0x2, s11;
	[tilespmem:s9+$0xFFFFFF10] =	vst v11;
	v9 =	vmul.f32 v9, v3;
	v11 =	vld [tilespmem:s9+$0xFFFFFF80]  }
0xeb: {  	s11 =	sadd.s32 $0x3, s11;
	v12 =	vand.u32 $0xFFFFFFFC, v12;
	v13 =	vmov s12;
	v14 =	vmov s13;
	[tilespmem:s9+$0xFFFFFF20] =	vst v10;
	v10 =	vld [tilespmem:s9+$0xFFFFFF90]  }
0xec: {  	v12 =	vbroadcast v12, $0x0;
	v13 =	vand.u32 $0xFFFFFFFD, v13;
	v14 =	vand.u32 $0xFFFFFFFE, v14;
	[tilespmem:s9+$0xFFFFFF30] =	vst v9;
	v9 =	vld [tilespmem:s9+$0xFFFFFFA0]  }
0xed: {  	v15 =	vmov s11;
	v13 =	vbroadcast v13, $0x0;
	v14 =	vbroadcast v14, $0x0;
	v16 =	vld [tilespmem:s9+$0xFFFFFFB0]  }
0xee: {  	v6 =	vmul.f32 v6, v4;
	v7 =	vmul.f32 v7, v4;
	v17 =	vld [tilespmem:s9+$0xFFFFFFD0]  }
0xef: {  	v8 =	vmul.f32 v8, v4;
	v4 =	vmul.f32 v11, v4;
	v11 =	vld [tilespmem:s9+$0xFFFFFFE0]  }
0xf0: {  	v5 =	vmul.f32 v5, v3;
	[tilespmem:s9+$0xFFFFFF50] =	vst v6;
	v6 =	vmul.f32 v10, v2;
	v10 =	vld [tilespmem:s9+$0xFFFFFFF0]  }
0xf1: {  	[tilespmem:s9+$0xFFFFFF60] =	vst v7;
	v7 =	vmul.f32 v9, v2;
	v9 =	vld [tilespmem:s9+$0x0]  }
0xf2: {  	v3 =	vld.idx.msk [tilespmem:v12+s23+$0x0], $0xffff;
	[tilespmem:s9+$0xFFFFFF70] =	vst v8;
	v8 =	vmul.f32 v16, v2  }
0xf3: {  	s9 =	sadd.s32 $0x100, s9;
	v2 =	vld.idx.msk [tilespmem:v14+s23+$0x0], $0xffff;
	[tilespmem:s8+$0xFFFFFF80] =	vst v4;
	v12 =	vmul.f32 v17, v1  }
0xf4: {  	v14 =	vld [tilespmem:s9+$0xFFFFFFC0];
	[tilespmem:s8+$0xFFFFFF90] =	vst v6;
	v6 =	vmul.f32 v11, v1  }
0xf5: {  	v4 =	vld.idx.msk [tilespmem:v13+s23+$0x0], $0xffff;
	[tilespmem:s8+$0xFFFFFFA0] =	vst v7;
	v7 =	vmul.f32 v10, v1  }
0xf6: {  	[tilespmem:s8+$0xFFFFFFB0] =	vst v8;
	v8 =	vmul.f32 v9, v1;
	v1 =	vld.idx.msk [tilespmem:v15+s23+$0x0], $0xffff  }
0xf7: {  	v10 =	vld [tilespmem:s9+$0xFFFFFF10];
	[tilespmem:s8+$0xFFFFFF40] =	vst v5  }
0xf8: {  	v13 =	vld [tilespmem:s9+$0xFFFFFF20];
	[tilespmem:s8+$0xFFFFFFD0] =	vst v12  }
.Ltmp5:
0xf9: {  	v9 =	vld [tilespmem:s9+$0xFFFFFF30];
	v11 =	vmul.f32 v14, v2;
	[tilespmem:s8+$0xFFFFFFE0] =	vst v6;
	(pc) =	sbr.rel @p0 .LBB2_9-.Ltmp5, $4  }
0xfa: {  	v5 =	vld [tilespmem:s9+$0xFFFFFF40];
	[tilespmem:s8+$0xFFFFFFF0] =	vst v7  }
0xfb: {  	v6 =	vld [tilespmem:s9+$0xFFFFFF50];
	[tilespmem:s9+$0xFFFFFFC0] =	vst v11  }
0xfc: {  	v11 =	vmul.f32 v10, v3;
	v7 =	vld [tilespmem:s9+$0xFFFFFF60];
	[tilespmem:s8+$0x0] =	vst v8;
	s8 =	smov.u32 s9  }
0xfd: {  	s11 =	sadd.s32 s6, s10;
	s10 =	sadd.s32 $0x4, s10;
	v10 =	vmul.f32 v13, v3;
	v8 =	vld [tilespmem:s9+$0xFFFFFF70]  }
0xfe: {  	v13 =	vld [tilespmem:s9+$0xFFFFFF80]  }
0xff: {  	v15 =	vld [tilespmem:s9+$0xFFFFFF90]  }
0x100: {  	v12 =	vmov s11;
	v16 =	vld [tilespmem:s9+$0xFFFFFFA0]  }
0x101: {  	s10 =	sadd.s32 $0x2, s11;
	s13 =	sadd.s32 $0x1, s11;
	v18 =	vld [tilespmem:s9+$0xFFFFFFB0];
	[tilespmem:s9+$0xFFFFFF10] =	vst v11;
	v9 =	vmul.f32 v9, v3;
	v12 =	vand.u32 $0xFFFFFFFC, v12  }
0x102: {  	v58 =	vld [tilespmem:s9+$0xFFFFFFD0];
	s12 =	sadd.s32 $0x100, s9;
	v14 =	vmov s10;
	v17 =	vmov s13;
	[tilespmem:s9+$0xFFFFFF20] =	vst v10;
	v3 =	vmul.f32 v5, v3  }
0x103: {  	v62 =	vld [tilespmem:s12+$0xFFFFFF30];
	v12 =	vbroadcast v12, $0x0;
	v14 =	vand.u32 $0xFFFFFFFE, v14;
	v6 =	vmul.f32 v6, v4;
	[tilespmem:s9+$0xFFFFFF30] =	vst v9  }
0x104: {  	v11 =	vand.u32 $0xFFFFFFFD, v17;
	v9 =	vld [tilespmem:s9+$0xFFFFFFF0];
	v14 =	vbroadcast v14, $0x0;
	v7 =	vmul.f32 v7, v4;
	[tilespmem:s8+$0xFFFFFF40] =	vst v3  }
0x105: {  	v10 =	vbroadcast v11, $0x0;
	v11 =	vld [tilespmem:s9+$0xFFFFFFE0];
	v8 =	vmul.f32 v8, v4;
	[tilespmem:s9+$0xFFFFFF50] =	vst v6  }
0x106: {  	v3 =	vld [tilespmem:s12+$0xFFFFFF20];
	v4 =	vmul.f32 v13, v4;
	[tilespmem:s9+$0xFFFFFF60] =	vst v7;
	v59 =	vmul.f32 v15, v2  }
0x107: {  	v6 =	vld [tilespmem:s9+$0x0];
	v60 =	vmul.f32 v16, v2;
	v2 =	vmul.f32 v18, v2;
	[tilespmem:s9+$0xFFFFFF70] =	vst v8  }
0x108: {  	[tilespmem:s8+$0xFFFFFF80] =	vst v4;
	v4 =	vld [tilespmem:s12+$0xFFFFFFC0]  }
0x109: {  	[tilespmem:s8+$0xFFFFFFB0] =	vst v2;
	v2 =	vld [tilespmem:s12+$0xFFFFFF10]  }
0x10a: {  	v7 =	vld.idx.msk [tilespmem:v12+s23+$0x0], $0xffff  }
0x10b: {  	v61 =	vmul.f32 v58, v1;
	[tilespmem:s8+$0xFFFFFF90] =	vst v59;
	v8 =	vld.idx.msk [tilespmem:v14+s23+$0x0], $0xffff  }
0x10c: {  	[tilespmem:s8+$0xFFFFFFA0] =	vst v60;
	v9 =	vmul.f32 v9, v1;
	v10 =	vld.idx.msk [tilespmem:v10+s23+$0x0], $0xffff  }
0x10d: {  	s11 =	sadd.s32 $0x3, s11;
	[tilespmem:s8+$0xFFFFFFD0] =	vst v61;
	v11 =	vmul.f32 v11, v1;
	v1 =	vmul.f32 v6, v1;
	v6 =	vld [tilespmem:s12+$0xFFFFFF60]  }
0x10e: {  	v19 =	vmov s11;
	v63 =	vld [tilespmem:s12+$0xFFFFFF40];
	[tilespmem:s8+$0xFFFFFFF0] =	vst v9  }
0x10f: {  	[tilespmem:s8+$0xFFFFFFE0] =	vst v11;
	v11 =	vld [tilespmem:s12+$0xFFFFFF50];
	v2 =	vmul.f32 v2, v7  }
0x110: {  	v9 =	vld [tilespmem:s12+$0xFFFFFF90];
	[tilespmem:s8+$0x0] =	vst v1;
	v4 =	vmul.f32 v4, v8  }
0x111: {  	v1 =	vmul.f32 v3, v7;
	v3 =	vld [tilespmem:s12+$0xFFFFFF80];
	[tilespmem:s12+$0xFFFFFF10] =	vst v2  }
0x112: {  	v6 =	vmul.f32 v6, v10;
	[tilespmem:s12+$0xFFFFFFC0] =	vst v4;
	v4 =	vld [tilespmem:s12+$0xFFFFFF70]  }
0x113: {  	v5 =	vld.idx.msk [tilespmem:v19+s23+$0x0], $0xffff;
	v2 =	vmul.f32 v62, v7;
	[tilespmem:s12+$0xFFFFFF20] =	vst v1  }
0x114: {  	v1 =	vld [tilespmem:s12+$0xFFFFFFA0];
	v11 =	vmul.f32 v11, v10;
	[tilespmem:s12+$0xFFFFFF60] =	vst v6  }
0x115: {  	v9 =	vmul.f32 v9, v8;
	[tilespmem:s12+$0xFFFFFF30] =	vst v2;
	v2 =	vld [tilespmem:s12+$0xFFFFFFB0]  }
0x116: {  	[tilespmem:s12+$0xFFFFFF50] =	vst v11;
	v11 =	vld [tilespmem:s12+$0xFFFFFFD0];
	v3 =	vmul.f32 v3, v10  }
0x117: {  	v6 =	vld [tilespmem:s12+$0xFFFFFFE0];
	[tilespmem:s12+$0xFFFFFF90] =	vst v9;
	v4 =	vmul.f32 v4, v10  }
0x118: {  	v7 =	vmul.f32 v63, v7;
	[tilespmem:s12+$0xFFFFFF80] =	vst v3;
	v3 =	vld [tilespmem:s12+$0x0]  }
0x119: {  	v1 =	vmul.f32 v1, v8;
	[tilespmem:s12+$0xFFFFFF70] =	vst v4;
	v4 =	vld [tilespmem:s12+$0xFFFFFFF0]  }
0x11a: {  	[tilespmem:s12+$0xFFFFFF40] =	vst v7;
	v2 =	vmul.f32 v2, v8  }
0x11b: {  	[tilespmem:s12+$0xFFFFFFA0] =	vst v1;
	v1 =	vmul.f32 v11, v5  }
0x11c: {  	[tilespmem:s12+$0xFFFFFFB0] =	vst v2;
	v2 =	vmul.f32 v6, v5  }
0x11d: {  	[tilespmem:s12+$0xFFFFFFD0] =	vst v1;
	v1 =	vmul.f32 v3, v5  }
0x11e: {  	[tilespmem:s12+$0xFFFFFFE0] =	vst v2;
	v4 =	vmul.f32 v4, v5  }
0x11f: {  	[tilespmem:s12+$0x0] =	vst v1  }
0x120: {  	s6 =	sadd.s32 $0x50A0, s6;
	p0 =	seq.s32 s4, $0x55;
	[tilespmem:s12+$0xFFFFFFF0] =	vst v4  }
0x121: {  	[spmem:s2] =	stream.indirect.scatter.add.f32 [tilespmem:s25], [sflag:$0x5], $0x40, s6, s24, $0xb8;
	[tilespmem:$0x1F5E0] =	vst v63  }
0x122: {  	s6 =	smul.u32 $0x50, s7;
	s7 =	simm.s32 @!p0 $0x4  }
0x123: {  	s9 =	smul.u32 @!p0 $0x3C0, s4;
	_ =	swait.ge @!p0 [sflag:s7], $0x1400  }
0x124: {  	s13 =	sadd.s32 $0x0, s6;
	[sflag:s7] =	ssyncset.done @!p0 $0x0  }
0x125: {  	s11 =	sadd.s32 $0x2, s13;
	[sflag:s7] =	ssyncadd.s32 @!p0 $0xFFFFEC00;
	s7 =	sshra.s32 @!p0 s9, $0x2  }
0x126: {  	s10 =	simm.s32 @!p0 $0x50;
	v2 =	vmov s11;
	s7 =	sadd.s32 @!p0 $0xF0, s7;
	s11 =	simm.s32 @!p0 $0x119E0  }
0x127: {  	v2 =	vand.u32 $0xFFFFFFFE, v2;
	[tilespmem:s11], [sflag:$0x1] =	stream.indirect.gather @!p0 [hbm4b:s16+s10], $0x40, s7, s10, $0xb8;
	[tilespmem:$0x1F5E0] =	vst v63  }
0x128: {  	v1 =	vmov s13;
	v2 =	vbroadcast v2, $0x0;
	_ =	swait.ge [sflag:s30], $0x1400  }
0x129: {  	v1 =	vand.u32 $0xFFFFFFFC, v1;
	[sflag:s30] =	ssyncset.done $0x0  }
0x12a: {  	s8 =	simm.s32 $0x142D0;
	v1 =	vbroadcast v1, $0x0;
	[sflag:s30] =	ssyncadd.s32 $0xFFFFEC00  }
0x12b: {  	s12 =	sadd.s32 $0x1, s13;
	v6 =	vld [tilespmem:s8+$0xFFFFFFC0]  }
0x12c: {  	s13 =	sadd.s32 $0x3, s13;
	v3 =	vmov s12;
	v8 =	vld [tilespmem:s8+$0xFFFFFF10]  }
0x12d: {  	v5 =	vmov s13;
	v3 =	vand.u32 $0xFFFFFFFD, v3;
	v10 =	vld [tilespmem:s8+$0xFFFFFF20]  }
0x12e: {  	v4 =	vbroadcast v3, $0x0;
	v2 =	vld.idx.msk [tilespmem:v2+s23+$0x0], $0xffff  }
0x12f: {  	v9 =	vld [tilespmem:s8+$0xFFFFFF30]  }
0x130: {  	v3 =	vld.idx.msk [tilespmem:v1+s23+$0x0], $0xffff  }
0x131: {  	v7 =	vld [tilespmem:s8+$0xFFFFFF60]  }
0x132: {  	v1 =	vld.idx.msk [tilespmem:v5+s23+$0x0], $0xffff  }
0x133: {  	v5 =	vld [tilespmem:s8+$0xFFFFFF40];
	v11 =	vmul.f32 v6, v2  }
0x134: {  	v4 =	vld.idx.msk [tilespmem:v4+s23+$0x0], $0xffff  }
0x135: {  	v6 =	vld [tilespmem:s8+$0xFFFFFF50];
	[tilespmem:s8+$0xFFFFFFC0] =	vst v11;
	v11 =	vmul.f32 v8, v3  }
0x136: {  	s9 =	simm.s32 $0x8;
	s10 =	sadd.s32 $0x4, s6;
	s7 =	simm.s32 $0x142D0;
	v10 =	vmul.f32 v10, v3;
	v8 =	vld [tilespmem:s8+$0xFFFFFF70]  }
.LBB2_11:
0x137: {  	p1 =	slt.u32 s9, $0x4C;
	v12 =	vmov s10;
	s11 =	sadd.s32 $0x1, s10;
	s12 =	sadd.s32 $0x2, s10;
	[tilespmem:s8+$0xFFFFFF10] =	vst v11;
	v9 =	vmul.f32 v9, v3;
	v11 =	vld [tilespmem:s8+$0xFFFFFF80]  }
0x138: {  	s10 =	sadd.s32 $0x3, s10;
	v12 =	vand.u32 $0xFFFFFFFC, v12;
	v13 =	vmov s11;
	v14 =	vmov s12;
	[tilespmem:s8+$0xFFFFFF20] =	vst v10;
	v10 =	vld [tilespmem:s8+$0xFFFFFF90]  }
0x139: {  	v12 =	vbroadcast v12, $0x0;
	v13 =	vand.u32 $0xFFFFFFFD, v13;
	v14 =	vand.u32 $0xFFFFFFFE, v14;
	[tilespmem:s8+$0xFFFFFF30] =	vst v9;
	v9 =	vld [tilespmem:s8+$0xFFFFFFA0]  }
0x13a: {  	v15 =	vmov s10;
	v13 =	vbroadcast v13, $0x0;
	v14 =	vbroadcast v14, $0x0;
	v16 =	vld [tilespmem:s8+$0xFFFFFFB0]  }
0x13b: {  	v6 =	vmul.f32 v6, v4;
	v7 =	vmul.f32 v7, v4;
	v17 =	vld [tilespmem:s8+$0xFFFFFFD0]  }
0x13c: {  	v8 =	vmul.f32 v8, v4;
	v4 =	vmul.f32 v11, v4;
	v11 =	vld [tilespmem:s8+$0xFFFFFFE0]  }
0x13d: {  	v5 =	vmul.f32 v5, v3;
	[tilespmem:s8+$0xFFFFFF50] =	vst v6;
	v6 =	vmul.f32 v10, v2;
	v10 =	vld [tilespmem:s8+$0xFFFFFFF0]  }
0x13e: {  	[tilespmem:s8+$0xFFFFFF60] =	vst v7;
	v7 =	vmul.f32 v9, v2;
	v9 =	vld [tilespmem:s8+$0x0]  }
0x13f: {  	v3 =	vld.idx.msk [tilespmem:v12+s23+$0x0], $0xffff;
	[tilespmem:s8+$0xFFFFFF70] =	vst v8;
	v8 =	vmul.f32 v16, v2  }
0x140: {  	s8 =	sadd.s32 $0x100, s8;
	v2 =	vld.idx.msk [tilespmem:v14+s23+$0x0], $0xffff;
	[tilespmem:s7+$0xFFFFFF80] =	vst v4;
	v12 =	vmul.f32 v17, v1  }
0x141: {  	v14 =	vld [tilespmem:s8+$0xFFFFFFC0];
	[tilespmem:s7+$0xFFFFFF90] =	vst v6;
	v6 =	vmul.f32 v11, v1  }
0x142: {  	v4 =	vld.idx.msk [tilespmem:v13+s23+$0x0], $0xffff;
	[tilespmem:s7+$0xFFFFFFA0] =	vst v7;
	v7 =	vmul.f32 v10, v1  }
0x143: {  	[tilespmem:s7+$0xFFFFFFB0] =	vst v8;
	v8 =	vmul.f32 v9, v1;
	v1 =	vld.idx.msk [tilespmem:v15+s23+$0x0], $0xffff  }
0x144: {  	v10 =	vld [tilespmem:s8+$0xFFFFFF10];
	[tilespmem:s7+$0xFFFFFF40] =	vst v5  }
0x145: {  	v13 =	vld [tilespmem:s8+$0xFFFFFF20];
	[tilespmem:s7+$0xFFFFFFD0] =	vst v12  }
.Ltmp6:
0x146: {  	v9 =	vld [tilespmem:s8+$0xFFFFFF30];
	v11 =	vmul.f32 v14, v2;
	[tilespmem:s7+$0xFFFFFFE0] =	vst v6;
	(pc) =	sbr.rel @p1 .LBB2_11-.Ltmp6, $4  }
0x147: {  	v5 =	vld [tilespmem:s8+$0xFFFFFF40];
	[tilespmem:s7+$0xFFFFFFF0] =	vst v7  }
0x148: {  	v6 =	vld [tilespmem:s8+$0xFFFFFF50];
	[tilespmem:s8+$0xFFFFFFC0] =	vst v11  }
0x149: {  	v11 =	vmul.f32 v10, v3;
	v7 =	vld [tilespmem:s8+$0xFFFFFF60];
	[tilespmem:s7+$0x0] =	vst v8;
	s7 =	smov.u32 s8  }
0x14a: {  	s10 =	sadd.s32 s6, s9;
	s9 =	sadd.s32 $0x4, s9;
	v10 =	vmul.f32 v13, v3;
	v8 =	vld [tilespmem:s8+$0xFFFFFF70]  }
0x14b: {  	v13 =	vld [tilespmem:s8+$0xFFFFFF80]  }
0x14c: {  	v15 =	vld [tilespmem:s8+$0xFFFFFF90]  }
0x14d: {  	v16 =	vld [tilespmem:s8+$0xFFFFFFA0]  }
0x14e: {  	v18 =	vld [tilespmem:s8+$0xFFFFFFB0]  }
0x14f: {  	v12 =	vmov s10;
	s9 =	sadd.s32 $0x2, s10;
	[tilespmem:s8+$0xFFFFFF10] =	vst v11;
	v9 =	vmul.f32 v9, v3;
	v42 =	vld [tilespmem:s8+$0xFFFFFFD0]  }
0x150: {  	v44 =	vld [tilespmem:s8+$0xFFFFFFE0];
	v12 =	vand.u32 $0xFFFFFFFC, v12;
	v14 =	vmov s9;
	[tilespmem:s8+$0xFFFFFF20] =	vst v10;
	v3 =	vmul.f32 v5, v3  }
0x151: {  	v45 =	vld [tilespmem:s8+$0xFFFFFFF0];
	v12 =	vbroadcast v12, $0x0;
	v14 =	vand.u32 $0xFFFFFFFE, v14;
	v6 =	vmul.f32 v6, v4;
	[tilespmem:s8+$0xFFFFFF30] =	vst v9  }
0x152: {  	s11 =	sadd.s32 $0x1, s10;
	v46 =	vld [tilespmem:s8+$0x0];
	s13 =	sadd.s32 $0x100, s8;
	v14 =	vbroadcast v14, $0x0;
	v7 =	vmul.f32 v7, v4;
	[tilespmem:s7+$0xFFFFFF40] =	vst v3  }
0x153: {  	v17 =	vmov s11;
	v52 =	vld [tilespmem:s13+$0xFFFFFFC0];
	v8 =	vmul.f32 v8, v4;
	[tilespmem:s8+$0xFFFFFF50] =	vst v6;
	v49 =	vmul.f32 v15, v2  }
0x154: {  	v55 =	vld [tilespmem:s13+$0xFFFFFF30];
	v41 =	vand.u32 $0xFFFFFFFD, v17;
	[tilespmem:s8+$0xFFFFFF60] =	vst v7;
	v51 =	vmul.f32 v16, v2;
	v2 =	vmul.f32 v18, v2  }
0x155: {  	v56 =	vld [tilespmem:s13+$0xFFFFFF50];
	v43 =	vbroadcast v41, $0x0;
	v47 =	vmul.f32 v13, v4;
	[tilespmem:s8+$0xFFFFFF70] =	vst v8  }
0x156: {  	[tilespmem:s7+$0xFFFFFFB0] =	vst v2;
	v2 =	vld [tilespmem:s13+$0xFFFFFF10]  }
0x157: {  	[tilespmem:s7+$0xFFFFFF80] =	vst v47;
	v48 =	vld.idx.msk [tilespmem:v12+s23+$0x0], $0xffff  }
0x158: {  	v3 =	vld [tilespmem:s13+$0xFFFFFF20];
	v54 =	vmul.f32 v42, v1;
	[tilespmem:s7+$0xFFFFFF90] =	vst v49  }
0x159: {  	v60 =	vld [tilespmem:s13+$0xFFFFFF40];
	v11 =	vmul.f32 v44, v1;
	[tilespmem:s7+$0xFFFFFFA0] =	vst v51  }
0x15a: {  	v9 =	vmul.f32 v45, v1;
	[tilespmem:s7+$0xFFFFFFD0] =	vst v54;
	v50 =	vld.idx.msk [tilespmem:v14+s23+$0x0], $0xffff  }
0x15b: {  	s12 =	sadd.s32 $0x3, s10;
	v1 =	vmul.f32 v46, v1;
	[tilespmem:s7+$0xFFFFFFE0] =	vst v11;
	v10 =	vld.idx.msk [tilespmem:v43+s23+$0x0], $0xffff  }
0x15c: {  	v19 =	vmov s12;
	v57 =	vld [tilespmem:s13+$0xFFFFFF60];
	[tilespmem:s7+$0xFFFFFFF0] =	vst v9;
	v2 =	vmul.f32 v2, v48  }
0x15d: {  	v58 =	vld [tilespmem:s13+$0xFFFFFF70];
	[tilespmem:s7+$0x0] =	vst v1;
	v1 =	vmul.f32 v3, v48  }
0x15e: {  	v59 =	vld [tilespmem:s13+$0xFFFFFF90];
	v7 =	vmul.f32 v60, v48;
	[tilespmem:s13+$0xFFFFFF10] =	vst v2  }
0x15f: {  	v3 =	vld [tilespmem:s13+$0xFFFFFF80];
	v4 =	vmul.f32 v52, v50;
	[tilespmem:s13+$0xFFFFFF20] =	vst v1  }
0x160: {  	v63 =	vld [tilespmem:s13+$0xFFFFFFF0];
	v11 =	vmul.f32 v56, v10;
	[tilespmem:s13+$0xFFFFFF40] =	vst v7  }
0x161: {  	v53 =	vld.idx.msk [tilespmem:v19+s23+$0x0], $0xffff;
	v2 =	vmul.f32 v55, v48;
	[tilespmem:s13+$0xFFFFFFC0] =	vst v4  }
0x162: {  	v6 =	vmul.f32 v57, v10;
	v1 =	vld [tilespmem:s13+$0xFFFFFFA0];
	[tilespmem:s13+$0xFFFFFF50] =	vst v11  }
0x163: {  	v4 =	vmul.f32 v58, v10;
	[tilespmem:s13+$0xFFFFFF30] =	vst v2;
	v2 =	vld [tilespmem:s13+$0xFFFFFFB0]  }
0x164: {  	v61 =	vld [tilespmem:s13+$0xFFFFFFD0];
	[tilespmem:s13+$0xFFFFFF60] =	vst v6;
	v3 =	vmul.f32 v3, v10  }
0x165: {  	v62 =	vld [tilespmem:s13+$0xFFFFFFE0];
	v9 =	vmul.f32 v59, v50;
	[tilespmem:s13+$0xFFFFFF70] =	vst v4  }
0x166: {  	v4 =	vmul.f32 v63, v53;
	[tilespmem:s13+$0xFFFFFF80] =	vst v3;
	v3 =	vld [tilespmem:s13+$0x0]  }
0x167: {  	[tilespmem:s13+$0xFFFFFF90] =	vst v9;
	v1 =	vmul.f32 v1, v50  }
0x168: {  	[tilespmem:s13+$0xFFFFFFF0] =	vst v4;
	v2 =	vmul.f32 v2, v50  }
0x169: {  	[tilespmem:s13+$0xFFFFFFA0] =	vst v1;
	v1 =	vmul.f32 v61, v53  }
.Ltmp7:
0x16a: {  	[tilespmem:s13+$0xFFFFFFB0] =	vst v2;
	v2 =	vmul.f32 v62, v53;
	(pc) =	sbr.rel @p0 .LBB2_14-.Ltmp7, $4  }
0x16b: {  	[tilespmem:s13+$0xFFFFFFD0] =	vst v1;
	v1 =	vmul.f32 v3, v53  }
0x16c: {  	[tilespmem:s13+$0xFFFFFFE0] =	vst v2  }
0x16d: {  	s6 =	sadd.s32 $0x50A0, s6;
	[tilespmem:s13+$0x0] =	vst v1  }
0x16e: {  	[spmem:s2] =	stream.indirect.scatter.add.f32 [tilespmem:s28], [sflag:$0x6], $0x40, s6, s24, $0xb8;
	[tilespmem:$0x1F5E0] =	vst v63  }
0x16f: {  	s6 =	smul.u32 $0x3C0, s4  }
.Ltmp8:
0x170: {  	_ = 	snop;
	(pc) =	sbr.rel .LBB2_6-.Ltmp8, $4  }
0x171: {  	_ =	swait.ge [sflag:s0], $0x1400  }
0x172: {  	[sflag:s0] =	ssyncset.done $0x0;
	s6 =	sshra.s32 s6, $0x2  }
0x173: {  	s4 =	sadd.s32 $0x1, s4;
	[sflag:s0] =	ssyncadd.s32 $0xFFFFEC00;
	s6 =	sadd.s32 $0x140, s6  }
0x174: {  	[tilespmem:s25], [sflag:$0x2] =	stream.indirect.gather [hbm4b:s16+s24], $0x40, s6, s24, $0xb8;
	[tilespmem:$0x1F5E0] =	vst v63  }
.LBB2_15:
0x175: {  	_ =	sfence.sel $0x180000  }
0x176: {  	[bflag:$0x0] =	sbarrier.arrive $0xFFFF  }
0x177: {  	_ =	strace $0x9000004A  }
0x178: {  	s0 =	stileid.u32;
	[bflag:$0x2] =	sbarrier.arrive $0xFFFF  }
0x179: {  	p0 =	sne.s32 s0, $0x0;
	s0 =	rddreg [dreg:$0x3]  }
0x17a: {  	s0 =	sadd.s32 @!p0 $0x100000, s0  }
0x17b: {  	[sflag:s0] =	ssyncadd.tile.s32 @!p0 $0x1;
	_ =	shalt  }
.Lfunc_end2:
_tile_overlayer_lowered:
.L_overlay_start_2:
0x17c: {  	(tag) =	ssettag $0x2  }
0x17d: {  	s0 =	rddreg [dreg:$0x0];
	s2 =	stileid.u32  }
0x17e: {  	s1 =	rddreg [dreg:$0x1];
	p0 =	sne.s32 s2, $0x0  }
0x17f: {  	s3 =	rddreg [dreg:$0x2];
	[bflag:$0x3] =	sbarrier.arrive $0xFFFF;
	s2 =	simm.s32 @!p0 $0x1C07  }
0x180: {  	[timem:s3], [sflag:s2] =	dma.local @!p0 [hbm:s0], s1  }
0x181: {  	s0 =	simm.s32 @!p0 $0x7  }
0x182: {  	_ =	swait.ge @!p0 [sflag:s0], s1  }
0x183: {  	s1 =	ssub.s32 @!p0 $0x0, s1;
	[sflag:s0] =	ssyncset.done @!p0 $0x0  }
0x184: {  	[sflag:s0] =	ssyncadd.s32 @!p0 s1  }
0x185: {  	[bflag:$0x3] =	sbarrier.arrive $0xFFFF  }
0x186: {  	_ =	shalt  }

// kernel: kernel.15.cloned.1.call-start
scs
__scs_entry_jumppad:
0x0: {  	(pc) =	sbr.rel $0x88, $3  }
0x1: {  	(tag) =	ssettag $0x0;
	lr =	simm.s32 $0x1  }
0x2: {  	[smem:$0x3F9A] =	sst lr;
	_ =	strace $0xD0000000  }
0x3: {  	_ = 	snop  }
0x4: {  	_ = 	snop  }
0x5: {  	_ = 	snop  }
0x6: {  	_ = 	snop  }
0x7: {  	_ = 	snop  }
__scs_overlays_trampoline_lowered:
0x8: {  	[smem:$0x3FA9] =	sst s0  }
0x9: {  	[smem:$0x3FAA] =	sst s1  }
0xa: {  	[smem:$0x3FAB] =	sst s2  }
0xb: {  	[smem:$0x3FAC] =	sst s3  }
0xc: {  	[smem:$0x3FAD] =	sst s4  }
0xd: {  	[smem:$0x3FAE] =	sst s5  }
0xe: {  	[smem:$0x3FAF] =	sst s6  }
0xf: {  	[smem:$0x3FB0] =	sst s7  }
0x10: {  	[smem:$0x3FB1] =	sst s8  }
0x11: {  	[smem:$0x3FB2] =	sst s9;
	s0 =	simm.s32 @!p0 $0x0  }
0x12: {  	s1 =	sld [smem:$0x3F98];
	s0 =	simm.s32 @p0 $0x1  }
0x13: {  	[smem:$0x3FB3] =	sst s0;
	s0 =	simm.s32 @!p1 $0x0  }
0x14: {  	s2 =	sld [smem:$0x3F97];
	s0 =	simm.s32 @p1 $0x1  }
0x15: {  	[smem:$0x3FB4] =	sst s0;
	s0 =	simm.s32 @!p2 $0x0  }
0x16: {  	s3 =	sld [smem:$0x3FDB];
	s0 =	simm.s32 @p2 $0x1  }
0x17: {  	s4 =	simm.s32 $0x1BF5;
	[smem:$0x3FB6] =	sst s0  }
0x18: {  	s0 =	sld [smem:$0x3F99];
	_ =	swait.ge [sflag:s4], $0x0  }
0x19: {  	s7 =	sld [smem:$0x3F9A]  }
0x1a: {  	s8 =	sadd.s32 $0xFFFFE003, lr  }
0x1b: {  	s9 =	sadd.s32 $0xFFFFFEF7, lr;
	s5 =	simm.s32 $0xFFFFFFFF;
	p2 =	slt.u32 s8, $0xFFFFF086  }
0x1c: {  	p1 =	slt.u32 s9, $0xF7A;
	s5 =	simm.s32 @!p2 $0x0  }
0x1d: {  	s5 =	simm.s32 @p1 $0x1;
	p0 =	seq.s32 s7, s2  }
0x1e: {  	s7 =	smul.u32 @!p0 $0xF7A, s2;
	p2 =	seq.s32 @!p0 s5, $0x0  }
0x1f: {  	s9 =	smul.u32 $0xF7A, s1;
	s8 =	simm.s32 @!p0 $0x1BF5;
	p2 =	por !p2, p0  }
0x20: {  	[sflag:s8] =	ssyncset.s32 @!p0 $0xFFFFF086;
	s6 =	sadd.s32 @!p0 s3, s7;
	s7 =	simm.s32 @!p0 $0x108  }
0x21: {  	s3 =	sadd.s32 s3, s9;
	s6 =	sadd.s32 @!p0 $0x88, s6;
	s7 =	simm.s32 @p2 $0x1082  }
0x22: {  	[simem:s7], [sflag:s8] =	dma.local @!p0 [hbm:s6], $0xF7A  }
0x23: {  	s9 =	sor.u32 $0xD0000000, s2;
	s6 =	simm.s32 $0x108;
	_ =	swait.ge @!p0 [sflag:s8], $0x0  }
0x24: {  	s3 =	sadd.s32 $0x88, s3;
	s6 =	simm.s32 @!p1 $0x1082;
	[sflag:s4] =	ssyncset.s32 $0xFFFFF086  }
0x25: {  	[simem:s6], [sflag:s4] =	dma.local [hbm:s3], $0xF7A  }
0x26: {  	[smem:$0x3F9A] =	sst s1;
	(tag) =	ssettag s2;
	_ =	strace s9  }
0x27: {  	s1 =	sld [smem:$0x3FAA]  }
0x28: {  	s2 =	sld [smem:$0x3FAB]  }
0x29: {  	s4 =	sld [smem:$0x3FAD]  }
0x2a: {  	p0 =	seq.s32 s5, $0x0;
	s5 =	sld [smem:$0x3FAE]  }
0x2b: {  	s6 =	sld [smem:$0x3FAF]  }
0x2c: {  	s7 =	sld [smem:$0x3FB0]  }
0x2d: {  	s3 =	simm.s32 $0x108;
	s8 =	sld [smem:$0x3FB1]  }
0x2e: {  	s3 =	simm.s32 @!p0 $0x1082;
	s9 =	sld [smem:$0x3FB2]  }
0x2f: {  	lr =	sadd.s32 s0, s3;
	s0 =	sld [smem:$0x3FA9]  }
0x30: {  	s3 =	sld [smem:$0x3FAC]  }
0x31: {  	[smem:$0x3FB5] =	sst s10  }
0x32: {  	s10 =	sld [smem:$0x3FB3];
	_ =	sdelay $0x3  }
0x33: {  	p0 =	seq.s32 s10, $0x1;
	s10 =	sld [smem:$0x3FB5];
	_ =	sdelay $0x3  }
0x34: {  	[smem:$0x3FB5] =	sst s10  }
0x35: {  	s10 =	sld [smem:$0x3FB4];
	_ =	sdelay $0x3  }
0x36: {  	p1 =	seq.s32 s10, $0x1;
	s10 =	sld [smem:$0x3FB5];
	_ =	sdelay $0x3  }
0x37: {  	[smem:$0x3FB5] =	sst s10  }
0x38: {  	s10 =	sld [smem:$0x3FB6]  }
0x39: {  	_ = 	snop;
	(pc) =	sbr.ind lr, $3  }
0x3a: {  	_ = 	snop  }
0x3b: {  	_ = 	snop  }
0x3c: {  	p2 =	seq.s32 s10, $0x1;
	s10 =	sld [smem:$0x3FB5]  }
0x3d: {  	_ =	shalt  }
0x3e: {  	_ =	shalt  }
0x3f: {  	_ =	shalt  }
0x40: {  	_ =	shalt  }
0x41: {  	_ =	shalt  }
0x42: {  	_ =	shalt  }
0x43: {  	_ =	shalt  }
0x44: {  	_ =	shalt  }
0x45: {  	_ =	shalt  }
0x46: {  	_ =	shalt  }
0x47: {  	_ =	shalt  }
0x48: {  	_ =	shalt  }
0x49: {  	_ =	shalt  }
0x4a: {  	_ =	shalt  }
0x4b: {  	_ =	shalt  }
0x4c: {  	_ =	shalt  }
0x4d: {  	_ =	shalt  }
0x4e: {  	_ =	shalt  }
0x4f: {  	_ =	shalt  }
0x50: {  	_ =	shalt  }
0x51: {  	_ =	shalt  }
0x52: {  	_ =	shalt  }
0x53: {  	_ =	shalt  }
0x54: {  	_ =	shalt  }
0x55: {  	_ =	shalt  }
0x56: {  	_ =	shalt  }
0x57: {  	_ =	shalt  }
0x58: {  	_ =	shalt  }
0x59: {  	_ =	shalt  }
0x5a: {  	_ =	shalt  }
0x5b: {  	_ =	shalt  }
0x5c: {  	_ =	shalt  }
0x5d: {  	_ =	shalt  }
0x5e: {  	_ =	shalt  }
0x5f: {  	_ =	shalt  }
0x60: {  	_ =	shalt  }
0x61: {  	_ =	shalt  }
0x62: {  	_ =	shalt  }
0x63: {  	_ =	shalt  }
0x64: {  	_ =	shalt  }
0x65: {  	_ =	shalt  }
0x66: {  	_ =	shalt  }
0x67: {  	_ =	shalt  }
0x68: {  	_ =	shalt  }
0x69: {  	_ =	shalt  }
0x6a: {  	_ =	shalt  }
0x6b: {  	_ =	shalt  }
0x6c: {  	_ =	shalt  }
0x6d: {  	_ =	shalt  }
0x6e: {  	_ =	shalt  }
0x6f: {  	_ =	shalt  }
0x70: {  	_ =	shalt  }
0x71: {  	_ =	shalt  }
0x72: {  	_ =	shalt  }
0x73: {  	_ =	shalt  }
0x74: {  	_ =	shalt  }
0x75: {  	_ =	shalt  }
0x76: {  	_ =	shalt  }
0x77: {  	_ =	shalt  }
0x78: {  	_ =	shalt  }
0x79: {  	_ =	shalt  }
0x7a: {  	_ =	shalt  }
0x7b: {  	_ =	shalt  }
0x7c: {  	_ =	shalt  }
0x7d: {  	_ =	shalt  }
0x7e: {  	_ =	shalt  }
0x7f: {  	_ =	shalt  }
0x80: {  	_ =	shalt  }
0x81: {  	_ =	shalt  }
0x82: {  	_ =	shalt  }
0x83: {  	_ =	shalt  }
0x84: {  	_ =	shalt  }
0x85: {  	_ =	shalt  }
0x86: {  	_ =	shalt  }
0x87: {  	_ =	shalt  }
.Lfunc_end0:
.L_simem_size_0:
called_computation.2_lowered:
.L_overlay_start_0:
0x88: {  	s2 =	sld [smem:$0x3FD9]  }
0x89: {  	s3 =	sld [smem:$0x3FFE];
	_ =	sdelay $0x1  }
0x8a: {  	s1 =	srdreg.scid  }
0x8b: {  	s0 =	sand.u32 $0x1, s1  }
0x8c: {  	s17 =	sshll.u32 s0, $0xA;
	s2 =	sadd.s32 s3, s2  }
0x8d: {  	s2 =	sadd.s32 s2, s17  }
0x8e: {  	[smem:$0x3FC1] =	sst s2  }
0x8f: {  	_ = 	snop  }
0x90: {  	s2 =	sld [smem:$0x3FD0];
	(tm) =	ssettm $0x1  }
0x91: {  	s18 =	sld [smem:$0x3FFB];
	_ =	sdelay $0x3  }
0x92: {  	_ =	strace s18  }
0x93: {  	s3 =	sld [smem:$0x3FFC];
	_ =	sdelay $0x3  }
0x94: {  	_ =	strace s3  }
0x95: {  	s3 =	sld [smem:$0x3FFD];
	_ =	sdelay $0x3  }
0x96: {  	_ =	strace s3  }
0x97: {  	_ =	strace $0x8FFFFFFF  }
0x98: {  	s19 =	sld [smem:$0x3FDB];
	_ =	sdelay $0x1  }
0x99: {  	s4 =	simm.s32 $_scs_section_size  }
0x9a: {  	s5 =	simm.s32 $_size__tile_overlayer_lowered;
	s6 =	simm.s32 $_tile_overlayer_lowered  }
0x9b: {  	s22 =	simm.s32 $0x1BFF;
	s21 =	sshll.u32 s6, $0x1;
	s3 =	sadd.s32 s4, s19  }
0x9c: {  	s7 =	simm.s32 $0x0;
	s20 =	sshll.u32 s5, $0x1;
	s5 =	sadd.s32 s21, s3  }
0x9d: {  	[timem:s7], [sflag:s22] =	dma.local [hbm:s5], s20  }
0x9e: {  	_ =	swait.ge [sflag:s22], s20  }
0x9f: {  	s4 =	ssub.s32 $0x0, s20;
	[sflag:s22] =	ssyncset.done $0x0  }
0xa0: {  	[sflag:s22] =	ssyncadd.s32 s4;
	_ =	sdelay $0x1  }
0xa1: {  	s23 =	simm.s32 $0x1B8B  }
0xa2: {  	_ =	swait.ge [sflag:s23], $0x1  }
0xa3: {  	[sflag:s23] =	ssyncset.done $0x0  }
0xa4: {  	s25 =	simm.s32 $0x1B8E;
	s24 =	sld [smem:$0x3FFE];
	[sflag:s23] =	ssyncadd.s32 $0xFFFFFFFF  }
0xa5: {  	s26 =	simm.s32 $execute0_lowered;
	[smem:$0x3FD2] =	sst s25  }
0xa6: {  	s5 =	sshll.u32 s26, $0x1;
	_ =	strace $0x8000004C;
	[dreg:$0x1] =	wrdreg $0xFFFFFFFF  }
0xa7: {  	s28 =	simm.s32 $_size_execute0_lowered;
	s3 =	sadd.s32 s3, s5;
	[dreg:$0x0] =	wrdreg $0x0  }
0xa8: {  	s5 =	sshll.u32 s28, $0x1;
	[dreg:$0x2] =	wrdreg s3  }
0xa9: {  	[dreg:$0x3] =	wrdreg s5  }
0xaa: {  	[dreg:$0x4] =	wrdreg $0xC0  }
0xab: {  	_ =	task [dreg:s7], $0x5FFFF  }
0xac: {  	[dreg:$0x1] =	wrdreg $0xFFFFFFFF  }
0xad: {  	[dreg:$0x0] =	wrdreg $0x60  }
0xae: {  	[dreg:$0x2] =	wrdreg s2  }
0xaf: {  	[dreg:$0x3] =	wrdreg s24  }
0xb0: {  	[dreg:$0x4] =	wrdreg $0x155E00  }
0xb1: {  	[dreg:$0x5] =	wrdreg $0x9  }
0xb2: {  	_ =	task.clear_ibuf [dreg:s7], $0x6FFFF;
	_ =	strace $0x9000004C  }
0xb3: {  	s29 =	simm.s32 $0x9;
	_ =	strace $0x8000004E  }
0xb4: {  	_ =	swait.ge [sflag:s29], $0x1  }
0xb5: {  	[sflag:s29] =	ssyncadd.s32 $0xFFFFFFFF  }
0xb6: {  	_ =	strace $0x9000004E  }
0xb7: {  	_ =	sfence  }
0xb8: {  	s30 =	sld [smem:$0x0];
	_ =	sdelay $0x2  }
0xb9: {  	s31 =	sshll.u32 s1, $0xD;
	s1 =	sshrl.u32 s1, $0x2  }
0xba: {  	s3 =	sand.u32 $0x4000, s31;
	s1 =	sadd.s32 s1, s30  }
0xbb: {  	s0 =	sor.u32 s3, s0;
	s1 =	sshll.u32 s1, $0x11  }
0xbc: {  	s0 =	sor.u32 s1, s0  }
0xbd: {  	s0 =	sadd.s32 $0x8F2B, s0  }
0xbe: {  	[sflag:s0] =	ssyncadd.remote.s32 $0x1  }
0xbf: {  	_ =	sfence.sel $0xFFFF  }
0xc0: {  	[dreg:$0x0] =	wrdreg $0xFFFFFFFF;
	(pc) =	sbr.abs _section_cstart, $3  }
0xc1: {  	[dreg:$0x1] =	wrdreg $0xFFFFFFFF  }
0xc2: {  	_ =	task.clear_ibuf [dreg:s7], $0x2FFFF;
	_ =	strace $0x9FFFFFFF  }
0xc3: {  	(tm) =	ssettm $0x7FFFFFFF  }
tec
execute0_lowered:
.L_overlay_start_1:
0x0: {  	(tag) =	ssettag $0x1  }
0x1: {  	s0 =	rddreg [dreg:$0x0]  }
0x2: {  	s1 =	rddreg [dreg:$0x1]  }
0x3: {  	s2 =	rddreg [dreg:$0x2]  }
0x4: {  	s10 =	stileid.u32;
	s4 =	srdreg.scid;
	s3 =	simm.s32 $0x0  }
0x5: {  	s28 =	simm.s32 $0x141E0;
	s29 =	simm.s32 $0x2;
	s6 =	smul.u32 $0xA14, s10  }
0x6: {  	s30 =	simm.s32 $0x3;
	s31 =	simm.s32 $0x4;
	s7 =	smul.u32 $0xA000, s10  }
0x7: {  	s4 =	sand.u32 $0x1, s4;
	[smem:$0x7FF] =	sst s3;
	s10 =	smul.u32 $0x28000, s10  }
0x8: {  	s11 =	sadd.s32 $0x15C00, s1;
	s5 =	smul.u32 $0xA0000, s4;
	_ =	strace $0x8000004D  }
0x9: {  	[dreg:$0x4] =	wrdreg s11;
	s4 =	ssub.s32 $0x2, s4;
	s8 =	sadd.s32 s6, s1  }
0xa: {  	s10 =	sshrl.u32 s10, $0x2;
	s19 =	sshrl.u32 s4, $0x1;
	s0 =	sadd.s32 s0, s6  }
0xb: {  	s9 =	sshrl.u32 s5, $0x3;
	s5 =	sadd.s32 s7, s5;
	s10 =	sadd.s32 s10, s2  }
0xc: {  	s4 =	ssub.s32 s4, s19;
	[dreg:$0xc] =	wrdreg s0;
	s14 =	sadd.s32 $0xBA00, s8  }
0xd: {  	s15 =	sadd.s32 $0x1800, s8;
	s19 =	simm.s32 $0x119E0;
	s20 =	sadd.s32 $0x1400, s10  }
0xe: {  	s0 =	simm.s32 $0x5;
	s21 =	sadd.s32 $0x2800, s10;
	[dreg:$0x5] =	wrdreg s20  }
0xf: {  	s9 =	sadd.s32 s9, s1;
	s22 =	sadd.s32 $0x3C00, s10;
	[dreg:$0x6] =	wrdreg s21  }
0x10: {  	s5 =	sshrl.u32 s5, $0x3;
	s23 =	sadd.s32 $0x5000, s10;
	[dreg:$0x7] =	wrdreg s22  }
0x11: {  	s24 =	sadd.s32 $0x6400, s10;
	s25 =	sadd.s32 $0x7800, s10;
	[dreg:$0x8] =	wrdreg s23  }
0x12: {  	s26 =	sadd.s32 $0x8C00, s10;
	s18 =	smax.u32 s4, $0x1;
	[dreg:$0x9] =	wrdreg s24  }
.Ltmp0:
0x13: {  	s1 =	sadd.s32 s5, s1;
	[dreg:$0xa] =	wrdreg s25;
	(pc) =	sbr.rel .LBB2_1-.Ltmp0, $4  }
0x14: {  	s5 =	sadd.s32 s7, s2;
	[dreg:$0xb] =	wrdreg s26;
	s16 =	sadd.s32 $0x16200, s9  }
0x15: {  	s20 =	simm.s32 $0x7;
	s21 =	simm.s32 $0xF1E0;
	s23 =	simm.s32 $0xA140  }
0x16: {  	s24 =	simm.s32 $0x50;
	s25 =	simm.s32 $0x12DE0;
	s26 =	simm.s32 $0x1  }
0x17: {  	v0 =	vimm.f32 $0.0e+00;
	s22 =	simm.s32 $0x6;
	s17 =	sadd.s32 $0x3E200, s1;
	s1 =	simm.s32 $0x0  }
.LBB2_14:
0x18: {  	_ =	swait.ge [sflag:s31], $0x1400  }
0x19: {  	[sflag:s31] =	ssyncset.done $0x0  }
0x1a: {  	[sflag:s31] =	ssyncadd.s32 $0xFFFFEC00  }
0x1b: {  	_ =	swait.ge [sflag:s0], $0x1400  }
0x1c: {  	[sflag:s0] =	ssyncset.done $0x0  }
0x1d: {  	[sflag:s0] =	ssyncadd.s32 $0xFFFFEC00  }
0x1e: {  	s4 =	stileid.u32;
	_ =	swait.ge [sflag:s22], $0x1400  }
0x1f: {  	s6 =	sshrl.u32 s5, $0x3;
	s1 =	sadd.s32 $0x1, s1;
	[sflag:s22] =	ssyncset.done $0x0  }
0x20: {  	s4 =	sshll.u32 s4, $0x6;
	p0 =	sne.s32 s1, s18;
	[sflag:s22] =	ssyncadd.s32 $0xFFFFEC00  }
.Ltmp1:
0x21: {  	s4 =	sor.u32 $0x1C07, s4;
	[bflag:$0x0] =	sbarrier.arrive $0xFFFF;
	(pc) =	sbr.rel @!p0 .LBB2_15-.Ltmp1, $4  }
0x22: {  	[hbm:s17], [sflag:s4] =	dma.local [spmem:s6], $0x1400  }
0x23: {  	_ =	swait.ge [sflag:s20], $0x1400  }
0x24: {  	[sflag:s20] =	ssyncset.done $0x0  }
0x25: {  	[sflag:s20] =	ssyncadd.s32 $0xFFFFEC00  }
.LBB2_1:
0x26: {  	s6 =	simm.s32 $0x100;
	s4 =	simm.s32 $0x0  }
.LBB2_2:
0x27: {  	p0 =	sne.s32 s6, $0x4F00;
	[tilespmem:s4+$0x11A10] =	vst v0;
	s7 =	smov.u32 s6;
	s6 =	sadd.s32 $0x100, s6  }
.Ltmp2:
0x28: {  	[tilespmem:s4+$0x11A00] =	vst v0;
	(pc) =	sbr.rel @p0 .LBB2_2-.Ltmp2, $3  }
0x29: {  	[tilespmem:s4+$0x119E0] =	vst v0  }
0x2a: {  	[tilespmem:s4+$0x119F0] =	vst v0;
	_ =	sdelay $0x1  }
0x2b: {  	s4 =	sshra.s32 s7, $0x2  }
0x2c: {  	[tilespmem:s4+$0x11A10] =	vst v0  }
0x2d: {  	[tilespmem:s4+$0x11A00] =	vst v0  }
0x2e: {  	[tilespmem:s4+$0x119E0] =	vst v0  }
0x2f: {  	[tilespmem:s4+$0x119F0] =	vst v0  }
0x30: {  	[spmem:s5] =	stream.linear.scatter [tilespmem:s19], [sflag:$0x7], $0x1400, $0x38;
	[tilespmem:$0x1F5E0] =	vst v63  }
0x31: {  	_ =	swait.ge [sflag:s20], $0x1400  }
0x32: {  	[sflag:s20] =	ssyncset.done $0x0  }
0x33: {  	s10 =	rddreg [dreg:$0x5];
	[sflag:s20] =	ssyncadd.s32 $0xFFFFEC00  }
0x34: {  	[spmem:s10] =	stream.linear.scatter [tilespmem:s19], [sflag:$0x7], $0x1400, $0x38;
	[tilespmem:$0x1F5E0] =	vst v63  }
0x35: {  	_ =	swait.ge [sflag:s20], $0x1400  }
0x36: {  	[sflag:s20] =	ssyncset.done $0x0  }
0x37: {  	s11 =	rddreg [dreg:$0x6];
	[sflag:s20] =	ssyncadd.s32 $0xFFFFEC00  }
0x38: {  	[spmem:s11] =	stream.linear.scatter [tilespmem:s19], [sflag:$0x7], $0x1400, $0x38;
	[tilespmem:$0x1F5E0] =	vst v63  }
0x39: {  	_ =	swait.ge [sflag:s20], $0x1400  }
0x3a: {  	[sflag:s20] =	ssyncset.done $0x0  }
0x3b: {  	s12 =	rddreg [dreg:$0x7];
	[sflag:s20] =	ssyncadd.s32 $0xFFFFEC00  }
0x3c: {  	[spmem:s12] =	stream.linear.scatter [tilespmem:s19], [sflag:$0x7], $0x1400, $0x38;
	[tilespmem:$0x1F5E0] =	vst v63  }
0x3d: {  	_ =	swait.ge [sflag:s20], $0x1400  }
0x3e: {  	[sflag:s20] =	ssyncset.done $0x0  }
0x3f: {  	s13 =	rddreg [dreg:$0x8];
	[sflag:s20] =	ssyncadd.s32 $0xFFFFEC00  }
0x40: {  	[spmem:s13] =	stream.linear.scatter [tilespmem:s19], [sflag:$0x7], $0x1400, $0x38;
	[tilespmem:$0x1F5E0] =	vst v63  }
0x41: {  	_ =	swait.ge [sflag:s20], $0x1400  }
0x42: {  	[sflag:s20] =	ssyncset.done $0x0  }
0x43: {  	s6 =	rddreg [dreg:$0x9];
	[sflag:s20] =	ssyncadd.s32 $0xFFFFEC00  }
0x44: {  	[spmem:s6] =	stream.linear.scatter [tilespmem:s19], [sflag:$0x7], $0x1400, $0x38;
	[tilespmem:$0x1F5E0] =	vst v63  }
0x45: {  	_ =	swait.ge [sflag:s20], $0x1400  }
0x46: {  	[sflag:s20] =	ssyncset.done $0x0  }
0x47: {  	s7 =	rddreg [dreg:$0xa];
	[sflag:s20] =	ssyncadd.s32 $0xFFFFEC00  }
0x48: {  	[spmem:s7] =	stream.linear.scatter [tilespmem:s19], [sflag:$0x7], $0x1400, $0x38;
	[tilespmem:$0x1F5E0] =	vst v63  }
0x49: {  	_ =	swait.ge [sflag:s20], $0x1400  }
0x4a: {  	[sflag:s20] =	ssyncset.done $0x0  }
0x4b: {  	s8 =	rddreg [dreg:$0xb];
	[sflag:s20] =	ssyncadd.s32 $0xFFFFEC00  }
0x4c: {  	[spmem:s8] =	stream.linear.scatter [tilespmem:s19], [sflag:$0x7], $0x1400, $0x38;
	[tilespmem:$0x1F5E0] =	vst v63  }
0x4d: {  	_ =	swait.ge [sflag:s20], $0x1400  }
0x4e: {  	[sflag:s20] =	ssyncset.done $0x0  }
0x4f: {  	s9 =	rddreg [dreg:$0x4];
	[sflag:s20] =	ssyncadd.s32 $0xFFFFEC00  }
0x50: {  	[tilespmem:s21], [sflag:$0x7] =	stream.linear.gather [hbm4b:s9+s3], $0x2800, $0x38;
	[tilespmem:$0x1F5E0] =	vst v63  }
0x51: {  	_ =	swait.ge [sflag:s20], $0x2800  }
0x52: {  	[sflag:s20] =	ssyncset.done $0x0  }
0x53: {  	s10 =	rddreg [dreg:$0xc];
	[sflag:s20] =	ssyncadd.s32 $0xFFFFD800  }
0x54: {  	[tilespmem:s3], [sflag:$0x7] =	stream.linear.gather [hbm4b:s10+s3], $0x50A0, $0x38;
	[tilespmem:$0x1F5E0] =	vst v63  }
0x55: {  	_ =	swait.ge [sflag:s20], $0x50A0  }
0x56: {  	[sflag:s20] =	ssyncset.done $0x0  }
0x57: {  	s11 =	simm.s32 $0x50A0;
	[sflag:s20] =	ssyncadd.s32 $0xFFFFAF60  }
0x58: {  	[tilespmem:s11], [sflag:$0x7] =	stream.linear.gather [hbm4b:s14+s3], $0x50A0, $0x38;
	[tilespmem:$0x1F5E0] =	vst v63  }
0x59: {  	_ =	swait.ge [sflag:s20], $0x50A0  }
0x5a: {  	[sflag:s20] =	ssyncset.done $0x0  }
0x5b: {  	[sflag:s20] =	ssyncadd.s32 $0xFFFFAF60  }
0x5c: {  	[tilespmem:s23], [sflag:$0x7] =	stream.linear.gather [hbm4b:s15+s3], $0x50A0, $0x38;
	[tilespmem:$0x1F5E0] =	vst v63  }
0x5d: {  	_ =	swait.ge [sflag:s20], $0x50A0  }
0x5e: {  	[sflag:s20] =	ssyncset.done $0x0  }
0x5f: {  	s12 =	simm.s32 $0x10;
	[sflag:s20] =	ssyncadd.s32 $0xFFFFAF60  }
0x60: {  	v1 =	vld [tilespmem:s12+$0x0]  }
0x61: {  	s6 =	simm.s32 $0x50B0  }
0x62: {  	v2 =	vld [tilespmem:s6+$0x0];
	_ =	sdelay $0x1  }
0x63: {  	v4 =	vld [tilespmem:s12+$0xFFFFFFF0]  }
0x64: {  	s4 =	simm.s32 $0xA150;
	v5 =	vld [tilespmem:s6+$0xFFFFFFF0]  }
0x65: {  	s13 =	simm.s32 $0x30;
	v6 =	vld [tilespmem:s4+$0x0]  }
0x66: {  	v8 =	vld [tilespmem:s13+$0x0]  }
0x67: {  	s7 =	simm.s32 $0x50D0;
	v7 =	vld.idx.msk [tilespmem:v1+s21+$0x0], $0xffff  }
0x68: {  	v3 =	vld [tilespmem:s7+$0xFFFFFFF0]  }
0x69: {  	v9 =	vld.idx.msk [tilespmem:v2+s21+$0x0], $0xffff  }
0x6a: {  	v1 =	vld [tilespmem:s7+$0x0]  }
0x6b: {  	v2 =	vld [tilespmem:s13+$0xFFFFFFF0]  }
0x6c: {  	v4 =	vld.idx.msk [tilespmem:v4+s21+$0x0], $0xffff;
	v6 =	vmul.f32 v6, v7  }
0x6d: {  	v7 =	vld [tilespmem:s4+$0xFFFFFFF0]  }
0x6e: {  	v5 =	vld.idx.msk [tilespmem:v5+s21+$0x0], $0xffff;
	v9 =	vmul.f32 v6, v9  }
0x6f: {  	s6 =	simm.s32 $0xA170;
	v8 =	vld.idx.msk [tilespmem:v8+s21+$0x0], $0xffff  }
0x70: {  	s8 =	simm.s32 $0x20;
	s9 =	simm.s32 $0x50;
	v6 =	vld [tilespmem:s6+$0x0];
	[tilespmem:s4+$0x0] =	vst v9  }
.LBB2_4:
0x71: {  	v9 =	vld [tilespmem:s9+$0x0]  }
0x72: {  	s8 =	sadd.s32 $0x20, s8;
	v10 =	vld.idx.msk [tilespmem:v1+s21+$0x0], $0xffff;
	v4 =	vmul.f32 v7, v4  }
0x73: {  	s7 =	sadd.s32 $0x20, s7;
	p0 =	slt.u32 s8, $0x5080;
	v11 =	vld [tilespmem:s9+$0xFFFFFFF0]  }
0x74: {  	v1 =	vld [tilespmem:s7+$0x0];
	v5 =	vmul.f32 v4, v5  }
0x75: {  	v12 =	vld [tilespmem:s7+$0xFFFFFFF0]  }
.Ltmp3:
0x76: {  	v6 =	vmul.f32 v6, v8;
	v4 =	vld.idx.msk [tilespmem:v2+s21+$0x0], $0xffff;
	[tilespmem:s4+$0xFFFFFFF0] =	vst v5;
	s4 =	smov.u32 s6;
	(pc) =	sbr.rel @p0 .LBB2_4-.Ltmp3, $4  }
0x77: {  	v7 =	vld [tilespmem:s6+$0xFFFFFFF0]  }
0x78: {  	v10 =	vmul.f32 v6, v10;
	s6 =	sadd.s32 $0x20, s6;
	v5 =	vld.idx.msk [tilespmem:v3+s21+$0x0], $0xffff;
	v2 =	vmov v11  }
0x79: {  	v6 =	vld [tilespmem:s6+$0x0]  }
0x7a: {  	s9 =	sadd.s32 $0x20, s9;
	v8 =	vld.idx.msk [tilespmem:v9+s21+$0x0], $0xffff;
	[tilespmem:s4+$0x0] =	vst v10;
	v3 =	vmov v12  }
0x7b: {  	_ =	sdelay $0x3  }
0x7c: {  	v2 =	vld.idx.msk [tilespmem:v2+s21+$0x0], $0xffff  }
0x7d: {  	v9 =	vld [tilespmem:s6+$0xFFFFFFF0]  }
0x7e: {  	v1 =	vld.idx.msk [tilespmem:v1+s21+$0x0], $0xffff  }
0x7f: {  	v3 =	vld.idx.msk [tilespmem:v3+s21+$0x0], $0xffff  }
0x80: {  	v4 =	vmul.f32 v7, v4  }
0x81: {  	v6 =	vmul.f32 v6, v8  }
0x82: {  	v4 =	vmul.f32 v4, v5;
	v2 =	vmul.f32 v9, v2  }
0x83: {  	v1 =	vmul.f32 v6, v1  }
0x84: {  	[tilespmem:s4+$0xFFFFFFF0] =	vst v4;
	v2 =	vmul.f32 v2, v3  }
0x85: {  	[tilespmem:s6+$0x0] =	vst v1  }
0x86: {  	s4 =	simm.s32 $0x0;
	[tilespmem:s6+$0xFFFFFFF0] =	vst v2  }
0x87: {  	[tilespmem:s19], [sflag:$0x1] =	stream.indirect.gather [hbm4b:s16+s24], $0x40, s4, s24, $0xb8;
	[tilespmem:$0x1F5E0] =	vst v63  }
0x88: {  	_ = 	snop  }
0x89: {  	[tilespmem:s25], [sflag:$0x2] =	stream.indirect.gather [hbm4b:s16+s24], $0x40, s24, s24, $0xb8;
	[tilespmem:$0x1F5E0] =	vst v63  }
0x8a: {  	[bflag:$0x0] =	sbarrier.arrive $0xFFFF  }
.LBB2_6:
0x8b: {  	s6 =	smul.u32 $0xF0, s4;
	_ =	sdelay $0x1  }
0x8c: {  	s7 =	sadd.s32 $0x0, s6  }
0x8d: {  	s8 =	sadd.s32 $0x2, s7  }
0x8e: {  	v2 =	vmov s8  }
0x8f: {  	v2 =	vand.u32 $0xFFFFFFFE, v2  }
0x90: {  	_ =	swait.ge [sflag:s26], $0x1400;
	v1 =	vmov s7;
	v2 =	vbroadcast v2, $0x0  }
0x91: {  	[sflag:s26] =	ssyncset.done $0x0;
	v1 =	vand.u32 $0xFFFFFFFC, v1  }
0x92: {  	[sflag:s26] =	ssyncadd.s32 $0xFFFFEC00;
	s8 =	simm.s32 $0x11A60;
	v1 =	vbroadcast v1, $0x0  }
0x93: {  	s13 =	sadd.s32 $0x1, s7;
	v6 =	vld [tilespmem:s8+$0x30]  }
0x94: {  	s7 =	sadd.s32 $0x3, s7;
	v3 =	vmov s13;
	v8 =	vld [tilespmem:s8+$0xFFFFFF80]  }
0x95: {  	v5 =	vmov s7;
	v3 =	vand.u32 $0xFFFFFFFD, v3;
	v10 =	vld [tilespmem:s8+$0xFFFFFF90]  }
0x96: {  	v4 =	vbroadcast v3, $0x0;
	v2 =	vld.idx.msk [tilespmem:v2+s23+$0x0], $0xffff  }
0x97: {  	v9 =	vld [tilespmem:s8+$0xFFFFFFA0]  }
0x98: {  	v3 =	vld.idx.msk [tilespmem:v1+s23+$0x0], $0xffff  }
0x99: {  	v7 =	vld [tilespmem:s8+$0xFFFFFFD0]  }
0x9a: {  	v1 =	vld.idx.msk [tilespmem:v5+s23+$0x0], $0xffff  }
0x9b: {  	v5 =	vld [tilespmem:s8+$0xFFFFFFB0];
	v11 =	vmul.f32 v6, v2  }
0x9c: {  	v4 =	vld.idx.msk [tilespmem:v4+s23+$0x0], $0xffff  }
0x9d: {  	v6 =	vld [tilespmem:s8+$0xFFFFFFC0];
	[tilespmem:s8+$0x30] =	vst v11;
	v11 =	vmul.f32 v8, v3  }
0x9e: {  	s9 =	simm.s32 $0x8;
	s10 =	sadd.s32 $0x4, s6;
	s7 =	simm.s32 $0x11A60;
	v10 =	vmul.f32 v10, v3;
	v8 =	vld [tilespmem:s8+$0xFFFFFFE0]  }
.LBB2_7:
0x9f: {  	p0 =	slt.u32 s9, $0x4C;
	v12 =	vmov s10;
	s11 =	sadd.s32 $0x1, s10;
	s12 =	sadd.s32 $0x2, s10;
	[tilespmem:s8+$0xFFFFFF80] =	vst v11;
	v9 =	vmul.f32 v9, v3;
	v11 =	vld [tilespmem:s8+$0xFFFFFFF0]  }
0xa0: {  	s10 =	sadd.s32 $0x3, s10;
	v12 =	vand.u32 $0xFFFFFFFC, v12;
	v13 =	vmov s11;
	v14 =	vmov s12;
	[tilespmem:s8+$0xFFFFFF90] =	vst v10;
	v10 =	vld [tilespmem:s8+$0x0]  }
0xa1: {  	v12 =	vbroadcast v12, $0x0;
	v13 =	vand.u32 $0xFFFFFFFD, v13;
	v14 =	vand.u32 $0xFFFFFFFE, v14;
	[tilespmem:s8+$0xFFFFFFA0] =	vst v9;
	v9 =	vld [tilespmem:s8+$0x10]  }
0xa2: {  	v15 =	vmov s10;
	v13 =	vbroadcast v13, $0x0;
	v14 =	vbroadcast v14, $0x0;
	v16 =	vld [tilespmem:s8+$0x20]  }
0xa3: {  	v6 =	vmul.f32 v6, v4;
	v7 =	vmul.f32 v7, v4;
	v17 =	vld [tilespmem:s8+$0x40]  }
0xa4: {  	v8 =	vmul.f32 v8, v4;
	v4 =	vmul.f32 v11, v4;
	v11 =	vld [tilespmem:s8+$0x50]  }
0xa5: {  	v5 =	vmul.f32 v5, v3;
	[tilespmem:s8+$0xFFFFFFC0] =	vst v6;
	v6 =	vmul.f32 v10, v2;
	v10 =	vld [tilespmem:s8+$0x60]  }
0xa6: {  	[tilespmem:s8+$0xFFFFFFD0] =	vst v7;
	v7 =	vmul.f32 v9, v2;
	v9 =	vld [tilespmem:s8+$0x70]  }
0xa7: {  	v3 =	vld.idx.msk [tilespmem:v12+s23+$0x0], $0xffff;
	[tilespmem:s8+$0xFFFFFFE0] =	vst v8;
	v8 =	vmul.f32 v16, v2  }
0xa8: {  	s8 =	sadd.s32 $0x100, s8;
	v2 =	vld.idx.msk [tilespmem:v14+s23+$0x0], $0xffff;
	[tilespmem:s7+$0xFFFFFFF0] =	vst v4;
	v12 =	vmul.f32 v17, v1  }
0xa9: {  	v14 =	vld [tilespmem:s8+$0x30];
	[tilespmem:s7+$0x0] =	vst v6;
	v6 =	vmul.f32 v11, v1  }
0xaa: {  	v4 =	vld.idx.msk [tilespmem:v13+s23+$0x0], $0xffff;
	[tilespmem:s7+$0x10] =	vst v7;
	v7 =	vmul.f32 v10, v1  }
0xab: {  	[tilespmem:s7+$0x20] =	vst v8;
	v8 =	vmul.f32 v9, v1;
	v1 =	vld.idx.msk [tilespmem:v15+s23+$0x0], $0xffff  }
0xac: {  	v10 =	vld [tilespmem:s8+$0xFFFFFF80];
	[tilespmem:s7+$0xFFFFFFB0] =	vst v5  }
0xad: {  	v13 =	vld [tilespmem:s8+$0xFFFFFF90];
	[tilespmem:s7+$0x40] =	vst v12  }
.Ltmp4:
0xae: {  	v9 =	vld [tilespmem:s8+$0xFFFFFFA0];
	v11 =	vmul.f32 v14, v2;
	[tilespmem:s7+$0x50] =	vst v6;
	(pc) =	sbr.rel @p0 .LBB2_7-.Ltmp4, $4  }
0xaf: {  	v5 =	vld [tilespmem:s8+$0xFFFFFFB0];
	[tilespmem:s7+$0x60] =	vst v7  }
0xb0: {  	v6 =	vld [tilespmem:s8+$0xFFFFFFC0];
	[tilespmem:s8+$0x30] =	vst v11  }
0xb1: {  	v11 =	vmul.f32 v10, v3;
	v7 =	vld [tilespmem:s8+$0xFFFFFFD0];
	[tilespmem:s7+$0x70] =	vst v8;
	s7 =	smov.u32 s8  }
0xb2: {  	s10 =	sadd.s32 s6, s9;
	s9 =	sadd.s32 $0x4, s9;
	v10 =	vmul.f32 v13, v3;
	v8 =	vld [tilespmem:s8+$0xFFFFFFE0]  }
0xb3: {  	v13 =	vld [tilespmem:s8+$0xFFFFFFF0]  }
0xb4: {  	v15 =	vld [tilespmem:s8+$0x0]  }
0xb5: {  	v12 =	vmov s10;
	v16 =	vld [tilespmem:s8+$0x10]  }
0xb6: {  	s9 =	sadd.s32 $0x2, s10;
	s12 =	sadd.s32 $0x1, s10;
	v18 =	vld [tilespmem:s8+$0x20];
	[tilespmem:s8+$0xFFFFFF80] =	vst v11;
	v9 =	vmul.f32 v9, v3;
	v12 =	vand.u32 $0xFFFFFFFC, v12  }
0xb7: {  	v58 =	vld [tilespmem:s8+$0x40];
	s13 =	sadd.s32 $0x3, s10;
	s10 =	sadd.s32 $0x100, s8;
	v14 =	vmov s9;
	v17 =	vmov s12;
	[tilespmem:s8+$0xFFFFFF90] =	vst v10;
	v3 =	vmul.f32 v5, v3  }
0xb8: {  	v62 =	vld [tilespmem:s10+$0xFFFFFFA0];
	v12 =	vbroadcast v12, $0x0;
	v14 =	vand.u32 $0xFFFFFFFE, v14;
	v6 =	vmul.f32 v6, v4;
	[tilespmem:s8+$0xFFFFFFA0] =	vst v9  }
0xb9: {  	v11 =	vand.u32 $0xFFFFFFFD, v17;
	v9 =	vld [tilespmem:s8+$0x60];
	v14 =	vbroadcast v14, $0x0;
	v7 =	vmul.f32 v7, v4;
	[tilespmem:s7+$0xFFFFFFB0] =	vst v3  }
0xba: {  	v10 =	vbroadcast v11, $0x0;
	v11 =	vld [tilespmem:s8+$0x50];
	v8 =	vmul.f32 v8, v4;
	[tilespmem:s8+$0xFFFFFFC0] =	vst v6  }
0xbb: {  	v3 =	vld [tilespmem:s10+$0xFFFFFF90];
	v4 =	vmul.f32 v13, v4;
	[tilespmem:s8+$0xFFFFFFD0] =	vst v7;
	v59 =	vmul.f32 v15, v2  }
0xbc: {  	v6 =	vld [tilespmem:s8+$0x70];
	v60 =	vmul.f32 v16, v2;
	v2 =	vmul.f32 v18, v2;
	[tilespmem:s8+$0xFFFFFFE0] =	vst v8  }
0xbd: {  	[tilespmem:s7+$0xFFFFFFF0] =	vst v4;
	v4 =	vld [tilespmem:s10+$0x30]  }
0xbe: {  	[tilespmem:s7+$0x20] =	vst v2;
	v2 =	vld [tilespmem:s10+$0xFFFFFF80]  }
0xbf: {  	v7 =	vld.idx.msk [tilespmem:v12+s23+$0x0], $0xffff  }
0xc0: {  	v61 =	vmul.f32 v58, v1;
	[tilespmem:s7+$0x0] =	vst v59;
	v8 =	vld.idx.msk [tilespmem:v14+s23+$0x0], $0xffff  }
0xc1: {  	[tilespmem:s7+$0x10] =	vst v60;
	v9 =	vmul.f32 v9, v1;
	v10 =	vld.idx.msk [tilespmem:v10+s23+$0x0], $0xffff  }
0xc2: {  	[tilespmem:s7+$0x40] =	vst v61;
	v11 =	vmul.f32 v11, v1;
	v1 =	vmul.f32 v6, v1;
	v6 =	vld [tilespmem:s10+$0xFFFFFFD0]  }
0xc3: {  	v19 =	vmov s13;
	v63 =	vld [tilespmem:s10+$0xFFFFFFB0];
	[tilespmem:s7+$0x60] =	vst v9  }
0xc4: {  	[tilespmem:s7+$0x50] =	vst v11;
	v11 =	vld [tilespmem:s10+$0xFFFFFFC0];
	v2 =	vmul.f32 v2, v7  }
0xc5: {  	v9 =	vld [tilespmem:s10+$0x0];
	[tilespmem:s7+$0x70] =	vst v1;
	v4 =	vmul.f32 v4, v8  }
0xc6: {  	v1 =	vmul.f32 v3, v7;
	v3 =	vld [tilespmem:s10+$0xFFFFFFF0];
	[tilespmem:s10+$0xFFFFFF80] =	vst v2  }
0xc7: {  	v6 =	vmul.f32 v6, v10;
	[tilespmem:s10+$0x30] =	vst v4;
	v4 =	vld [tilespmem:s10+$0xFFFFFFE0]  }
0xc8: {  	v5 =	vld.idx.msk [tilespmem:v19+s23+$0x0], $0xffff;
	v2 =	vmul.f32 v62, v7;
	[tilespmem:s10+$0xFFFFFF90] =	vst v1  }
0xc9: {  	v1 =	vld [tilespmem:s10+$0x10];
	v11 =	vmul.f32 v11, v10;
	[tilespmem:s10+$0xFFFFFFD0] =	vst v6  }
0xca: {  	v9 =	vmul.f32 v9, v8;
	[tilespmem:s10+$0xFFFFFFA0] =	vst v2;
	v2 =	vld [tilespmem:s10+$0x20]  }
0xcb: {  	[tilespmem:s10+$0xFFFFFFC0] =	vst v11;
	v11 =	vld [tilespmem:s10+$0x40];
	v3 =	vmul.f32 v3, v10  }
0xcc: {  	v6 =	vld [tilespmem:s10+$0x50];
	[tilespmem:s10+$0x0] =	vst v9;
	v4 =	vmul.f32 v4, v10  }
0xcd: {  	v7 =	vmul.f32 v63, v7;
	[tilespmem:s10+$0xFFFFFFF0] =	vst v3;
	v3 =	vld [tilespmem:s10+$0x70]  }
0xce: {  	v1 =	vmul.f32 v1, v8;
	[tilespmem:s10+$0xFFFFFFE0] =	vst v4;
	v4 =	vld [tilespmem:s10+$0x60]  }
0xcf: {  	[tilespmem:s10+$0xFFFFFFB0] =	vst v7;
	v2 =	vmul.f32 v2, v8  }
0xd0: {  	[tilespmem:s10+$0x10] =	vst v1;
	v1 =	vmul.f32 v11, v5  }
0xd1: {  	[tilespmem:s10+$0x20] =	vst v2;
	v2 =	vmul.f32 v6, v5  }
0xd2: {  	[tilespmem:s10+$0x40] =	vst v1;
	v1 =	vmul.f32 v3, v5  }
0xd3: {  	s11 =	sadd.s32 $0x50A0, s6;
	s6 =	sadd.s32 $0x50, s6;
	s12 =	smul.u32 $0x3, s4;
	[tilespmem:s10+$0x50] =	vst v2;
	v4 =	vmul.f32 v4, v5  }
0xd4: {  	p0 =	seq.s32 s4, $0x0;
	s8 =	sadd.s32 $0x0, s6;
	[tilespmem:s10+$0x70] =	vst v1  }
0xd5: {  	s9 =	simm.s32 @!p0 $0x6;
	s13 =	sadd.s32 $0x2, s8;
	s7 =	sadd.s32 $0x2, s12;
	[tilespmem:s10+$0x60] =	vst v4  }
0xd6: {  	v1 =	vmov s8;
	[spmem:s2] =	stream.indirect.scatter.add.f32 [tilespmem:s19], [sflag:$0x4], $0x40, s11, s24, $0xb8;
	[tilespmem:$0x1F5E0] =	vst v63  }
0xd7: {  	v2 =	vmov s13;
	v1 =	vand.u32 $0xFFFFFFFC, v1;
	s11 =	smul.u32 $0x140, s7;
	_ =	swait.ge @!p0 [sflag:s9], $0x1400  }
0xd8: {  	s12 =	sadd.s32 $0x1, s8;
	v2 =	vand.u32 $0xFFFFFFFE, v2;
	v1 =	vbroadcast v1, $0x0;
	[sflag:s9] =	ssyncset.done @!p0 $0x0  }
0xd9: {  	v3 =	vmov s12;
	v2 =	vbroadcast v2, $0x0;
	s13 =	sshra.s32 s11, $0x2;
	[sflag:s9] =	ssyncadd.s32 @!p0 $0xFFFFEC00  }
0xda: {  	v3 =	vand.u32 $0xFFFFFFFD, v3;
	[tilespmem:s28], [sflag:$0x3] =	stream.indirect.gather [hbm4b:s16+s24], $0x40, s13, s24, $0xb8;
	[tilespmem:$0x1F5E0] =	vst v63  }
0xdb: {  	v4 =	vbroadcast v3, $0x0;
	_ =	swait.ge [sflag:s29], $0x1400  }
0xdc: {  	s8 =	sadd.s32 $0x3, s8;
	[sflag:s29] =	ssyncset.done $0x0  }
0xdd: {  	v5 =	vmov s8;
	[sflag:s29] =	ssyncadd.s32 $0xFFFFEC00  }
0xde: {  	v3 =	vld.idx.msk [tilespmem:v1+s23+$0x0], $0xffff  }
0xdf: {  	s9 =	simm.s32 $0x12ED0;
	v2 =	vld.idx.msk [tilespmem:v2+s23+$0x0], $0xffff  }
0xe0: {  	v6 =	vld [tilespmem:s9+$0xFFFFFFC0]  }
0xe1: {  	v4 =	vld.idx.msk [tilespmem:v4+s23+$0x0], $0xffff  }
0xe2: {  	v1 =	vld.idx.msk [tilespmem:v5+s23+$0x0], $0xffff  }
0xe3: {  	v8 =	vld [tilespmem:s9+$0xFFFFFF10]  }
0xe4: {  	v10 =	vld [tilespmem:s9+$0xFFFFFF20]  }
0xe5: {  	v9 =	vld [tilespmem:s9+$0xFFFFFF30]  }
0xe6: {  	v5 =	vld [tilespmem:s9+$0xFFFFFF40];
	v11 =	vmul.f32 v6, v2  }
0xe7: {  	v7 =	vld [tilespmem:s9+$0xFFFFFF60]  }
0xe8: {  	v6 =	vld [tilespmem:s9+$0xFFFFFF50];
	[tilespmem:s9+$0xFFFFFFC0] =	vst v11;
	v11 =	vmul.f32 v8, v3  }
0xe9: {  	s8 =	simm.s32 $0x12ED0;
	s10 =	simm.s32 $0x8;
	s11 =	sadd.s32 $0x4, s6;
	v10 =	vmul.f32 v10, v3;
	v8 =	vld [tilespmem:s9+$0xFFFFFF70]  }
.LBB2_9:
0xea: {  	p0 =	slt.u32 s10, $0x4C;
	v12 =	vmov s11;
	s12 =	sadd.s32 $0x1, s11;
	s13 =	sadd.s32 $0x2, s11;
	[tilespmem:s9+$0xFFFFFF10] =	vst v11;
	v9 =	vmul.f32 v9, v3;
	v11 =	vld [tilespmem:s9+$0xFFFFFF80]  }
0xeb: {  	s11 =	sadd.s32 $0x3, s11;
	v12 =	vand.u32 $0xFFFFFFFC, v12;
	v13 =	vmov s12;
	v14 =	vmov s13;
	[tilespmem:s9+$0xFFFFFF20] =	vst v10;
	v10 =	vld [tilespmem:s9+$0xFFFFFF90]  }
0xec: {  	v12 =	vbroadcast v12, $0x0;
	v13 =	vand.u32 $0xFFFFFFFD, v13;
	v14 =	vand.u32 $0xFFFFFFFE, v14;
	[tilespmem:s9+$0xFFFFFF30] =	vst v9;
	v9 =	vld [tilespmem:s9+$0xFFFFFFA0]  }
0xed: {  	v15 =	vmov s11;
	v13 =	vbroadcast v13, $0x0;
	v14 =	vbroadcast v14, $0x0;
	v16 =	vld [tilespmem:s9+$0xFFFFFFB0]  }
0xee: {  	v6 =	vmul.f32 v6, v4;
	v7 =	vmul.f32 v7, v4;
	v17 =	vld [tilespmem:s9+$0xFFFFFFD0]  }
0xef: {  	v8 =	vmul.f32 v8, v4;
	v4 =	vmul.f32 v11, v4;
	v11 =	vld [tilespmem:s9+$0xFFFFFFE0]  }
0xf0: {  	v5 =	vmul.f32 v5, v3;
	[tilespmem:s9+$0xFFFFFF50] =	vst v6;
	v6 =	vmul.f32 v10, v2;
	v10 =	vld [tilespmem:s9+$0xFFFFFFF0]  }
0xf1: {  	[tilespmem:s9+$0xFFFFFF60] =	vst v7;
	v7 =	vmul.f32 v9, v2;
	v9 =	vld [tilespmem:s9+$0x0]  }
0xf2: {  	v3 =	vld.idx.msk [tilespmem:v12+s23+$0x0], $0xffff;
	[tilespmem:s9+$0xFFFFFF70] =	vst v8;
	v8 =	vmul.f32 v16, v2  }
0xf3: {  	s9 =	sadd.s32 $0x100, s9;
	v2 =	vld.idx.msk [tilespmem:v14+s23+$0x0], $0xffff;
	[tilespmem:s8+$0xFFFFFF80] =	vst v4;
	v12 =	vmul.f32 v17, v1  }
0xf4: {  	v14 =	vld [tilespmem:s9+$0xFFFFFFC0];
	[tilespmem:s8+$0xFFFFFF90] =	vst v6;
	v6 =	vmul.f32 v11, v1  }
0xf5: {  	v4 =	vld.idx.msk [tilespmem:v13+s23+$0x0], $0xffff;
	[tilespmem:s8+$0xFFFFFFA0] =	vst v7;
	v7 =	vmul.f32 v10, v1  }
0xf6: {  	[tilespmem:s8+$0xFFFFFFB0] =	vst v8;
	v8 =	vmul.f32 v9, v1;
	v1 =	vld.idx.msk [tilespmem:v15+s23+$0x0], $0xffff  }
0xf7: {  	v10 =	vld [tilespmem:s9+$0xFFFFFF10];
	[tilespmem:s8+$0xFFFFFF40] =	vst v5  }
0xf8: {  	v13 =	vld [tilespmem:s9+$0xFFFFFF20];
	[tilespmem:s8+$0xFFFFFFD0] =	vst v12  }
.Ltmp5:
0xf9: {  	v9 =	vld [tilespmem:s9+$0xFFFFFF30];
	v11 =	vmul.f32 v14, v2;
	[tilespmem:s8+$0xFFFFFFE0] =	vst v6;
	(pc) =	sbr.rel @p0 .LBB2_9-.Ltmp5, $4  }
0xfa: {  	v5 =	vld [tilespmem:s9+$0xFFFFFF40];
	[tilespmem:s8+$0xFFFFFFF0] =	vst v7  }
0xfb: {  	v6 =	vld [tilespmem:s9+$0xFFFFFF50];
	[tilespmem:s9+$0xFFFFFFC0] =	vst v11  }
0xfc: {  	v11 =	vmul.f32 v10, v3;
	v7 =	vld [tilespmem:s9+$0xFFFFFF60];
	[tilespmem:s8+$0x0] =	vst v8;
	s8 =	smov.u32 s9  }
0xfd: {  	s11 =	sadd.s32 s6, s10;
	s10 =	sadd.s32 $0x4, s10;
	v10 =	vmul.f32 v13, v3;
	v8 =	vld [tilespmem:s9+$0xFFFFFF70]  }
0xfe: {  	v13 =	vld [tilespmem:s9+$0xFFFFFF80]  }
0xff: {  	v15 =	vld [tilespmem:s9+$0xFFFFFF90]  }
0x100: {  	v12 =	vmov s11;
	v16 =	vld [tilespmem:s9+$0xFFFFFFA0]  }
0x101: {  	s10 =	sadd.s32 $0x2, s11;
	s13 =	sadd.s32 $0x1, s11;
	v18 =	vld [tilespmem:s9+$0xFFFFFFB0];
	[tilespmem:s9+$0xFFFFFF10] =	vst v11;
	v9 =	vmul.f32 v9, v3;
	v12 =	vand.u32 $0xFFFFFFFC, v12  }
0x102: {  	v58 =	vld [tilespmem:s9+$0xFFFFFFD0];
	s12 =	sadd.s32 $0x100, s9;
	v14 =	vmov s10;
	v17 =	vmov s13;
	[tilespmem:s9+$0xFFFFFF20] =	vst v10;
	v3 =	vmul.f32 v5, v3  }
0x103: {  	v62 =	vld [tilespmem:s12+$0xFFFFFF30];
	v12 =	vbroadcast v12, $0x0;
	v14 =	vand.u32 $0xFFFFFFFE, v14;
	v6 =	vmul.f32 v6, v4;
	[tilespmem:s9+$0xFFFFFF30] =	vst v9  }
0x104: {  	v11 =	vand.u32 $0xFFFFFFFD, v17;
	v9 =	vld [tilespmem:s9+$0xFFFFFFF0];
	v14 =	vbroadcast v14, $0x0;
	v7 =	vmul.f32 v7, v4;
	[tilespmem:s8+$0xFFFFFF40] =	vst v3  }
0x105: {  	v10 =	vbroadcast v11, $0x0;
	v11 =	vld [tilespmem:s9+$0xFFFFFFE0];
	v8 =	vmul.f32 v8, v4;
	[tilespmem:s9+$0xFFFFFF50] =	vst v6  }
0x106: {  	v3 =	vld [tilespmem:s12+$0xFFFFFF20];
	v4 =	vmul.f32 v13, v4;
	[tilespmem:s9+$0xFFFFFF60] =	vst v7;
	v59 =	vmul.f32 v15, v2  }
0x107: {  	v6 =	vld [tilespmem:s9+$0x0];
	v60 =	vmul.f32 v16, v2;
	v2 =	vmul.f32 v18, v2;
	[tilespmem:s9+$0xFFFFFF70] =	vst v8  }
0x108: {  	[tilespmem:s8+$0xFFFFFF80] =	vst v4;
	v4 =	vld [tilespmem:s12+$0xFFFFFFC0]  }
0x109: {  	[tilespmem:s8+$0xFFFFFFB0] =	vst v2;
	v2 =	vld [tilespmem:s12+$0xFFFFFF10]  }
0x10a: {  	v7 =	vld.idx.msk [tilespmem:v12+s23+$0x0], $0xffff  }
0x10b: {  	v61 =	vmul.f32 v58, v1;
	[tilespmem:s8+$0xFFFFFF90] =	vst v59;
	v8 =	vld.idx.msk [tilespmem:v14+s23+$0x0], $0xffff  }
0x10c: {  	[tilespmem:s8+$0xFFFFFFA0] =	vst v60;
	v9 =	vmul.f32 v9, v1;
	v10 =	vld.idx.msk [tilespmem:v10+s23+$0x0], $0xffff  }
0x10d: {  	s11 =	sadd.s32 $0x3, s11;
	[tilespmem:s8+$0xFFFFFFD0] =	vst v61;
	v11 =	vmul.f32 v11, v1;
	v1 =	vmul.f32 v6, v1;
	v6 =	vld [tilespmem:s12+$0xFFFFFF60]  }
0x10e: {  	v19 =	vmov s11;
	v63 =	vld [tilespmem:s12+$0xFFFFFF40];
	[tilespmem:s8+$0xFFFFFFF0] =	vst v9  }
0x10f: {  	[tilespmem:s8+$0xFFFFFFE0] =	vst v11;
	v11 =	vld [tilespmem:s12+$0xFFFFFF50];
	v2 =	vmul.f32 v2, v7  }
0x110: {  	v9 =	vld [tilespmem:s12+$0xFFFFFF90];
	[tilespmem:s8+$0x0] =	vst v1;
	v4 =	vmul.f32 v4, v8  }
0x111: {  	v1 =	vmul.f32 v3, v7;
	v3 =	vld [tilespmem:s12+$0xFFFFFF80];
	[tilespmem:s12+$0xFFFFFF10] =	vst v2  }
0x112: {  	v6 =	vmul.f32 v6, v10;
	[tilespmem:s12+$0xFFFFFFC0] =	vst v4;
	v4 =	vld [tilespmem:s12+$0xFFFFFF70]  }
0x113: {  	v5 =	vld.idx.msk [tilespmem:v19+s23+$0x0], $0xffff;
	v2 =	vmul.f32 v62, v7;
	[tilespmem:s12+$0xFFFFFF20] =	vst v1  }
0x114: {  	v1 =	vld [tilespmem:s12+$0xFFFFFFA0];
	v11 =	vmul.f32 v11, v10;
	[tilespmem:s12+$0xFFFFFF60] =	vst v6  }
0x115: {  	v9 =	vmul.f32 v9, v8;
	[tilespmem:s12+$0xFFFFFF30] =	vst v2;
	v2 =	vld [tilespmem:s12+$0xFFFFFFB0]  }
0x116: {  	[tilespmem:s12+$0xFFFFFF50] =	vst v11;
	v11 =	vld [tilespmem:s12+$0xFFFFFFD0];
	v3 =	vmul.f32 v3, v10  }
0x117: {  	v6 =	vld [tilespmem:s12+$0xFFFFFFE0];
	[tilespmem:s12+$0xFFFFFF90] =	vst v9;
	v4 =	vmul.f32 v4, v10  }
0x118: {  	v7 =	vmul.f32 v63, v7;
	[tilespmem:s12+$0xFFFFFF80] =	vst v3;
	v3 =	vld [tilespmem:s12+$0x0]  }
0x119: {  	v1 =	vmul.f32 v1, v8;
	[tilespmem:s12+$0xFFFFFF70] =	vst v4;
	v4 =	vld [tilespmem:s12+$0xFFFFFFF0]  }
0x11a: {  	[tilespmem:s12+$0xFFFFFF40] =	vst v7;
	v2 =	vmul.f32 v2, v8  }
0x11b: {  	[tilespmem:s12+$0xFFFFFFA0] =	vst v1;
	v1 =	vmul.f32 v11, v5  }
0x11c: {  	[tilespmem:s12+$0xFFFFFFB0] =	vst v2;
	v2 =	vmul.f32 v6, v5  }
0x11d: {  	[tilespmem:s12+$0xFFFFFFD0] =	vst v1;
	v1 =	vmul.f32 v3, v5  }
0x11e: {  	[tilespmem:s12+$0xFFFFFFE0] =	vst v2;
	v4 =	vmul.f32 v4, v5  }
0x11f: {  	[tilespmem:s12+$0x0] =	vst v1  }
0x120: {  	s6 =	sadd.s32 $0x50A0, s6;
	p0 =	seq.s32 s4, $0x55;
	[tilespmem:s12+$0xFFFFFFF0] =	vst v4  }
0x121: {  	[spmem:s2] =	stream.indirect.scatter.add.f32 [tilespmem:s25], [sflag:$0x5], $0x40, s6, s24, $0xb8;
	[tilespmem:$0x1F5E0] =	vst v63  }
0x122: {  	s6 =	smul.u32 $0x50, s7;
	s7 =	simm.s32 @!p0 $0x4  }
0x123: {  	s9 =	smul.u32 @!p0 $0x3C0, s4;
	_ =	swait.ge @!p0 [sflag:s7], $0x1400  }
0x124: {  	s13 =	sadd.s32 $0x0, s6;
	[sflag:s7] =	ssyncset.done @!p0 $0x0  }
0x125: {  	s11 =	sadd.s32 $0x2, s13;
	[sflag:s7] =	ssyncadd.s32 @!p0 $0xFFFFEC00;
	s7 =	sshra.s32 @!p0 s9, $0x2  }
0x126: {  	s10 =	simm.s32 @!p0 $0x50;
	v2 =	vmov s11;
	s7 =	sadd.s32 @!p0 $0xF0, s7;
	s11 =	simm.s32 @!p0 $0x119E0  }
0x127: {  	v2 =	vand.u32 $0xFFFFFFFE, v2;
	[tilespmem:s11], [sflag:$0x1] =	stream.indirect.gather @!p0 [hbm4b:s16+s10], $0x40, s7, s10, $0xb8;
	[tilespmem:$0x1F5E0] =	vst v63  }
0x128: {  	v1 =	vmov s13;
	v2 =	vbroadcast v2, $0x0;
	_ =	swait.ge [sflag:s30], $0x1400  }
0x129: {  	v1 =	vand.u32 $0xFFFFFFFC, v1;
	[sflag:s30] =	ssyncset.done $0x0  }
0x12a: {  	s8 =	simm.s32 $0x142D0;
	v1 =	vbroadcast v1, $0x0;
	[sflag:s30] =	ssyncadd.s32 $0xFFFFEC00  }
0x12b: {  	s12 =	sadd.s32 $0x1, s13;
	v6 =	vld [tilespmem:s8+$0xFFFFFFC0]  }
0x12c: {  	s13 =	sadd.s32 $0x3, s13;
	v3 =	vmov s12;
	v8 =	vld [tilespmem:s8+$0xFFFFFF10]  }
0x12d: {  	v5 =	vmov s13;
	v3 =	vand.u32 $0xFFFFFFFD, v3;
	v10 =	vld [tilespmem:s8+$0xFFFFFF20]  }
0x12e: {  	v4 =	vbroadcast v3, $0x0;
	v2 =	vld.idx.msk [tilespmem:v2+s23+$0x0], $0xffff  }
0x12f: {  	v9 =	vld [tilespmem:s8+$0xFFFFFF30]  }
0x130: {  	v3 =	vld.idx.msk [tilespmem:v1+s23+$0x0], $0xffff  }
0x131: {  	v7 =	vld [tilespmem:s8+$0xFFFFFF60]  }
0x132: {  	v1 =	vld.idx.msk [tilespmem:v5+s23+$0x0], $0xffff  }
0x133: {  	v5 =	vld [tilespmem:s8+$0xFFFFFF40];
	v11 =	vmul.f32 v6, v2  }
0x134: {  	v4 =	vld.idx.msk [tilespmem:v4+s23+$0x0], $0xffff  }
0x135: {  	v6 =	vld [tilespmem:s8+$0xFFFFFF50];
	[tilespmem:s8+$0xFFFFFFC0] =	vst v11;
	v11 =	vmul.f32 v8, v3  }
0x136: {  	s9 =	simm.s32 $0x8;
	s10 =	sadd.s32 $0x4, s6;
	s7 =	simm.s32 $0x142D0;
	v10 =	vmul.f32 v10, v3;
	v8 =	vld [tilespmem:s8+$0xFFFFFF70]  }
.LBB2_11:
0x137: {  	p1 =	slt.u32 s9, $0x4C;
	v12 =	vmov s10;
	s11 =	sadd.s32 $0x1, s10;
	s12 =	sadd.s32 $0x2, s10;
	[tilespmem:s8+$0xFFFFFF10] =	vst v11;
	v9 =	vmul.f32 v9, v3;
	v11 =	vld [tilespmem:s8+$0xFFFFFF80]  }
0x138: {  	s10 =	sadd.s32 $0x3, s10;
	v12 =	vand.u32 $0xFFFFFFFC, v12;
	v13 =	vmov s11;
	v14 =	vmov s12;
	[tilespmem:s8+$0xFFFFFF20] =	vst v10;
	v10 =	vld [tilespmem:s8+$0xFFFFFF90]  }
0x139: {  	v12 =	vbroadcast v12, $0x0;
	v13 =	vand.u32 $0xFFFFFFFD, v13;
	v14 =	vand.u32 $0xFFFFFFFE, v14;
	[tilespmem:s8+$0xFFFFFF30] =	vst v9;
	v9 =	vld [tilespmem:s8+$0xFFFFFFA0]  }
0x13a: {  	v15 =	vmov s10;
	v13 =	vbroadcast v13, $0x0;
	v14 =	vbroadcast v14, $0x0;
	v16 =	vld [tilespmem:s8+$0xFFFFFFB0]  }
0x13b: {  	v6 =	vmul.f32 v6, v4;
	v7 =	vmul.f32 v7, v4;
	v17 =	vld [tilespmem:s8+$0xFFFFFFD0]  }
0x13c: {  	v8 =	vmul.f32 v8, v4;
	v4 =	vmul.f32 v11, v4;
	v11 =	vld [tilespmem:s8+$0xFFFFFFE0]  }
0x13d: {  	v5 =	vmul.f32 v5, v3;
	[tilespmem:s8+$0xFFFFFF50] =	vst v6;
	v6 =	vmul.f32 v10, v2;
	v10 =	vld [tilespmem:s8+$0xFFFFFFF0]  }
0x13e: {  	[tilespmem:s8+$0xFFFFFF60] =	vst v7;
	v7 =	vmul.f32 v9, v2;
	v9 =	vld [tilespmem:s8+$0x0]  }
0x13f: {  	v3 =	vld.idx.msk [tilespmem:v12+s23+$0x0], $0xffff;
	[tilespmem:s8+$0xFFFFFF70] =	vst v8;
	v8 =	vmul.f32 v16, v2  }
0x140: {  	s8 =	sadd.s32 $0x100, s8;
	v2 =	vld.idx.msk [tilespmem:v14+s23+$0x0], $0xffff;
	[tilespmem:s7+$0xFFFFFF80] =	vst v4;
	v12 =	vmul.f32 v17, v1  }
0x141: {  	v14 =	vld [tilespmem:s8+$0xFFFFFFC0];
	[tilespmem:s7+$0xFFFFFF90] =	vst v6;
	v6 =	vmul.f32 v11, v1  }
0x142: {  	v4 =	vld.idx.msk [tilespmem:v13+s23+$0x0], $0xffff;
	[tilespmem:s7+$0xFFFFFFA0] =	vst v7;
	v7 =	vmul.f32 v10, v1  }
0x143: {  	[tilespmem:s7+$0xFFFFFFB0] =	vst v8;
	v8 =	vmul.f32 v9, v1;
	v1 =	vld.idx.msk [tilespmem:v15+s23+$0x0], $0xffff  }
0x144: {  	v10 =	vld [tilespmem:s8+$0xFFFFFF10];
	[tilespmem:s7+$0xFFFFFF40] =	vst v5  }
0x145: {  	v13 =	vld [tilespmem:s8+$0xFFFFFF20];
	[tilespmem:s7+$0xFFFFFFD0] =	vst v12  }
.Ltmp6:
0x146: {  	v9 =	vld [tilespmem:s8+$0xFFFFFF30];
	v11 =	vmul.f32 v14, v2;
	[tilespmem:s7+$0xFFFFFFE0] =	vst v6;
	(pc) =	sbr.rel @p1 .LBB2_11-.Ltmp6, $4  }
0x147: {  	v5 =	vld [tilespmem:s8+$0xFFFFFF40];
	[tilespmem:s7+$0xFFFFFFF0] =	vst v7  }
0x148: {  	v6 =	vld [tilespmem:s8+$0xFFFFFF50];
	[tilespmem:s8+$0xFFFFFFC0] =	vst v11  }
0x149: {  	v11 =	vmul.f32 v10, v3;
	v7 =	vld [tilespmem:s8+$0xFFFFFF60];
	[tilespmem:s7+$0x0] =	vst v8;
	s7 =	smov.u32 s8  }
0x14a: {  	s10 =	sadd.s32 s6, s9;
	s9 =	sadd.s32 $0x4, s9;
	v10 =	vmul.f32 v13, v3;
	v8 =	vld [tilespmem:s8+$0xFFFFFF70]  }
0x14b: {  	v13 =	vld [tilespmem:s8+$0xFFFFFF80]  }
0x14c: {  	v15 =	vld [tilespmem:s8+$0xFFFFFF90]  }
0x14d: {  	v16 =	vld [tilespmem:s8+$0xFFFFFFA0]  }
0x14e: {  	v18 =	vld [tilespmem:s8+$0xFFFFFFB0]  }
0x14f: {  	v12 =	vmov s10;
	s9 =	sadd.s32 $0x2, s10;
	[tilespmem:s8+$0xFFFFFF10] =	vst v11;
	v9 =	vmul.f32 v9, v3;
	v42 =	vld [tilespmem:s8+$0xFFFFFFD0]  }
0x150: {  	v44 =	vld [tilespmem:s8+$0xFFFFFFE0];
	v12 =	vand.u32 $0xFFFFFFFC, v12;
	v14 =	vmov s9;
	[tilespmem:s8+$0xFFFFFF20] =	vst v10;
	v3 =	vmul.f32 v5, v3  }
0x151: {  	v45 =	vld [tilespmem:s8+$0xFFFFFFF0];
	v12 =	vbroadcast v12, $0x0;
	v14 =	vand.u32 $0xFFFFFFFE, v14;
	v6 =	vmul.f32 v6, v4;
	[tilespmem:s8+$0xFFFFFF30] =	vst v9  }
0x152: {  	s11 =	sadd.s32 $0x1, s10;
	v46 =	vld [tilespmem:s8+$0x0];
	s13 =	sadd.s32 $0x100, s8;
	v14 =	vbroadcast v14, $0x0;
	v7 =	vmul.f32 v7, v4;
	[tilespmem:s7+$0xFFFFFF40] =	vst v3  }
0x153: {  	v17 =	vmov s11;
	v52 =	vld [tilespmem:s13+$0xFFFFFFC0];
	v8 =	vmul.f32 v8, v4;
	[tilespmem:s8+$0xFFFFFF50] =	vst v6;
	v49 =	vmul.f32 v15, v2  }
0x154: {  	v55 =	vld [tilespmem:s13+$0xFFFFFF30];
	v41 =	vand.u32 $0xFFFFFFFD, v17;
	[tilespmem:s8+$0xFFFFFF60] =	vst v7;
	v51 =	vmul.f32 v16, v2;
	v2 =	vmul.f32 v18, v2  }
0x155: {  	v56 =	vld [tilespmem:s13+$0xFFFFFF50];
	v43 =	vbroadcast v41, $0x0;
	v47 =	vmul.f32 v13, v4;
	[tilespmem:s8+$0xFFFFFF70] =	vst v8  }
0x156: {  	[tilespmem:s7+$0xFFFFFFB0] =	vst v2;
	v2 =	vld [tilespmem:s13+$0xFFFFFF10]  }
0x157: {  	[tilespmem:s7+$0xFFFFFF80] =	vst v47;
	v48 =	vld.idx.msk [tilespmem:v12+s23+$0x0], $0xffff  }
0x158: {  	v3 =	vld [tilespmem:s13+$0xFFFFFF20];
	v54 =	vmul.f32 v42, v1;
	[tilespmem:s7+$0xFFFFFF90] =	vst v49  }
0x159: {  	v60 =	vld [tilespmem:s13+$0xFFFFFF40];
	v11 =	vmul.f32 v44, v1;
	[tilespmem:s7+$0xFFFFFFA0] =	vst v51  }
0x15a: {  	v9 =	vmul.f32 v45, v1;
	[tilespmem:s7+$0xFFFFFFD0] =	vst v54;
	v50 =	vld.idx.msk [tilespmem:v14+s23+$0x0], $0xffff  }
0x15b: {  	s12 =	sadd.s32 $0x3, s10;
	v1 =	vmul.f32 v46, v1;
	[tilespmem:s7+$0xFFFFFFE0] =	vst v11;
	v10 =	vld.idx.msk [tilespmem:v43+s23+$0x0], $0xffff  }
0x15c: {  	v19 =	vmov s12;
	v57 =	vld [tilespmem:s13+$0xFFFFFF60];
	[tilespmem:s7+$0xFFFFFFF0] =	vst v9;
	v2 =	vmul.f32 v2, v48  }
0x15d: {  	v58 =	vld [tilespmem:s13+$0xFFFFFF70];
	[tilespmem:s7+$0x0] =	vst v1;
	v1 =	vmul.f32 v3, v48  }
0x15e: {  	v59 =	vld [tilespmem:s13+$0xFFFFFF90];
	v7 =	vmul.f32 v60, v48;
	[tilespmem:s13+$0xFFFFFF10] =	vst v2  }
0x15f: {  	v3 =	vld [tilespmem:s13+$0xFFFFFF80];
	v4 =	vmul.f32 v52, v50;
	[tilespmem:s13+$0xFFFFFF20] =	vst v1  }
0x160: {  	v63 =	vld [tilespmem:s13+$0xFFFFFFF0];
	v11 =	vmul.f32 v56, v10;
	[tilespmem:s13+$0xFFFFFF40] =	vst v7  }
0x161: {  	v53 =	vld.idx.msk [tilespmem:v19+s23+$0x0], $0xffff;
	v2 =	vmul.f32 v55, v48;
	[tilespmem:s13+$0xFFFFFFC0] =	vst v4  }
0x162: {  	v6 =	vmul.f32 v57, v10;
	v1 =	vld [tilespmem:s13+$0xFFFFFFA0];
	[tilespmem:s13+$0xFFFFFF50] =	vst v11  }
0x163: {  	v4 =	vmul.f32 v58, v10;
	[tilespmem:s13+$0xFFFFFF30] =	vst v2;
	v2 =	vld [tilespmem:s13+$0xFFFFFFB0]  }
0x164: {  	v61 =	vld [tilespmem:s13+$0xFFFFFFD0];
	[tilespmem:s13+$0xFFFFFF60] =	vst v6;
	v3 =	vmul.f32 v3, v10  }
0x165: {  	v62 =	vld [tilespmem:s13+$0xFFFFFFE0];
	v9 =	vmul.f32 v59, v50;
	[tilespmem:s13+$0xFFFFFF70] =	vst v4  }
0x166: {  	v4 =	vmul.f32 v63, v53;
	[tilespmem:s13+$0xFFFFFF80] =	vst v3;
	v3 =	vld [tilespmem:s13+$0x0]  }
0x167: {  	[tilespmem:s13+$0xFFFFFF90] =	vst v9;
	v1 =	vmul.f32 v1, v50  }
0x168: {  	[tilespmem:s13+$0xFFFFFFF0] =	vst v4;
	v2 =	vmul.f32 v2, v50  }
0x169: {  	[tilespmem:s13+$0xFFFFFFA0] =	vst v1;
	v1 =	vmul.f32 v61, v53  }
.Ltmp7:
0x16a: {  	[tilespmem:s13+$0xFFFFFFB0] =	vst v2;
	v2 =	vmul.f32 v62, v53;
	(pc) =	sbr.rel @p0 .LBB2_14-.Ltmp7, $4  }
0x16b: {  	[tilespmem:s13+$0xFFFFFFD0] =	vst v1;
	v1 =	vmul.f32 v3, v53  }
0x16c: {  	[tilespmem:s13+$0xFFFFFFE0] =	vst v2  }
0x16d: {  	s6 =	sadd.s32 $0x50A0, s6;
	[tilespmem:s13+$0x0] =	vst v1  }
0x16e: {  	[spmem:s2] =	stream.indirect.scatter.add.f32 [tilespmem:s28], [sflag:$0x6], $0x40, s6, s24, $0xb8;
	[tilespmem:$0x1F5E0] =	vst v63  }
0x16f: {  	s6 =	smul.u32 $0x3C0, s4  }
.Ltmp8:
0x170: {  	_ = 	snop;
	(pc) =	sbr.rel .LBB2_6-.Ltmp8, $4  }
0x171: {  	_ =	swait.ge [sflag:s0], $0x1400  }
0x172: {  	[sflag:s0] =	ssyncset.done $0x0;
	s6 =	sshra.s32 s6, $0x2  }
0x173: {  	s4 =	sadd.s32 $0x1, s4;
	[sflag:s0] =	ssyncadd.s32 $0xFFFFEC00;
	s6 =	sadd.s32 $0x140, s6  }
0x174: {  	[tilespmem:s25], [sflag:$0x2] =	stream.indirect.gather [hbm4b:s16+s24], $0x40, s6, s24, $0xb8;
	[tilespmem:$0x1F5E0] =	vst v63  }
.LBB2_15:
0x175: {  	_ =	sfence.sel $0x180000  }
0x176: {  	[bflag:$0x0] =	sbarrier.arrive $0xFFFF  }
0x177: {  	_ =	strace $0x9000004D  }
0x178: {  	s0 =	stileid.u32;
	[bflag:$0x2] =	sbarrier.arrive $0xFFFF  }
0x179: {  	p0 =	sne.s32 s0, $0x0;
	s0 =	rddreg [dreg:$0x3]  }
0x17a: {  	s0 =	sadd.s32 @!p0 $0x100000, s0  }
0x17b: {  	[sflag:s0] =	ssyncadd.tile.s32 @!p0 $0x1;
	_ =	shalt  }
.Lfunc_end2:
_tile_overlayer_lowered:
.L_overlay_start_2:
0x17c: {  	(tag) =	ssettag $0x2  }
0x17d: {  	s0 =	rddreg [dreg:$0x0];
	s2 =	stileid.u32  }
0x17e: {  	s1 =	rddreg [dreg:$0x1];
	p0 =	sne.s32 s2, $0x0  }
0x17f: {  	s3 =	rddreg [dreg:$0x2];
	[bflag:$0x3] =	sbarrier.arrive $0xFFFF;
	s2 =	simm.s32 @!p0 $0x1C07  }
0x180: {  	[timem:s3], [sflag:s2] =	dma.local @!p0 [hbm:s0], s1  }
0x181: {  	s0 =	simm.s32 @!p0 $0x7  }
0x182: {  	_ =	swait.ge @!p0 [sflag:s0], s1  }
0x183: {  	s1 =	ssub.s32 @!p0 $0x0, s1;
	[sflag:s0] =	ssyncset.done @!p0 $0x0  }
0x184: {  	[sflag:s0] =	ssyncadd.s32 @!p0 s1  }
0x185: {  	[bflag:$0x3] =	sbarrier.arrive $0xFFFF  }
0x186: {  	_ =	shalt  }

// kernel: kernel.9.cloned.1.call-start
scs
__scs_entry_jumppad:
0x0: {  	(pc) =	sbr.rel $0x88, $3  }
0x1: {  	(tag) =	ssettag $0x0;
	lr =	simm.s32 $0x1  }
0x2: {  	[smem:$0x3F9A] =	sst lr;
	_ =	strace $0xD0000000  }
0x3: {  	_ = 	snop  }
0x4: {  	_ = 	snop  }
0x5: {  	_ = 	snop  }
0x6: {  	_ = 	snop  }
0x7: {  	_ = 	snop  }
__scs_overlays_trampoline_lowered:
0x8: {  	[smem:$0x3FA9] =	sst s0  }
0x9: {  	[smem:$0x3FAA] =	sst s1  }
0xa: {  	[smem:$0x3FAB] =	sst s2  }
0xb: {  	[smem:$0x3FAC] =	sst s3  }
0xc: {  	[smem:$0x3FAD] =	sst s4  }
0xd: {  	[smem:$0x3FAE] =	sst s5  }
0xe: {  	[smem:$0x3FAF] =	sst s6  }
0xf: {  	[smem:$0x3FB0] =	sst s7  }
0x10: {  	[smem:$0x3FB1] =	sst s8  }
0x11: {  	[smem:$0x3FB2] =	sst s9;
	s0 =	simm.s32 @!p0 $0x0  }
0x12: {  	s1 =	sld [smem:$0x3F98];
	s0 =	simm.s32 @p0 $0x1  }
0x13: {  	[smem:$0x3FB3] =	sst s0;
	s0 =	simm.s32 @!p1 $0x0  }
0x14: {  	s2 =	sld [smem:$0x3F97];
	s0 =	simm.s32 @p1 $0x1  }
0x15: {  	[smem:$0x3FB4] =	sst s0;
	s0 =	simm.s32 @!p2 $0x0  }
0x16: {  	s3 =	sld [smem:$0x3FDB];
	s0 =	simm.s32 @p2 $0x1  }
0x17: {  	s4 =	simm.s32 $0x1BF5;
	[smem:$0x3FB6] =	sst s0  }
0x18: {  	s0 =	sld [smem:$0x3F99];
	_ =	swait.ge [sflag:s4], $0x0  }
0x19: {  	s7 =	sld [smem:$0x3F9A]  }
0x1a: {  	s8 =	sadd.s32 $0xFFFFE003, lr  }
0x1b: {  	s9 =	sadd.s32 $0xFFFFFEF7, lr;
	s5 =	simm.s32 $0xFFFFFFFF;
	p2 =	slt.u32 s8, $0xFFFFF086  }
0x1c: {  	p1 =	slt.u32 s9, $0xF7A;
	s5 =	simm.s32 @!p2 $0x0  }
0x1d: {  	s5 =	simm.s32 @p1 $0x1;
	p0 =	seq.s32 s7, s2  }
0x1e: {  	s7 =	smul.u32 @!p0 $0xF7A, s2;
	p2 =	seq.s32 @!p0 s5, $0x0  }
0x1f: {  	s9 =	smul.u32 $0xF7A, s1;
	s8 =	simm.s32 @!p0 $0x1BF5;
	p2 =	por !p2, p0  }
0x20: {  	[sflag:s8] =	ssyncset.s32 @!p0 $0xFFFFF086;
	s6 =	sadd.s32 @!p0 s3, s7;
	s7 =	simm.s32 @!p0 $0x108  }
0x21: {  	s3 =	sadd.s32 s3, s9;
	s6 =	sadd.s32 @!p0 $0x88, s6;
	s7 =	simm.s32 @p2 $0x1082  }
0x22: {  	[simem:s7], [sflag:s8] =	dma.local @!p0 [hbm:s6], $0xF7A  }
0x23: {  	s9 =	sor.u32 $0xD0000000, s2;
	s6 =	simm.s32 $0x108;
	_ =	swait.ge @!p0 [sflag:s8], $0x0  }
0x24: {  	s3 =	sadd.s32 $0x88, s3;
	s6 =	simm.s32 @!p1 $0x1082;
	[sflag:s4] =	ssyncset.s32 $0xFFFFF086  }
0x25: {  	[simem:s6], [sflag:s4] =	dma.local [hbm:s3], $0xF7A  }
0x26: {  	[smem:$0x3F9A] =	sst s1;
	(tag) =	ssettag s2;
	_ =	strace s9  }
0x27: {  	s1 =	sld [smem:$0x3FAA]  }
0x28: {  	s2 =	sld [smem:$0x3FAB]  }
0x29: {  	s4 =	sld [smem:$0x3FAD]  }
0x2a: {  	p0 =	seq.s32 s5, $0x0;
	s5 =	sld [smem:$0x3FAE]  }
0x2b: {  	s6 =	sld [smem:$0x3FAF]  }
0x2c: {  	s7 =	sld [smem:$0x3FB0]  }
0x2d: {  	s3 =	simm.s32 $0x108;
	s8 =	sld [smem:$0x3FB1]  }
0x2e: {  	s3 =	simm.s32 @!p0 $0x1082;
	s9 =	sld [smem:$0x3FB2]  }
0x2f: {  	lr =	sadd.s32 s0, s3;
	s0 =	sld [smem:$0x3FA9]  }
0x30: {  	s3 =	sld [smem:$0x3FAC]  }
0x31: {  	[smem:$0x3FB5] =	sst s10  }
0x32: {  	s10 =	sld [smem:$0x3FB3];
	_ =	sdelay $0x3  }
0x33: {  	p0 =	seq.s32 s10, $0x1;
	s10 =	sld [smem:$0x3FB5];
	_ =	sdelay $0x3  }
0x34: {  	[smem:$0x3FB5] =	sst s10  }
0x35: {  	s10 =	sld [smem:$0x3FB4];
	_ =	sdelay $0x3  }
0x36: {  	p1 =	seq.s32 s10, $0x1;
	s10 =	sld [smem:$0x3FB5];
	_ =	sdelay $0x3  }
0x37: {  	[smem:$0x3FB5] =	sst s10  }
0x38: {  	s10 =	sld [smem:$0x3FB6]  }
0x39: {  	_ = 	snop;
	(pc) =	sbr.ind lr, $3  }
0x3a: {  	_ = 	snop  }
0x3b: {  	_ = 	snop  }
0x3c: {  	p2 =	seq.s32 s10, $0x1;
	s10 =	sld [smem:$0x3FB5]  }
0x3d: {  	_ =	shalt  }
0x3e: {  	_ =	shalt  }
0x3f: {  	_ =	shalt  }
0x40: {  	_ =	shalt  }
0x41: {  	_ =	shalt  }
0x42: {  	_ =	shalt  }
0x43: {  	_ =	shalt  }
0x44: {  	_ =	shalt  }
0x45: {  	_ =	shalt  }
0x46: {  	_ =	shalt  }
0x47: {  	_ =	shalt  }
0x48: {  	_ =	shalt  }
0x49: {  	_ =	shalt  }
0x4a: {  	_ =	shalt  }
0x4b: {  	_ =	shalt  }
0x4c: {  	_ =	shalt  }
0x4d: {  	_ =	shalt  }
0x4e: {  	_ =	shalt  }
0x4f: {  	_ =	shalt  }
0x50: {  	_ =	shalt  }
0x51: {  	_ =	shalt  }
0x52: {  	_ =	shalt  }
0x53: {  	_ =	shalt  }
0x54: {  	_ =	shalt  }
0x55: {  	_ =	shalt  }
0x56: {  	_ =	shalt  }
0x57: {  	_ =	shalt  }
0x58: {  	_ =	shalt  }
0x59: {  	_ =	shalt  }
0x5a: {  	_ =	shalt  }
0x5b: {  	_ =	shalt  }
0x5c: {  	_ =	shalt  }
0x5d: {  	_ =	shalt  }
0x5e: {  	_ =	shalt  }
0x5f: {  	_ =	shalt  }
0x60: {  	_ =	shalt  }
0x61: {  	_ =	shalt  }
0x62: {  	_ =	shalt  }
0x63: {  	_ =	shalt  }
0x64: {  	_ =	shalt  }
0x65: {  	_ =	shalt  }
0x66: {  	_ =	shalt  }
0x67: {  	_ =	shalt  }
0x68: {  	_ =	shalt  }
0x69: {  	_ =	shalt  }
0x6a: {  	_ =	shalt  }
0x6b: {  	_ =	shalt  }
0x6c: {  	_ =	shalt  }
0x6d: {  	_ =	shalt  }
0x6e: {  	_ =	shalt  }
0x6f: {  	_ =	shalt  }
0x70: {  	_ =	shalt  }
0x71: {  	_ =	shalt  }
0x72: {  	_ =	shalt  }
0x73: {  	_ =	shalt  }
0x74: {  	_ =	shalt  }
0x75: {  	_ =	shalt  }
0x76: {  	_ =	shalt  }
0x77: {  	_ =	shalt  }
0x78: {  	_ =	shalt  }
0x79: {  	_ =	shalt  }
0x7a: {  	_ =	shalt  }
0x7b: {  	_ =	shalt  }
0x7c: {  	_ =	shalt  }
0x7d: {  	_ =	shalt  }
0x7e: {  	_ =	shalt  }
0x7f: {  	_ =	shalt  }
0x80: {  	_ =	shalt  }
0x81: {  	_ =	shalt  }
0x82: {  	_ =	shalt  }
0x83: {  	_ =	shalt  }
0x84: {  	_ =	shalt  }
0x85: {  	_ =	shalt  }
0x86: {  	_ =	shalt  }
0x87: {  	_ =	shalt  }
.Lfunc_end0:
.L_simem_size_0:
called_computation_lowered:
.L_overlay_start_0:
0x88: {  	s2 =	sld [smem:$0x3FD9]  }
0x89: {  	s3 =	sld [smem:$0x3FFE];
	_ =	sdelay $0x1  }
0x8a: {  	s1 =	srdreg.scid  }
0x8b: {  	s0 =	sand.u32 $0x1, s1  }
0x8c: {  	s16 =	sshll.u32 s0, $0xA;
	s2 =	sadd.s32 s3, s2  }
0x8d: {  	s2 =	sadd.s32 s2, s16  }
0x8e: {  	[smem:$0x3FC1] =	sst s2  }
0x8f: {  	_ = 	snop  }
0x90: {  	(tm) =	ssettm $0x1  }
0x91: {  	s17 =	sld [smem:$0x3FFB];
	_ =	sdelay $0x3  }
0x92: {  	_ =	strace s17  }
0x93: {  	s2 =	sld [smem:$0x3FFC];
	_ =	sdelay $0x3  }
0x94: {  	_ =	strace s2  }
0x95: {  	s2 =	sld [smem:$0x3FFD];
	_ =	sdelay $0x3  }
0x96: {  	_ =	strace s2  }
0x97: {  	_ =	strace $0x8FFFFFFF  }
0x98: {  	s18 =	sld [smem:$0x3FDB];
	_ =	sdelay $0x1  }
0x99: {  	s19 =	simm.s32 $_scs_section_size  }
0x9a: {  	s4 =	simm.s32 $_size__tile_overlayer_lowered;
	s5 =	simm.s32 $_tile_overlayer_lowered  }
0x9b: {  	s22 =	simm.s32 $0x1BFF;
	s21 =	sshll.u32 s5, $0x1;
	s2 =	sadd.s32 s19, s18  }
0x9c: {  	s6 =	simm.s32 $0x0;
	s20 =	sshll.u32 s4, $0x1;
	s4 =	sadd.s32 s21, s2  }
0x9d: {  	[timem:s6], [sflag:s22] =	dma.local [hbm:s4], s20  }
0x9e: {  	_ =	swait.ge [sflag:s22], s20  }
0x9f: {  	s3 =	ssub.s32 $0x0, s20;
	[sflag:s22] =	ssyncset.done $0x0  }
0xa0: {  	[sflag:s22] =	ssyncadd.s32 s3;
	_ =	sdelay $0x1  }
0xa1: {  	s23 =	simm.s32 $0x1B8B  }
0xa2: {  	_ =	swait.ge [sflag:s23], $0x1  }
0xa3: {  	[sflag:s23] =	ssyncset.done $0x0  }
0xa4: {  	s25 =	simm.s32 $0x1B8E;
	s24 =	sld [smem:$0x3FFE];
	[sflag:s23] =	ssyncadd.s32 $0xFFFFFFFF  }
0xa5: {  	s26 =	simm.s32 $execute0_lowered;
	[smem:$0x3FD2] =	sst s25  }
0xa6: {  	s4 =	sshll.u32 s26, $0x1;
	_ =	strace $0x80000046;
	[dreg:$0x1] =	wrdreg $0xFFFFFFFF  }
0xa7: {  	s28 =	simm.s32 $_size_execute0_lowered;
	s2 =	sadd.s32 s2, s4;
	[dreg:$0x0] =	wrdreg $0x0  }
0xa8: {  	s4 =	sshll.u32 s28, $0x1;
	[dreg:$0x2] =	wrdreg s2  }
0xa9: {  	[dreg:$0x3] =	wrdreg s4  }
0xaa: {  	[dreg:$0x4] =	wrdreg $0xC0  }
0xab: {  	_ =	task [dreg:s6], $0x5FFFF  }
0xac: {  	[dreg:$0x1] =	wrdreg $0xFFFFFFFF  }
0xad: {  	[dreg:$0x0] =	wrdreg $0x60  }
0xae: {  	[dreg:$0x2] =	wrdreg s24  }
0xaf: {  	[dreg:$0x3] =	wrdreg $0x9  }
0xb0: {  	_ =	task.clear_ibuf [dreg:s6], $0x4FFFF;
	_ =	strace $0x90000046  }
0xb1: {  	s29 =	simm.s32 $0x9;
	_ =	strace $0x80000048  }
0xb2: {  	_ =	swait.ge [sflag:s29], $0x1  }
0xb3: {  	[sflag:s29] =	ssyncadd.s32 $0xFFFFFFFF  }
0xb4: {  	_ =	strace $0x90000048  }
0xb5: {  	_ =	sfence  }
0xb6: {  	s30 =	sld [smem:$0x0];
	_ =	sdelay $0x2  }
0xb7: {  	s31 =	sshll.u32 s1, $0xD;
	s1 =	sshrl.u32 s1, $0x2  }
0xb8: {  	s3 =	sand.u32 $0x4000, s31;
	s1 =	sadd.s32 s1, s30  }
0xb9: {  	s0 =	sor.u32 s3, s0;
	s1 =	sshll.u32 s1, $0x11  }
0xba: {  	s0 =	sor.u32 s1, s0  }
0xbb: {  	s0 =	sadd.s32 $0x8F2B, s0  }
0xbc: {  	[sflag:s0] =	ssyncadd.remote.s32 $0x1  }
0xbd: {  	_ =	sfence.sel $0xFFFF  }
0xbe: {  	[dreg:$0x0] =	wrdreg $0xFFFFFFFF;
	(pc) =	sbr.abs _section_cstart, $3  }
0xbf: {  	[dreg:$0x1] =	wrdreg $0xFFFFFFFF  }
0xc0: {  	_ =	task.clear_ibuf [dreg:s6], $0x2FFFF;
	_ =	strace $0x9FFFFFFF  }
0xc1: {  	(tm) =	ssettm $0x7FFFFFFF  }
tec
execute0_lowered:
.L_overlay_start_1:
0x0: {  	(tag) =	ssettag $0x1  }
0x1: {  	s1 =	srdreg.scid  }
0x2: {  	s0 =	stileid.u32;
	s4 =	rddreg [dreg:$0x0];
	s2 =	simm.s32 $0x0  }
0x3: {  	s8 =	simm.s32 $0x2850;
	s3 =	sand.u32 $0x1, s1;
	s30 =	sshll.u32 s0, $0x1  }
0x4: {  	s9 =	simm.s32 $0x50A0;
	s10 =	simm.s32 $0x0;
	s5 =	sor.u32 s3, s30  }
0x5: {  	s1 =	rddreg [dreg:$0x1];
	s3 =	ssub.s32 $0x2, s3;
	s6 =	smul.u32 $0x50A, s5  }
0x6: {  	[smem:$0x7FF] =	sst s2;
	s5 =	smul.u32 $0x500, s5;
	s31 =	sshrl.u32 s3, $0x1  }
0x7: {  	_ =	strace $0x80000047;
	s7 =	ssub.s32 s3, s31;
	s6 =	sadd.s32 s6, s4  }
0x8: {  	s5 =	sadd.s32 s5, s4;
	s3 =	sadd.s32 $0xBA00, s6;
	s4 =	sadd.s32 $0x1800, s6  }
0x9: {  	v0 =	vimm.f32 $0.0e+00;
	s5 =	sadd.s32 $0x15C00, s5;
	s6 =	smax.u32 s7, $0x1;
	s7 =	simm.s32 $0x1  }
.LBB2_1:
0xa: {  	s11 =	simm.s32 $0x40;
	s12 =	simm.s32 $0x0  }
.LBB2_2:
0xb: {  	p0 =	sne.s32 s11, $0x9FC0;
	[tilespmem:s12+$0x50A0] =	vst v0;
	s12 =	smov.u32 s11;
	s11 =	sadd.s32 $0x40, s11  }
.Ltmp0:
0xc: {  	(pc) =	sbr.rel @p0 .LBB2_2-.Ltmp0, $2  }
0xd: {  	_ =	sdelay $0x2  }
0xe: {  	s12 =	sshra.s32 s12, $0x2  }
0xf: {  	[tilespmem:s12+$0x50A0] =	vst v0;
	s11 =	simm.s32 $0x0  }
0x10: {  	[tilespmem:s11], [sflag:$0x1] =	stream.linear.gather [hbm4b:s3+s11], $0x2850, $0x38;
	[tilespmem:$0x78A0] =	vst v63  }
0x11: {  	_ =	swait.ge [sflag:s7], $0x2850  }
0x12: {  	[sflag:s7] =	ssyncset.done $0x0  }
0x13: {  	[sflag:s7] =	ssyncadd.s32 $0xFFFFD7B0  }
0x14: {  	[tilespmem:s8], [sflag:$0x1] =	stream.linear.gather [hbm4b:s4+s11], $0x2850, $0x38;
	[tilespmem:$0x78A0] =	vst v63  }
0x15: {  	_ =	swait.ge [sflag:s7], $0x2850  }
0x16: {  	[sflag:s7] =	ssyncset.done $0x0  }
0x17: {  	s12 =	simm.s32 $0x0;
	s11 =	simm.s32 $0x40;
	[sflag:s7] =	ssyncadd.s32 $0xFFFFD7B0  }
.LBB2_4:
0x18: {  	p0 =	sne.s32 s11, $0xA100;
	v1 =	vld [tilespmem:s12+$0x0];
	_ =	sdelay $0x2  }
0x19: {  	v2 =	vld [tilespmem:s12+$0x2850]  }
.Ltmp1:
0x1a: {  	(pc) =	sbr.rel @p0 .LBB2_4-.Ltmp1, $2  }
0x1b: {  	_ =	sdelay $0x2  }
0x1c: {  	s12 =	sshra.s32 s11, $0x2;
	s11 =	sadd.s32 $0x40, s11;
	[tilespmem:v1+s9+$0x0] =	vst.idx.add.f32.msk $0xffff, v2  }
0x1d: {  	v1 =	vld [tilespmem:s12+$0x0];
	_ =	sdelay $0x2  }
0x1e: {  	v2 =	vld [tilespmem:s12+$0x2850];
	_ =	sdelay $0x2  }
0x1f: {  	s10 =	sadd.s32 $0x1, s10  }
0x20: {  	p0 =	sne.s32 s10, s6  }
.Ltmp2:
0x21: {  	[tilespmem:v1+s9+$0x0] =	vst.idx.add.f32.msk $0xffff, v2;
	(pc) =	sbr.rel @p0 .LBB2_1-.Ltmp2, $4  }
0x22: {  	[hbm4b:s5+s2] =	stream.linear.scatter [tilespmem:s9], [sflag:$0x1], $0x2800, $0x38;
	[tilespmem:$0x78A0] =	vst v63  }
0x23: {  	_ =	swait.ge [sflag:s7], $0x2800  }
0x24: {  	[sflag:s7] =	ssyncset.done $0x0  }
0x25: {  	[sflag:s7] =	ssyncadd.s32 $0xFFFFD800  }
0x26: {  	_ =	sfence.sel $0x180000  }
0x27: {  	[bflag:$0x0] =	sbarrier.arrive $0xFFFF  }
0x28: {  	p0 =	sne.s32 s0, $0x0;
	_ =	strace $0x90000047  }
0x29: {  	s0 =	sadd.s32 @!p0 $0x100000, s1;
	[bflag:$0x2] =	sbarrier.arrive $0xFFFF  }
0x2a: {  	[sflag:s0] =	ssyncadd.tile.s32 @!p0 $0x1;
	_ =	shalt  }
.Lfunc_end2:
_tile_overlayer_lowered:
.L_overlay_start_2:
0x2b: {  	(tag) =	ssettag $0x2  }
0x2c: {  	s0 =	rddreg [dreg:$0x0];
	s2 =	stileid.u32  }
0x2d: {  	s1 =	rddreg [dreg:$0x1];
	p0 =	sne.s32 s2, $0x0  }
0x2e: {  	s3 =	rddreg [dreg:$0x2];
	[bflag:$0x3] =	sbarrier.arrive $0xFFFF;
	s2 =	simm.s32 @!p0 $0x1C01  }
0x2f: {  	[timem:s3], [sflag:s2] =	dma.local @!p0 [hbm:s0], s1  }
0x30: {  	s0 =	simm.s32 @!p0 $0x1  }
0x31: {  	_ =	swait.ge @!p0 [sflag:s0], s1  }
0x32: {  	s1 =	ssub.s32 @!p0 $0x0, s1;
	[sflag:s0] =	ssyncset.done @!p0 $0x0  }
0x33: {  	[sflag:s0] =	ssyncadd.s32 @!p0 s1  }
0x34: {  	[bflag:$0x3] =	sbarrier.arrive $0xFFFF  }
0x35: {  	_ =	shalt  }

</sc_bundles>
